<compile_context>
chip_gen: v7x
topology: tpu7x:2x2x1
jax: 0.10.2.dev20260603
libtpu: 0.0.44.dev20260713+nightly
codegen_flags: <defaults>
</compile_context>

<pallas_src>
import jax
import jax.numpy as jnp
from jax import lax
from jax.experimental import pallas as pl
from jax.experimental.pallas import tpu as pltpu, tpu_sc as plsc

_N = 50000
_L = 20
_D = 50
_F = _L * _D
_BS = 500
_BSP = 512
_NB = _N // _BS
_NBP = 104
_CB = 8
_NCH = _NBP // _CB
_CHJ = _CB * _BS
_CIW = 4096
_IP = (_NCH - 1) * _CHJ + _CIW
_LC = 512
_NLFULL = _N // _LC
_LLAST = _N - _LC
_NC = 2
_NS = 16
_NW = _NC * _NS


def _body(xP, idx, lengths, outT, outlen,
          idx_sh, stripA, stripB, cidx0, cidx1, outc0, outc1,
          lidx_v, lout_v, sem, psem, ssemA, ssemB, wsem0, wsem1):
    cidx = (cidx0, cidx1)
    outc = (outc0, outc1)
    wsem = (wsem0, wsem1)
    sid = lax.axis_index("s")
    wid = sid * _NC + lax.axis_index("c")

    @pl.when(sid == 0)
    def _():
        pltpu.sync_copy(idx, idx_sh)

    plsc.subcore_barrier()

    def len_body(i, carry):
        t = wid + i * _NW
        base = jnp.where(t < _NLFULL, t * _LC, _LLAST)
        pltpu.sync_copy(idx_sh.at[pl.ds(base, _LC)], lidx_v)
        pltpu.async_copy(lengths.at[lidx_v], lout_v, sem).wait()
        pltpu.sync_copy(lout_v, outlen.at[pl.ds(base, _LC)])
        return carry

    lax.fori_loop(0, (_NLFULL + 1 - wid + _NW - 1) // _NW, len_body, 0)

    ntrips = (_F - wid + _NW - 1) // _NW

    def drain(c, r):
        pltpu.make_async_copy(
            outc[c % 2],
            outT.at[r, pl.ds(c * _CB, _CB), :], wsem[c % 2]).wait()

    def gather_row(r, strip, has_prev):
        cp = pltpu.async_copy(idx_sh.at[pl.ds(0, _CIW)], cidx[0], psem)
        for c in range(_NCH):
            cp.wait()
            if c + 1 < _NCH:
                cp = pltpu.async_copy(
                    idx_sh.at[pl.ds((c + 1) * _CHJ, _CIW)],
                    cidx[(c + 1) % 2], psem)
            buf = cidx[c % 2]
            ob = outc[c % 2]
            if c >= 2:
                drain(c - 2, r)
            else:
                @pl.when(has_prev)
                def _():
                    drain(c + _NCH - 2, r)

            @plsc.parallel_loop(0, _CB * _BSP, step=16, unroll=8)
            def gather(q):
                bi = q >> 9
                o = q & (_BSP - 1)
                col = buf[pl.ds(bi * _BS + o, 16)]
                ob[bi, pl.ds(o, 16)] = plsc.load_gather(strip, [col])

            pltpu.async_copy(ob, outT.at[r, pl.ds(c * _CB, _CB), :],
                             wsem[c % 2])

    def strip_src(r):
        return xP.at[r // _D, r % _D, :]

    scpA = pltpu.async_copy(strip_src(wid), stripA, ssemA)

    def pair_body(i, carry):
        rA = wid + (2 * i) * _NW
        rB = rA + _NW
        pltpu.make_async_copy(strip_src(rA), stripA, ssemA).wait()

        @pl.when(rB < _F)
        def _():
            pltpu.async_copy(strip_src(rB), stripB, ssemB)

        gather_row(rA, stripA, i > 0)

        @pl.when(rB < _F)
        def _():
            pltpu.make_async_copy(strip_src(rB), stripB, ssemB).wait()
            rC = rB + _NW

            @pl.when(rC < _F)
            def _():
                pltpu.async_copy(strip_src(rC), stripA, ssemA)

            gather_row(rB, stripB, True)

        return carry

    lax.fori_loop(0, (ntrips + 1) // 2, pair_body, 0)

    drain(_NCH - 2, wid)
    drain(_NCH - 1, wid)


def kernel(x, lengths, promptList, batchSize):
    xP = jnp.transpose(x, (1, 2, 0))
    idx = jnp.pad(promptList.astype(jnp.int32), (0, _IP - _N))
    mesh = plsc.VectorSubcoreMesh(core_axis_name="c", subcore_axis_name="s")
    outT, outlen = pl.kernel(
        _body,
        out_type=(
            jax.ShapeDtypeStruct((_F, _NBP, _BSP), jnp.float32),
            jax.ShapeDtypeStruct((_N,), jnp.int32),
        ),
        mesh=mesh,
        scratch_types=[
            pltpu.VMEM_SHARED((_IP,), jnp.int32),
            pltpu.VMEM((_N,), jnp.float32),
            pltpu.VMEM((_N,), jnp.float32),
            pltpu.VMEM((_CIW,), jnp.int32),
            pltpu.VMEM((_CIW,), jnp.int32),
            pltpu.VMEM((_CB, _BSP), jnp.float32),
            pltpu.VMEM((_CB, _BSP), jnp.float32),
            pltpu.VMEM((_LC,), jnp.int32),
            pltpu.VMEM((_LC,), jnp.int32),
            pltpu.SemaphoreType.DMA,
            pltpu.SemaphoreType.DMA,
            pltpu.SemaphoreType.DMA,
            pltpu.SemaphoreType.DMA,
            pltpu.SemaphoreType.DMA,
            pltpu.SemaphoreType.DMA,
        ],
        compiler_params=pltpu.CompilerParams(needs_layout_passes=False),
    )(xP, idx, lengths)
    xList = outT[:, :_NB, :_BS].reshape(_L, _D, _NB, _BS).transpose(2, 3, 0, 1)
    lengthList = outlen.reshape(_NB, _BS) + jnp.asarray(
        batchSize - _BS, dtype=outlen.dtype)
    return (xList, lengthList)

# --- scband reference (transcript-rebuilt; emitter-appended) ---
"""Pipeline reference for scband-generation-word-loader-39427799777721 (READ-ONLY COPY).

The authoritative reference and input builder live on the scoring server;
editing this copy changes nothing except your own understanding.
"""

import jax, jax.numpy as jnp
import numpy as np

N = 50000
L = 20
D = 50
BATCH = 500

def setup_inputs(seed: int = 0) -> dict:
    key = jax.random.key(seed)
    k1, k2, k3 = jax.random.split(key, 3)
    # Pre-materialized GloVe-embedded, padded sentence tensor (self.x in the module)
    x = jax.random.normal(k1, (N, L, D), dtype=jnp.float32)
    # Per-sentence token lengths (self.lengths)
    lengths = jax.random.randint(k2, (N,), 1, L + 1).astype(jnp.int32)
    # torch.randperm(self.x.shape[0]) -> random permutation of row indices
    promptList = jax.random.permutation(k3, N)
    return {"x": x, "lengths": lengths, "promptList": promptList, "batchSize": BATCH}

def reference(x, lengths, promptList, batchSize):
    # xShuffle = self.x[promptList]  (row gather / embedding-style lookup)
    xShuffle = jnp.take(x, promptList, axis=0)
    # lengthShuffle = self.lengths[promptList]
    lengthShuffle = jnp.take(lengths, promptList, axis=0)
    # .split(batchSize): materialize as stacked even batches (N divisible by batchSize)
    bs = BATCH
    nb = x.shape[0] // bs
    xList = xShuffle[: nb * bs].reshape(nb, bs, x.shape[1], x.shape[2])
    lengthList = lengthShuffle[: nb * bs].reshape(nb, bs)
    lengthList = lengthList + jnp.asarray(batchSize - bs, dtype=lengthList.dtype)
    return (xList, lengthList)

if __name__ == "__main__":
    import jax
    _d = setup_inputs()
    print(jax.jit(kernel)(*tuple(_d.values())))

</pallas_src>

<mosaic_0001>
#map = affine_map<(d0, d1) -> (0, 0, 0)>
#map1 = affine_map<(d0, d1) -> (0)>
module attributes {stable_mosaic.version = 14 : i64} {
  func.func @_body(%arg0: i32, %arg1: i32, %arg2: memref<20x50x50000xf32, #tpu.memory_space<hbm>>, %arg3: memref<52096xi32, #tpu.memory_space<hbm>>, %arg4: memref<50000xi32, #tpu.memory_space<hbm>>, %arg5: memref<1000x104x512xf32, #tpu.memory_space<hbm>>, %arg6: memref<50000xi32, #tpu.memory_space<hbm>>, %arg7: memref<52096xi32, #tpu.memory_space<vmem_shared>>, %arg8: memref<50000xf32, #tpu.memory_space<vmem>>, %arg9: memref<50000xf32, #tpu.memory_space<vmem>>, %arg10: memref<4096xi32, #tpu.memory_space<vmem>>, %arg11: memref<4096xi32, #tpu.memory_space<vmem>>, %arg12: memref<8x512xf32, #tpu.memory_space<vmem>>, %arg13: memref<8x512xf32, #tpu.memory_space<vmem>>, %arg14: memref<512xi32, #tpu.memory_space<vmem>>, %arg15: memref<512xi32, #tpu.memory_space<vmem>>, %arg16: memref<!tpu.dma_semaphore, #tpu.memory_space<semaphore_mem>>, %arg17: memref<!tpu.dma_semaphore, #tpu.memory_space<semaphore_mem>>, %arg18: memref<!tpu.dma_semaphore, #tpu.memory_space<semaphore_mem>>, %arg19: memref<!tpu.dma_semaphore, #tpu.memory_space<semaphore_mem>>, %arg20: memref<!tpu.dma_semaphore, #tpu.memory_space<semaphore_mem>>, %arg21: memref<!tpu.dma_semaphore, #tpu.memory_space<semaphore_mem>>) attributes {dimension_semantics = [#tpu.dimension_semantics<core_parallel>, #tpu.dimension_semantics<subcore_parallel>], iteration_bounds = array<i64: 2, 16>, scalar_prefetch = 0 : i64, scratch_operands = 15 : i64, tpu.core_type = #tpu.core_type<sc_vector_subcore>, window_params = [{transform_indices = #map}, {transform_indices = #map1}, {transform_indices = #map1}, {transform_indices = #map}, {transform_indices = #map1}]} {
    %mul3A = arith.constant 2 : i32
    %mul3A_0 = arith.muli %arg1, %mul3A : i32
    %add3A = arith.addi %mul3A_0, %arg0 : i32
    %eq3A = arith.constant 0 : i32
    %eq3A_1 = arith.cmpi eq, %arg1, %eq3A : i32
    %convert_element_type3A = arith.extui %eq3A_1 : i1 to i32
    %cond3A = arith.constant 0 : i32
    %cond3A_2 = arith.cmpi ne, %convert_element_type3A, %cond3A : i32
    scf.if %cond3A_2 {
      "tpu.region"() ({
        %run_scoped3A = tpu.sem_alloc : memref<!tpu.dma_semaphore, #tpu.memory_space<semaphore_mem>>
        tpu.enqueue_dma source(%arg3 : memref<52096xi32, #tpu.memory_space<hbm>>) target(%arg7 : memref<52096xi32, #tpu.memory_space<vmem_shared>>) target_semaphore(%run_scoped3A : memref<!tpu.dma_semaphore, #tpu.memory_space<semaphore_mem>>)
        tpu.wait_dma2 semaphore(%run_scoped3A : memref<!tpu.dma_semaphore, #tpu.memory_space<semaphore_mem>>) src(%arg3 : memref<52096xi32, #tpu.memory_space<hbm>>) dst(%arg7 : memref<52096xi32, #tpu.memory_space<vmem_shared>>)
        tpu.yield
      }) : () -> ()
    } else {
    }
    %barrier3A = arith.constant 0 : index
    tpu.barrier barrier_id(%barrier3A)
    %sub3A = arith.constant 98 : i32
    %sub3A_3 = arith.subi %sub3A, %add3A : i32
    %add3A_4 = arith.constant 32 : i32
    %add3A_5 = arith.addi %sub3A_3, %add3A_4 : i32
    %sub3A_6 = arith.constant 1 : i32
    %sub3A_7 = arith.subi %add3A_5, %sub3A_6 : i32
    %jit3A = arith.constant 32 : i32
    %div3A = arith.divsi %sub3A_7, %jit3A : i32
    %sign3A = arith.constant 0 : i32
    %sign3A_8 = arith.cmpi sgt, %sub3A_7, %sign3A : i32
    %sign3A_9 = arith.extui %sign3A_8 : i1 to i32
    %sign3A_10 = arith.constant 0 : i32
    %sign3A_11 = arith.cmpi slt, %sub3A_7, %sign3A_10 : i32
    %sign3A_12 = arith.extui %sign3A_11 : i1 to i32
    %sign3A_13 = arith.subi %sign3A_9, %sign3A_12 : i32
    %sign3A_14 = arith.constant 0 : i32
    %sign3A_15 = arith.cmpi sgt, %jit3A, %sign3A_14 : i32
    %sign3A_16 = arith.extui %sign3A_15 : i1 to i32
    %sign3A_17 = arith.constant 0 : i32
    %sign3A_18 = arith.cmpi slt, %jit3A, %sign3A_17 : i32
    %sign3A_19 = arith.extui %sign3A_18 : i1 to i32
    %sign3A_20 = arith.subi %sign3A_16, %sign3A_19 : i32
    %ne3A = arith.cmpi ne, %sign3A_13, %sign3A_20 : i32
    %rem3A = arith.remsi %sub3A_7, %jit3A : i32
    %ne3A_21 = arith.constant 0 : i32
    %ne3A_22 = arith.cmpi ne, %rem3A, %ne3A_21 : i32
    %and3A = arith.andi %ne3A, %ne3A_22 : i1
    %sub3A_23 = arith.constant 1 : i32
    %sub3A_24 = arith.subi %div3A, %sub3A_23 : i32
    %select_n3A = arith.select %and3A, %sub3A_24, %div3A : i32
    %while3A = arith.constant 0 : i32
    %while3A_25 = arith.constant 0 : i32
    %while3A_26 = arith.subi %select_n3A, %while3A_25 : i32
    %while3A_27 = arith.addi %while3A_25, %while3A_26 : i32
    %while3A_28 = arith.constant 1 : i32
    %while3A_29 = arith.divsi %while3A_26, %while3A_28 : i32
    %while3A_30 = arith.muli %while3A_29, %while3A_28 : i32
    %while3A_31 = arith.addi %while3A_25, %while3A_30 : i32
    %while3A_32 = arith.constant 1 : i32
    scf.for %while3A_159 = %while3A_25 to %while3A_31 step %while3A_32  : i32 {
      %mul3A_160 = arith.constant 32 : i32
      %mul3A_161 = arith.muli %while3A_159, %mul3A_160 : i32
      %add3A_162 = arith.addi %add3A, %mul3A_161 : i32
      %lt3A_163 = arith.constant 97 : i32
      %lt3A_164 = arith.cmpi slt, %add3A_162, %lt3A_163 : i32
      %mul3A_165 = arith.constant 512 : i32
      %mul3A_166 = arith.muli %add3A_162, %mul3A_165 : i32
      %jit3A_167 = arith.constant 49488 : i32
      %select_n3A_168 = arith.select %lt3A_164, %mul3A_166, %jit3A_167 : i32
      "tpu.region"() ({
        %run_scoped3A = tpu.sem_alloc : memref<!tpu.dma_semaphore, #tpu.memory_space<semaphore_mem>>
        %dma_start3A_173 = tpu.memref_slice %arg7[%select_n3A_168] : memref<52096xi32, #tpu.memory_space<vmem_shared>> -> memref<512xi32, #tpu.memory_space<vmem_shared>>
        %dma_start3A_174 = tpu.memref_slice %arg7[%select_n3A_168] : memref<52096xi32, #tpu.memory_space<vmem_shared>> -> memref<512xi32, #tpu.memory_space<vmem_shared>>
        tpu.enqueue_dma source(%dma_start3A_174 : memref<512xi32, #tpu.memory_space<vmem_shared>>) target(%arg14 : memref<512xi32, #tpu.memory_space<vmem>>) target_semaphore(%run_scoped3A : memref<!tpu.dma_semaphore, #tpu.memory_space<semaphore_mem>>)
        %dma_wait3A_175 = tpu.memref_slice %arg7[%select_n3A_168] : memref<52096xi32, #tpu.memory_space<vmem_shared>> -> memref<512xi32, #tpu.memory_space<vmem_shared>>
        %dma_wait3A_176 = tpu.memref_slice %arg7[%select_n3A_168] : memref<52096xi32, #tpu.memory_space<vmem_shared>> -> memref<512xi32, #tpu.memory_space<vmem_shared>>
        tpu.wait_dma2 semaphore(%run_scoped3A : memref<!tpu.dma_semaphore, #tpu.memory_space<semaphore_mem>>) src(%dma_wait3A_176 : memref<512xi32, #tpu.memory_space<vmem_shared>>) dst(%arg14 : memref<512xi32, #tpu.memory_space<vmem>>)
        tpu.yield
      }) : () -> ()
      %dma_start3A_169 = arith.constant 0 : i32
      %dma_start3A_170 = tpu.memref_slice %arg4[%dma_start3A_169] : memref<50000xi32, #tpu.memory_space<hbm>> -> memref<50000xi32, #tpu.memory_space<hbm>>
      tpu.enqueue_indirect_dma source(%dma_start3A_170 : memref<50000xi32, #tpu.memory_space<hbm>>) target(%arg15 : memref<512xi32, #tpu.memory_space<vmem>>) offsets(%arg14 : memref<512xi32, #tpu.memory_space<vmem>>) semaphore(%arg16 : memref<!tpu.dma_semaphore, #tpu.memory_space<semaphore_mem>>)
      %dma_wait3A_171 = arith.constant 0 : i32
      %dma_wait3A_172 = tpu.memref_slice %arg4[%dma_wait3A_171] : memref<50000xi32, #tpu.memory_space<hbm>> -> memref<50000xi32, #tpu.memory_space<hbm>>
      tpu.wait_indirect_dma semaphore(%arg16 : memref<!tpu.dma_semaphore, #tpu.memory_space<semaphore_mem>>) src(%dma_wait3A_172 : memref<50000xi32, #tpu.memory_space<hbm>>) dst(%arg15 : memref<512xi32, #tpu.memory_space<vmem>>)
      "tpu.region"() ({
        %run_scoped3A = tpu.sem_alloc : memref<!tpu.dma_semaphore, #tpu.memory_space<semaphore_mem>>
        %dma_start3A_173 = tpu.memref_slice %arg6[%select_n3A_168] : memref<50000xi32, #tpu.memory_space<hbm>> -> memref<512xi32, #tpu.memory_space<hbm>>
        %dma_start3A_174 = tpu.memref_slice %arg6[%select_n3A_168] : memref<50000xi32, #tpu.memory_space<hbm>> -> memref<512xi32, #tpu.memory_space<hbm>>
        tpu.enqueue_dma source(%arg15 : memref<512xi32, #tpu.memory_space<vmem>>) target(%dma_start3A_174 : memref<512xi32, #tpu.memory_space<hbm>>) target_semaphore(%run_scoped3A : memref<!tpu.dma_semaphore, #tpu.memory_space<semaphore_mem>>)
        %dma_wait3A_175 = tpu.memref_slice %arg6[%select_n3A_168] : memref<50000xi32, #tpu.memory_space<hbm>> -> memref<512xi32, #tpu.memory_space<hbm>>
        %dma_wait3A_176 = tpu.memref_slice %arg6[%select_n3A_168] : memref<50000xi32, #tpu.memory_space<hbm>> -> memref<512xi32, #tpu.memory_space<hbm>>
        tpu.wait_dma2 semaphore(%run_scoped3A : memref<!tpu.dma_semaphore, #tpu.memory_space<semaphore_mem>>) src(%arg15 : memref<512xi32, #tpu.memory_space<vmem>>) dst(%dma_wait3A_176 : memref<512xi32, #tpu.memory_space<hbm>>)
        tpu.yield
      }) : () -> ()
    }
    %while3A_33 = arith.constant 1 : i32
    scf.for %while3A_159 = %while3A_31 to %while3A_27 step %while3A_33  : i32 {
      %mul3A_160 = arith.constant 32 : i32
      %mul3A_161 = arith.muli %while3A_159, %mul3A_160 : i32
      %add3A_162 = arith.addi %add3A, %mul3A_161 : i32
      %lt3A_163 = arith.constant 97 : i32
      %lt3A_164 = arith.cmpi slt, %add3A_162, %lt3A_163 : i32
      %mul3A_165 = arith.constant 512 : i32
      %mul3A_166 = arith.muli %add3A_162, %mul3A_165 : i32
      %jit3A_167 = arith.constant 49488 : i32
      %select_n3A_168 = arith.select %lt3A_164, %mul3A_166, %jit3A_167 : i32
      "tpu.region"() ({
        %run_scoped3A = tpu.sem_alloc : memref<!tpu.dma_semaphore, #tpu.memory_space<semaphore_mem>>
        %dma_start3A_173 = tpu.memref_slice %arg7[%select_n3A_168] : memref<52096xi32, #tpu.memory_space<vmem_shared>> -> memref<512xi32, #tpu.memory_space<vmem_shared>>
        %dma_start3A_174 = tpu.memref_slice %arg7[%select_n3A_168] : memref<52096xi32, #tpu.memory_space<vmem_shared>> -> memref<512xi32, #tpu.memory_space<vmem_shared>>
        tpu.enqueue_dma source(%dma_start3A_174 : memref<512xi32, #tpu.memory_space<vmem_shared>>) target(%arg14 : memref<512xi32, #tpu.memory_space<vmem>>) target_semaphore(%run_scoped3A : memref<!tpu.dma_semaphore, #tpu.memory_space<semaphore_mem>>)
        %dma_wait3A_175 = tpu.memref_slice %arg7[%select_n3A_168] : memref<52096xi32, #tpu.memory_space<vmem_shared>> -> memref<512xi32, #tpu.memory_space<vmem_shared>>
        %dma_wait3A_176 = tpu.memref_slice %arg7[%select_n3A_168] : memref<52096xi32, #tpu.memory_space<vmem_shared>> -> memref<512xi32, #tpu.memory_space<vmem_shared>>
        tpu.wait_dma2 semaphore(%run_scoped3A : memref<!tpu.dma_semaphore, #tpu.memory_space<semaphore_mem>>) src(%dma_wait3A_176 : memref<512xi32, #tpu.memory_space<vmem_shared>>) dst(%arg14 : memref<512xi32, #tpu.memory_space<vmem>>)
        tpu.yield
      }) : () -> ()
      %dma_start3A_169 = arith.constant 0 : i32
      %dma_start3A_170 = tpu.memref_slice %arg4[%dma_start3A_169] : memref<50000xi32, #tpu.memory_space<hbm>> -> memref<50000xi32, #tpu.memory_space<hbm>>
      tpu.enqueue_indirect_dma source(%dma_start3A_170 : memref<50000xi32, #tpu.memory_space<hbm>>) target(%arg15 : memref<512xi32, #tpu.memory_space<vmem>>) offsets(%arg14 : memref<512xi32, #tpu.memory_space<vmem>>) semaphore(%arg16 : memref<!tpu.dma_semaphore, #tpu.memory_space<semaphore_mem>>)
      %dma_wait3A_171 = arith.constant 0 : i32
      %dma_wait3A_172 = tpu.memref_slice %arg4[%dma_wait3A_171] : memref<50000xi32, #tpu.memory_space<hbm>> -> memref<50000xi32, #tpu.memory_space<hbm>>
      tpu.wait_indirect_dma semaphore(%arg16 : memref<!tpu.dma_semaphore, #tpu.memory_space<semaphore_mem>>) src(%dma_wait3A_172 : memref<50000xi32, #tpu.memory_space<hbm>>) dst(%arg15 : memref<512xi32, #tpu.memory_space<vmem>>)
      "tpu.region"() ({
        %run_scoped3A = tpu.sem_alloc : memref<!tpu.dma_semaphore, #tpu.memory_space<semaphore_mem>>
        %dma_start3A_173 = tpu.memref_slice %arg6[%select_n3A_168] : memref<50000xi32, #tpu.memory_space<hbm>> -> memref<512xi32, #tpu.memory_space<hbm>>
        %dma_start3A_174 = tpu.memref_slice %arg6[%select_n3A_168] : memref<50000xi32, #tpu.memory_space<hbm>> -> memref<512xi32, #tpu.memory_space<hbm>>
        tpu.enqueue_dma source(%arg15 : memref<512xi32, #tpu.memory_space<vmem>>) target(%dma_start3A_174 : memref<512xi32, #tpu.memory_space<hbm>>) target_semaphore(%run_scoped3A : memref<!tpu.dma_semaphore, #tpu.memory_space<semaphore_mem>>)
        %dma_wait3A_175 = tpu.memref_slice %arg6[%select_n3A_168] : memref<50000xi32, #tpu.memory_space<hbm>> -> memref<512xi32, #tpu.memory_space<hbm>>
        %dma_wait3A_176 = tpu.memref_slice %arg6[%select_n3A_168] : memref<50000xi32, #tpu.memory_space<hbm>> -> memref<512xi32, #tpu.memory_space<hbm>>
        tpu.wait_dma2 semaphore(%run_scoped3A : memref<!tpu.dma_semaphore, #tpu.memory_space<semaphore_mem>>) src(%arg15 : memref<512xi32, #tpu.memory_space<vmem>>) dst(%dma_wait3A_176 : memref<512xi32, #tpu.memory_space<hbm>>)
        tpu.yield
      }) : () -> ()
    }
    %sub3A_34 = arith.constant 1000 : i32
    %sub3A_35 = arith.subi %sub3A_34, %add3A : i32
    %add3A_36 = arith.constant 32 : i32
    %add3A_37 = arith.addi %sub3A_35, %add3A_36 : i32
    %sub3A_38 = arith.constant 1 : i32
    %sub3A_39 = arith.subi %add3A_37, %sub3A_38 : i32
    %jit3A_40 = arith.constant 32 : i32
    %div3A_41 = arith.divsi %sub3A_39, %jit3A_40 : i32
    %sign3A_42 = arith.constant 0 : i32
    %sign3A_43 = arith.cmpi sgt, %sub3A_39, %sign3A_42 : i32
    %sign3A_44 = arith.extui %sign3A_43 : i1 to i32
    %sign3A_45 = arith.constant 0 : i32
    %sign3A_46 = arith.cmpi slt, %sub3A_39, %sign3A_45 : i32
    %sign3A_47 = arith.extui %sign3A_46 : i1 to i32
    %sign3A_48 = arith.subi %sign3A_44, %sign3A_47 : i32
    %sign3A_49 = arith.constant 0 : i32
    %sign3A_50 = arith.cmpi sgt, %jit3A_40, %sign3A_49 : i32
    %sign3A_51 = arith.extui %sign3A_50 : i1 to i32
    %sign3A_52 = arith.constant 0 : i32
    %sign3A_53 = arith.cmpi slt, %jit3A_40, %sign3A_52 : i32
    %sign3A_54 = arith.extui %sign3A_53 : i1 to i32
    %sign3A_55 = arith.subi %sign3A_51, %sign3A_54 : i32
    %ne3A_56 = arith.cmpi ne, %sign3A_48, %sign3A_55 : i32
    %rem3A_57 = arith.remsi %sub3A_39, %jit3A_40 : i32
    %ne3A_58 = arith.constant 0 : i32
    %ne3A_59 = arith.cmpi ne, %rem3A_57, %ne3A_58 : i32
    %and3A_60 = arith.andi %ne3A_56, %ne3A_59 : i1
    %sub3A_61 = arith.constant 1 : i32
    %sub3A_62 = arith.subi %div3A_41, %sub3A_61 : i32
    %select_n3A_63 = arith.select %and3A_60, %sub3A_62, %div3A_41 : i32
    %jit3A_64 = arith.constant 50 : i32
    %div3A_65 = arith.divsi %add3A, %jit3A_64 : i32
    %sign3A_66 = arith.constant 0 : i32
    %sign3A_67 = arith.cmpi sgt, %add3A, %sign3A_66 : i32
    %sign3A_68 = arith.extui %sign3A_67 : i1 to i32
    %sign3A_69 = arith.constant 0 : i32
    %sign3A_70 = arith.cmpi slt, %add3A, %sign3A_69 : i32
    %sign3A_71 = arith.extui %sign3A_70 : i1 to i32
    %sign3A_72 = arith.subi %sign3A_68, %sign3A_71 : i32
    %sign3A_73 = arith.constant 0 : i32
    %sign3A_74 = arith.cmpi sgt, %jit3A_64, %sign3A_73 : i32
    %sign3A_75 = arith.extui %sign3A_74 : i1 to i32
    %sign3A_76 = arith.constant 0 : i32
    %sign3A_77 = arith.cmpi slt, %jit3A_64, %sign3A_76 : i32
    %sign3A_78 = arith.extui %sign3A_77 : i1 to i32
    %sign3A_79 = arith.subi %sign3A_75, %sign3A_78 : i32
    %ne3A_80 = arith.cmpi ne, %sign3A_72, %sign3A_79 : i32
    %rem3A_81 = arith.remsi %add3A, %jit3A_64 : i32
    %ne3A_82 = arith.constant 0 : i32
    %ne3A_83 = arith.cmpi ne, %rem3A_81, %ne3A_82 : i32
    %and3A_84 = arith.andi %ne3A_80, %ne3A_83 : i1
    %sub3A_85 = arith.constant 1 : i32
    %sub3A_86 = arith.subi %div3A_65, %sub3A_85 : i32
    %select_n3A_87 = arith.select %and3A_84, %sub3A_86, %div3A_65 : i32
    %jit3A_88 = arith.constant 50 : i32
    %eq3A_89 = arith.constant 0 : i32
    %eq3A_90 = arith.cmpi eq, %jit3A_88, %eq3A_89 : i32
    %jit3A_91 = arith.constant 1 : i32
    %select_n3A_92 = arith.select %eq3A_90, %jit3A_91, %jit3A_88 : i32
    %rem3A_93 = arith.remsi %add3A, %select_n3A_92 : i32
    %ne3A_94 = arith.constant 0 : i32
    %ne3A_95 = arith.cmpi ne, %rem3A_93, %ne3A_94 : i32
    %lt3A = arith.constant 0 : i32
    %lt3A_96 = arith.cmpi slt, %rem3A_93, %lt3A : i32
    %lt3A_97 = arith.constant 0 : i32
    %lt3A_98 = arith.cmpi slt, %select_n3A_92, %lt3A_97 : i32
    %ne3A_99 = arith.xori %lt3A_96, %lt3A_98 : i1
    %and3A_100 = arith.andi %ne3A_99, %ne3A_95 : i1
    %add3A_101 = arith.addi %rem3A_93, %select_n3A_92 : i32
    %select_n3A_102 = arith.select %and3A_100, %add3A_101, %rem3A_93 : i32
    %dma_start3A = arith.constant 0 : i32
    %dma_start3A_103 = tpu.memref_slice %arg2[%select_n3A_87, %select_n3A_102, %dma_start3A] : memref<20x50x50000xf32, #tpu.memory_space<hbm>> -> memref<1x1x50000xf32, #tpu.memory_space<hbm>>
    %dma_start3A_104 = tpu.memref_squeeze %dma_start3A_103 : memref<1x1x50000xf32, #tpu.memory_space<hbm>> -> memref<50000xf32, #tpu.memory_space<hbm>>
    %dma_start3A_105 = arith.constant 0 : i32
    %dma_start3A_106 = tpu.memref_slice %arg2[%select_n3A_87, %select_n3A_102, %dma_start3A_105] : memref<20x50x50000xf32, #tpu.memory_space<hbm>> -> memref<1x1x50000xf32, #tpu.memory_space<hbm>>
    %dma_start3A_107 = tpu.memref_squeeze %dma_start3A_106 : memref<1x1x50000xf32, #tpu.memory_space<hbm>> -> memref<50000xf32, #tpu.memory_space<hbm>>
    tpu.enqueue_dma source(%dma_start3A_107 : memref<50000xf32, #tpu.memory_space<hbm>>) target(%arg8 : memref<50000xf32, #tpu.memory_space<vmem>>) target_semaphore(%arg18 : memref<!tpu.dma_semaphore, #tpu.memory_space<semaphore_mem>>)
    %add3A_108 = arith.constant 1 : i32
    %add3A_109 = arith.addi %select_n3A_63, %add3A_108 : i32
    %jit3A_110 = arith.constant 2 : i32
    %div3A_111 = arith.divsi %add3A_109, %jit3A_110 : i32
    %sign3A_112 = arith.constant 0 : i32
    %sign3A_113 = arith.cmpi sgt, %add3A_109, %sign3A_112 : i32
    %sign3A_114 = arith.extui %sign3A_113 : i1 to i32
    %sign3A_115 = arith.constant 0 : i32
    %sign3A_116 = arith.cmpi slt, %add3A_109, %sign3A_115 : i32
    %sign3A_117 = arith.extui %sign3A_116 : i1 to i32
    %sign3A_118 = arith.subi %sign3A_114, %sign3A_117 : i32
    %sign3A_119 = arith.constant 0 : i32
    %sign3A_120 = arith.cmpi sgt, %jit3A_110, %sign3A_119 : i32
    %sign3A_121 = arith.extui %sign3A_120 : i1 to i32
    %sign3A_122 = arith.constant 0 : i32
    %sign3A_123 = arith.cmpi slt, %jit3A_110, %sign3A_122 : i32
    %sign3A_124 = arith.extui %sign3A_123 : i1 to i32
    %sign3A_125 = arith.subi %sign3A_121, %sign3A_124 : i32
    %ne3A_126 = arith.cmpi ne, %sign3A_118, %sign3A_125 : i32
    %rem3A_127 = arith.remsi %add3A_109, %jit3A_110 : i32
    %ne3A_128 = arith.constant 0 : i32
    %ne3A_129 = arith.cmpi ne, %rem3A_127, %ne3A_128 : i32
    %and3A_130 = arith.andi %ne3A_126, %ne3A_129 : i1
    %sub3A_131 = arith.constant 1 : i32
    %sub3A_132 = arith.subi %div3A_111, %sub3A_131 : i32
    %select_n3A_133 = arith.select %and3A_130, %sub3A_132, %div3A_111 : i32
    %while3A_134 = arith.constant 0 : i32
    %while3A_135 = arith.constant 0 : i32
    %while3A_136 = arith.subi %select_n3A_133, %while3A_135 : i32
    %while3A_137 = arith.addi %while3A_135, %while3A_136 : i32
    %while3A_138 = arith.constant 1 : i32
    %while3A_139 = arith.divsi %while3A_136, %while3A_138 : i32
    %while3A_140 = arith.muli %while3A_139, %while3A_138 : i32
    %while3A_141 = arith.addi %while3A_135, %while3A_140 : i32
    %while3A_142 = arith.constant 1 : i32
    scf.for %while3A_159 = %while3A_135 to %while3A_141 step %while3A_142  : i32 {
      %mul3A_160 = arith.constant 2 : i32
      %mul3A_161 = arith.muli %mul3A_160, %while3A_159 : i32
      %mul3A_162 = arith.constant 32 : i32
      %mul3A_163 = arith.muli %mul3A_161, %mul3A_162 : i32
      %add3A_164 = arith.addi %add3A, %mul3A_163 : i32
      %add3A_165 = arith.constant 32 : i32
      %add3A_166 = arith.addi %add3A_164, %add3A_165 : i32
      %jit3A_167 = arith.constant 50 : i32
      %div3A_168 = arith.divsi %add3A_164, %jit3A_167 : i32
      %sign3A_169 = arith.constant 0 : i32
      %sign3A_170 = arith.cmpi sgt, %add3A_164, %sign3A_169 : i32
      %sign3A_171 = arith.extui %sign3A_170 : i1 to i32
      %sign3A_172 = arith.constant 0 : i32
      %sign3A_173 = arith.cmpi slt, %add3A_164, %sign3A_172 : i32
      %sign3A_174 = arith.extui %sign3A_173 : i1 to i32
      %sign3A_175 = arith.subi %sign3A_171, %sign3A_174 : i32
      %sign3A_176 = arith.constant 0 : i32
      %sign3A_177 = arith.cmpi sgt, %jit3A_167, %sign3A_176 : i32
      %sign3A_178 = arith.extui %sign3A_177 : i1 to i32
      %sign3A_179 = arith.constant 0 : i32
      %sign3A_180 = arith.cmpi slt, %jit3A_167, %sign3A_179 : i32
      %sign3A_181 = arith.extui %sign3A_180 : i1 to i32
      %sign3A_182 = arith.subi %sign3A_178, %sign3A_181 : i32
      %ne3A_183 = arith.cmpi ne, %sign3A_175, %sign3A_182 : i32
      %rem3A_184 = arith.remsi %add3A_164, %jit3A_167 : i32
      %ne3A_185 = arith.constant 0 : i32
      %ne3A_186 = arith.cmpi ne, %rem3A_184, %ne3A_185 : i32
      %and3A_187 = arith.andi %ne3A_183, %ne3A_186 : i1
      %sub3A_188 = arith.constant 1 : i32
      %sub3A_189 = arith.subi %div3A_168, %sub3A_188 : i32
      %select_n3A_190 = arith.select %and3A_187, %sub3A_189, %div3A_168 : i32
      %jit3A_191 = arith.constant 50 : i32
      %eq3A_192 = arith.constant 0 : i32
      %eq3A_193 = arith.cmpi eq, %jit3A_191, %eq3A_192 : i32
      %jit3A_194 = arith.constant 1 : i32
      %select_n3A_195 = arith.select %eq3A_193, %jit3A_194, %jit3A_191 : i32
      %rem3A_196 = arith.remsi %add3A_164, %select_n3A_195 : i32
      %ne3A_197 = arith.constant 0 : i32
      %ne3A_198 = arith.cmpi ne, %rem3A_196, %ne3A_197 : i32
      %lt3A_199 = arith.constant 0 : i32
      %lt3A_200 = arith.cmpi slt, %rem3A_196, %lt3A_199 : i32
      %lt3A_201 = arith.constant 0 : i32
      %lt3A_202 = arith.cmpi slt, %select_n3A_195, %lt3A_201 : i32
      %ne3A_203 = arith.xori %lt3A_200, %lt3A_202 : i1
      %and3A_204 = arith.andi %ne3A_203, %ne3A_198 : i1
      %add3A_205 = arith.addi %rem3A_196, %select_n3A_195 : i32
      %select_n3A_206 = arith.select %and3A_204, %add3A_205, %rem3A_196 : i32
      %dma_wait3A_207 = arith.constant 0 : i32
      %dma_wait3A_208 = tpu.memref_slice %arg2[%select_n3A_190, %select_n3A_206, %dma_wait3A_207] : memref<20x50x50000xf32, #tpu.memory_space<hbm>> -> memref<1x1x50000xf32, #tpu.memory_space<hbm>>
      %dma_wait3A_209 = tpu.memref_squeeze %dma_wait3A_208 : memref<1x1x50000xf32, #tpu.memory_space<hbm>> -> memref<50000xf32, #tpu.memory_space<hbm>>
      %dma_wait3A_210 = arith.constant 0 : i32
      %dma_wait3A_211 = tpu.memref_slice %arg2[%select_n3A_190, %select_n3A_206, %dma_wait3A_210] : memref<20x50x50000xf32, #tpu.memory_space<hbm>> -> memref<1x1x50000xf32, #tpu.memory_space<hbm>>
      %dma_wait3A_212 = tpu.memref_squeeze %dma_wait3A_211 : memref<1x1x50000xf32, #tpu.memory_space<hbm>> -> memref<50000xf32, #tpu.memory_space<hbm>>
      tpu.wait_dma2 semaphore(%arg18 : memref<!tpu.dma_semaphore, #tpu.memory_space<semaphore_mem>>) src(%dma_wait3A_212 : memref<50000xf32, #tpu.memory_space<hbm>>) dst(%arg8 : memref<50000xf32, #tpu.memory_space<vmem>>)
      %lt3A_213 = arith.constant 1000 : i32
      %lt3A_214 = arith.cmpi slt, %add3A_166, %lt3A_213 : i32
      %convert_element_type3A_215 = arith.extui %lt3A_214 : i1 to i32
      %cond3A_216 = arith.constant 0 : i32
      %cond3A_217 = arith.cmpi ne, %convert_element_type3A_215, %cond3A_216 : i32
      scf.if %cond3A_217 {
        %jit3A_564 = arith.constant 50 : i32
        %div3A_565 = arith.divsi %add3A_166, %jit3A_564 : i32
        %sign3A_566 = arith.constant 0 : i32
        %sign3A_567 = arith.cmpi sgt, %add3A_166, %sign3A_566 : i32
        %sign3A_568 = arith.extui %sign3A_567 : i1 to i32
        %sign3A_569 = arith.constant 0 : i32
        %sign3A_570 = arith.cmpi slt, %add3A_166, %sign3A_569 : i32
        %sign3A_571 = arith.extui %sign3A_570 : i1 to i32
        %sign3A_572 = arith.subi %sign3A_568, %sign3A_571 : i32
        %sign3A_573 = arith.constant 0 : i32
        %sign3A_574 = arith.cmpi sgt, %jit3A_564, %sign3A_573 : i32
        %sign3A_575 = arith.extui %sign3A_574 : i1 to i32
        %sign3A_576 = arith.constant 0 : i32
        %sign3A_577 = arith.cmpi slt, %jit3A_564, %sign3A_576 : i32
        %sign3A_578 = arith.extui %sign3A_577 : i1 to i32
        %sign3A_579 = arith.subi %sign3A_575, %sign3A_578 : i32
        %ne3A_580 = arith.cmpi ne, %sign3A_572, %sign3A_579 : i32
        %rem3A_581 = arith.remsi %add3A_166, %jit3A_564 : i32
        %ne3A_582 = arith.constant 0 : i32
        %ne3A_583 = arith.cmpi ne, %rem3A_581, %ne3A_582 : i32
        %and3A_584 = arith.andi %ne3A_580, %ne3A_583 : i1
        %sub3A_585 = arith.constant 1 : i32
        %sub3A_586 = arith.subi %div3A_565, %sub3A_585 : i32
        %select_n3A_587 = arith.select %and3A_584, %sub3A_586, %div3A_565 : i32
        %jit3A_588 = arith.constant 50 : i32
        %eq3A_589 = arith.constant 0 : i32
        %eq3A_590 = arith.cmpi eq, %jit3A_588, %eq3A_589 : i32
        %jit3A_591 = arith.constant 1 : i32
        %select_n3A_592 = arith.select %eq3A_590, %jit3A_591, %jit3A_588 : i32
        %rem3A_593 = arith.remsi %add3A_166, %select_n3A_592 : i32
        %ne3A_594 = arith.constant 0 : i32
        %ne3A_595 = arith.cmpi ne, %rem3A_593, %ne3A_594 : i32
        %lt3A_596 = arith.constant 0 : i32
        %lt3A_597 = arith.cmpi slt, %rem3A_593, %lt3A_596 : i32
        %lt3A_598 = arith.constant 0 : i32
        %lt3A_599 = arith.cmpi slt, %select_n3A_592, %lt3A_598 : i32
        %ne3A_600 = arith.xori %lt3A_597, %lt3A_599 : i1
        %and3A_601 = arith.andi %ne3A_600, %ne3A_595 : i1
        %add3A_602 = arith.addi %rem3A_593, %select_n3A_592 : i32
        %select_n3A_603 = arith.select %and3A_601, %add3A_602, %rem3A_593 : i32
        %dma_start3A_604 = arith.constant 0 : i32
        %dma_start3A_605 = tpu.memref_slice %arg2[%select_n3A_587, %select_n3A_603, %dma_start3A_604] : memref<20x50x50000xf32, #tpu.memory_space<hbm>> -> memref<1x1x50000xf32, #tpu.memory_space<hbm>>
        %dma_start3A_606 = tpu.memref_squeeze %dma_start3A_605 : memref<1x1x50000xf32, #tpu.memory_space<hbm>> -> memref<50000xf32, #tpu.memory_space<hbm>>
        %dma_start3A_607 = arith.constant 0 : i32
        %dma_start3A_608 = tpu.memref_slice %arg2[%select_n3A_587, %select_n3A_603, %dma_start3A_607] : memref<20x50x50000xf32, #tpu.memory_space<hbm>> -> memref<1x1x50000xf32, #tpu.memory_space<hbm>>
        %dma_start3A_609 = tpu.memref_squeeze %dma_start3A_608 : memref<1x1x50000xf32, #tpu.memory_space<hbm>> -> memref<50000xf32, #tpu.memory_space<hbm>>
        tpu.enqueue_dma source(%dma_start3A_609 : memref<50000xf32, #tpu.memory_space<hbm>>) target(%arg9 : memref<50000xf32, #tpu.memory_space<vmem>>) target_semaphore(%arg19 : memref<!tpu.dma_semaphore, #tpu.memory_space<semaphore_mem>>)
      } else {
      }
      %gt3A = arith.constant 0 : i32
      %gt3A_218 = arith.cmpi sgt, %while3A_159, %gt3A : i32
      %dma_start3A_219 = arith.constant 0 : i32
      %dma_start3A_220 = tpu.memref_slice %arg7[%dma_start3A_219] : memref<52096xi32, #tpu.memory_space<vmem_shared>> -> memref<4096xi32, #tpu.memory_space<vmem_shared>>
      %dma_start3A_221 = arith.constant 0 : i32
      %dma_start3A_222 = tpu.memref_slice %arg7[%dma_start3A_221] : memref<52096xi32, #tpu.memory_space<vmem_shared>> -> memref<4096xi32, #tpu.memory_space<vmem_shared>>
      tpu.enqueue_dma source(%dma_start3A_222 : memref<4096xi32, #tpu.memory_space<vmem_shared>>) target(%arg10 : memref<4096xi32, #tpu.memory_space<vmem>>) target_semaphore(%arg17 : memref<!tpu.dma_semaphore, #tpu.memory_space<semaphore_mem>>)
      %dma_wait3A_223 = arith.constant 0 : i32
      %dma_wait3A_224 = tpu.memref_slice %arg7[%dma_wait3A_223] : memref<52096xi32, #tpu.memory_space<vmem_shared>> -> memref<4096xi32, #tpu.memory_space<vmem_shared>>
      %dma_wait3A_225 = arith.constant 0 : i32
      %dma_wait3A_226 = tpu.memref_slice %arg7[%dma_wait3A_225] : memref<52096xi32, #tpu.memory_space<vmem_shared>> -> memref<4096xi32, #tpu.memory_space<vmem_shared>>
      tpu.wait_dma2 semaphore(%arg17 : memref<!tpu.dma_semaphore, #tpu.memory_space<semaphore_mem>>) src(%dma_wait3A_226 : memref<4096xi32, #tpu.memory_space<vmem_shared>>) dst(%arg10 : memref<4096xi32, #tpu.memory_space<vmem>>)
      %dma_start3A_227 = arith.constant 4000 : i32
      %dma_start3A_228 = tpu.memref_slice %arg7[%dma_start3A_227] : memref<52096xi32, #tpu.memory_space<vmem_shared>> -> memref<4096xi32, #tpu.memory_space<vmem_shared>>
      %dma_start3A_229 = arith.constant 4000 : i32
      %dma_start3A_230 = tpu.memref_slice %arg7[%dma_start3A_229] : memref<52096xi32, #tpu.memory_space<vmem_shared>> -> memref<4096xi32, #tpu.memory_space<vmem_shared>>
      tpu.enqueue_dma source(%dma_start3A_230 : memref<4096xi32, #tpu.memory_space<vmem_shared>>) target(%arg11 : memref<4096xi32, #tpu.memory_space<vmem>>) target_semaphore(%arg17 : memref<!tpu.dma_semaphore, #tpu.memory_space<semaphore_mem>>)
      %convert_element_type3A_231 = arith.extui %gt3A_218 : i1 to i32
      %cond3A_232 = arith.constant 0 : i32
      %cond3A_233 = arith.cmpi ne, %convert_element_type3A_231, %cond3A_232 : i32
      scf.if %cond3A_233 {
        %dma_wait3A_564 = arith.constant 88 : i32
        %dma_wait3A_565 = arith.constant 0 : i32
        %dma_wait3A_566 = tpu.memref_slice %arg5[%add3A_164, %dma_wait3A_564, %dma_wait3A_565] : memref<1000x104x512xf32, #tpu.memory_space<hbm>> -> memref<1x8x512xf32, #tpu.memory_space<hbm>>
        %dma_wait3A_567 = tpu.memref_squeeze %dma_wait3A_566 : memref<1x8x512xf32, #tpu.memory_space<hbm>> -> memref<8x512xf32, #tpu.memory_space<hbm>>
        %dma_wait3A_568 = arith.constant 88 : i32
        %dma_wait3A_569 = arith.constant 0 : i32
        %dma_wait3A_570 = tpu.memref_slice %arg5[%add3A_164, %dma_wait3A_568, %dma_wait3A_569] : memref<1000x104x512xf32, #tpu.memory_space<hbm>> -> memref<1x8x512xf32, #tpu.memory_space<hbm>>
        %dma_wait3A_571 = tpu.memref_squeeze %dma_wait3A_570 : memref<1x8x512xf32, #tpu.memory_space<hbm>> -> memref<8x512xf32, #tpu.memory_space<hbm>>
        tpu.wait_dma2 semaphore(%arg21 : memref<!tpu.dma_semaphore, #tpu.memory_space<semaphore_mem>>) src(%arg13 : memref<8x512xf32, #tpu.memory_space<vmem>>) dst(%dma_wait3A_571 : memref<8x512xf32, #tpu.memory_space<hbm>>)
      } else {
      }
      %parallel_loop3A = arith.constant 0 : i32
      %parallel_loop3A_234 = arith.constant 4096 : i32
      %parallel_loop3A_235 = arith.constant 16 : i32
      scf.for %parallel_loop3A_564 = %parallel_loop3A to %parallel_loop3A_234 step %parallel_loop3A_235  : i32 {
        %parallel_loop3A_565 = arith.constant 9 : i32
        %parallel_loop3A_566 = arith.shrsi %parallel_loop3A_564, %parallel_loop3A_565 : i32
        %parallel_loop3A_567 = arith.constant 511 : i32
        %parallel_loop3A_568 = arith.andi %parallel_loop3A_564, %parallel_loop3A_567 : i32
        %parallel_loop3A_569 = arith.constant 500 : i32
        %parallel_loop3A_570 = arith.muli %parallel_loop3A_566, %parallel_loop3A_569 : i32
        %parallel_loop3A_571 = arith.addi %parallel_loop3A_570, %parallel_loop3A_568 : i32
        %parallel_loop3A_572 = arith.index_cast %parallel_loop3A_571 : i32 to index
        %parallel_loop3A_573 = tpu.vector_load %arg10[%parallel_loop3A_572] {strides = array<i32>} : memref<4096xi32, #tpu.memory_space<vmem>>, vector<16xi32>,
        %parallel_loop3A_574 = tpu.vector_load_idx %arg8[%parallel_loop3A_573] : memref<50000xf32, #tpu.memory_space<vmem>>[vector<16xi32>], vector<16xf32>,
        %parallel_loop3A_575 = arith.index_cast %parallel_loop3A_566 : i32 to index
        %parallel_loop3A_576 = arith.index_cast %parallel_loop3A_568 : i32 to index
        %parallel_loop3A_577 = tpu.vector_load %arg12[%parallel_loop3A_575, %parallel_loop3A_576] {strides = array<i32>} : memref<8x512xf32, #tpu.memory_space<vmem>>, vector<16xf32>,
        tpu.vector_store %arg12[%parallel_loop3A_575, %parallel_loop3A_576], %parallel_loop3A_574 {strides = array<i32>} : memref<8x512xf32, #tpu.memory_space<vmem>>, vector<16xf32>,
      } {sc.loop_unroll_factor = 8 : i64, sc.parallel_access}
      %dma_start3A_236 = arith.constant 0 : i32
      %dma_start3A_237 = arith.constant 0 : i32
      %dma_start3A_238 = tpu.memref_slice %arg5[%add3A_164, %dma_start3A_236, %dma_start3A_237] : memref<1000x104x512xf32, #tpu.memory_space<hbm>> -> memref<1x8x512xf32, #tpu.memory_space<hbm>>
      %dma_start3A_239 = tpu.memref_squeeze %dma_start3A_238 : memref<1x8x512xf32, #tpu.memory_space<hbm>> -> memref<8x512xf32, #tpu.memory_space<hbm>>
      %dma_start3A_240 = arith.constant 0 : i32
      %dma_start3A_241 = arith.constant 0 : i32
      %dma_start3A_242 = tpu.memref_slice %arg5[%add3A_164, %dma_start3A_240, %dma_start3A_241] : memref<1000x104x512xf32, #tpu.memory_space<hbm>> -> memref<1x8x512xf32, #tpu.memory_space<hbm>>
      %dma_start3A_243 = tpu.memref_squeeze %dma_start3A_242 : memref<1x8x512xf32, #tpu.memory_space<hbm>> -> memref<8x512xf32, #tpu.memory_space<hbm>>
      tpu.enqueue_dma source(%arg12 : memref<8x512xf32, #tpu.memory_space<vmem>>) target(%dma_start3A_243 : memref<8x512xf32, #tpu.memory_space<hbm>>) target_semaphore(%arg20 : memref<!tpu.dma_semaphore, #tpu.memory_space<semaphore_mem>>)
      %dma_wait3A_244 = arith.constant 4000 : i32
      %dma_wait3A_245 = tpu.memref_slice %arg7[%dma_wait3A_244] : memref<52096xi32, #tpu.memory_space<vmem_shared>> -> memref<4096xi32, #tpu.memory_space<vmem_shared>>
      %dma_wait3A_246 = arith.constant 4000 : i32
      %dma_wait3A_247 = tpu.memref_slice %arg7[%dma_wait3A_246] : memref<52096xi32, #tpu.memory_space<vmem_shared>> -> memref<4096xi32, #tpu.memory_space<vmem_shared>>
      tpu.wait_dma2 semaphore(%arg17 : memref<!tpu.dma_semaphore, #tpu.memory_space<semaphore_mem>>) src(%dma_wait3A_247 : memref<4096xi32, #tpu.memory_space<vmem_shared>>) dst(%arg11 : memref<4096xi32, #tpu.memory_space<vmem>>)
      %dma_start3A_248 = arith.constant 8000 : i32
      %dma_start3A_249 = tpu.memref_slice %arg7[%dma_start3A_248] : memref<52096xi32, #tpu.memory_space<vmem_shared>> -> memref<4096xi32, #tpu.memory_space<vmem_shared>>
      %dma_start3A_250 = arith.constant 8000 : i32
      %dma_start3A_251 = tpu.memref_slice %arg7[%dma_start3A_250] : memref<52096xi32, #tpu.memory_space<vmem_shared>> -> memref<4096xi32, #tpu.memory_space<vmem_shared>>
      tpu.enqueue_dma source(%dma_start3A_251 : memref<4096xi32, #tpu.memory_space<vmem_shared>>) target(%arg10 : memref<4096xi32, #tpu.memory_space<vmem>>) target_semaphore(%arg17 : memref<!tpu.dma_semaphore, #tpu.memory_space<semaphore_mem>>)
      %convert_element_type3A_252 = arith.extui %gt3A_218 : i1 to i32
      %cond3A_253 = arith.constant 0 : i32
      %cond3A_254 = arith.cmpi ne, %convert_element_type3A_252, %cond3A_253 : i32
      scf.if %cond3A_254 {
        %dma_wait3A_564 = arith.constant 96 : i32
        %dma_wait3A_565 = arith.constant 0 : i32
        %dma_wait3A_566 = tpu.memref_slice %arg5[%add3A_164, %dma_wait3A_564, %dma_wait3A_565] : memref<1000x104x512xf32, #tpu.memory_space<hbm>> -> memref<1x8x512xf32, #tpu.memory_space<hbm>>
        %dma_wait3A_567 = tpu.memref_squeeze %dma_wait3A_566 : memref<1x8x512xf32, #tpu.memory_space<hbm>> -> memref<8x512xf32, #tpu.memory_space<hbm>>
        %dma_wait3A_568 = arith.constant 96 : i32
        %dma_wait3A_569 = arith.constant 0 : i32
        %dma_wait3A_570 = tpu.memref_slice %arg5[%add3A_164, %dma_wait3A_568, %dma_wait3A_569] : memref<1000x104x512xf32, #tpu.memory_space<hbm>> -> memref<1x8x512xf32, #tpu.memory_space<hbm>>
        %dma_wait3A_571 = tpu.memref_squeeze %dma_wait3A_570 : memref<1x8x512xf32, #tpu.memory_space<hbm>> -> memref<8x512xf32, #tpu.memory_space<hbm>>
        tpu.wait_dma2 semaphore(%arg20 : memref<!tpu.dma_semaphore, #tpu.memory_space<semaphore_mem>>) src(%arg12 : memref<8x512xf32, #tpu.memory_space<vmem>>) dst(%dma_wait3A_571 : memref<8x512xf32, #tpu.memory_space<hbm>>)
      } else {
      }
      %parallel_loop3A_255 = arith.constant 0 : i32
      %parallel_loop3A_256 = arith.constant 4096 : i32
      %parallel_loop3A_257 = arith.constant 16 : i32
      scf.for %parallel_loop3A_564 = %parallel_loop3A_255 to %parallel_loop3A_256 step %parallel_loop3A_257  : i32 {
        %parallel_loop3A_565 = arith.constant 9 : i32
        %parallel_loop3A_566 = arith.shrsi %parallel_loop3A_564, %parallel_loop3A_565 : i32
        %parallel_loop3A_567 = arith.constant 511 : i32
        %parallel_loop3A_568 = arith.andi %parallel_loop3A_564, %parallel_loop3A_567 : i32
        %parallel_loop3A_569 = arith.constant 500 : i32
        %parallel_loop3A_570 = arith.muli %parallel_loop3A_566, %parallel_loop3A_569 : i32
        %parallel_loop3A_571 = arith.addi %parallel_loop3A_570, %parallel_loop3A_568 : i32
        %parallel_loop3A_572 = arith.index_cast %parallel_loop3A_571 : i32 to index
        %parallel_loop3A_573 = tpu.vector_load %arg11[%parallel_loop3A_572] {strides = array<i32>} : memref<4096xi32, #tpu.memory_space<vmem>>, vector<16xi32>,
        %parallel_loop3A_574 = tpu.vector_load_idx %arg8[%parallel_loop3A_573] : memref<50000xf32, #tpu.memory_space<vmem>>[vector<16xi32>], vector<16xf32>,
        %parallel_loop3A_575 = arith.index_cast %parallel_loop3A_566 : i32 to index
        %parallel_loop3A_576 = arith.index_cast %parallel_loop3A_568 : i32 to index
        %parallel_loop3A_577 = tpu.vector_load %arg13[%parallel_loop3A_575, %parallel_loop3A_576] {strides = array<i32>} : memref<8x512xf32, #tpu.memory_space<vmem>>, vector<16xf32>,
        tpu.vector_store %arg13[%parallel_loop3A_575, %parallel_loop3A_576], %parallel_loop3A_574 {strides = array<i32>} : memref<8x512xf32, #tpu.memory_space<vmem>>, vector<16xf32>,
      } {sc.loop_unroll_factor = 8 : i64, sc.parallel_access}
      %dma_start3A_258 = arith.constant 8 : i32
      %dma_start3A_259 = arith.constant 0 : i32
      %dma_start3A_260 = tpu.memref_slice %arg5[%add3A_164, %dma_start3A_258, %dma_start3A_259] : memref<1000x104x512xf32, #tpu.memory_space<hbm>> -> memref<1x8x512xf32, #tpu.memory_space<hbm>>
      %dma_start3A_261 = tpu.memref_squeeze %dma_start3A_260 : memref<1x8x512xf32, #tpu.memory_space<hbm>> -> memref<8x512xf32, #tpu.memory_space<hbm>>
      %dma_start3A_262 = arith.constant 8 : i32
      %dma_start3A_263 = arith.constant 0 : i32
      %dma_start3A_264 = tpu.memref_slice %arg5[%add3A_164, %dma_start3A_262, %dma_start3A_263] : memref<1000x104x512xf32, #tpu.memory_space<hbm>> -> memref<1x8x512xf32, #tpu.memory_space<hbm>>
      %dma_start3A_265 = tpu.memref_squeeze %dma_start3A_264 : memref<1x8x512xf32, #tpu.memory_space<hbm>> -> memref<8x512xf32, #tpu.memory_space<hbm>>
      tpu.enqueue_dma source(%arg13 : memref<8x512xf32, #tpu.memory_space<vmem>>) target(%dma_start3A_265 : memref<8x512xf32, #tpu.memory_space<hbm>>) target_semaphore(%arg21 : memref<!tpu.dma_semaphore, #tpu.memory_space<semaphore_mem>>)
      %dma_wait3A_266 = arith.constant 8000 : i32
      %dma_wait3A_267 = tpu.memref_slice %arg7[%dma_wait3A_266] : memref<52096xi32, #tpu.memory_space<vmem_shared>> -> memref<4096xi32, #tpu.memory_space<vmem_shared>>
      %dma_wait3A_268 = arith.constant 8000 : i32
      %dma_wait3A_269 = tpu.memref_slice %arg7[%dma_wait3A_268] : memref<52096xi32, #tpu.memory_space<vmem_shared>> -> memref<4096xi32, #tpu.memory_space<vmem_shared>>
      tpu.wait_dma2 semaphore(%arg17 : memref<!tpu.dma_semaphore, #tpu.memory_space<semaphore_mem>>) src(%dma_wait3A_269 : memref<4096xi32, #tpu.memory_space<vmem_shared>>) dst(%arg10 : memref<4096xi32, #tpu.memory_space<vmem>>)
      %dma_start3A_270 = arith.constant 12000 : i32
      %dma_start3A_271 = tpu.memref_slice %arg7[%dma_start3A_270] : memref<52096xi32, #tpu.memory_space<vmem_shared>> -> memref<4096xi32, #tpu.memory_space<vmem_shared>>
      %dma_start3A_272 = arith.constant 12000 : i32
      %dma_start3A_273 = tpu.memref_slice %arg7[%dma_start3A_272] : memref<52096xi32, #tpu.memory_space<vmem_shared>> -> memref<4096xi32, #tpu.memory_space<vmem_shared>>
      tpu.enqueue_dma source(%dma_start3A_273 : memref<4096xi32, #tpu.memory_space<vmem_shared>>) target(%arg11 : memref<4096xi32, #tpu.memory_space<vmem>>) target_semaphore(%arg17 : memref<!tpu.dma_semaphore, #tpu.memory_space<semaphore_mem>>)
      %dma_wait3A_274 = arith.constant 0 : i32
      %dma_wait3A_275 = arith.constant 0 : i32
      %dma_wait3A_276 = tpu.memref_slice %arg5[%add3A_164, %dma_wait3A_274, %dma_wait3A_275] : memref<1000x104x512xf32, #tpu.memory_space<hbm>> -> memref<1x8x512xf32, #tpu.memory_space<hbm>>
      %dma_wait3A_277 = tpu.memref_squeeze %dma_wait3A_276 : memref<1x8x512xf32, #tpu.memory_space<hbm>> -> memref<8x512xf32, #tpu.memory_space<hbm>>
      %dma_wait3A_278 = arith.constant 0 : i32
      %dma_wait3A_279 = arith.constant 0 : i32
      %dma_wait3A_280 = tpu.memref_slice %arg5[%add3A_164, %dma_wait3A_278, %dma_wait3A_279] : memref<1000x104x512xf32, #tpu.memory_space<hbm>> -> memref<1x8x512xf32, #tpu.memory_space<hbm>>
      %dma_wait3A_281 = tpu.memref_squeeze %dma_wait3A_280 : memref<1x8x512xf32, #tpu.memory_space<hbm>> -> memref<8x512xf32, #tpu.memory_space<hbm>>
      tpu.wait_dma2 semaphore(%arg20 : memref<!tpu.dma_semaphore, #tpu.memory_space<semaphore_mem>>) src(%arg12 : memref<8x512xf32, #tpu.memory_space<vmem>>) dst(%dma_wait3A_281 : memref<8x512xf32, #tpu.memory_space<hbm>>)
      %parallel_loop3A_282 = arith.constant 0 : i32
      %parallel_loop3A_283 = arith.constant 4096 : i32
      %parallel_loop3A_284 = arith.constant 16 : i32
      scf.for %parallel_loop3A_564 = %parallel_loop3A_282 to %parallel_loop3A_283 step %parallel_loop3A_284  : i32 {
        %parallel_loop3A_565 = arith.constant 9 : i32
        %parallel_loop3A_566 = arith.shrsi %parallel_loop3A_564, %parallel_loop3A_565 : i32
        %parallel_loop3A_567 = arith.constant 511 : i32
        %parallel_loop3A_568 = arith.andi %parallel_loop3A_564, %parallel_loop3A_567 : i32
        %parallel_loop3A_569 = arith.constant 500 : i32
        %parallel_loop3A_570 = arith.muli %parallel_loop3A_566, %parallel_loop3A_569 : i32
        %parallel_loop3A_571 = arith.addi %parallel_loop3A_570, %parallel_loop3A_568 : i32
        %parallel_loop3A_572 = arith.index_cast %parallel_loop3A_571 : i32 to index
        %parallel_loop3A_573 = tpu.vector_load %arg10[%parallel_loop3A_572] {strides = array<i32>} : memref<4096xi32, #tpu.memory_space<vmem>>, vector<16xi32>,
        %parallel_loop3A_574 = tpu.vector_load_idx %arg8[%parallel_loop3A_573] : memref<50000xf32, #tpu.memory_space<vmem>>[vector<16xi32>], vector<16xf32>,
        %parallel_loop3A_575 = arith.index_cast %parallel_loop3A_566 : i32 to index
        %parallel_loop3A_576 = arith.index_cast %parallel_loop3A_568 : i32 to index
        %parallel_loop3A_577 = tpu.vector_load %arg12[%parallel_loop3A_575, %parallel_loop3A_576] {strides = array<i32>} : memref<8x512xf32, #tpu.memory_space<vmem>>, vector<16xf32>,
        tpu.vector_store %arg12[%parallel_loop3A_575, %parallel_loop3A_576], %parallel_loop3A_574 {strides = array<i32>} : memref<8x512xf32, #tpu.memory_space<vmem>>, vector<16xf32>,
      } {sc.loop_unroll_factor = 8 : i64, sc.parallel_access}
      %dma_start3A_285 = arith.constant 16 : i32
      %dma_start3A_286 = arith.constant 0 : i32
      %dma_start3A_287 = tpu.memref_slice %arg5[%add3A_164, %dma_start3A_285, %dma_start3A_286] : memref<1000x104x512xf32, #tpu.memory_space<hbm>> -> memref<1x8x512xf32, #tpu.memory_space<hbm>>
      %dma_start3A_288 = tpu.memref_squeeze %dma_start3A_287 : memref<1x8x512xf32, #tpu.memory_space<hbm>> -> memref<8x512xf32, #tpu.memory_space<hbm>>
      %dma_start3A_289 = arith.constant 16 : i32
      %dma_start3A_290 = arith.constant 0 : i32
      %dma_start3A_291 = tpu.memref_slice %arg5[%add3A_164, %dma_start3A_289, %dma_start3A_290] : memref<1000x104x512xf32, #tpu.memory_space<hbm>> -> memref<1x8x512xf32, #tpu.memory_space<hbm>>
      %dma_start3A_292 = tpu.memref_squeeze %dma_start3A_291 : memref<1x8x512xf32, #tpu.memory_space<hbm>> -> memref<8x512xf32, #tpu.memory_space<hbm>>
      tpu.enqueue_dma source(%arg12 : memref<8x512xf32, #tpu.memory_space<vmem>>) target(%dma_start3A_292 : memref<8x512xf32, #tpu.memory_space<hbm>>) target_semaphore(%arg20 : memref<!tpu.dma_semaphore, #tpu.memory_space<semaphore_mem>>)
      %dma_wait3A_293 = arith.constant 12000 : i32
      %dma_wait3A_294 = tpu.memref_slice %arg7[%dma_wait3A_293] : memref<52096xi32, #tpu.memory_space<vmem_shared>> -> memref<4096xi32, #tpu.memory_space<vmem_shared>>
      %dma_wait3A_295 = arith.constant 12000 : i32
      %dma_wait3A_296 = tpu.memref_slice %arg7[%dma_wait3A_295] : memref<52096xi32, #tpu.memory_space<vmem_shared>> -> memref<4096xi32, #tpu.memory_space<vmem_shared>>
      tpu.wait_dma2 semaphore(%arg17 : memref<!tpu.dma_semaphore, #tpu.memory_space<semaphore_mem>>) src(%dma_wait3A_296 : memref<4096xi32, #tpu.memory_space<vmem_shared>>) dst(%arg11 : memref<4096xi32, #tpu.memory_space<vmem>>)
      %dma_start3A_297 = arith.constant 16000 : i32
      %dma_start3A_298 = tpu.memref_slice %arg7[%dma_start3A_297] : memref<52096xi32, #tpu.memory_space<vmem_shared>> -> memref<4096xi32, #tpu.memory_space<vmem_shared>>
      %dma_start3A_299 = arith.constant 16000 : i32
      %dma_start3A_300 = tpu.memref_slice %arg7[%dma_start3A_299] : memref<52096xi32, #tpu.memory_space<vmem_shared>> -> memref<4096xi32, #tpu.memory_space<vmem_shared>>
      tpu.enqueue_dma source(%dma_start3A_300 : memref<4096xi32, #tpu.memory_space<vmem_shared>>) target(%arg10 : memref<4096xi32, #tpu.memory_space<vmem>>) target_semaphore(%arg17 : memref<!tpu.dma_semaphore, #tpu.memory_space<semaphore_mem>>)
      %dma_wait3A_301 = arith.constant 8 : i32
      %dma_wait3A_302 = arith.constant 0 : i32
      %dma_wait3A_303 = tpu.memref_slice %arg5[%add3A_164, %dma_wait3A_301, %dma_wait3A_302] : memref<1000x104x512xf32, #tpu.memory_space<hbm>> -> memref<1x8x512xf32, #tpu.memory_space<hbm>>
      %dma_wait3A_304 = tpu.memref_squeeze %dma_wait3A_303 : memref<1x8x512xf32, #tpu.memory_space<hbm>> -> memref<8x512xf32, #tpu.memory_space<hbm>>
      %dma_wait3A_305 = arith.constant 8 : i32
      %dma_wait3A_306 = arith.constant 0 : i32
      %dma_wait3A_307 = tpu.memref_slice %arg5[%add3A_164, %dma_wait3A_305, %dma_wait3A_306] : memref<1000x104x512xf32, #tpu.memory_space<hbm>> -> memref<1x8x512xf32, #tpu.memory_space<hbm>>
      %dma_wait3A_308 = tpu.memref_squeeze %dma_wait3A_307 : memref<1x8x512xf32, #tpu.memory_space<hbm>> -> memref<8x512xf32, #tpu.memory_space<hbm>>
      tpu.wait_dma2 semaphore(%arg21 : memref<!tpu.dma_semaphore, #tpu.memory_space<semaphore_mem>>) src(%arg13 : memref<8x512xf32, #tpu.memory_space<vmem>>) dst(%dma_wait3A_308 : memref<8x512xf32, #tpu.memory_space<hbm>>)
      %parallel_loop3A_309 = arith.constant 0 : i32
      %parallel_loop3A_310 = arith.constant 4096 : i32
      %parallel_loop3A_311 = arith.constant 16 : i32
      scf.for %parallel_loop3A_564 = %parallel_loop3A_309 to %parallel_loop3A_310 step %parallel_loop3A_311  : i32 {
        %parallel_loop3A_565 = arith.constant 9 : i32
        %parallel_loop3A_566 = arith.shrsi %parallel_loop3A_564, %parallel_loop3A_565 : i32
        %parallel_loop3A_567 = arith.constant 511 : i32
        %parallel_loop3A_568 = arith.andi %parallel_loop3A_564, %parallel_loop3A_567 : i32
        %parallel_loop3A_569 = arith.constant 500 : i32
        %parallel_loop3A_570 = arith.muli %parallel_loop3A_566, %parallel_loop3A_569 : i32
        %parallel_loop3A_571 = arith.addi %parallel_loop3A_570, %parallel_loop3A_568 : i32
        %parallel_loop3A_572 = arith.index_cast %parallel_loop3A_571 : i32 to index
        %parallel_loop3A_573 = tpu.vector_load %arg11[%parallel_loop3A_572] {strides = array<i32>} : memref<4096xi32, #tpu.memory_space<vmem>>, vector<16xi32>,
        %parallel_loop3A_574 = tpu.vector_load_idx %arg8[%parallel_loop3A_573] : memref<50000xf32, #tpu.memory_space<vmem>>[vector<16xi32>], vector<16xf32>,
        %parallel_loop3A_575 = arith.index_cast %parallel_loop3A_566 : i32 to index
        %parallel_loop3A_576 = arith.index_cast %parallel_loop3A_568 : i32 to index
        %parallel_loop3A_577 = tpu.vector_load %arg13[%parallel_loop3A_575, %parallel_loop3A_576] {strides = array<i32>} : memref<8x512xf32, #tpu.memory_space<vmem>>, vector<16xf32>,
        tpu.vector_store %arg13[%parallel_loop3A_575, %parallel_loop3A_576], %parallel_loop3A_574 {strides = array<i32>} : memref<8x512xf32, #tpu.memory_space<vmem>>, vector<16xf32>,
      } {sc.loop_unroll_factor = 8 : i64, sc.parallel_access}
      %dma_start3A_312 = arith.constant 24 : i32
      %dma_start3A_313 = arith.constant 0 : i32
      %dma_start3A_314 = tpu.memref_slice %arg5[%add3A_164, %dma_start3A_312, %dma_start3A_313] : memref<1000x104x512xf32, #tpu.memory_space<hbm>> -> memref<1x8x512xf32, #tpu.memory_space<hbm>>
      %dma_start3A_315 = tpu.memref_squeeze %dma_start3A_314 : memref<1x8x512xf32, #tpu.memory_space<hbm>> -> memref<8x512xf32, #tpu.memory_space<hbm>>
      %dma_start3A_316 = arith.constant 24 : i32
      %dma_start3A_317 = arith.constant 0 : i32
      %dma_start3A_318 = tpu.memref_slice %arg5[%add3A_164, %dma_start3A_316, %dma_start3A_317] : memref<1000x104x512xf32, #tpu.memory_space<hbm>> -> memref<1x8x512xf32, #tpu.memory_space<hbm>>
      %dma_start3A_319 = tpu.memref_squeeze %dma_start3A_318 : memref<1x8x512xf32, #tpu.memory_space<hbm>> -> memref<8x512xf32, #tpu.memory_space<hbm>>
      tpu.enqueue_dma source(%arg13 : memref<8x512xf32, #tpu.memory_space<vmem>>) target(%dma_start3A_319 : memref<8x512xf32, #tpu.memory_space<hbm>>) target_semaphore(%arg21 : memref<!tpu.dma_semaphore, #tpu.memory_space<semaphore_mem>>)
      %dma_wait3A_320 = arith.constant 16000 : i32
      %dma_wait3A_321 = tpu.memref_slice %arg7[%dma_wait3A_320] : memref<52096xi32, #tpu.memory_space<vmem_shared>> -> memref<4096xi32, #tpu.memory_space<vmem_shared>>
      %dma_wait3A_322 = arith.constant 16000 : i32
      %dma_wait3A_323 = tpu.memref_slice %arg7[%dma_wait3A_322] : memref<52096xi32, #tpu.memory_space<vmem_shared>> -> memref<4096xi32, #tpu.memory_space<vmem_shared>>
      tpu.wait_dma2 semaphore(%arg17 : memref<!tpu.dma_semaphore, #tpu.memory_space<semaphore_mem>>) src(%dma_wait3A_323 : memref<4096xi32, #tpu.memory_space<vmem_shared>>) dst(%arg10 : memref<4096xi32, #tpu.memory_space<vmem>>)
      %dma_start3A_324 = arith.constant 20000 : i32
      %dma_start3A_325 = tpu.memref_slice %arg7[%dma_start3A_324] : memref<52096xi32, #tpu.memory_space<vmem_shared>> -> memref<4096xi32, #tpu.memory_space<vmem_shared>>
      %dma_start3A_326 = arith.constant 20000 : i32
      %dma_start3A_327 = tpu.memref_slice %arg7[%dma_start3A_326] : memref<52096xi32, #tpu.memory_space<vmem_shared>> -> memref<4096xi32, #tpu.memory_space<vmem_shared>>
      tpu.enqueue_dma source(%dma_start3A_327 : memref<4096xi32, #tpu.memory_space<vmem_shared>>) target(%arg11 : memref<4096xi32, #tpu.memory_space<vmem>>) target_semaphore(%arg17 : memref<!tpu.dma_semaphore, #tpu.memory_space<semaphore_mem>>)
      %dma_wait3A_328 = arith.constant 16 : i32
      %dma_wait3A_329 = arith.constant 0 : i32
      %dma_wait3A_330 = tpu.memref_slice %arg5[%add3A_164, %dma_wait3A_328, %dma_wait3A_329] : memref<1000x104x512xf32, #tpu.memory_space<hbm>> -> memref<1x8x512xf32, #tpu.memory_space<hbm>>
      %dma_wait3A_331 = tpu.memref_squeeze %dma_wait3A_330 : memref<1x8x512xf32, #tpu.memory_space<hbm>> -> memref<8x512xf32, #tpu.memory_space<hbm>>
      %dma_wait3A_332 = arith.constant 16 : i32
      %dma_wait3A_333 = arith.constant 0 : i32
      %dma_wait3A_334 = tpu.memref_slice %arg5[%add3A_164, %dma_wait3A_332, %dma_wait3A_333] : memref<1000x104x512xf32, #tpu.memory_space<hbm>> -> memref<1x8x512xf32, #tpu.memory_space<hbm>>
      %dma_wait3A_335 = tpu.memref_squeeze %dma_wait3A_334 : memref<1x8x512xf32, #tpu.memory_space<hbm>> -> memref<8x512xf32, #tpu.memory_space<hbm>>
      tpu.wait_dma2 semaphore(%arg20 : memref<!tpu.dma_semaphore, #tpu.memory_space<semaphore_mem>>) src(%arg12 : memref<8x512xf32, #tpu.memory_space<vmem>>) dst(%dma_wait3A_335 : memref<8x512xf32, #tpu.memory_space<hbm>>)
      %parallel_loop3A_336 = arith.constant 0 : i32
      %parallel_loop3A_337 = arith.constant 4096 : i32
      %parallel_loop3A_338 = arith.constant 16 : i32
      scf.for %parallel_loop3A_564 = %parallel_loop3A_336 to %parallel_loop3A_337 step %parallel_loop3A_338  : i32 {
        %parallel_loop3A_565 = arith.constant 9 : i32
        %parallel_loop3A_566 = arith.shrsi %parallel_loop3A_564, %parallel_loop3A_565 : i32
        %parallel_loop3A_567 = arith.constant 511 : i32
        %parallel_loop3A_568 = arith.andi %parallel_loop3A_564, %parallel_loop3A_567 : i32
        %parallel_loop3A_569 = arith.constant 500 : i32
        %parallel_loop3A_570 = arith.muli %parallel_loop3A_566, %parallel_loop3A_569 : i32
        %parallel_loop3A_571 = arith.addi %parallel_loop3A_570, %parallel_loop3A_568 : i32
        %parallel_loop3A_572 = arith.index_cast %parallel_loop3A_571 : i32 to index
        %parallel_loop3A_573 = tpu.vector_load %arg10[%parallel_loop3A_572] {strides = array<i32>} : memref<4096xi32, #tpu.memory_space<vmem>>, vector<16xi32>,
        %parallel_loop3A_574 = tpu.vector_load_idx %arg8[%parallel_loop3A_573] : memref<50000xf32, #tpu.memory_space<vmem>>[vector<16xi32>], vector<16xf32>,
        %parallel_loop3A_575 = arith.index_cast %parallel_loop3A_566 : i32 to index
        %parallel_loop3A_576 = arith.index_cast %parallel_loop3A_568 : i32 to index
        %parallel_loop3A_577 = tpu.vector_load %arg12[%parallel_loop3A_575, %parallel_loop3A_576] {strides = array<i32>} : memref<8x512xf32, #tpu.memory_space<vmem>>, vector<16xf32>,
        tpu.vector_store %arg12[%parallel_loop3A_575, %parallel_loop3A_576], %parallel_loop3A_574 {strides = array<i32>} : memref<8x512xf32, #tpu.memory_space<vmem>>, vector<16xf32>,
      } {sc.loop_unroll_factor = 8 : i64, sc.parallel_access}
      %dma_start3A_339 = arith.constant 32 : i32
      %dma_start3A_340 = arith.constant 0 : i32
      %dma_start3A_341 = tpu.memref_slice %arg5[%add3A_164, %dma_start3A_339, %dma_start3A_340] : memref<1000x104x512xf32, #tpu.memory_space<hbm>> -> memref<1x8x512xf32, #tpu.memory_space<hbm>>
      %dma_start3A_342 = tpu.memref_squeeze %dma_start3A_341 : memref<1x8x512xf32, #tpu.memory_space<hbm>> -> memref<8x512xf32, #tpu.memory_space<hbm>>
      %dma_start3A_343 = arith.constant 32 : i32
      %dma_start3A_344 = arith.constant 0 : i32
      %dma_start3A_345 = tpu.memref_slice %arg5[%add3A_164, %dma_start3A_343, %dma_start3A_344] : memref<1000x104x512xf32, #tpu.memory_space<hbm>> -> memref<1x8x512xf32, #tpu.memory_space<hbm>>
      %dma_start3A_346 = tpu.memref_squeeze %dma_start3A_345 : memref<1x8x512xf32, #tpu.memory_space<hbm>> -> memref<8x512xf32, #tpu.memory_space<hbm>>
      tpu.enqueue_dma source(%arg12 : memref<8x512xf32, #tpu.memory_space<vmem>>) target(%dma_start3A_346 : memref<8x512xf32, #tpu.memory_space<hbm>>) target_semaphore(%arg20 : memref<!tpu.dma_semaphore, #tpu.memory_space<semaphore_mem>>)
      %dma_wait3A_347 = arith.constant 20000 : i32
      %dma_wait3A_348 = tpu.memref_slice %arg7[%dma_wait3A_347] : memref<52096xi32, #tpu.memory_space<vmem_shared>> -> memref<4096xi32, #tpu.memory_space<vmem_shared>>
      %dma_wait3A_349 = arith.constant 20000 : i32
      %dma_wait3A_350 = tpu.memref_slice %arg7[%dma_wait3A_349] : memref<52096xi32, #tpu.memory_space<vmem_shared>> -> memref<4096xi32, #tpu.memory_space<vmem_shared>>
      tpu.wait_dma2 semaphore(%arg17 : memref<!tpu.dma_semaphore, #tpu.memory_space<semaphore_mem>>) src(%dma_wait3A_350 : memref<4096xi32, #tpu.memory_space<vmem_shared>>) dst(%arg11 : memref<4096xi32, #tpu.memory_space<vmem>>)
      %dma_start3A_351 = arith.constant 24000 : i32
      %dma_start3A_352 = tpu.memref_slice %arg7[%dma_start3A_351] : memref<52096xi32, #tpu.memory_space<vmem_shared>> -> memref<4096xi32, #tpu.memory_space<vmem_shared>>
      %dma_start3A_353 = arith.constant 24000 : i32
      %dma_start3A_354 = tpu.memref_slice %arg7[%dma_start3A_353] : memref<52096xi32, #tpu.memory_space<vmem_shared>> -> memref<4096xi32, #tpu.memory_space<vmem_shared>>
      tpu.enqueue_dma source(%dma_start3A_354 : memref<4096xi32, #tpu.memory_space<vmem_shared>>) target(%arg10 : memref<4096xi32, #tpu.memory_space<vmem>>) target_semaphore(%arg17 : memref<!tpu.dma_semaphore, #tpu.memory_space<semaphore_mem>>)
      %dma_wait3A_355 = arith.constant 24 : i32
      %dma_wait3A_356 = arith.constant 0 : i32
      %dma_wait3A_357 = tpu.memref_slice %arg5[%add3A_164, %dma_wait3A_355, %dma_wait3A_356] : memref<1000x104x512xf32, #tpu.memory_space<hbm>> -> memref<1x8x512xf32, #tpu.memory_space<hbm>>
      %dma_wait3A_358 = tpu.memref_squeeze %dma_wait3A_357 : memref<1x8x512xf32, #tpu.memory_space<hbm>> -> memref<8x512xf32, #tpu.memory_space<hbm>>
      %dma_wait3A_359 = arith.constant 24 : i32
      %dma_wait3A_360 = arith.constant 0 : i32
      %dma_wait3A_361 = tpu.memref_slice %arg5[%add3A_164, %dma_wait3A_359, %dma_wait3A_360] : memref<1000x104x512xf32, #tpu.memory_space<hbm>> -> memref<1x8x512xf32, #tpu.memory_space<hbm>>
      %dma_wait3A_362 = tpu.memref_squeeze %dma_wait3A_361 : memref<1x8x512xf32, #tpu.memory_space<hbm>> -> memref<8x512xf32, #tpu.memory_space<hbm>>
      tpu.wait_dma2 semaphore(%arg21 : memref<!tpu.dma_semaphore, #tpu.memory_space<semaphore_mem>>) src(%arg13 : memref<8x512xf32, #tpu.memory_space<vmem>>) dst(%dma_wait3A_362 : memref<8x512xf32, #tpu.memory_space<hbm>>)
      %parallel_loop3A_363 = arith.constant 0 : i32
      %parallel_loop3A_364 = arith.constant 4096 : i32
      %parallel_loop3A_365 = arith.constant 16 : i32
      scf.for %parallel_loop3A_564 = %parallel_loop3A_363 to %parallel_loop3A_364 step %parallel_loop3A_365  : i32 {
        %parallel_loop3A_565 = arith.constant 9 : i32
        %parallel_loop3A_566 = arith.shrsi %parallel_loop3A_564, %parallel_loop3A_565 : i32
        %parallel_loop3A_567 = arith.constant 511 : i32
        %parallel_loop3A_568 = arith.andi %parallel_loop3A_564, %parallel_loop3A_567 : i32
        %parallel_loop3A_569 = arith.constant 500 : i32
        %parallel_loop3A_570 = arith.muli %parallel_loop3A_566, %parallel_loop3A_569 : i32
        %parallel_loop3A_571 = arith.addi %parallel_loop3A_570, %parallel_loop3A_568 : i32
        %parallel_loop3A_572 = arith.index_cast %parallel_loop3A_571 : i32 to index
        %parallel_loop3A_573 = tpu.vector_load %arg11[%parallel_loop3A_572] {strides = array<i32>} : memref<4096xi32, #tpu.memory_space<vmem>>, vector<16xi32>,
        %parallel_loop3A_574 = tpu.vector_load_idx %arg8[%parallel_loop3A_573] : memref<50000xf32, #tpu.memory_space<vmem>>[vector<16xi32>], vector<16xf32>,
        %parallel_loop3A_575 = arith.index_cast %parallel_loop3A_566 : i32 to index
        %parallel_loop3A_576 = arith.index_cast %parallel_loop3A_568 : i32 to index
        %parallel_loop3A_577 = tpu.vector_load %arg13[%parallel_loop3A_575, %parallel_loop3A_576] {strides = array<i32>} : memref<8x512xf32, #tpu.memory_space<vmem>>, vector<16xf32>,
        tpu.vector_store %arg13[%parallel_loop3A_575, %parallel_loop3A_576], %parallel_loop3A_574 {strides = array<i32>} : memref<8x512xf32, #tpu.memory_space<vmem>>, vector<16xf32>,
      } {sc.loop_unroll_factor = 8 : i64, sc.parallel_access}
      %dma_start3A_366 = arith.constant 40 : i32
      %dma_start3A_367 = arith.constant 0 : i32
      %dma_start3A_368 = tpu.memref_slice %arg5[%add3A_164, %dma_start3A_366, %dma_start3A_367] : memref<1000x104x512xf32, #tpu.memory_space<hbm>> -> memref<1x8x512xf32, #tpu.memory_space<hbm>>
      %dma_start3A_369 = tpu.memref_squeeze %dma_start3A_368 : memref<1x8x512xf32, #tpu.memory_space<hbm>> -> memref<8x512xf32, #tpu.memory_space<hbm>>
      %dma_start3A_370 = arith.constant 40 : i32
      %dma_start3A_371 = arith.constant 0 : i32
      %dma_start3A_372 = tpu.memref_slice %arg5[%add3A_164, %dma_start3A_370, %dma_start3A_371] : memref<1000x104x512xf32, #tpu.memory_space<hbm>> -> memref<1x8x512xf32, #tpu.memory_space<hbm>>
      %dma_start3A_373 = tpu.memref_squeeze %dma_start3A_372 : memref<1x8x512xf32, #tpu.memory_space<hbm>> -> memref<8x512xf32, #tpu.memory_space<hbm>>
      tpu.enqueue_dma source(%arg13 : memref<8x512xf32, #tpu.memory_space<vmem>>) target(%dma_start3A_373 : memref<8x512xf32, #tpu.memory_space<hbm>>) target_semaphore(%arg21 : memref<!tpu.dma_semaphore, #tpu.memory_space<semaphore_mem>>)
      %dma_wait3A_374 = arith.constant 24000 : i32
      %dma_wait3A_375 = tpu.memref_slice %arg7[%dma_wait3A_374] : memref<52096xi32, #tpu.memory_space<vmem_shared>> -> memref<4096xi32, #tpu.memory_space<vmem_shared>>
      %dma_wait3A_376 = arith.constant 24000 : i32
      %dma_wait3A_377 = tpu.memref_slice %arg7[%dma_wait3A_376] : memref<52096xi32, #tpu.memory_space<vmem_shared>> -> memref<4096xi32, #tpu.memory_space<vmem_shared>>
      tpu.wait_dma2 semaphore(%arg17 : memref<!tpu.dma_semaphore, #tpu.memory_space<semaphore_mem>>) src(%dma_wait3A_377 : memref<4096xi32, #tpu.memory_space<vmem_shared>>) dst(%arg10 : memref<4096xi32, #tpu.memory_space<vmem>>)
      %dma_start3A_378 = arith.constant 28000 : i32
      %dma_start3A_379 = tpu.memref_slice %arg7[%dma_start3A_378] : memref<52096xi32, #tpu.memory_space<vmem_shared>> -> memref<4096xi32, #tpu.memory_space<vmem_shared>>
      %dma_start3A_380 = arith.constant 28000 : i32
      %dma_start3A_381 = tpu.memref_slice %arg7[%dma_start3A_380] : memref<52096xi32, #tpu.memory_space<vmem_shared>> -> memref<4096xi32, #tpu.memory_space<vmem_shared>>
      tpu.enqueue_dma source(%dma_start3A_381 : memref<4096xi32, #tpu.memory_space<vmem_shared>>) target(%arg11 : memref<4096xi32, #tpu.memory_space<vmem>>) target_semaphore(%arg17 : memref<!tpu.dma_semaphore, #tpu.memory_space<semaphore_mem>>)
      %dma_wait3A_382 = arith.constant 32 : i32
      %dma_wait3A_383 = arith.constant 0 : i32
      %dma_wait3A_384 = tpu.memref_slice %arg5[%add3A_164, %dma_wait3A_382, %dma_wait3A_383] : memref<1000x104x512xf32, #tpu.memory_space<hbm>> -> memref<1x8x512xf32, #tpu.memory_space<hbm>>
      %dma_wait3A_385 = tpu.memref_squeeze %dma_wait3A_384 : memref<1x8x512xf32, #tpu.memory_space<hbm>> -> memref<8x512xf32, #tpu.memory_space<hbm>>
      %dma_wait3A_386 = arith.constant 32 : i32
      %dma_wait3A_387 = arith.constant 0 : i32
      %dma_wait3A_388 = tpu.memref_slice %arg5[%add3A_164, %dma_wait3A_386, %dma_wait3A_387] : memref<1000x104x512xf32, #tpu.memory_space<hbm>> -> memref<1x8x512xf32, #tpu.memory_space<hbm>>
      %dma_wait3A_389 = tpu.memref_squeeze %dma_wait3A_388 : memref<1x8x512xf32, #tpu.memory_space<hbm>> -> memref<8x512xf32, #tpu.memory_space<hbm>>
      tpu.wait_dma2 semaphore(%arg20 : memref<!tpu.dma_semaphore, #tpu.memory_space<semaphore_mem>>) src(%arg12 : memref<8x512xf32, #tpu.memory_space<vmem>>) dst(%dma_wait3A_389 : memref<8x512xf32, #tpu.memory_space<hbm>>)
      %parallel_loop3A_390 = arith.constant 0 : i32
      %parallel_loop3A_391 = arith.constant 4096 : i32
      %parallel_loop3A_392 = arith.constant 16 : i32
      scf.for %parallel_loop3A_564 = %parallel_loop3A_390 to %parallel_loop3A_391 step %parallel_loop3A_392  : i32 {
        %parallel_loop3A_565 = arith.constant 9 : i32
        %parallel_loop3A_566 = arith.shrsi %parallel_loop3A_564, %parallel_loop3A_565 : i32
        %parallel_loop3A_567 = arith.constant 511 : i32
        %parallel_loop3A_568 = arith.andi %parallel_loop3A_564, %parallel_loop3A_567 : i32
        %parallel_loop3A_569 = arith.constant 500 : i32
        %parallel_loop3A_570 = arith.muli %parallel_loop3A_566, %parallel_loop3A_569 : i32
        %parallel_loop3A_571 = arith.addi %parallel_loop3A_570, %parallel_loop3A_568 : i32
        %parallel_loop3A_572 = arith.index_cast %parallel_loop3A_571 : i32 to index
        %parallel_loop3A_573 = tpu.vector_load %arg10[%parallel_loop3A_572] {strides = array<i32>} : memref<4096xi32, #tpu.memory_space<vmem>>, vector<16xi32>,
        %parallel_loop3A_574 = tpu.vector_load_idx %arg8[%parallel_loop3A_573] : memref<50000xf32, #tpu.memory_space<vmem>>[vector<16xi32>], vector<16xf32>,
        %parallel_loop3A_575 = arith.index_cast %parallel_loop3A_566 : i32 to index
        %parallel_loop3A_576 = arith.index_cast %parallel_loop3A_568 : i32 to index
        %parallel_loop3A_577 = tpu.vector_load %arg12[%parallel_loop3A_575, %parallel_loop3A_576] {strides = array<i32>} : memref<8x512xf32, #tpu.memory_space<vmem>>, vector<16xf32>,
        tpu.vector_store %arg12[%parallel_loop3A_575, %parallel_loop3A_576], %parallel_loop3A_574 {strides = array<i32>} : memref<8x512xf32, #tpu.memory_space<vmem>>, vector<16xf32>,
      } {sc.loop_unroll_factor = 8 : i64, sc.parallel_access}
      %dma_start3A_393 = arith.constant 48 : i32
      %dma_start3A_394 = arith.constant 0 : i32
      %dma_start3A_395 = tpu.memref_slice %arg5[%add3A_164, %dma_start3A_393, %dma_start3A_394] : memref<1000x104x512xf32, #tpu.memory_space<hbm>> -> memref<1x8x512xf32, #tpu.memory_space<hbm>>
      %dma_start3A_396 = tpu.memref_squeeze %dma_start3A_395 : memref<1x8x512xf32, #tpu.memory_space<hbm>> -> memref<8x512xf32, #tpu.memory_space<hbm>>
      %dma_start3A_397 = arith.constant 48 : i32
      %dma_start3A_398 = arith.constant 0 : i32
      %dma_start3A_399 = tpu.memref_slice %arg5[%add3A_164, %dma_start3A_397, %dma_start3A_398] : memref<1000x104x512xf32, #tpu.memory_space<hbm>> -> memref<1x8x512xf32, #tpu.memory_space<hbm>>
      %dma_start3A_400 = tpu.memref_squeeze %dma_start3A_399 : memref<1x8x512xf32, #tpu.memory_space<hbm>> -> memref<8x512xf32, #tpu.memory_space<hbm>>
      tpu.enqueue_dma source(%arg12 : memref<8x512xf32, #tpu.memory_space<vmem>>) target(%dma_start3A_400 : memref<8x512xf32, #tpu.memory_space<hbm>>) target_semaphore(%arg20 : memref<!tpu.dma_semaphore, #tpu.memory_space<semaphore_mem>>)
      %dma_wait3A_401 = arith.constant 28000 : i32
      %dma_wait3A_402 = tpu.memref_slice %arg7[%dma_wait3A_401] : memref<52096xi32, #tpu.memory_space<vmem_shared>> -> memref<4096xi32, #tpu.memory_space<vmem_shared>>
      %dma_wait3A_403 = arith.constant 28000 : i32
      %dma_wait3A_404 = tpu.memref_slice %arg7[%dma_wait3A_403] : memref<52096xi32, #tpu.memory_space<vmem_shared>> -> memref<4096xi32, #tpu.memory_space<vmem_shared>>
      tpu.wait_dma2 semaphore(%arg17 : memref<!tpu.dma_semaphore, #tpu.memory_space<semaphore_mem>>) src(%dma_wait3A_404 : memref<4096xi32, #tpu.memory_space<vmem_shared>>) dst(%arg11 : memref<4096xi32, #tpu.memory_space<vmem>>)
      %dma_start3A_405 = arith.constant 32000 : i32
      %dma_start3A_406 = tpu.memref_slice %arg7[%dma_start3A_405] : memref<52096xi32, #tpu.memory_space<vmem_shared>> -> memref<4096xi32, #tpu.memory_space<vmem_shared>>
      %dma_start3A_407 = arith.constant 32000 : i32
      %dma_start3A_408 = tpu.memref_slice %arg7[%dma_start3A_407] : memref<52096xi32, #tpu.memory_space<vmem_shared>> -> memref<4096xi32, #tpu.memory_space<vmem_shared>>
      tpu.enqueue_dma source(%dma_start3A_408 : memref<4096xi32, #tpu.memory_space<vmem_shared>>) target(%arg10 : memref<4096xi32, #tpu.memory_space<vmem>>) target_semaphore(%arg17 : memref<!tpu.dma_semaphore, #tpu.memory_space<semaphore_mem>>)
      %dma_wait3A_409 = arith.constant 40 : i32
      %dma_wait3A_410 = arith.constant 0 : i32
      %dma_wait3A_411 = tpu.memref_slice %arg5[%add3A_164, %dma_wait3A_409, %dma_wait3A_410] : memref<1000x104x512xf32, #tpu.memory_space<hbm>> -> memref<1x8x512xf32, #tpu.memory_space<hbm>>
      %dma_wait3A_412 = tpu.memref_squeeze %dma_wait3A_411 : memref<1x8x512xf32, #tpu.memory_space<hbm>> -> memref<8x512xf32, #tpu.memory_space<hbm>>
      %dma_wait3A_413 = arith.constant 40 : i32
      %dma_wait3A_414 = arith.constant 0 : i32
      %dma_wait3A_415 = tpu.memref_slice %arg5[%add3A_164, %dma_wait3A_413, %dma_wait3A_414] : memref<1000x104x512xf32, #tpu.memory_space<hbm>> -> memref<1x8x512xf32, #tpu.memory_space<hbm>>
      %dma_wait3A_416 = tpu.memref_squeeze %dma_wait3A_415 : memref<1x8x512xf32, #tpu.memory_space<hbm>> -> memref<8x512xf32, #tpu.memory_space<hbm>>
      tpu.wait_dma2 semaphore(%arg21 : memref<!tpu.dma_semaphore, #tpu.memory_space<semaphore_mem>>) src(%arg13 : memref<8x512xf32, #tpu.memory_space<vmem>>) dst(%dma_wait3A_416 : memref<8x512xf32, #tpu.memory_space<hbm>>)
      %parallel_loop3A_417 = arith.constant 0 : i32
      %parallel_loop3A_418 = arith.constant 4096 : i32
      %parallel_loop3A_419 = arith.constant 16 : i32
      scf.for %parallel_loop3A_564 = %parallel_loop3A_417 to %parallel_loop3A_418 step %parallel_loop3A_419  : i32 {
        %parallel_loop3A_565 = arith.constant 9 : i32
        %parallel_loop3A_566 = arith.shrsi %parallel_loop3A_564, %parallel_loop3A_565 : i32
        %parallel_loop3A_567 = arith.constant 511 : i32
        %parallel_loop3A_568 = arith.andi %parallel_loop3A_564, %parallel_loop3A_567 : i32
        %parallel_loop3A_569 = arith.constant 500 : i32
        %parallel_loop3A_570 = arith.muli %parallel_loop3A_566, %parallel_loop3A_569 : i32
        %parallel_loop3A_571 = arith.addi %parallel_loop3A_570, %parallel_loop3A_568 : i32
        %parallel_loop3A_572 = arith.index_cast %parallel_loop3A_571 : i32 to index
        %parallel_loop3A_573 = tpu.vector_load %arg11[%parallel_loop3A_572] {strides = array<i32>} : memref<4096xi32, #tpu.memory_space<vmem>>, vector<16xi32>,
        %parallel_loop3A_574 = tpu.vector_load_idx %arg8[%parallel_loop3A_573] : memref<50000xf32, #tpu.memory_space<vmem>>[vector<16xi32>], vector<16xf32>,
        %parallel_loop3A_575 = arith.index_cast %parallel_loop3A_566 : i32 to index
        %parallel_loop3A_576 = arith.index_cast %parallel_loop3A_568 : i32 to index
        %parallel_loop3A_577 = tpu.vector_load %arg13[%parallel_loop3A_575, %parallel_loop3A_576] {strides = array<i32>} : memref<8x512xf32, #tpu.memory_space<vmem>>, vector<16xf32>,
        tpu.vector_store %arg13[%parallel_loop3A_575, %parallel_loop3A_576], %parallel_loop3A_574 {strides = array<i32>} : memref<8x512xf32, #tpu.memory_space<vmem>>, vector<16xf32>,
      } {sc.loop_unroll_factor = 8 : i64, sc.parallel_access}
      %dma_start3A_420 = arith.constant 56 : i32
      %dma_start3A_421 = arith.constant 0 : i32
      %dma_start3A_422 = tpu.memref_slice %arg5[%add3A_164, %dma_start3A_420, %dma_start3A_421] : memref<1000x104x512xf32, #tpu.memory_space<hbm>> -> memref<1x8x512xf32, #tpu.memory_space<hbm>>
      %dma_start3A_423 = tpu.memref_squeeze %dma_start3A_422 : memref<1x8x512xf32, #tpu.memory_space<hbm>> -> memref<8x512xf32, #tpu.memory_space<hbm>>
      %dma_start3A_424 = arith.constant 56 : i32
      %dma_start3A_425 = arith.constant 0 : i32
      %dma_start3A_426 = tpu.memref_slice %arg5[%add3A_164, %dma_start3A_424, %dma_start3A_425] : memref<1000x104x512xf32, #tpu.memory_space<hbm>> -> memref<1x8x512xf32, #tpu.memory_space<hbm>>
      %dma_start3A_427 = tpu.memref_squeeze %dma_start3A_426 : memref<1x8x512xf32, #tpu.memory_space<hbm>> -> memref<8x512xf32, #tpu.memory_space<hbm>>
      tpu.enqueue_dma source(%arg13 : memref<8x512xf32, #tpu.memory_space<vmem>>) target(%dma_start3A_427 : memref<8x512xf32, #tpu.memory_space<hbm>>) target_semaphore(%arg21 : memref<!tpu.dma_semaphore, #tpu.memory_space<semaphore_mem>>)
      %dma_wait3A_428 = arith.constant 32000 : i32
      %dma_wait3A_429 = tpu.memref_slice %arg7[%dma_wait3A_428] : memref<52096xi32, #tpu.memory_space<vmem_shared>> -> memref<4096xi32, #tpu.memory_space<vmem_shared>>
      %dma_wait3A_430 = arith.constant 32000 : i32
      %dma_wait3A_431 = tpu.memref_slice %arg7[%dma_wait3A_430] : memref<52096xi32, #tpu.memory_space<vmem_shared>> -> memref<4096xi32, #tpu.memory_space<vmem_shared>>
      tpu.wait_dma2 semaphore(%arg17 : memref<!tpu.dma_semaphore, #tpu.memory_space<semaphore_mem>>) src(%dma_wait3A_431 : memref<4096xi32, #tpu.memory_space<vmem_shared>>) dst(%arg10 : memref<4096xi32, #tpu.memory_space<vmem>>)
      %dma_start3A_432 = arith.constant 36000 : i32
      %dma_start3A_433 = tpu.memref_slice %arg7[%dma_start3A_432] : memref<52096xi32, #tpu.memory_space<vmem_shared>> -> memref<4096xi32, #tpu.memory_space<vmem_shared>>
      %dma_start3A_434 = arith.constant 36000 : i32
      %dma_start3A_435 = tpu.memref_slice %arg7[%dma_start3A_434] : memref<52096xi32, #tpu.memory_space<vmem_shared>> -> memref<4096xi32, #tpu.memory_space<vmem_shared>>
      tpu.enqueue_dma source(%dma_start3A_435 : memref<4096xi32, #tpu.memory_space<vmem_shared>>) target(%arg11 : memref<4096xi32, #tpu.memory_space<vmem>>) target_semaphore(%arg17 : memref<!tpu.dma_semaphore, #tpu.memory_space<semaphore_mem>>)
      %dma_wait3A_436 = arith.constant 48 : i32
      %dma_wait3A_437 = arith.constant 0 : i32
      %dma_wait3A_438 = tpu.memref_slice %arg5[%add3A_164, %dma_wait3A_436, %dma_wait3A_437] : memref<1000x104x512xf32, #tpu.memory_space<hbm>> -> memref<1x8x512xf32, #tpu.memory_space<hbm>>
      %dma_wait3A_439 = tpu.memref_squeeze %dma_wait3A_438 : memref<1x8x512xf32, #tpu.memory_space<hbm>> -> memref<8x512xf32, #tpu.memory_space<hbm>>
      %dma_wait3A_440 = arith.constant 48 : i32
      %dma_wait3A_441 = arith.constant 0 : i32
      %dma_wait3A_442 = tpu.memref_slice %arg5[%add3A_164, %dma_wait3A_440, %dma_wait3A_441] : memref<1000x104x512xf32, #tpu.memory_space<hbm>> -> memref<1x8x512xf32, #tpu.memory_space<hbm>>
      %dma_wait3A_443 = tpu.memref_squeeze %dma_wait3A_442 : memref<1x8x512xf32, #tpu.memory_space<hbm>> -> memref<8x512xf32, #tpu.memory_space<hbm>>
      tpu.wait_dma2 semaphore(%arg20 : memref<!tpu.dma_semaphore, #tpu.memory_space<semaphore_mem>>) src(%arg12 : memref<8x512xf32, #tpu.memory_space<vmem>>) dst(%dma_wait3A_443 : memref<8x512xf32, #tpu.memory_space<hbm>>)
      %parallel_loop3A_444 = arith.constant 0 : i32
      %parallel_loop3A_445 = arith.constant 4096 : i32
      %parallel_loop3A_446 = arith.constant 16 : i32
      scf.for %parallel_loop3A_564 = %parallel_loop3A_444 to %parallel_loop3A_445 step %parallel_loop3A_446  : i32 {
        %parallel_loop3A_565 = arith.constant 9 : i32
        %parallel_loop3A_566 = arith.shrsi %parallel_loop3A_564, %parallel_loop3A_565 : i32
        %parallel_loop3A_567 = arith.constant 511 : i32
        %parallel_loop3A_568 = arith.andi %parallel_loop3A_564, %parallel_loop3A_567 : i32
        %parallel_loop3A_569 = arith.constant 500 : i32
        %parallel_loop3A_570 = arith.muli %parallel_loop3A_566, %parallel_loop3A_569 : i32
        %parallel_loop3A_571 = arith.addi %parallel_loop3A_570, %parallel_loop3A_568 : i32
        %parallel_loop3A_572 = arith.index_cast %parallel_loop3A_571 : i32 to index
        %parallel_loop3A_573 = tpu.vector_load %arg10[%parallel_loop3A_572] {strides = array<i32>} : memref<4096xi32, #tpu.memory_space<vmem>>, vector<16xi32>,
        %parallel_loop3A_574 = tpu.vector_load_idx %arg8[%parallel_loop3A_573] : memref<50000xf32, #tpu.memory_space<vmem>>[vector<16xi32>], vector<16xf32>,
        %parallel_loop3A_575 = arith.index_cast %parallel_loop3A_566 : i32 to index
        %parallel_loop3A_576 = arith.index_cast %parallel_loop3A_568 : i32 to index
        %parallel_loop3A_577 = tpu.vector_load %arg12[%parallel_loop3A_575, %parallel_loop3A_576] {strides = array<i32>} : memref<8x512xf32, #tpu.memory_space<vmem>>, vector<16xf32>,
        tpu.vector_store %arg12[%parallel_loop3A_575, %parallel_loop3A_576], %parallel_loop3A_574 {strides = array<i32>} : memref<8x512xf32, #tpu.memory_space<vmem>>, vector<16xf32>,
      } {sc.loop_unroll_factor = 8 : i64, sc.parallel_access}
      %dma_start3A_447 = arith.constant 64 : i32
      %dma_start3A_448 = arith.constant 0 : i32
      %dma_start3A_449 = tpu.memref_slice %arg5[%add3A_164, %dma_start3A_447, %dma_start3A_448] : memref<1000x104x512xf32, #tpu.memory_space<hbm>> -> memref<1x8x512xf32, #tpu.memory_space<hbm>>
      %dma_start3A_450 = tpu.memref_squeeze %dma_start3A_449 : memref<1x8x512xf32, #tpu.memory_space<hbm>> -> memref<8x512xf32, #tpu.memory_space<hbm>>
      %dma_start3A_451 = arith.constant 64 : i32
      %dma_start3A_452 = arith.constant 0 : i32
      %dma_start3A_453 = tpu.memref_slice %arg5[%add3A_164, %dma_start3A_451, %dma_start3A_452] : memref<1000x104x512xf32, #tpu.memory_space<hbm>> -> memref<1x8x512xf32, #tpu.memory_space<hbm>>
      %dma_start3A_454 = tpu.memref_squeeze %dma_start3A_453 : memref<1x8x512xf32, #tpu.memory_space<hbm>> -> memref<8x512xf32, #tpu.memory_space<hbm>>
      tpu.enqueue_dma source(%arg12 : memref<8x512xf32, #tpu.memory_space<vmem>>) target(%dma_start3A_454 : memref<8x512xf32, #tpu.memory_space<hbm>>) target_semaphore(%arg20 : memref<!tpu.dma_semaphore, #tpu.memory_space<semaphore_mem>>)
      %dma_wait3A_455 = arith.constant 36000 : i32
      %dma_wait3A_456 = tpu.memref_slice %arg7[%dma_wait3A_455] : memref<52096xi32, #tpu.memory_space<vmem_shared>> -> memref<4096xi32, #tpu.memory_space<vmem_shared>>
      %dma_wait3A_457 = arith.constant 36000 : i32
      %dma_wait3A_458 = tpu.memref_slice %arg7[%dma_wait3A_457] : memref<52096xi32, #tpu.memory_space<vmem_shared>> -> memref<4096xi32, #tpu.memory_space<vmem_shared>>
      tpu.wait_dma2 semaphore(%arg17 : memref<!tpu.dma_semaphore, #tpu.memory_space<semaphore_mem>>) src(%dma_wait3A_458 : memref<4096xi32, #tpu.memory_space<vmem_shared>>) dst(%arg11 : memref<4096xi32, #tpu.memory_space<vmem>>)
      %dma_start3A_459 = arith.constant 40000 : i32
      %dma_start3A_460 = tpu.memref_slice %arg7[%dma_start3A_459] : memref<52096xi32, #tpu.memory_space<vmem_shared>> -> memref<4096xi32, #tpu.memory_space<vmem_shared>>
      %dma_start3A_461 = arith.constant 40000 : i32
      %dma_start3A_462 = tpu.memref_slice %arg7[%dma_start3A_461] : memref<52096xi32, #tpu.memory_space<vmem_shared>> -> memref<4096xi32, #tpu.memory_space<vmem_shared>>
      tpu.enqueue_dma source(%dma_start3A_462 : memref<4096xi32, #tpu.memory_space<vmem_shared>>) target(%arg10 : memref<4096xi32, #tpu.memory_space<vmem>>) target_semaphore(%arg17 : memref<!tpu.dma_semaphore, #tpu.memory_space<semaphore_mem>>)
      %dma_wait3A_463 = arith.constant 56 : i32
      %dma_wait3A_464 = arith.constant 0 : i32
      %dma_wait3A_465 = tpu.memref_slice %arg5[%add3A_164, %dma_wait3A_463, %dma_wait3A_464] : memref<1000x104x512xf32, #tpu.memory_space<hbm>> -> memref<1x8x512xf32, #tpu.memory_space<hbm>>
      %dma_wait3A_466 = tpu.memref_squeeze %dma_wait3A_465 : memref<1x8x512xf32, #tpu.memory_space<hbm>> -> memref<8x512xf32, #tpu.memory_space<hbm>>
      %dma_wait3A_467 = arith.constant 56 : i32
      %dma_wait3A_468 = arith.constant 0 : i32
      %dma_wait3A_469 = tpu.memref_slice %arg5[%add3A_164, %dma_wait3A_467, %dma_wait3A_468] : memref<1000x104x512xf32, #tpu.memory_space<hbm>> -> memref<1x8x512xf32, #tpu.memory_space<hbm>>
      %dma_wait3A_470 = tpu.memref_squeeze %dma_wait3A_469 : memref<1x8x512xf32, #tpu.memory_space<hbm>> -> memref<8x512xf32, #tpu.memory_space<hbm>>
      tpu.wait_dma2 semaphore(%arg21 : memref<!tpu.dma_semaphore, #tpu.memory_space<semaphore_mem>>) src(%arg13 : memref<8x512xf32, #tpu.memory_space<vmem>>) dst(%dma_wait3A_470 : memref<8x512xf32, #tpu.memory_space<hbm>>)
      %parallel_loop3A_471 = arith.constant 0 : i32
      %parallel_loop3A_472 = arith.constant 4096 : i32
      %parallel_loop3A_473 = arith.constant 16 : i32
      scf.for %parallel_loop3A_564 = %parallel_loop3A_471 to %parallel_loop3A_472 step %parallel_loop3A_473  : i32 {
        %parallel_loop3A_565 = arith.constant 9 : i32
        %parallel_loop3A_566 = arith.shrsi %parallel_loop3A_564, %parallel_loop3A_565 : i32
        %parallel_loop3A_567 = arith.constant 511 : i32
        %parallel_loop3A_568 = arith.andi %parallel_loop3A_564, %parallel_loop3A_567 : i32
        %parallel_loop3A_569 = arith.constant 500 : i32
        %parallel_loop3A_570 = arith.muli %parallel_loop3A_566, %parallel_loop3A_569 : i32
        %parallel_loop3A_571 = arith.addi %parallel_loop3A_570, %parallel_loop3A_568 : i32
        %parallel_loop3A_572 = arith.index_cast %parallel_loop3A_571 : i32 to index
        %parallel_loop3A_573 = tpu.vector_load %arg11[%parallel_loop3A_572] {strides = array<i32>} : memref<4096xi32, #tpu.memory_space<vmem>>, vector<16xi32>,
        %parallel_loop3A_574 = tpu.vector_load_idx %arg8[%parallel_loop3A_573] : memref<50000xf32, #tpu.memory_space<vmem>>[vector<16xi32>], vector<16xf32>,
        %parallel_loop3A_575 = arith.index_cast %parallel_loop3A_566 : i32 to index
        %parallel_loop3A_576 = arith.index_cast %parallel_loop3A_568 : i32 to index
        %parallel_loop3A_577 = tpu.vector_load %arg13[%parallel_loop3A_575, %parallel_loop3A_576] {strides = array<i32>} : memref<8x512xf32, #tpu.memory_space<vmem>>, vector<16xf32>,
        tpu.vector_store %arg13[%parallel_loop3A_575, %parallel_loop3A_576], %parallel_loop3A_574 {strides = array<i32>} : memref<8x512xf32, #tpu.memory_space<vmem>>, vector<16xf32>,
      } {sc.loop_unroll_factor = 8 : i64, sc.parallel_access}
      %dma_start3A_474 = arith.constant 72 : i32
      %dma_start3A_475 = arith.constant 0 : i32
      %dma_start3A_476 = tpu.memref_slice %arg5[%add3A_164, %dma_start3A_474, %dma_start3A_475] : memref<1000x104x512xf32, #tpu.memory_space<hbm>> -> memref<1x8x512xf32, #tpu.memory_space<hbm>>
      %dma_start3A_477 = tpu.memref_squeeze %dma_start3A_476 : memref<1x8x512xf32, #tpu.memory_space<hbm>> -> memref<8x512xf32, #tpu.memory_space<hbm>>
      %dma_start3A_478 = arith.constant 72 : i32
      %dma_start3A_479 = arith.constant 0 : i32
      %dma_start3A_480 = tpu.memref_slice %arg5[%add3A_164, %dma_start3A_478, %dma_start3A_479] : memref<1000x104x512xf32, #tpu.memory_space<hbm>> -> memref<1x8x512xf32, #tpu.memory_space<hbm>>
      %dma_start3A_481 = tpu.memref_squeeze %dma_start3A_480 : memref<1x8x512xf32, #tpu.memory_space<hbm>> -> memref<8x512xf32, #tpu.memory_space<hbm>>
      tpu.enqueue_dma source(%arg13 : memref<8x512xf32, #tpu.memory_space<vmem>>) target(%dma_start3A_481 : memref<8x512xf32, #tpu.memory_space<hbm>>) target_semaphore(%arg21 : memref<!tpu.dma_semaphore, #tpu.memory_space<semaphore_mem>>)
      %dma_wait3A_482 = arith.constant 40000 : i32
      %dma_wait3A_483 = tpu.memref_slice %arg7[%dma_wait3A_482] : memref<52096xi32, #tpu.memory_space<vmem_shared>> -> memref<4096xi32, #tpu.memory_space<vmem_shared>>
      %dma_wait3A_484 = arith.constant 40000 : i32
      %dma_wait3A_485 = tpu.memref_slice %arg7[%dma_wait3A_484] : memref<52096xi32, #tpu.memory_space<vmem_shared>> -> memref<4096xi32, #tpu.memory_space<vmem_shared>>
      tpu.wait_dma2 semaphore(%arg17 : memref<!tpu.dma_semaphore, #tpu.memory_space<semaphore_mem>>) src(%dma_wait3A_485 : memref<4096xi32, #tpu.memory_space<vmem_shared>>) dst(%arg10 : memref<4096xi32, #tpu.memory_space<vmem>>)
      %dma_start3A_486 = arith.constant 44000 : i32
      %dma_start3A_487 = tpu.memref_slice %arg7[%dma_start3A_486] : memref<52096xi32, #tpu.memory_space<vmem_shared>> -> memref<4096xi32, #tpu.memory_space<vmem_shared>>
      %dma_start3A_488 = arith.constant 44000 : i32
      %dma_start3A_489 = tpu.memref_slice %arg7[%dma_start3A_488] : memref<52096xi32, #tpu.memory_space<vmem_shared>> -> memref<4096xi32, #tpu.memory_space<vmem_shared>>
      tpu.enqueue_dma source(%dma_start3A_489 : memref<4096xi32, #tpu.memory_space<vmem_shared>>) target(%arg11 : memref<4096xi32, #tpu.memory_space<vmem>>) target_semaphore(%arg17 : memref<!tpu.dma_semaphore, #tpu.memory_space<semaphore_mem>>)
      %dma_wait3A_490 = arith.constant 64 : i32
      %dma_wait3A_491 = arith.constant 0 : i32
      %dma_wait3A_492 = tpu.memref_slice %arg5[%add3A_164, %dma_wait3A_490, %dma_wait3A_491] : memref<1000x104x512xf32, #tpu.memory_space<hbm>> -> memref<1x8x512xf32, #tpu.memory_space<hbm>>
      %dma_wait3A_493 = tpu.memref_squeeze %dma_wait3A_492 : memref<1x8x512xf32, #tpu.memory_space<hbm>> -> memref<8x512xf32, #tpu.memory_space<hbm>>
      %dma_wait3A_494 = arith.constant 64 : i32
      %dma_wait3A_495 = arith.constant 0 : i32
      %dma_wait3A_496 = tpu.memref_slice %arg5[%add3A_164, %dma_wait3A_494, %dma_wait3A_495] : memref<1000x104x512xf32, #tpu.memory_space<hbm>> -> memref<1x8x512xf32, #tpu.memory_space<hbm>>
      %dma_wait3A_497 = tpu.memref_squeeze %dma_wait3A_496 : memref<1x8x512xf32, #tpu.memory_space<hbm>> -> memref<8x512xf32, #tpu.memory_space<hbm>>
      tpu.wait_dma2 semaphore(%arg20 : memref<!tpu.dma_semaphore, #tpu.memory_space<semaphore_mem>>) src(%arg12 : memref<8x512xf32, #tpu.memory_space<vmem>>) dst(%dma_wait3A_497 : memref<8x512xf32, #tpu.memory_space<hbm>>)
      %parallel_loop3A_498 = arith.constant 0 : i32
      %parallel_loop3A_499 = arith.constant 4096 : i32
      %parallel_loop3A_500 = arith.constant 16 : i32
      scf.for %parallel_loop3A_564 = %parallel_loop3A_498 to %parallel_loop3A_499 step %parallel_loop3A_500  : i32 {
        %parallel_loop3A_565 = arith.constant 9 : i32
        %parallel_loop3A_566 = arith.shrsi %parallel_loop3A_564, %parallel_loop3A_565 : i32
        %parallel_loop3A_567 = arith.constant 511 : i32
        %parallel_loop3A_568 = arith.andi %parallel_loop3A_564, %parallel_loop3A_567 : i32
        %parallel_loop3A_569 = arith.constant 500 : i32
        %parallel_loop3A_570 = arith.muli %parallel_loop3A_566, %parallel_loop3A_569 : i32
        %parallel_loop3A_571 = arith.addi %parallel_loop3A_570, %parallel_loop3A_568 : i32
        %parallel_loop3A_572 = arith.index_cast %parallel_loop3A_571 : i32 to index
        %parallel_loop3A_573 = tpu.vector_load %arg10[%parallel_loop3A_572] {strides = array<i32>} : memref<4096xi32, #tpu.memory_space<vmem>>, vector<16xi32>,
        %parallel_loop3A_574 = tpu.vector_load_idx %arg8[%parallel_loop3A_573] : memref<50000xf32, #tpu.memory_space<vmem>>[vector<16xi32>], vector<16xf32>,
        %parallel_loop3A_575 = arith.index_cast %parallel_loop3A_566 : i32 to index
        %parallel_loop3A_576 = arith.index_cast %parallel_loop3A_568 : i32 to index
        %parallel_loop3A_577 = tpu.vector_load %arg12[%parallel_loop3A_575, %parallel_loop3A_576] {strides = array<i32>} : memref<8x512xf32, #tpu.memory_space<vmem>>, vector<16xf32>,
        tpu.vector_store %arg12[%parallel_loop3A_575, %parallel_loop3A_576], %parallel_loop3A_574 {strides = array<i32>} : memref<8x512xf32, #tpu.memory_space<vmem>>, vector<16xf32>,
      } {sc.loop_unroll_factor = 8 : i64, sc.parallel_access}
      %dma_start3A_501 = arith.constant 80 : i32
      %dma_start3A_502 = arith.constant 0 : i32
      %dma_start3A_503 = tpu.memref_slice %arg5[%add3A_164, %dma_start3A_501, %dma_start3A_502] : memref<1000x104x512xf32, #tpu.memory_space<hbm>> -> memref<1x8x512xf32, #tpu.memory_space<hbm>>
      %dma_start3A_504 = tpu.memref_squeeze %dma_start3A_503 : memref<1x8x512xf32, #tpu.memory_space<hbm>> -> memref<8x512xf32, #tpu.memory_space<hbm>>
      %dma_start3A_505 = arith.constant 80 : i32
      %dma_start3A_506 = arith.constant 0 : i32
      %dma_start3A_507 = tpu.memref_slice %arg5[%add3A_164, %dma_start3A_505, %dma_start3A_506] : memref<1000x104x512xf32, #tpu.memory_space<hbm>> -> memref<1x8x512xf32, #tpu.memory_space<hbm>>
      %dma_start3A_508 = tpu.memref_squeeze %dma_start3A_507 : memref<1x8x512xf32, #tpu.memory_space<hbm>> -> memref<8x512xf32, #tpu.memory_space<hbm>>
      tpu.enqueue_dma source(%arg12 : memref<8x512xf32, #tpu.memory_space<vmem>>) target(%dma_start3A_508 : memref<8x512xf32, #tpu.memory_space<hbm>>) target_semaphore(%arg20 : memref<!tpu.dma_semaphore, #tpu.memory_space<semaphore_mem>>)
      %dma_wait3A_509 = arith.constant 44000 : i32
      %dma_wait3A_510 = tpu.memref_slice %arg7[%dma_wait3A_509] : memref<52096xi32, #tpu.memory_space<vmem_shared>> -> memref<4096xi32, #tpu.memory_space<vmem_shared>>
      %dma_wait3A_511 = arith.constant 44000 : i32
      %dma_wait3A_512 = tpu.memref_slice %arg7[%dma_wait3A_511] : memref<52096xi32, #tpu.memory_space<vmem_shared>> -> memref<4096xi32, #tpu.memory_space<vmem_shared>>
      tpu.wait_dma2 semaphore(%arg17 : memref<!tpu.dma_semaphore, #tpu.memory_space<semaphore_mem>>) src(%dma_wait3A_512 : memref<4096xi32, #tpu.memory_space<vmem_shared>>) dst(%arg11 : memref<4096xi32, #tpu.memory_space<vmem>>)
      %dma_start3A_513 = arith.constant 48000 : i32
      %dma_start3A_514 = tpu.memref_slice %arg7[%dma_start3A_513] : memref<52096xi32, #tpu.memory_space<vmem_shared>> -> memref<4096xi32, #tpu.memory_space<vmem_shared>>
      %dma_start3A_515 = arith.constant 48000 : i32
      %dma_start3A_516 = tpu.memref_slice %arg7[%dma_start3A_515] : memref<52096xi32, #tpu.memory_space<vmem_shared>> -> memref<4096xi32, #tpu.memory_space<vmem_shared>>
      tpu.enqueue_dma source(%dma_start3A_516 : memref<4096xi32, #tpu.memory_space<vmem_shared>>) target(%arg10 : memref<4096xi32, #tpu.memory_space<vmem>>) target_semaphore(%arg17 : memref<!tpu.dma_semaphore, #tpu.memory_space<semaphore_mem>>)
      %dma_wait3A_517 = arith.constant 72 : i32
      %dma_wait3A_518 = arith.constant 0 : i32
      %dma_wait3A_519 = tpu.memref_slice %arg5[%add3A_164, %dma_wait3A_517, %dma_wait3A_518] : memref<1000x104x512xf32, #tpu.memory_space<hbm>> -> memref<1x8x512xf32, #tpu.memory_space<hbm>>
      %dma_wait3A_520 = tpu.memref_squeeze %dma_wait3A_519 : memref<1x8x512xf32, #tpu.memory_space<hbm>> -> memref<8x512xf32, #tpu.memory_space<hbm>>
      %dma_wait3A_521 = arith.constant 72 : i32
      %dma_wait3A_522 = arith.constant 0 : i32
      %dma_wait3A_523 = tpu.memref_slice %arg5[%add3A_164, %dma_wait3A_521, %dma_wait3A_522] : memref<1000x104x512xf32, #tpu.memory_space<hbm>> -> memref<1x8x512xf32, #tpu.memory_space<hbm>>
      %dma_wait3A_524 = tpu.memref_squeeze %dma_wait3A_523 : memref<1x8x512xf32, #tpu.memory_space<hbm>> -> memref<8x512xf32, #tpu.memory_space<hbm>>
      tpu.wait_dma2 semaphore(%arg21 : memref<!tpu.dma_semaphore, #tpu.memory_space<semaphore_mem>>) src(%arg13 : memref<8x512xf32, #tpu.memory_space<vmem>>) dst(%dma_wait3A_524 : memref<8x512xf32, #tpu.memory_space<hbm>>)
      %parallel_loop3A_525 = arith.constant 0 : i32
      %parallel_loop3A_526 = arith.constant 4096 : i32
      %parallel_loop3A_527 = arith.constant 16 : i32
      scf.for %parallel_loop3A_564 = %parallel_loop3A_525 to %parallel_loop3A_526 step %parallel_loop3A_527  : i32 {
        %parallel_loop3A_565 = arith.constant 9 : i32
        %parallel_loop3A_566 = arith.shrsi %parallel_loop3A_564, %parallel_loop3A_565 : i32
        %parallel_loop3A_567 = arith.constant 511 : i32
        %parallel_loop3A_568 = arith.andi %parallel_loop3A_564, %parallel_loop3A_567 : i32
        %parallel_loop3A_569 = arith.constant 500 : i32
        %parallel_loop3A_570 = arith.muli %parallel_loop3A_566, %parallel_loop3A_569 : i32
        %parallel_loop3A_571 = arith.addi %parallel_loop3A_570, %parallel_loop3A_568 : i32
        %parallel_loop3A_572 = arith.index_cast %parallel_loop3A_571 : i32 to index
        %parallel_loop3A_573 = tpu.vector_load %arg11[%parallel_loop3A_572] {strides = array<i32>} : memref<4096xi32, #tpu.memory_space<vmem>>, vector<16xi32>,
        %parallel_loop3A_574 = tpu.vector_load_idx %arg8[%parallel_loop3A_573] : memref<50000xf32, #tpu.memory_space<vmem>>[vector<16xi32>], vector<16xf32>,
        %parallel_loop3A_575 = arith.index_cast %parallel_loop3A_566 : i32 to index
        %parallel_loop3A_576 = arith.index_cast %parallel_loop3A_568 : i32 to index
        %parallel_loop3A_577 = tpu.vector_load %arg13[%parallel_loop3A_575, %parallel_loop3A_576] {strides = array<i32>} : memref<8x512xf32, #tpu.memory_space<vmem>>, vector<16xf32>,
        tpu.vector_store %arg13[%parallel_loop3A_575, %parallel_loop3A_576], %parallel_loop3A_574 {strides = array<i32>} : memref<8x512xf32, #tpu.memory_space<vmem>>, vector<16xf32>,
      } {sc.loop_unroll_factor = 8 : i64, sc.parallel_access}
      %dma_start3A_528 = arith.constant 88 : i32
      %dma_start3A_529 = arith.constant 0 : i32
      %dma_start3A_530 = tpu.memref_slice %arg5[%add3A_164, %dma_start3A_528, %dma_start3A_529] : memref<1000x104x512xf32, #tpu.memory_space<hbm>> -> memref<1x8x512xf32, #tpu.memory_space<hbm>>
      %dma_start3A_531 = tpu.memref_squeeze %dma_start3A_530 : memref<1x8x512xf32, #tpu.memory_space<hbm>> -> memref<8x512xf32, #tpu.memory_space<hbm>>
      %dma_start3A_532 = arith.constant 88 : i32
      %dma_start3A_533 = arith.constant 0 : i32
      %dma_start3A_534 = tpu.memref_slice %arg5[%add3A_164, %dma_start3A_532, %dma_start3A_533] : memref<1000x104x512xf32, #tpu.memory_space<hbm>> -> memref<1x8x512xf32, #tpu.memory_space<hbm>>
      %dma_start3A_535 = tpu.memref_squeeze %dma_start3A_534 : memref<1x8x512xf32, #tpu.memory_space<hbm>> -> memref<8x512xf32, #tpu.memory_space<hbm>>
      tpu.enqueue_dma source(%arg13 : memref<8x512xf32, #tpu.memory_space<vmem>>) target(%dma_start3A_535 : memref<8x512xf32, #tpu.memory_space<hbm>>) target_semaphore(%arg21 : memref<!tpu.dma_semaphore, #tpu.memory_space<semaphore_mem>>)
      %dma_wait3A_536 = arith.constant 48000 : i32
      %dma_wait3A_537 = tpu.memref_slice %arg7[%dma_wait3A_536] : memref<52096xi32, #tpu.memory_space<vmem_shared>> -> memref<4096xi32, #tpu.memory_space<vmem_shared>>
      %dma_wait3A_538 = arith.constant 48000 : i32
      %dma_wait3A_539 = tpu.memref_slice %arg7[%dma_wait3A_538] : memref<52096xi32, #tpu.memory_space<vmem_shared>> -> memref<4096xi32, #tpu.memory_space<vmem_shared>>
      tpu.wait_dma2 semaphore(%arg17 : memref<!tpu.dma_semaphore, #tpu.memory_space<semaphore_mem>>) src(%dma_wait3A_539 : memref<4096xi32, #tpu.memory_space<vmem_shared>>) dst(%arg10 : memref<4096xi32, #tpu.memory_space<vmem>>)
      %dma_wait3A_540 = arith.constant 80 : i32
      %dma_wait3A_541 = arith.constant 0 : i32
      %dma_wait3A_542 = tpu.memref_slice %arg5[%add3A_164, %dma_wait3A_540, %dma_wait3A_541] : memref<1000x104x512xf32, #tpu.memory_space<hbm>> -> memref<1x8x512xf32, #tpu.memory_space<hbm>>
      %dma_wait3A_543 = tpu.memref_squeeze %dma_wait3A_542 : memref<1x8x512xf32, #tpu.memory_space<hbm>> -> memref<8x512xf32, #tpu.memory_space<hbm>>
      %dma_wait3A_544 = arith.constant 80 : i32
      %dma_wait3A_545 = arith.constant 0 : i32
      %dma_wait3A_546 = tpu.memref_slice %arg5[%add3A_164, %dma_wait3A_544, %dma_wait3A_545] : memref<1000x104x512xf32, #tpu.memory_space<hbm>> -> memref<1x8x512xf32, #tpu.memory_space<hbm>>
      %dma_wait3A_547 = tpu.memref_squeeze %dma_wait3A_546 : memref<1x8x512xf32, #tpu.memory_space<hbm>> -> memref<8x512xf32, #tpu.memory_space<hbm>>
      tpu.wait_dma2 semaphore(%arg20 : memref<!tpu.dma_semaphore, #tpu.memory_space<semaphore_mem>>) src(%arg12 : memref<8x512xf32, #tpu.memory_space<vmem>>) dst(%dma_wait3A_547 : memref<8x512xf32, #tpu.memory_space<hbm>>)
      %parallel_loop3A_548 = arith.constant 0 : i32
      %parallel_loop3A_549 = arith.constant 4096 : i32
      %parallel_loop3A_550 = arith.constant 16 : i32
      scf.for %parallel_loop3A_564 = %parallel_loop3A_548 to %parallel_loop3A_549 step %parallel_loop3A_550  : i32 {
        %parallel_loop3A_565 = arith.constant 9 : i32
        %parallel_loop3A_566 = arith.shrsi %parallel_loop3A_564, %parallel_loop3A_565 : i32
        %parallel_loop3A_567 = arith.constant 511 : i32
        %parallel_loop3A_568 = arith.andi %parallel_loop3A_564, %parallel_loop3A_567 : i32
        %parallel_loop3A_569 = arith.constant 500 : i32
        %parallel_loop3A_570 = arith.muli %parallel_loop3A_566, %parallel_loop3A_569 : i32
        %parallel_loop3A_571 = arith.addi %parallel_loop3A_570, %parallel_loop3A_568 : i32
        %parallel_loop3A_572 = arith.index_cast %parallel_loop3A_571 : i32 to index
        %parallel_loop3A_573 = tpu.vector_load %arg10[%parallel_loop3A_572] {strides = array<i32>} : memref<4096xi32, #tpu.memory_space<vmem>>, vector<16xi32>,
        %parallel_loop3A_574 = tpu.vector_load_idx %arg8[%parallel_loop3A_573] : memref<50000xf32, #tpu.memory_space<vmem>>[vector<16xi32>], vector<16xf32>,
        %parallel_loop3A_575 = arith.index_cast %parallel_loop3A_566 : i32 to index
        %parallel_loop3A_576 = arith.index_cast %parallel_loop3A_568 : i32 to index
        %parallel_loop3A_577 = tpu.vector_load %arg12[%parallel_loop3A_575, %parallel_loop3A_576] {strides = array<i32>} : memref<8x512xf32, #tpu.memory_space<vmem>>, vector<16xf32>,
        tpu.vector_store %arg12[%parallel_loop3A_575, %parallel_loop3A_576], %parallel_loop3A_574 {strides = array<i32>} : memref<8x512xf32, #tpu.memory_space<vmem>>, vector<16xf32>,
      } {sc.loop_unroll_factor = 8 : i64, sc.parallel_access}
      %dma_start3A_551 = arith.constant 96 : i32
      %dma_start3A_552 = arith.constant 0 : i32
      %dma_start3A_553 = tpu.memref_slice %arg5[%add3A_164, %dma_start3A_551, %dma_start3A_552] : memref<1000x104x512xf32, #tpu.memory_space<hbm>> -> memref<1x8x512xf32, #tpu.memory_space<hbm>>
      %dma_start3A_554 = tpu.memref_squeeze %dma_start3A_553 : memref<1x8x512xf32, #tpu.memory_space<hbm>> -> memref<8x512xf32, #tpu.memory_space<hbm>>
      %dma_start3A_555 = arith.constant 96 : i32
      %dma_start3A_556 = arith.constant 0 : i32
      %dma_start3A_557 = tpu.memref_slice %arg5[%add3A_164, %dma_start3A_555, %dma_start3A_556] : memref<1000x104x512xf32, #tpu.memory_space<hbm>> -> memref<1x8x512xf32, #tpu.memory_space<hbm>>
      %dma_start3A_558 = tpu.memref_squeeze %dma_start3A_557 : memref<1x8x512xf32, #tpu.memory_space<hbm>> -> memref<8x512xf32, #tpu.memory_space<hbm>>
      tpu.enqueue_dma source(%arg12 : memref<8x512xf32, #tpu.memory_space<vmem>>) target(%dma_start3A_558 : memref<8x512xf32, #tpu.memory_space<hbm>>) target_semaphore(%arg20 : memref<!tpu.dma_semaphore, #tpu.memory_space<semaphore_mem>>)
      %lt3A_559 = arith.constant 1000 : i32
      %lt3A_560 = arith.cmpi slt, %add3A_166, %lt3A_559 : i32
      %convert_element_type3A_561 = arith.extui %lt3A_560 : i1 to i32
      %cond3A_562 = arith.constant 0 : i32
      %cond3A_563 = arith.cmpi ne, %convert_element_type3A_561, %cond3A_562 : i32
      scf.if %cond3A_563 {
        %jit3A_564 = arith.constant 50 : i32
        %div3A_565 = arith.divsi %add3A_166, %jit3A_564 : i32
        %sign3A_566 = arith.constant 0 : i32
        %sign3A_567 = arith.cmpi sgt, %add3A_166, %sign3A_566 : i32
        %sign3A_568 = arith.extui %sign3A_567 : i1 to i32
        %sign3A_569 = arith.constant 0 : i32
        %sign3A_570 = arith.cmpi slt, %add3A_166, %sign3A_569 : i32
        %sign3A_571 = arith.extui %sign3A_570 : i1 to i32
        %sign3A_572 = arith.subi %sign3A_568, %sign3A_571 : i32
        %sign3A_573 = arith.constant 0 : i32
        %sign3A_574 = arith.cmpi sgt, %jit3A_564, %sign3A_573 : i32
        %sign3A_575 = arith.extui %sign3A_574 : i1 to i32
        %sign3A_576 = arith.constant 0 : i32
        %sign3A_577 = arith.cmpi slt, %jit3A_564, %sign3A_576 : i32
        %sign3A_578 = arith.extui %sign3A_577 : i1 to i32
        %sign3A_579 = arith.subi %sign3A_575, %sign3A_578 : i32
        %ne3A_580 = arith.cmpi ne, %sign3A_572, %sign3A_579 : i32
        %rem3A_581 = arith.remsi %add3A_166, %jit3A_564 : i32
        %ne3A_582 = arith.constant 0 : i32
        %ne3A_583 = arith.cmpi ne, %rem3A_581, %ne3A_582 : i32
        %and3A_584 = arith.andi %ne3A_580, %ne3A_583 : i1
        %sub3A_585 = arith.constant 1 : i32
        %sub3A_586 = arith.subi %div3A_565, %sub3A_585 : i32
        %select_n3A_587 = arith.select %and3A_584, %sub3A_586, %div3A_565 : i32
        %jit3A_588 = arith.constant 50 : i32
        %eq3A_589 = arith.constant 0 : i32
        %eq3A_590 = arith.cmpi eq, %jit3A_588, %eq3A_589 : i32
        %jit3A_591 = arith.constant 1 : i32
        %select_n3A_592 = arith.select %eq3A_590, %jit3A_591, %jit3A_588 : i32
        %rem3A_593 = arith.remsi %add3A_166, %select_n3A_592 : i32
        %ne3A_594 = arith.constant 0 : i32
        %ne3A_595 = arith.cmpi ne, %rem3A_593, %ne3A_594 : i32
        %lt3A_596 = arith.constant 0 : i32
        %lt3A_597 = arith.cmpi slt, %rem3A_593, %lt3A_596 : i32
        %lt3A_598 = arith.constant 0 : i32
        %lt3A_599 = arith.cmpi slt, %select_n3A_592, %lt3A_598 : i32
        %ne3A_600 = arith.xori %lt3A_597, %lt3A_599 : i1
        %and3A_601 = arith.andi %ne3A_600, %ne3A_595 : i1
        %add3A_602 = arith.addi %rem3A_593, %select_n3A_592 : i32
        %select_n3A_603 = arith.select %and3A_601, %add3A_602, %rem3A_593 : i32
        %dma_wait3A_604 = arith.constant 0 : i32
        %dma_wait3A_605 = tpu.memref_slice %arg2[%select_n3A_587, %select_n3A_603, %dma_wait3A_604] : memref<20x50x50000xf32, #tpu.memory_space<hbm>> -> memref<1x1x50000xf32, #tpu.memory_space<hbm>>
        %dma_wait3A_606 = tpu.memref_squeeze %dma_wait3A_605 : memref<1x1x50000xf32, #tpu.memory_space<hbm>> -> memref<50000xf32, #tpu.memory_space<hbm>>
        %dma_wait3A_607 = arith.constant 0 : i32
        %dma_wait3A_608 = tpu.memref_slice %arg2[%select_n3A_587, %select_n3A_603, %dma_wait3A_607] : memref<20x50x50000xf32, #tpu.memory_space<hbm>> -> memref<1x1x50000xf32, #tpu.memory_space<hbm>>
        %dma_wait3A_609 = tpu.memref_squeeze %dma_wait3A_608 : memref<1x1x50000xf32, #tpu.memory_space<hbm>> -> memref<50000xf32, #tpu.memory_space<hbm>>
        tpu.wait_dma2 semaphore(%arg19 : memref<!tpu.dma_semaphore, #tpu.memory_space<semaphore_mem>>) src(%dma_wait3A_609 : memref<50000xf32, #tpu.memory_space<hbm>>) dst(%arg9 : memref<50000xf32, #tpu.memory_space<vmem>>)
        %add3A_610 = arith.constant 32 : i32
        %add3A_611 = arith.addi %add3A_166, %add3A_610 : i32
        %lt3A_612 = arith.constant 1000 : i32
        %lt3A_613 = arith.cmpi slt, %add3A_611, %lt3A_612 : i32
        %convert_element_type3A_614 = arith.extui %lt3A_613 : i1 to i32
        %cond3A_615 = arith.constant 0 : i32
        %cond3A_616 = arith.cmpi ne, %convert_element_type3A_614, %cond3A_615 : i32
        scf.if %cond3A_616 {
          %jit3A_968 = arith.constant 50 : i32
          %div3A_969 = arith.divsi %add3A_611, %jit3A_968 : i32
          %sign3A_970 = arith.constant 0 : i32
          %sign3A_971 = arith.cmpi sgt, %add3A_611, %sign3A_970 : i32
          %sign3A_972 = arith.extui %sign3A_971 : i1 to i32
          %sign3A_973 = arith.constant 0 : i32
          %sign3A_974 = arith.cmpi slt, %add3A_611, %sign3A_973 : i32
          %sign3A_975 = arith.extui %sign3A_974 : i1 to i32
          %sign3A_976 = arith.subi %sign3A_972, %sign3A_975 : i32
          %sign3A_977 = arith.constant 0 : i32
          %sign3A_978 = arith.cmpi sgt, %jit3A_968, %sign3A_977 : i32
          %sign3A_979 = arith.extui %sign3A_978 : i1 to i32
          %sign3A_980 = arith.constant 0 : i32
          %sign3A_981 = arith.cmpi slt, %jit3A_968, %sign3A_980 : i32
          %sign3A_982 = arith.extui %sign3A_981 : i1 to i32
          %sign3A_983 = arith.subi %sign3A_979, %sign3A_982 : i32
          %ne3A_984 = arith.cmpi ne, %sign3A_976, %sign3A_983 : i32
          %rem3A_985 = arith.remsi %add3A_611, %jit3A_968 : i32
          %ne3A_986 = arith.constant 0 : i32
          %ne3A_987 = arith.cmpi ne, %rem3A_985, %ne3A_986 : i32
          %and3A_988 = arith.andi %ne3A_984, %ne3A_987 : i1
          %sub3A_989 = arith.constant 1 : i32
          %sub3A_990 = arith.subi %div3A_969, %sub3A_989 : i32
          %select_n3A_991 = arith.select %and3A_988, %sub3A_990, %div3A_969 : i32
          %jit3A_992 = arith.constant 50 : i32
          %eq3A_993 = arith.constant 0 : i32
          %eq3A_994 = arith.cmpi eq, %jit3A_992, %eq3A_993 : i32
          %jit3A_995 = arith.constant 1 : i32
          %select_n3A_996 = arith.select %eq3A_994, %jit3A_995, %jit3A_992 : i32
          %rem3A_997 = arith.remsi %add3A_611, %select_n3A_996 : i32
          %ne3A_998 = arith.constant 0 : i32
          %ne3A_999 = arith.cmpi ne, %rem3A_997, %ne3A_998 : i32
          %lt3A_1000 = arith.constant 0 : i32
          %lt3A_1001 = arith.cmpi slt, %rem3A_997, %lt3A_1000 : i32
          %lt3A_1002 = arith.constant 0 : i32
          %lt3A_1003 = arith.cmpi slt, %select_n3A_996, %lt3A_1002 : i32
          %ne3A_1004 = arith.xori %lt3A_1001, %lt3A_1003 : i1
          %and3A_1005 = arith.andi %ne3A_1004, %ne3A_999 : i1
          %add3A_1006 = arith.addi %rem3A_997, %select_n3A_996 : i32
          %select_n3A_1007 = arith.select %and3A_1005, %add3A_1006, %rem3A_997 : i32
          %dma_start3A_1008 = arith.constant 0 : i32
          %dma_start3A_1009 = tpu.memref_slice %arg2[%select_n3A_991, %select_n3A_1007, %dma_start3A_1008] : memref<20x50x50000xf32, #tpu.memory_space<hbm>> -> memref<1x1x50000xf32, #tpu.memory_space<hbm>>
          %dma_start3A_1010 = tpu.memref_squeeze %dma_start3A_1009 : memref<1x1x50000xf32, #tpu.memory_space<hbm>> -> memref<50000xf32, #tpu.memory_space<hbm>>
          %dma_start3A_1011 = arith.constant 0 : i32
          %dma_start3A_1012 = tpu.memref_slice %arg2[%select_n3A_991, %select_n3A_1007, %dma_start3A_1011] : memref<20x50x50000xf32, #tpu.memory_space<hbm>> -> memref<1x1x50000xf32, #tpu.memory_space<hbm>>
          %dma_start3A_1013 = tpu.memref_squeeze %dma_start3A_1012 : memref<1x1x50000xf32, #tpu.memory_space<hbm>> -> memref<50000xf32, #tpu.memory_space<hbm>>
          tpu.enqueue_dma source(%dma_start3A_1013 : memref<50000xf32, #tpu.memory_space<hbm>>) target(%arg8 : memref<50000xf32, #tpu.memory_space<vmem>>) target_semaphore(%arg18 : memref<!tpu.dma_semaphore, #tpu.memory_space<semaphore_mem>>)
        } else {
        }
        %dma_start3A_617 = arith.constant 0 : i32
        %dma_start3A_618 = tpu.memref_slice %arg7[%dma_start3A_617] : memref<52096xi32, #tpu.memory_space<vmem_shared>> -> memref<4096xi32, #tpu.memory_space<vmem_shared>>
        %dma_start3A_619 = arith.constant 0 : i32
        %dma_start3A_620 = tpu.memref_slice %arg7[%dma_start3A_619] : memref<52096xi32, #tpu.memory_space<vmem_shared>> -> memref<4096xi32, #tpu.memory_space<vmem_shared>>
        tpu.enqueue_dma source(%dma_start3A_620 : memref<4096xi32, #tpu.memory_space<vmem_shared>>) target(%arg10 : memref<4096xi32, #tpu.memory_space<vmem>>) target_semaphore(%arg17 : memref<!tpu.dma_semaphore, #tpu.memory_space<semaphore_mem>>)
        %dma_wait3A_621 = arith.constant 0 : i32
        %dma_wait3A_622 = tpu.memref_slice %arg7[%dma_wait3A_621] : memref<52096xi32, #tpu.memory_space<vmem_shared>> -> memref<4096xi32, #tpu.memory_space<vmem_shared>>
        %dma_wait3A_623 = arith.constant 0 : i32
        %dma_wait3A_624 = tpu.memref_slice %arg7[%dma_wait3A_623] : memref<52096xi32, #tpu.memory_space<vmem_shared>> -> memref<4096xi32, #tpu.memory_space<vmem_shared>>
        tpu.wait_dma2 semaphore(%arg17 : memref<!tpu.dma_semaphore, #tpu.memory_space<semaphore_mem>>) src(%dma_wait3A_624 : memref<4096xi32, #tpu.memory_space<vmem_shared>>) dst(%arg10 : memref<4096xi32, #tpu.memory_space<vmem>>)
        %dma_start3A_625 = arith.constant 4000 : i32
        %dma_start3A_626 = tpu.memref_slice %arg7[%dma_start3A_625] : memref<52096xi32, #tpu.memory_space<vmem_shared>> -> memref<4096xi32, #tpu.memory_space<vmem_shared>>
        %dma_start3A_627 = arith.constant 4000 : i32
        %dma_start3A_628 = tpu.memref_slice %arg7[%dma_start3A_627] : memref<52096xi32, #tpu.memory_space<vmem_shared>> -> memref<4096xi32, #tpu.memory_space<vmem_shared>>
        tpu.enqueue_dma source(%dma_start3A_628 : memref<4096xi32, #tpu.memory_space<vmem_shared>>) target(%arg11 : memref<4096xi32, #tpu.memory_space<vmem>>) target_semaphore(%arg17 : memref<!tpu.dma_semaphore, #tpu.memory_space<semaphore_mem>>)
        %dma_wait3A_629 = arith.constant 88 : i32
        %dma_wait3A_630 = arith.constant 0 : i32
        %dma_wait3A_631 = tpu.memref_slice %arg5[%add3A_166, %dma_wait3A_629, %dma_wait3A_630] : memref<1000x104x512xf32, #tpu.memory_space<hbm>> -> memref<1x8x512xf32, #tpu.memory_space<hbm>>
        %dma_wait3A_632 = tpu.memref_squeeze %dma_wait3A_631 : memref<1x8x512xf32, #tpu.memory_space<hbm>> -> memref<8x512xf32, #tpu.memory_space<hbm>>
        %dma_wait3A_633 = arith.constant 88 : i32
        %dma_wait3A_634 = arith.constant 0 : i32
        %dma_wait3A_635 = tpu.memref_slice %arg5[%add3A_166, %dma_wait3A_633, %dma_wait3A_634] : memref<1000x104x512xf32, #tpu.memory_space<hbm>> -> memref<1x8x512xf32, #tpu.memory_space<hbm>>
        %dma_wait3A_636 = tpu.memref_squeeze %dma_wait3A_635 : memref<1x8x512xf32, #tpu.memory_space<hbm>> -> memref<8x512xf32, #tpu.memory_space<hbm>>
        tpu.wait_dma2 semaphore(%arg21 : memref<!tpu.dma_semaphore, #tpu.memory_space<semaphore_mem>>) src(%arg13 : memref<8x512xf32, #tpu.memory_space<vmem>>) dst(%dma_wait3A_636 : memref<8x512xf32, #tpu.memory_space<hbm>>)
        %parallel_loop3A_637 = arith.constant 0 : i32
        %parallel_loop3A_638 = arith.constant 4096 : i32
        %parallel_loop3A_639 = arith.constant 16 : i32
        scf.for %parallel_loop3A_968 = %parallel_loop3A_637 to %parallel_loop3A_638 step %parallel_loop3A_639  : i32 {
          %parallel_loop3A_969 = arith.constant 9 : i32
          %parallel_loop3A_970 = arith.shrsi %parallel_loop3A_968, %parallel_loop3A_969 : i32
          %parallel_loop3A_971 = arith.constant 511 : i32
          %parallel_loop3A_972 = arith.andi %parallel_loop3A_968, %parallel_loop3A_971 : i32
          %parallel_loop3A_973 = arith.constant 500 : i32
          %parallel_loop3A_974 = arith.muli %parallel_loop3A_970, %parallel_loop3A_973 : i32
          %parallel_loop3A_975 = arith.addi %parallel_loop3A_974, %parallel_loop3A_972 : i32
          %parallel_loop3A_976 = arith.index_cast %parallel_loop3A_975 : i32 to index
          %parallel_loop3A_977 = tpu.vector_load %arg10[%parallel_loop3A_976] {strides = array<i32>} : memref<4096xi32, #tpu.memory_space<vmem>>, vector<16xi32>,
          %parallel_loop3A_978 = tpu.vector_load_idx %arg9[%parallel_loop3A_977] : memref<50000xf32, #tpu.memory_space<vmem>>[vector<16xi32>], vector<16xf32>,
          %parallel_loop3A_979 = arith.index_cast %parallel_loop3A_970 : i32 to index
          %parallel_loop3A_980 = arith.index_cast %parallel_loop3A_972 : i32 to index
          %parallel_loop3A_981 = tpu.vector_load %arg12[%parallel_loop3A_979, %parallel_loop3A_980] {strides = array<i32>} : memref<8x512xf32, #tpu.memory_space<vmem>>, vector<16xf32>,
          tpu.vector_store %arg12[%parallel_loop3A_979, %parallel_loop3A_980], %parallel_loop3A_978 {strides = array<i32>} : memref<8x512xf32, #tpu.memory_space<vmem>>, vector<16xf32>,
        } {sc.loop_unroll_factor = 8 : i64, sc.parallel_access}
        %dma_start3A_640 = arith.constant 0 : i32
        %dma_start3A_641 = arith.constant 0 : i32
        %dma_start3A_642 = tpu.memref_slice %arg5[%add3A_166, %dma_start3A_640, %dma_start3A_641] : memref<1000x104x512xf32, #tpu.memory_space<hbm>> -> memref<1x8x512xf32, #tpu.memory_space<hbm>>
        %dma_start3A_643 = tpu.memref_squeeze %dma_start3A_642 : memref<1x8x512xf32, #tpu.memory_space<hbm>> -> memref<8x512xf32, #tpu.memory_space<hbm>>
        %dma_start3A_644 = arith.constant 0 : i32
        %dma_start3A_645 = arith.constant 0 : i32
        %dma_start3A_646 = tpu.memref_slice %arg5[%add3A_166, %dma_start3A_644, %dma_start3A_645] : memref<1000x104x512xf32, #tpu.memory_space<hbm>> -> memref<1x8x512xf32, #tpu.memory_space<hbm>>
        %dma_start3A_647 = tpu.memref_squeeze %dma_start3A_646 : memref<1x8x512xf32, #tpu.memory_space<hbm>> -> memref<8x512xf32, #tpu.memory_space<hbm>>
        tpu.enqueue_dma source(%arg12 : memref<8x512xf32, #tpu.memory_space<vmem>>) target(%dma_start3A_647 : memref<8x512xf32, #tpu.memory_space<hbm>>) target_semaphore(%arg20 : memref<!tpu.dma_semaphore, #tpu.memory_space<semaphore_mem>>)
        %dma_wait3A_648 = arith.constant 4000 : i32
        %dma_wait3A_649 = tpu.memref_slice %arg7[%dma_wait3A_648] : memref<52096xi32, #tpu.memory_space<vmem_shared>> -> memref<4096xi32, #tpu.memory_space<vmem_shared>>
        %dma_wait3A_650 = arith.constant 4000 : i32
        %dma_wait3A_651 = tpu.memref_slice %arg7[%dma_wait3A_650] : memref<52096xi32, #tpu.memory_space<vmem_shared>> -> memref<4096xi32, #tpu.memory_space<vmem_shared>>
        tpu.wait_dma2 semaphore(%arg17 : memref<!tpu.dma_semaphore, #tpu.memory_space<semaphore_mem>>) src(%dma_wait3A_651 : memref<4096xi32, #tpu.memory_space<vmem_shared>>) dst(%arg11 : memref<4096xi32, #tpu.memory_space<vmem>>)
        %dma_start3A_652 = arith.constant 8000 : i32
        %dma_start3A_653 = tpu.memref_slice %arg7[%dma_start3A_652] : memref<52096xi32, #tpu.memory_space<vmem_shared>> -> memref<4096xi32, #tpu.memory_space<vmem_shared>>
        %dma_start3A_654 = arith.constant 8000 : i32
        %dma_start3A_655 = tpu.memref_slice %arg7[%dma_start3A_654] : memref<52096xi32, #tpu.memory_space<vmem_shared>> -> memref<4096xi32, #tpu.memory_space<vmem_shared>>
        tpu.enqueue_dma source(%dma_start3A_655 : memref<4096xi32, #tpu.memory_space<vmem_shared>>) target(%arg10 : memref<4096xi32, #tpu.memory_space<vmem>>) target_semaphore(%arg17 : memref<!tpu.dma_semaphore, #tpu.memory_space<semaphore_mem>>)
        %dma_wait3A_656 = arith.constant 96 : i32
        %dma_wait3A_657 = arith.constant 0 : i32
        %dma_wait3A_658 = tpu.memref_slice %arg5[%add3A_166, %dma_wait3A_656, %dma_wait3A_657] : memref<1000x104x512xf32, #tpu.memory_space<hbm>> -> memref<1x8x512xf32, #tpu.memory_space<hbm>>
        %dma_wait3A_659 = tpu.memref_squeeze %dma_wait3A_658 : memref<1x8x512xf32, #tpu.memory_space<hbm>> -> memref<8x512xf32, #tpu.memory_space<hbm>>
        %dma_wait3A_660 = arith.constant 96 : i32
        %dma_wait3A_661 = arith.constant 0 : i32
        %dma_wait3A_662 = tpu.memref_slice %arg5[%add3A_166, %dma_wait3A_660, %dma_wait3A_661] : memref<1000x104x512xf32, #tpu.memory_space<hbm>> -> memref<1x8x512xf32, #tpu.memory_space<hbm>>
        %dma_wait3A_663 = tpu.memref_squeeze %dma_wait3A_662 : memref<1x8x512xf32, #tpu.memory_space<hbm>> -> memref<8x512xf32, #tpu.memory_space<hbm>>
        tpu.wait_dma2 semaphore(%arg20 : memref<!tpu.dma_semaphore, #tpu.memory_space<semaphore_mem>>) src(%arg12 : memref<8x512xf32, #tpu.memory_space<vmem>>) dst(%dma_wait3A_663 : memref<8x512xf32, #tpu.memory_space<hbm>>)
        %parallel_loop3A_664 = arith.constant 0 : i32
        %parallel_loop3A_665 = arith.constant 4096 : i32
        %parallel_loop3A_666 = arith.constant 16 : i32
        scf.for %parallel_loop3A_968 = %parallel_loop3A_664 to %parallel_loop3A_665 step %parallel_loop3A_666  : i32 {
          %parallel_loop3A_969 = arith.constant 9 : i32
          %parallel_loop3A_970 = arith.shrsi %parallel_loop3A_968, %parallel_loop3A_969 : i32
          %parallel_loop3A_971 = arith.constant 511 : i32
          %parallel_loop3A_972 = arith.andi %parallel_loop3A_968, %parallel_loop3A_971 : i32
          %parallel_loop3A_973 = arith.constant 500 : i32
          %parallel_loop3A_974 = arith.muli %parallel_loop3A_970, %parallel_loop3A_973 : i32
          %parallel_loop3A_975 = arith.addi %parallel_loop3A_974, %parallel_loop3A_972 : i32
          %parallel_loop3A_976 = arith.index_cast %parallel_loop3A_975 : i32 to index
          %parallel_loop3A_977 = tpu.vector_load %arg11[%parallel_loop3A_976] {strides = array<i32>} : memref<4096xi32, #tpu.memory_space<vmem>>, vector<16xi32>,
          %parallel_loop3A_978 = tpu.vector_load_idx %arg9[%parallel_loop3A_977] : memref<50000xf32, #tpu.memory_space<vmem>>[vector<16xi32>], vector<16xf32>,
          %parallel_loop3A_979 = arith.index_cast %parallel_loop3A_970 : i32 to index
          %parallel_loop3A_980 = arith.index_cast %parallel_loop3A_972 : i32 to index
          %parallel_loop3A_981 = tpu.vector_load %arg13[%parallel_loop3A_979, %parallel_loop3A_980] {strides = array<i32>} : memref<8x512xf32, #tpu.memory_space<vmem>>, vector<16xf32>,
          tpu.vector_store %arg13[%parallel_loop3A_979, %parallel_loop3A_980], %parallel_loop3A_978 {strides = array<i32>} : memref<8x512xf32, #tpu.memory_space<vmem>>, vector<16xf32>,
        } {sc.loop_unroll_factor = 8 : i64, sc.parallel_access}
        %dma_start3A_667 = arith.constant 8 : i32
        %dma_start3A_668 = arith.constant 0 : i32
        %dma_start3A_669 = tpu.memref_slice %arg5[%add3A_166, %dma_start3A_667, %dma_start3A_668] : memref<1000x104x512xf32, #tpu.memory_space<hbm>> -> memref<1x8x512xf32, #tpu.memory_space<hbm>>
        %dma_start3A_670 = tpu.memref_squeeze %dma_start3A_669 : memref<1x8x512xf32, #tpu.memory_space<hbm>> -> memref<8x512xf32, #tpu.memory_space<hbm>>
        %dma_start3A_671 = arith.constant 8 : i32
        %dma_start3A_672 = arith.constant 0 : i32
        %dma_start3A_673 = tpu.memref_slice %arg5[%add3A_166, %dma_start3A_671, %dma_start3A_672] : memref<1000x104x512xf32, #tpu.memory_space<hbm>> -> memref<1x8x512xf32, #tpu.memory_space<hbm>>
        %dma_start3A_674 = tpu.memref_squeeze %dma_start3A_673 : memref<1x8x512xf32, #tpu.memory_space<hbm>> -> memref<8x512xf32, #tpu.memory_space<hbm>>
        tpu.enqueue_dma source(%arg13 : memref<8x512xf32, #tpu.memory_space<vmem>>) target(%dma_start3A_674 : memref<8x512xf32, #tpu.memory_space<hbm>>) target_semaphore(%arg21 : memref<!tpu.dma_semaphore, #tpu.memory_space<semaphore_mem>>)
        %dma_wait3A_675 = arith.constant 8000 : i32
        %dma_wait3A_676 = tpu.memref_slice %arg7[%dma_wait3A_675] : memref<52096xi32, #tpu.memory_space<vmem_shared>> -> memref<4096xi32, #tpu.memory_space<vmem_shared>>
        %dma_wait3A_677 = arith.constant 8000 : i32
        %dma_wait3A_678 = tpu.memref_slice %arg7[%dma_wait3A_677] : memref<52096xi32, #tpu.memory_space<vmem_shared>> -> memref<4096xi32, #tpu.memory_space<vmem_shared>>
        tpu.wait_dma2 semaphore(%arg17 : memref<!tpu.dma_semaphore, #tpu.memory_space<semaphore_mem>>) src(%dma_wait3A_678 : memref<4096xi32, #tpu.memory_space<vmem_shared>>) dst(%arg10 : memref<4096xi32, #tpu.memory_space<vmem>>)
        %dma_start3A_679 = arith.constant 12000 : i32
        %dma_start3A_680 = tpu.memref_slice %arg7[%dma_start3A_679] : memref<52096xi32, #tpu.memory_space<vmem_shared>> -> memref<4096xi32, #tpu.memory_space<vmem_shared>>
        %dma_start3A_681 = arith.constant 12000 : i32
        %dma_start3A_682 = tpu.memref_slice %arg7[%dma_start3A_681] : memref<52096xi32, #tpu.memory_space<vmem_shared>> -> memref<4096xi32, #tpu.memory_space<vmem_shared>>
        tpu.enqueue_dma source(%dma_start3A_682 : memref<4096xi32, #tpu.memory_space<vmem_shared>>) target(%arg11 : memref<4096xi32, #tpu.memory_space<vmem>>) target_semaphore(%arg17 : memref<!tpu.dma_semaphore, #tpu.memory_space<semaphore_mem>>)
        %dma_wait3A_683 = arith.constant 0 : i32
        %dma_wait3A_684 = arith.constant 0 : i32
        %dma_wait3A_685 = tpu.memref_slice %arg5[%add3A_166, %dma_wait3A_683, %dma_wait3A_684] : memref<1000x104x512xf32, #tpu.memory_space<hbm>> -> memref<1x8x512xf32, #tpu.memory_space<hbm>>
        %dma_wait3A_686 = tpu.memref_squeeze %dma_wait3A_685 : memref<1x8x512xf32, #tpu.memory_space<hbm>> -> memref<8x512xf32, #tpu.memory_space<hbm>>
        %dma_wait3A_687 = arith.constant 0 : i32
        %dma_wait3A_688 = arith.constant 0 : i32
        %dma_wait3A_689 = tpu.memref_slice %arg5[%add3A_166, %dma_wait3A_687, %dma_wait3A_688] : memref<1000x104x512xf32, #tpu.memory_space<hbm>> -> memref<1x8x512xf32, #tpu.memory_space<hbm>>
        %dma_wait3A_690 = tpu.memref_squeeze %dma_wait3A_689 : memref<1x8x512xf32, #tpu.memory_space<hbm>> -> memref<8x512xf32, #tpu.memory_space<hbm>>
        tpu.wait_dma2 semaphore(%arg20 : memref<!tpu.dma_semaphore, #tpu.memory_space<semaphore_mem>>) src(%arg12 : memref<8x512xf32, #tpu.memory_space<vmem>>) dst(%dma_wait3A_690 : memref<8x512xf32, #tpu.memory_space<hbm>>)
        %parallel_loop3A_691 = arith.constant 0 : i32
        %parallel_loop3A_692 = arith.constant 4096 : i32
        %parallel_loop3A_693 = arith.constant 16 : i32
        scf.for %parallel_loop3A_968 = %parallel_loop3A_691 to %parallel_loop3A_692 step %parallel_loop3A_693  : i32 {
          %parallel_loop3A_969 = arith.constant 9 : i32
          %parallel_loop3A_970 = arith.shrsi %parallel_loop3A_968, %parallel_loop3A_969 : i32
          %parallel_loop3A_971 = arith.constant 511 : i32
          %parallel_loop3A_972 = arith.andi %parallel_loop3A_968, %parallel_loop3A_971 : i32
          %parallel_loop3A_973 = arith.constant 500 : i32
          %parallel_loop3A_974 = arith.muli %parallel_loop3A_970, %parallel_loop3A_973 : i32
          %parallel_loop3A_975 = arith.addi %parallel_loop3A_974, %parallel_loop3A_972 : i32
          %parallel_loop3A_976 = arith.index_cast %parallel_loop3A_975 : i32 to index
          %parallel_loop3A_977 = tpu.vector_load %arg10[%parallel_loop3A_976] {strides = array<i32>} : memref<4096xi32, #tpu.memory_space<vmem>>, vector<16xi32>,
          %parallel_loop3A_978 = tpu.vector_load_idx %arg9[%parallel_loop3A_977] : memref<50000xf32, #tpu.memory_space<vmem>>[vector<16xi32>], vector<16xf32>,
          %parallel_loop3A_979 = arith.index_cast %parallel_loop3A_970 : i32 to index
          %parallel_loop3A_980 = arith.index_cast %parallel_loop3A_972 : i32 to index
          %parallel_loop3A_981 = tpu.vector_load %arg12[%parallel_loop3A_979, %parallel_loop3A_980] {strides = array<i32>} : memref<8x512xf32, #tpu.memory_space<vmem>>, vector<16xf32>,
          tpu.vector_store %arg12[%parallel_loop3A_979, %parallel_loop3A_980], %parallel_loop3A_978 {strides = array<i32>} : memref<8x512xf32, #tpu.memory_space<vmem>>, vector<16xf32>,
        } {sc.loop_unroll_factor = 8 : i64, sc.parallel_access}
        %dma_start3A_694 = arith.constant 16 : i32
        %dma_start3A_695 = arith.constant 0 : i32
        %dma_start3A_696 = tpu.memref_slice %arg5[%add3A_166, %dma_start3A_694, %dma_start3A_695] : memref<1000x104x512xf32, #tpu.memory_space<hbm>> -> memref<1x8x512xf32, #tpu.memory_space<hbm>>
        %dma_start3A_697 = tpu.memref_squeeze %dma_start3A_696 : memref<1x8x512xf32, #tpu.memory_space<hbm>> -> memref<8x512xf32, #tpu.memory_space<hbm>>
        %dma_start3A_698 = arith.constant 16 : i32
        %dma_start3A_699 = arith.constant 0 : i32
        %dma_start3A_700 = tpu.memref_slice %arg5[%add3A_166, %dma_start3A_698, %dma_start3A_699] : memref<1000x104x512xf32, #tpu.memory_space<hbm>> -> memref<1x8x512xf32, #tpu.memory_space<hbm>>
        %dma_start3A_701 = tpu.memref_squeeze %dma_start3A_700 : memref<1x8x512xf32, #tpu.memory_space<hbm>> -> memref<8x512xf32, #tpu.memory_space<hbm>>
        tpu.enqueue_dma source(%arg12 : memref<8x512xf32, #tpu.memory_space<vmem>>) target(%dma_start3A_701 : memref<8x512xf32, #tpu.memory_space<hbm>>) target_semaphore(%arg20 : memref<!tpu.dma_semaphore, #tpu.memory_space<semaphore_mem>>)
        %dma_wait3A_702 = arith.constant 12000 : i32
        %dma_wait3A_703 = tpu.memref_slice %arg7[%dma_wait3A_702] : memref<52096xi32, #tpu.memory_space<vmem_shared>> -> memref<4096xi32, #tpu.memory_space<vmem_shared>>
        %dma_wait3A_704 = arith.constant 12000 : i32
        %dma_wait3A_705 = tpu.memref_slice %arg7[%dma_wait3A_704] : memref<52096xi32, #tpu.memory_space<vmem_shared>> -> memref<4096xi32, #tpu.memory_space<vmem_shared>>
        tpu.wait_dma2 semaphore(%arg17 : memref<!tpu.dma_semaphore, #tpu.memory_space<semaphore_mem>>) src(%dma_wait3A_705 : memref<4096xi32, #tpu.memory_space<vmem_shared>>) dst(%arg11 : memref<4096xi32, #tpu.memory_space<vmem>>)
        %dma_start3A_706 = arith.constant 16000 : i32
        %dma_start3A_707 = tpu.memref_slice %arg7[%dma_start3A_706] : memref<52096xi32, #tpu.memory_space<vmem_shared>> -> memref<4096xi32, #tpu.memory_space<vmem_shared>>
        %dma_start3A_708 = arith.constant 16000 : i32
        %dma_start3A_709 = tpu.memref_slice %arg7[%dma_start3A_708] : memref<52096xi32, #tpu.memory_space<vmem_shared>> -> memref<4096xi32, #tpu.memory_space<vmem_shared>>
        tpu.enqueue_dma source(%dma_start3A_709 : memref<4096xi32, #tpu.memory_space<vmem_shared>>) target(%arg10 : memref<4096xi32, #tpu.memory_space<vmem>>) target_semaphore(%arg17 : memref<!tpu.dma_semaphore, #tpu.memory_space<semaphore_mem>>)
        %dma_wait3A_710 = arith.constant 8 : i32
        %dma_wait3A_711 = arith.constant 0 : i32
        %dma_wait3A_712 = tpu.memref_slice %arg5[%add3A_166, %dma_wait3A_710, %dma_wait3A_711] : memref<1000x104x512xf32, #tpu.memory_space<hbm>> -> memref<1x8x512xf32, #tpu.memory_space<hbm>>
        %dma_wait3A_713 = tpu.memref_squeeze %dma_wait3A_712 : memref<1x8x512xf32, #tpu.memory_space<hbm>> -> memref<8x512xf32, #tpu.memory_space<hbm>>
        %dma_wait3A_714 = arith.constant 8 : i32
        %dma_wait3A_715 = arith.constant 0 : i32
        %dma_wait3A_716 = tpu.memref_slice %arg5[%add3A_166, %dma_wait3A_714, %dma_wait3A_715] : memref<1000x104x512xf32, #tpu.memory_space<hbm>> -> memref<1x8x512xf32, #tpu.memory_space<hbm>>
        %dma_wait3A_717 = tpu.memref_squeeze %dma_wait3A_716 : memref<1x8x512xf32, #tpu.memory_space<hbm>> -> memref<8x512xf32, #tpu.memory_space<hbm>>
        tpu.wait_dma2 semaphore(%arg21 : memref<!tpu.dma_semaphore, #tpu.memory_space<semaphore_mem>>) src(%arg13 : memref<8x512xf32, #tpu.memory_space<vmem>>) dst(%dma_wait3A_717 : memref<8x512xf32, #tpu.memory_space<hbm>>)
        %parallel_loop3A_718 = arith.constant 0 : i32
        %parallel_loop3A_719 = arith.constant 4096 : i32
        %parallel_loop3A_720 = arith.constant 16 : i32
        scf.for %parallel_loop3A_968 = %parallel_loop3A_718 to %parallel_loop3A_719 step %parallel_loop3A_720  : i32 {
          %parallel_loop3A_969 = arith.constant 9 : i32
          %parallel_loop3A_970 = arith.shrsi %parallel_loop3A_968, %parallel_loop3A_969 : i32
          %parallel_loop3A_971 = arith.constant 511 : i32
          %parallel_loop3A_972 = arith.andi %parallel_loop3A_968, %parallel_loop3A_971 : i32
          %parallel_loop3A_973 = arith.constant 500 : i32
          %parallel_loop3A_974 = arith.muli %parallel_loop3A_970, %parallel_loop3A_973 : i32
          %parallel_loop3A_975 = arith.addi %parallel_loop3A_974, %parallel_loop3A_972 : i32
          %parallel_loop3A_976 = arith.index_cast %parallel_loop3A_975 : i32 to index
          %parallel_loop3A_977 = tpu.vector_load %arg11[%parallel_loop3A_976] {strides = array<i32>} : memref<4096xi32, #tpu.memory_space<vmem>>, vector<16xi32>,
          %parallel_loop3A_978 = tpu.vector_load_idx %arg9[%parallel_loop3A_977] : memref<50000xf32, #tpu.memory_space<vmem>>[vector<16xi32>], vector<16xf32>,
          %parallel_loop3A_979 = arith.index_cast %parallel_loop3A_970 : i32 to index
          %parallel_loop3A_980 = arith.index_cast %parallel_loop3A_972 : i32 to index
          %parallel_loop3A_981 = tpu.vector_load %arg13[%parallel_loop3A_979, %parallel_loop3A_980] {strides = array<i32>} : memref<8x512xf32, #tpu.memory_space<vmem>>, vector<16xf32>,
          tpu.vector_store %arg13[%parallel_loop3A_979, %parallel_loop3A_980], %parallel_loop3A_978 {strides = array<i32>} : memref<8x512xf32, #tpu.memory_space<vmem>>, vector<16xf32>,
        } {sc.loop_unroll_factor = 8 : i64, sc.parallel_access}
        %dma_start3A_721 = arith.constant 24 : i32
        %dma_start3A_722 = arith.constant 0 : i32
        %dma_start3A_723 = tpu.memref_slice %arg5[%add3A_166, %dma_start3A_721, %dma_start3A_722] : memref<1000x104x512xf32, #tpu.memory_space<hbm>> -> memref<1x8x512xf32, #tpu.memory_space<hbm>>
        %dma_start3A_724 = tpu.memref_squeeze %dma_start3A_723 : memref<1x8x512xf32, #tpu.memory_space<hbm>> -> memref<8x512xf32, #tpu.memory_space<hbm>>
        %dma_start3A_725 = arith.constant 24 : i32
        %dma_start3A_726 = arith.constant 0 : i32
        %dma_start3A_727 = tpu.memref_slice %arg5[%add3A_166, %dma_start3A_725, %dma_start3A_726] : memref<1000x104x512xf32, #tpu.memory_space<hbm>> -> memref<1x8x512xf32, #tpu.memory_space<hbm>>
        %dma_start3A_728 = tpu.memref_squeeze %dma_start3A_727 : memref<1x8x512xf32, #tpu.memory_space<hbm>> -> memref<8x512xf32, #tpu.memory_space<hbm>>
        tpu.enqueue_dma source(%arg13 : memref<8x512xf32, #tpu.memory_space<vmem>>) target(%dma_start3A_728 : memref<8x512xf32, #tpu.memory_space<hbm>>) target_semaphore(%arg21 : memref<!tpu.dma_semaphore, #tpu.memory_space<semaphore_mem>>)
        %dma_wait3A_729 = arith.constant 16000 : i32
        %dma_wait3A_730 = tpu.memref_slice %arg7[%dma_wait3A_729] : memref<52096xi32, #tpu.memory_space<vmem_shared>> -> memref<4096xi32, #tpu.memory_space<vmem_shared>>
        %dma_wait3A_731 = arith.constant 16000 : i32
        %dma_wait3A_732 = tpu.memref_slice %arg7[%dma_wait3A_731] : memref<52096xi32, #tpu.memory_space<vmem_shared>> -> memref<4096xi32, #tpu.memory_space<vmem_shared>>
        tpu.wait_dma2 semaphore(%arg17 : memref<!tpu.dma_semaphore, #tpu.memory_space<semaphore_mem>>) src(%dma_wait3A_732 : memref<4096xi32, #tpu.memory_space<vmem_shared>>) dst(%arg10 : memref<4096xi32, #tpu.memory_space<vmem>>)
        %dma_start3A_733 = arith.constant 20000 : i32
        %dma_start3A_734 = tpu.memref_slice %arg7[%dma_start3A_733] : memref<52096xi32, #tpu.memory_space<vmem_shared>> -> memref<4096xi32, #tpu.memory_space<vmem_shared>>
        %dma_start3A_735 = arith.constant 20000 : i32
        %dma_start3A_736 = tpu.memref_slice %arg7[%dma_start3A_735] : memref<52096xi32, #tpu.memory_space<vmem_shared>> -> memref<4096xi32, #tpu.memory_space<vmem_shared>>
        tpu.enqueue_dma source(%dma_start3A_736 : memref<4096xi32, #tpu.memory_space<vmem_shared>>) target(%arg11 : memref<4096xi32, #tpu.memory_space<vmem>>) target_semaphore(%arg17 : memref<!tpu.dma_semaphore, #tpu.memory_space<semaphore_mem>>)
        %dma_wait3A_737 = arith.constant 16 : i32
        %dma_wait3A_738 = arith.constant 0 : i32
        %dma_wait3A_739 = tpu.memref_slice %arg5[%add3A_166, %dma_wait3A_737, %dma_wait3A_738] : memref<1000x104x512xf32, #tpu.memory_space<hbm>> -> memref<1x8x512xf32, #tpu.memory_space<hbm>>
        %dma_wait3A_740 = tpu.memref_squeeze %dma_wait3A_739 : memref<1x8x512xf32, #tpu.memory_space<hbm>> -> memref<8x512xf32, #tpu.memory_space<hbm>>
        %dma_wait3A_741 = arith.constant 16 : i32
        %dma_wait3A_742 = arith.constant 0 : i32
        %dma_wait3A_743 = tpu.memref_slice %arg5[%add3A_166, %dma_wait3A_741, %dma_wait3A_742] : memref<1000x104x512xf32, #tpu.memory_space<hbm>> -> memref<1x8x512xf32, #tpu.memory_space<hbm>>
        %dma_wait3A_744 = tpu.memref_squeeze %dma_wait3A_743 : memref<1x8x512xf32, #tpu.memory_space<hbm>> -> memref<8x512xf32, #tpu.memory_space<hbm>>
        tpu.wait_dma2 semaphore(%arg20 : memref<!tpu.dma_semaphore, #tpu.memory_space<semaphore_mem>>) src(%arg12 : memref<8x512xf32, #tpu.memory_space<vmem>>) dst(%dma_wait3A_744 : memref<8x512xf32, #tpu.memory_space<hbm>>)
        %parallel_loop3A_745 = arith.constant 0 : i32
        %parallel_loop3A_746 = arith.constant 4096 : i32
        %parallel_loop3A_747 = arith.constant 16 : i32
        scf.for %parallel_loop3A_968 = %parallel_loop3A_745 to %parallel_loop3A_746 step %parallel_loop3A_747  : i32 {
          %parallel_loop3A_969 = arith.constant 9 : i32
          %parallel_loop3A_970 = arith.shrsi %parallel_loop3A_968, %parallel_loop3A_969 : i32
          %parallel_loop3A_971 = arith.constant 511 : i32
          %parallel_loop3A_972 = arith.andi %parallel_loop3A_968, %parallel_loop3A_971 : i32
          %parallel_loop3A_973 = arith.constant 500 : i32
          %parallel_loop3A_974 = arith.muli %parallel_loop3A_970, %parallel_loop3A_973 : i32
          %parallel_loop3A_975 = arith.addi %parallel_loop3A_974, %parallel_loop3A_972 : i32
          %parallel_loop3A_976 = arith.index_cast %parallel_loop3A_975 : i32 to index
          %parallel_loop3A_977 = tpu.vector_load %arg10[%parallel_loop3A_976] {strides = array<i32>} : memref<4096xi32, #tpu.memory_space<vmem>>, vector<16xi32>,
          %parallel_loop3A_978 = tpu.vector_load_idx %arg9[%parallel_loop3A_977] : memref<50000xf32, #tpu.memory_space<vmem>>[vector<16xi32>], vector<16xf32>,
          %parallel_loop3A_979 = arith.index_cast %parallel_loop3A_970 : i32 to index
          %parallel_loop3A_980 = arith.index_cast %parallel_loop3A_972 : i32 to index
          %parallel_loop3A_981 = tpu.vector_load %arg12[%parallel_loop3A_979, %parallel_loop3A_980] {strides = array<i32>} : memref<8x512xf32, #tpu.memory_space<vmem>>, vector<16xf32>,
          tpu.vector_store %arg12[%parallel_loop3A_979, %parallel_loop3A_980], %parallel_loop3A_978 {strides = array<i32>} : memref<8x512xf32, #tpu.memory_space<vmem>>, vector<16xf32>,
        } {sc.loop_unroll_factor = 8 : i64, sc.parallel_access}
        %dma_start3A_748 = arith.constant 32 : i32
        %dma_start3A_749 = arith.constant 0 : i32
        %dma_start3A_750 = tpu.memref_slice %arg5[%add3A_166, %dma_start3A_748, %dma_start3A_749] : memref<1000x104x512xf32, #tpu.memory_space<hbm>> -> memref<1x8x512xf32, #tpu.memory_space<hbm>>
        %dma_start3A_751 = tpu.memref_squeeze %dma_start3A_750 : memref<1x8x512xf32, #tpu.memory_space<hbm>> -> memref<8x512xf32, #tpu.memory_space<hbm>>
        %dma_start3A_752 = arith.constant 32 : i32
        %dma_start3A_753 = arith.constant 0 : i32
        %dma_start3A_754 = tpu.memref_slice %arg5[%add3A_166, %dma_start3A_752, %dma_start3A_753] : memref<1000x104x512xf32, #tpu.memory_space<hbm>> -> memref<1x8x512xf32, #tpu.memory_space<hbm>>
        %dma_start3A_755 = tpu.memref_squeeze %dma_start3A_754 : memref<1x8x512xf32, #tpu.memory_space<hbm>> -> memref<8x512xf32, #tpu.memory_space<hbm>>
        tpu.enqueue_dma source(%arg12 : memref<8x512xf32, #tpu.memory_space<vmem>>) target(%dma_start3A_755 : memref<8x512xf32, #tpu.memory_space<hbm>>) target_semaphore(%arg20 : memref<!tpu.dma_semaphore, #tpu.memory_space<semaphore_mem>>)
        %dma_wait3A_756 = arith.constant 20000 : i32
        %dma_wait3A_757 = tpu.memref_slice %arg7[%dma_wait3A_756] : memref<52096xi32, #tpu.memory_space<vmem_shared>> -> memref<4096xi32, #tpu.memory_space<vmem_shared>>
        %dma_wait3A_758 = arith.constant 20000 : i32
        %dma_wait3A_759 = tpu.memref_slice %arg7[%dma_wait3A_758] : memref<52096xi32, #tpu.memory_space<vmem_shared>> -> memref<4096xi32, #tpu.memory_space<vmem_shared>>
        tpu.wait_dma2 semaphore(%arg17 : memref<!tpu.dma_semaphore, #tpu.memory_space<semaphore_mem>>) src(%dma_wait3A_759 : memref<4096xi32, #tpu.memory_space<vmem_shared>>) dst(%arg11 : memref<4096xi32, #tpu.memory_space<vmem>>)
        %dma_start3A_760 = arith.constant 24000 : i32
        %dma_start3A_761 = tpu.memref_slice %arg7[%dma_start3A_760] : memref<52096xi32, #tpu.memory_space<vmem_shared>> -> memref<4096xi32, #tpu.memory_space<vmem_shared>>
        %dma_start3A_762 = arith.constant 24000 : i32
        %dma_start3A_763 = tpu.memref_slice %arg7[%dma_start3A_762] : memref<52096xi32, #tpu.memory_space<vmem_shared>> -> memref<4096xi32, #tpu.memory_space<vmem_shared>>
        tpu.enqueue_dma source(%dma_start3A_763 : memref<4096xi32, #tpu.memory_space<vmem_shared>>) target(%arg10 : memref<4096xi32, #tpu.memory_space<vmem>>) target_semaphore(%arg17 : memref<!tpu.dma_semaphore, #tpu.memory_space<semaphore_mem>>)
        %dma_wait3A_764 = arith.constant 24 : i32
        %dma_wait3A_765 = arith.constant 0 : i32
        %dma_wait3A_766 = tpu.memref_slice %arg5[%add3A_166, %dma_wait3A_764, %dma_wait3A_765] : memref<1000x104x512xf32, #tpu.memory_space<hbm>> -> memref<1x8x512xf32, #tpu.memory_space<hbm>>
        %dma_wait3A_767 = tpu.memref_squeeze %dma_wait3A_766 : memref<1x8x512xf32, #tpu.memory_space<hbm>> -> memref<8x512xf32, #tpu.memory_space<hbm>>
        %dma_wait3A_768 = arith.constant 24 : i32
        %dma_wait3A_769 = arith.constant 0 : i32
        %dma_wait3A_770 = tpu.memref_slice %arg5[%add3A_166, %dma_wait3A_768, %dma_wait3A_769] : memref<1000x104x512xf32, #tpu.memory_space<hbm>> -> memref<1x8x512xf32, #tpu.memory_space<hbm>>
        %dma_wait3A_771 = tpu.memref_squeeze %dma_wait3A_770 : memref<1x8x512xf32, #tpu.memory_space<hbm>> -> memref<8x512xf32, #tpu.memory_space<hbm>>
        tpu.wait_dma2 semaphore(%arg21 : memref<!tpu.dma_semaphore, #tpu.memory_space<semaphore_mem>>) src(%arg13 : memref<8x512xf32, #tpu.memory_space<vmem>>) dst(%dma_wait3A_771 : memref<8x512xf32, #tpu.memory_space<hbm>>)
        %parallel_loop3A_772 = arith.constant 0 : i32
        %parallel_loop3A_773 = arith.constant 4096 : i32
        %parallel_loop3A_774 = arith.constant 16 : i32
        scf.for %parallel_loop3A_968 = %parallel_loop3A_772 to %parallel_loop3A_773 step %parallel_loop3A_774  : i32 {
          %parallel_loop3A_969 = arith.constant 9 : i32
          %parallel_loop3A_970 = arith.shrsi %parallel_loop3A_968, %parallel_loop3A_969 : i32
          %parallel_loop3A_971 = arith.constant 511 : i32
          %parallel_loop3A_972 = arith.andi %parallel_loop3A_968, %parallel_loop3A_971 : i32
          %parallel_loop3A_973 = arith.constant 500 : i32
          %parallel_loop3A_974 = arith.muli %parallel_loop3A_970, %parallel_loop3A_973 : i32
          %parallel_loop3A_975 = arith.addi %parallel_loop3A_974, %parallel_loop3A_972 : i32
          %parallel_loop3A_976 = arith.index_cast %parallel_loop3A_975 : i32 to index
          %parallel_loop3A_977 = tpu.vector_load %arg11[%parallel_loop3A_976] {strides = array<i32>} : memref<4096xi32, #tpu.memory_space<vmem>>, vector<16xi32>,
          %parallel_loop3A_978 = tpu.vector_load_idx %arg9[%parallel_loop3A_977] : memref<50000xf32, #tpu.memory_space<vmem>>[vector<16xi32>], vector<16xf32>,
          %parallel_loop3A_979 = arith.index_cast %parallel_loop3A_970 : i32 to index
          %parallel_loop3A_980 = arith.index_cast %parallel_loop3A_972 : i32 to index
          %parallel_loop3A_981 = tpu.vector_load %arg13[%parallel_loop3A_979, %parallel_loop3A_980] {strides = array<i32>} : memref<8x512xf32, #tpu.memory_space<vmem>>, vector<16xf32>,
          tpu.vector_store %arg13[%parallel_loop3A_979, %parallel_loop3A_980], %parallel_loop3A_978 {strides = array<i32>} : memref<8x512xf32, #tpu.memory_space<vmem>>, vector<16xf32>,
        } {sc.loop_unroll_factor = 8 : i64, sc.parallel_access}
        %dma_start3A_775 = arith.constant 40 : i32
        %dma_start3A_776 = arith.constant 0 : i32
        %dma_start3A_777 = tpu.memref_slice %arg5[%add3A_166, %dma_start3A_775, %dma_start3A_776] : memref<1000x104x512xf32, #tpu.memory_space<hbm>> -> memref<1x8x512xf32, #tpu.memory_space<hbm>>
        %dma_start3A_778 = tpu.memref_squeeze %dma_start3A_777 : memref<1x8x512xf32, #tpu.memory_space<hbm>> -> memref<8x512xf32, #tpu.memory_space<hbm>>
        %dma_start3A_779 = arith.constant 40 : i32
        %dma_start3A_780 = arith.constant 0 : i32
        %dma_start3A_781 = tpu.memref_slice %arg5[%add3A_166, %dma_start3A_779, %dma_start3A_780] : memref<1000x104x512xf32, #tpu.memory_space<hbm>> -> memref<1x8x512xf32, #tpu.memory_space<hbm>>
        %dma_start3A_782 = tpu.memref_squeeze %dma_start3A_781 : memref<1x8x512xf32, #tpu.memory_space<hbm>> -> memref<8x512xf32, #tpu.memory_space<hbm>>
        tpu.enqueue_dma source(%arg13 : memref<8x512xf32, #tpu.memory_space<vmem>>) target(%dma_start3A_782 : memref<8x512xf32, #tpu.memory_space<hbm>>) target_semaphore(%arg21 : memref<!tpu.dma_semaphore, #tpu.memory_space<semaphore_mem>>)
        %dma_wait3A_783 = arith.constant 24000 : i32
        %dma_wait3A_784 = tpu.memref_slice %arg7[%dma_wait3A_783] : memref<52096xi32, #tpu.memory_space<vmem_shared>> -> memref<4096xi32, #tpu.memory_space<vmem_shared>>
        %dma_wait3A_785 = arith.constant 24000 : i32
        %dma_wait3A_786 = tpu.memref_slice %arg7[%dma_wait3A_785] : memref<52096xi32, #tpu.memory_space<vmem_shared>> -> memref<4096xi32, #tpu.memory_space<vmem_shared>>
        tpu.wait_dma2 semaphore(%arg17 : memref<!tpu.dma_semaphore, #tpu.memory_space<semaphore_mem>>) src(%dma_wait3A_786 : memref<4096xi32, #tpu.memory_space<vmem_shared>>) dst(%arg10 : memref<4096xi32, #tpu.memory_space<vmem>>)
        %dma_start3A_787 = arith.constant 28000 : i32
        %dma_start3A_788 = tpu.memref_slice %arg7[%dma_start3A_787] : memref<52096xi32, #tpu.memory_space<vmem_shared>> -> memref<4096xi32, #tpu.memory_space<vmem_shared>>
        %dma_start3A_789 = arith.constant 28000 : i32
        %dma_start3A_790 = tpu.memref_slice %arg7[%dma_start3A_789] : memref<52096xi32, #tpu.memory_space<vmem_shared>> -> memref<4096xi32, #tpu.memory_space<vmem_shared>>
        tpu.enqueue_dma source(%dma_start3A_790 : memref<4096xi32, #tpu.memory_space<vmem_shared>>) target(%arg11 : memref<4096xi32, #tpu.memory_space<vmem>>) target_semaphore(%arg17 : memref<!tpu.dma_semaphore, #tpu.memory_space<semaphore_mem>>)
        %dma_wait3A_791 = arith.constant 32 : i32
        %dma_wait3A_792 = arith.constant 0 : i32
        %dma_wait3A_793 = tpu.memref_slice %arg5[%add3A_166, %dma_wait3A_791, %dma_wait3A_792] : memref<1000x104x512xf32, #tpu.memory_space<hbm>> -> memref<1x8x512xf32, #tpu.memory_space<hbm>>
        %dma_wait3A_794 = tpu.memref_squeeze %dma_wait3A_793 : memref<1x8x512xf32, #tpu.memory_space<hbm>> -> memref<8x512xf32, #tpu.memory_space<hbm>>
        %dma_wait3A_795 = arith.constant 32 : i32
        %dma_wait3A_796 = arith.constant 0 : i32
        %dma_wait3A_797 = tpu.memref_slice %arg5[%add3A_166, %dma_wait3A_795, %dma_wait3A_796] : memref<1000x104x512xf32, #tpu.memory_space<hbm>> -> memref<1x8x512xf32, #tpu.memory_space<hbm>>
        %dma_wait3A_798 = tpu.memref_squeeze %dma_wait3A_797 : memref<1x8x512xf32, #tpu.memory_space<hbm>> -> memref<8x512xf32, #tpu.memory_space<hbm>>
        tpu.wait_dma2 semaphore(%arg20 : memref<!tpu.dma_semaphore, #tpu.memory_space<semaphore_mem>>) src(%arg12 : memref<8x512xf32, #tpu.memory_space<vmem>>) dst(%dma_wait3A_798 : memref<8x512xf32, #tpu.memory_space<hbm>>)
        %parallel_loop3A_799 = arith.constant 0 : i32
        %parallel_loop3A_800 = arith.constant 4096 : i32
        %parallel_loop3A_801 = arith.constant 16 : i32
        scf.for %parallel_loop3A_968 = %parallel_loop3A_799 to %parallel_loop3A_800 step %parallel_loop3A_801  : i32 {
          %parallel_loop3A_969 = arith.constant 9 : i32
          %parallel_loop3A_970 = arith.shrsi %parallel_loop3A_968, %parallel_loop3A_969 : i32
          %parallel_loop3A_971 = arith.constant 511 : i32
          %parallel_loop3A_972 = arith.andi %parallel_loop3A_968, %parallel_loop3A_971 : i32
          %parallel_loop3A_973 = arith.constant 500 : i32
          %parallel_loop3A_974 = arith.muli %parallel_loop3A_970, %parallel_loop3A_973 : i32
          %parallel_loop3A_975 = arith.addi %parallel_loop3A_974, %parallel_loop3A_972 : i32
          %parallel_loop3A_976 = arith.index_cast %parallel_loop3A_975 : i32 to index
          %parallel_loop3A_977 = tpu.vector_load %arg10[%parallel_loop3A_976] {strides = array<i32>} : memref<4096xi32, #tpu.memory_space<vmem>>, vector<16xi32>,
          %parallel_loop3A_978 = tpu.vector_load_idx %arg9[%parallel_loop3A_977] : memref<50000xf32, #tpu.memory_space<vmem>>[vector<16xi32>], vector<16xf32>,
          %parallel_loop3A_979 = arith.index_cast %parallel_loop3A_970 : i32 to index
          %parallel_loop3A_980 = arith.index_cast %parallel_loop3A_972 : i32 to index
          %parallel_loop3A_981 = tpu.vector_load %arg12[%parallel_loop3A_979, %parallel_loop3A_980] {strides = array<i32>} : memref<8x512xf32, #tpu.memory_space<vmem>>, vector<16xf32>,
          tpu.vector_store %arg12[%parallel_loop3A_979, %parallel_loop3A_980], %parallel_loop3A_978 {strides = array<i32>} : memref<8x512xf32, #tpu.memory_space<vmem>>, vector<16xf32>,
        } {sc.loop_unroll_factor = 8 : i64, sc.parallel_access}
        %dma_start3A_802 = arith.constant 48 : i32
        %dma_start3A_803 = arith.constant 0 : i32
        %dma_start3A_804 = tpu.memref_slice %arg5[%add3A_166, %dma_start3A_802, %dma_start3A_803] : memref<1000x104x512xf32, #tpu.memory_space<hbm>> -> memref<1x8x512xf32, #tpu.memory_space<hbm>>
        %dma_start3A_805 = tpu.memref_squeeze %dma_start3A_804 : memref<1x8x512xf32, #tpu.memory_space<hbm>> -> memref<8x512xf32, #tpu.memory_space<hbm>>
        %dma_start3A_806 = arith.constant 48 : i32
        %dma_start3A_807 = arith.constant 0 : i32
        %dma_start3A_808 = tpu.memref_slice %arg5[%add3A_166, %dma_start3A_806, %dma_start3A_807] : memref<1000x104x512xf32, #tpu.memory_space<hbm>> -> memref<1x8x512xf32, #tpu.memory_space<hbm>>
        %dma_start3A_809 = tpu.memref_squeeze %dma_start3A_808 : memref<1x8x512xf32, #tpu.memory_space<hbm>> -> memref<8x512xf32, #tpu.memory_space<hbm>>
        tpu.enqueue_dma source(%arg12 : memref<8x512xf32, #tpu.memory_space<vmem>>) target(%dma_start3A_809 : memref<8x512xf32, #tpu.memory_space<hbm>>) target_semaphore(%arg20 : memref<!tpu.dma_semaphore, #tpu.memory_space<semaphore_mem>>)
        %dma_wait3A_810 = arith.constant 28000 : i32
        %dma_wait3A_811 = tpu.memref_slice %arg7[%dma_wait3A_810] : memref<52096xi32, #tpu.memory_space<vmem_shared>> -> memref<4096xi32, #tpu.memory_space<vmem_shared>>
        %dma_wait3A_812 = arith.constant 28000 : i32
        %dma_wait3A_813 = tpu.memref_slice %arg7[%dma_wait3A_812] : memref<52096xi32, #tpu.memory_space<vmem_shared>> -> memref<4096xi32, #tpu.memory_space<vmem_shared>>
        tpu.wait_dma2 semaphore(%arg17 : memref<!tpu.dma_semaphore, #tpu.memory_space<semaphore_mem>>) src(%dma_wait3A_813 : memref<4096xi32, #tpu.memory_space<vmem_shared>>) dst(%arg11 : memref<4096xi32, #tpu.memory_space<vmem>>)
        %dma_start3A_814 = arith.constant 32000 : i32
        %dma_start3A_815 = tpu.memref_slice %arg7[%dma_start3A_814] : memref<52096xi32, #tpu.memory_space<vmem_shared>> -> memref<4096xi32, #tpu.memory_space<vmem_shared>>
        %dma_start3A_816 = arith.constant 32000 : i32
        %dma_start3A_817 = tpu.memref_slice %arg7[%dma_start3A_816] : memref<52096xi32, #tpu.memory_space<vmem_shared>> -> memref<4096xi32, #tpu.memory_space<vmem_shared>>
        tpu.enqueue_dma source(%dma_start3A_817 : memref<4096xi32, #tpu.memory_space<vmem_shared>>) target(%arg10 : memref<4096xi32, #tpu.memory_space<vmem>>) target_semaphore(%arg17 : memref<!tpu.dma_semaphore, #tpu.memory_space<semaphore_mem>>)
        %dma_wait3A_818 = arith.constant 40 : i32
        %dma_wait3A_819 = arith.constant 0 : i32
        %dma_wait3A_820 = tpu.memref_slice %arg5[%add3A_166, %dma_wait3A_818, %dma_wait3A_819] : memref<1000x104x512xf32, #tpu.memory_space<hbm>> -> memref<1x8x512xf32, #tpu.memory_space<hbm>>
        %dma_wait3A_821 = tpu.memref_squeeze %dma_wait3A_820 : memref<1x8x512xf32, #tpu.memory_space<hbm>> -> memref<8x512xf32, #tpu.memory_space<hbm>>
        %dma_wait3A_822 = arith.constant 40 : i32
        %dma_wait3A_823 = arith.constant 0 : i32
        %dma_wait3A_824 = tpu.memref_slice %arg5[%add3A_166, %dma_wait3A_822, %dma_wait3A_823] : memref<1000x104x512xf32, #tpu.memory_space<hbm>> -> memref<1x8x512xf32, #tpu.memory_space<hbm>>
        %dma_wait3A_825 = tpu.memref_squeeze %dma_wait3A_824 : memref<1x8x512xf32, #tpu.memory_space<hbm>> -> memref<8x512xf32, #tpu.memory_space<hbm>>
        tpu.wait_dma2 semaphore(%arg21 : memref<!tpu.dma_semaphore, #tpu.memory_space<semaphore_mem>>) src(%arg13 : memref<8x512xf32, #tpu.memory_space<vmem>>) dst(%dma_wait3A_825 : memref<8x512xf32, #tpu.memory_space<hbm>>)
        %parallel_loop3A_826 = arith.constant 0 : i32
        %parallel_loop3A_827 = arith.constant 4096 : i32
        %parallel_loop3A_828 = arith.constant 16 : i32
        scf.for %parallel_loop3A_968 = %parallel_loop3A_826 to %parallel_loop3A_827 step %parallel_loop3A_828  : i32 {
          %parallel_loop3A_969 = arith.constant 9 : i32
          %parallel_loop3A_970 = arith.shrsi %parallel_loop3A_968, %parallel_loop3A_969 : i32
          %parallel_loop3A_971 = arith.constant 511 : i32
          %parallel_loop3A_972 = arith.andi %parallel_loop3A_968, %parallel_loop3A_971 : i32
          %parallel_loop3A_973 = arith.constant 500 : i32
          %parallel_loop3A_974 = arith.muli %parallel_loop3A_970, %parallel_loop3A_973 : i32
          %parallel_loop3A_975 = arith.addi %parallel_loop3A_974, %parallel_loop3A_972 : i32
          %parallel_loop3A_976 = arith.index_cast %parallel_loop3A_975 : i32 to index
          %parallel_loop3A_977 = tpu.vector_load %arg11[%parallel_loop3A_976] {strides = array<i32>} : memref<4096xi32, #tpu.memory_space<vmem>>, vector<16xi32>,
          %parallel_loop3A_978 = tpu.vector_load_idx %arg9[%parallel_loop3A_977] : memref<50000xf32, #tpu.memory_space<vmem>>[vector<16xi32>], vector<16xf32>,
          %parallel_loop3A_979 = arith.index_cast %parallel_loop3A_970 : i32 to index
          %parallel_loop3A_980 = arith.index_cast %parallel_loop3A_972 : i32 to index
          %parallel_loop3A_981 = tpu.vector_load %arg13[%parallel_loop3A_979, %parallel_loop3A_980] {strides = array<i32>} : memref<8x512xf32, #tpu.memory_space<vmem>>, vector<16xf32>,
          tpu.vector_store %arg13[%parallel_loop3A_979, %parallel_loop3A_980], %parallel_loop3A_978 {strides = array<i32>} : memref<8x512xf32, #tpu.memory_space<vmem>>, vector<16xf32>,
        } {sc.loop_unroll_factor = 8 : i64, sc.parallel_access}
        %dma_start3A_829 = arith.constant 56 : i32
        %dma_start3A_830 = arith.constant 0 : i32
        %dma_start3A_831 = tpu.memref_slice %arg5[%add3A_166, %dma_start3A_829, %dma_start3A_830] : memref<1000x104x512xf32, #tpu.memory_space<hbm>> -> memref<1x8x512xf32, #tpu.memory_space<hbm>>
        %dma_start3A_832 = tpu.memref_squeeze %dma_start3A_831 : memref<1x8x512xf32, #tpu.memory_space<hbm>> -> memref<8x512xf32, #tpu.memory_space<hbm>>
        %dma_start3A_833 = arith.constant 56 : i32
        %dma_start3A_834 = arith.constant 0 : i32
        %dma_start3A_835 = tpu.memref_slice %arg5[%add3A_166, %dma_start3A_833, %dma_start3A_834] : memref<1000x104x512xf32, #tpu.memory_space<hbm>> -> memref<1x8x512xf32, #tpu.memory_space<hbm>>
        %dma_start3A_836 = tpu.memref_squeeze %dma_start3A_835 : memref<1x8x512xf32, #tpu.memory_space<hbm>> -> memref<8x512xf32, #tpu.memory_space<hbm>>
        tpu.enqueue_dma source(%arg13 : memref<8x512xf32, #tpu.memory_space<vmem>>) target(%dma_start3A_836 : memref<8x512xf32, #tpu.memory_space<hbm>>) target_semaphore(%arg21 : memref<!tpu.dma_semaphore, #tpu.memory_space<semaphore_mem>>)
        %dma_wait3A_837 = arith.constant 32000 : i32
        %dma_wait3A_838 = tpu.memref_slice %arg7[%dma_wait3A_837] : memref<52096xi32, #tpu.memory_space<vmem_shared>> -> memref<4096xi32, #tpu.memory_space<vmem_shared>>
        %dma_wait3A_839 = arith.constant 32000 : i32
        %dma_wait3A_840 = tpu.memref_slice %arg7[%dma_wait3A_839] : memref<52096xi32, #tpu.memory_space<vmem_shared>> -> memref<4096xi32, #tpu.memory_space<vmem_shared>>
        tpu.wait_dma2 semaphore(%arg17 : memref<!tpu.dma_semaphore, #tpu.memory_space<semaphore_mem>>) src(%dma_wait3A_840 : memref<4096xi32, #tpu.memory_space<vmem_shared>>) dst(%arg10 : memref<4096xi32, #tpu.memory_space<vmem>>)
        %dma_start3A_841 = arith.constant 36000 : i32
        %dma_start3A_842 = tpu.memref_slice %arg7[%dma_start3A_841] : memref<52096xi32, #tpu.memory_space<vmem_shared>> -> memref<4096xi32, #tpu.memory_space<vmem_shared>>
        %dma_start3A_843 = arith.constant 36000 : i32
        %dma_start3A_844 = tpu.memref_slice %arg7[%dma_start3A_843] : memref<52096xi32, #tpu.memory_space<vmem_shared>> -> memref<4096xi32, #tpu.memory_space<vmem_shared>>
        tpu.enqueue_dma source(%dma_start3A_844 : memref<4096xi32, #tpu.memory_space<vmem_shared>>) target(%arg11 : memref<4096xi32, #tpu.memory_space<vmem>>) target_semaphore(%arg17 : memref<!tpu.dma_semaphore, #tpu.memory_space<semaphore_mem>>)
        %dma_wait3A_845 = arith.constant 48 : i32
        %dma_wait3A_846 = arith.constant 0 : i32
        %dma_wait3A_847 = tpu.memref_slice %arg5[%add3A_166, %dma_wait3A_845, %dma_wait3A_846] : memref<1000x104x512xf32, #tpu.memory_space<hbm>> -> memref<1x8x512xf32, #tpu.memory_space<hbm>>
        %dma_wait3A_848 = tpu.memref_squeeze %dma_wait3A_847 : memref<1x8x512xf32, #tpu.memory_space<hbm>> -> memref<8x512xf32, #tpu.memory_space<hbm>>
        %dma_wait3A_849 = arith.constant 48 : i32
        %dma_wait3A_850 = arith.constant 0 : i32
        %dma_wait3A_851 = tpu.memref_slice %arg5[%add3A_166, %dma_wait3A_849, %dma_wait3A_850] : memref<1000x104x512xf32, #tpu.memory_space<hbm>> -> memref<1x8x512xf32, #tpu.memory_space<hbm>>
        %dma_wait3A_852 = tpu.memref_squeeze %dma_wait3A_851 : memref<1x8x512xf32, #tpu.memory_space<hbm>> -> memref<8x512xf32, #tpu.memory_space<hbm>>
        tpu.wait_dma2 semaphore(%arg20 : memref<!tpu.dma_semaphore, #tpu.memory_space<semaphore_mem>>) src(%arg12 : memref<8x512xf32, #tpu.memory_space<vmem>>) dst(%dma_wait3A_852 : memref<8x512xf32, #tpu.memory_space<hbm>>)
        %parallel_loop3A_853 = arith.constant 0 : i32
        %parallel_loop3A_854 = arith.constant 4096 : i32
        %parallel_loop3A_855 = arith.constant 16 : i32
        scf.for %parallel_loop3A_968 = %parallel_loop3A_853 to %parallel_loop3A_854 step %parallel_loop3A_855  : i32 {
          %parallel_loop3A_969 = arith.constant 9 : i32
          %parallel_loop3A_970 = arith.shrsi %parallel_loop3A_968, %parallel_loop3A_969 : i32
          %parallel_loop3A_971 = arith.constant 511 : i32
          %parallel_loop3A_972 = arith.andi %parallel_loop3A_968, %parallel_loop3A_971 : i32
          %parallel_loop3A_973 = arith.constant 500 : i32
          %parallel_loop3A_974 = arith.muli %parallel_loop3A_970, %parallel_loop3A_973 : i32
          %parallel_loop3A_975 = arith.addi %parallel_loop3A_974, %parallel_loop3A_972 : i32
          %parallel_loop3A_976 = arith.index_cast %parallel_loop3A_975 : i32 to index
          %parallel_loop3A_977 = tpu.vector_load %arg10[%parallel_loop3A_976] {strides = array<i32>} : memref<4096xi32, #tpu.memory_space<vmem>>, vector<16xi32>,
          %parallel_loop3A_978 = tpu.vector_load_idx %arg9[%parallel_loop3A_977] : memref<50000xf32, #tpu.memory_space<vmem>>[vector<16xi32>], vector<16xf32>,
          %parallel_loop3A_979 = arith.index_cast %parallel_loop3A_970 : i32 to index
          %parallel_loop3A_980 = arith.index_cast %parallel_loop3A_972 : i32 to index
          %parallel_loop3A_981 = tpu.vector_load %arg12[%parallel_loop3A_979, %parallel_loop3A_980] {strides = array<i32>} : memref<8x512xf32, #tpu.memory_space<vmem>>, vector<16xf32>,
          tpu.vector_store %arg12[%parallel_loop3A_979, %parallel_loop3A_980], %parallel_loop3A_978 {strides = array<i32>} : memref<8x512xf32, #tpu.memory_space<vmem>>, vector<16xf32>,
        } {sc.loop_unroll_factor = 8 : i64, sc.parallel_access}
        %dma_start3A_856 = arith.constant 64 : i32
        %dma_start3A_857 = arith.constant 0 : i32
        %dma_start3A_858 = tpu.memref_slice %arg5[%add3A_166, %dma_start3A_856, %dma_start3A_857] : memref<1000x104x512xf32, #tpu.memory_space<hbm>> -> memref<1x8x512xf32, #tpu.memory_space<hbm>>
        %dma_start3A_859 = tpu.memref_squeeze %dma_start3A_858 : memref<1x8x512xf32, #tpu.memory_space<hbm>> -> memref<8x512xf32, #tpu.memory_space<hbm>>
        %dma_start3A_860 = arith.constant 64 : i32
        %dma_start3A_861 = arith.constant 0 : i32
        %dma_start3A_862 = tpu.memref_slice %arg5[%add3A_166, %dma_start3A_860, %dma_start3A_861] : memref<1000x104x512xf32, #tpu.memory_space<hbm>> -> memref<1x8x512xf32, #tpu.memory_space<hbm>>
        %dma_start3A_863 = tpu.memref_squeeze %dma_start3A_862 : memref<1x8x512xf32, #tpu.memory_space<hbm>> -> memref<8x512xf32, #tpu.memory_space<hbm>>
        tpu.enqueue_dma source(%arg12 : memref<8x512xf32, #tpu.memory_space<vmem>>) target(%dma_start3A_863 : memref<8x512xf32, #tpu.memory_space<hbm>>) target_semaphore(%arg20 : memref<!tpu.dma_semaphore, #tpu.memory_space<semaphore_mem>>)
        %dma_wait3A_864 = arith.constant 36000 : i32
        %dma_wait3A_865 = tpu.memref_slice %arg7[%dma_wait3A_864] : memref<52096xi32, #tpu.memory_space<vmem_shared>> -> memref<4096xi32, #tpu.memory_space<vmem_shared>>
        %dma_wait3A_866 = arith.constant 36000 : i32
        %dma_wait3A_867 = tpu.memref_slice %arg7[%dma_wait3A_866] : memref<52096xi32, #tpu.memory_space<vmem_shared>> -> memref<4096xi32, #tpu.memory_space<vmem_shared>>
        tpu.wait_dma2 semaphore(%arg17 : memref<!tpu.dma_semaphore, #tpu.memory_space<semaphore_mem>>) src(%dma_wait3A_867 : memref<4096xi32, #tpu.memory_space<vmem_shared>>) dst(%arg11 : memref<4096xi32, #tpu.memory_space<vmem>>)
        %dma_start3A_868 = arith.constant 40000 : i32
        %dma_start3A_869 = tpu.memref_slice %arg7[%dma_start3A_868] : memref<52096xi32, #tpu.memory_space<vmem_shared>> -> memref<4096xi32, #tpu.memory_space<vmem_shared>>
        %dma_start3A_870 = arith.constant 40000 : i32
        %dma_start3A_871 = tpu.memref_slice %arg7[%dma_start3A_870] : memref<52096xi32, #tpu.memory_space<vmem_shared>> -> memref<4096xi32, #tpu.memory_space<vmem_shared>>
        tpu.enqueue_dma source(%dma_start3A_871 : memref<4096xi32, #tpu.memory_space<vmem_shared>>) target(%arg10 : memref<4096xi32, #tpu.memory_space<vmem>>) target_semaphore(%arg17 : memref<!tpu.dma_semaphore, #tpu.memory_space<semaphore_mem>>)
        %dma_wait3A_872 = arith.constant 56 : i32
        %dma_wait3A_873 = arith.constant 0 : i32
        %dma_wait3A_874 = tpu.memref_slice %arg5[%add3A_166, %dma_wait3A_872, %dma_wait3A_873] : memref<1000x104x512xf32, #tpu.memory_space<hbm>> -> memref<1x8x512xf32, #tpu.memory_space<hbm>>
        %dma_wait3A_875 = tpu.memref_squeeze %dma_wait3A_874 : memref<1x8x512xf32, #tpu.memory_space<hbm>> -> memref<8x512xf32, #tpu.memory_space<hbm>>
        %dma_wait3A_876 = arith.constant 56 : i32
        %dma_wait3A_877 = arith.constant 0 : i32
        %dma_wait3A_878 = tpu.memref_slice %arg5[%add3A_166, %dma_wait3A_876, %dma_wait3A_877] : memref<1000x104x512xf32, #tpu.memory_space<hbm>> -> memref<1x8x512xf32, #tpu.memory_space<hbm>>
        %dma_wait3A_879 = tpu.memref_squeeze %dma_wait3A_878 : memref<1x8x512xf32, #tpu.memory_space<hbm>> -> memref<8x512xf32, #tpu.memory_space<hbm>>
        tpu.wait_dma2 semaphore(%arg21 : memref<!tpu.dma_semaphore, #tpu.memory_space<semaphore_mem>>) src(%arg13 : memref<8x512xf32, #tpu.memory_space<vmem>>) dst(%dma_wait3A_879 : memref<8x512xf32, #tpu.memory_space<hbm>>)
        %parallel_loop3A_880 = arith.constant 0 : i32
        %parallel_loop3A_881 = arith.constant 4096 : i32
        %parallel_loop3A_882 = arith.constant 16 : i32
        scf.for %parallel_loop3A_968 = %parallel_loop3A_880 to %parallel_loop3A_881 step %parallel_loop3A_882  : i32 {
          %parallel_loop3A_969 = arith.constant 9 : i32
          %parallel_loop3A_970 = arith.shrsi %parallel_loop3A_968, %parallel_loop3A_969 : i32
          %parallel_loop3A_971 = arith.constant 511 : i32
          %parallel_loop3A_972 = arith.andi %parallel_loop3A_968, %parallel_loop3A_971 : i32
          %parallel_loop3A_973 = arith.constant 500 : i32
          %parallel_loop3A_974 = arith.muli %parallel_loop3A_970, %parallel_loop3A_973 : i32
          %parallel_loop3A_975 = arith.addi %parallel_loop3A_974, %parallel_loop3A_972 : i32
          %parallel_loop3A_976 = arith.index_cast %parallel_loop3A_975 : i32 to index
          %parallel_loop3A_977 = tpu.vector_load %arg11[%parallel_loop3A_976] {strides = array<i32>} : memref<4096xi32, #tpu.memory_space<vmem>>, vector<16xi32>,
          %parallel_loop3A_978 = tpu.vector_load_idx %arg9[%parallel_loop3A_977] : memref<50000xf32, #tpu.memory_space<vmem>>[vector<16xi32>], vector<16xf32>,
          %parallel_loop3A_979 = arith.index_cast %parallel_loop3A_970 : i32 to index
          %parallel_loop3A_980 = arith.index_cast %parallel_loop3A_972 : i32 to index
          %parallel_loop3A_981 = tpu.vector_load %arg13[%parallel_loop3A_979, %parallel_loop3A_980] {strides = array<i32>} : memref<8x512xf32, #tpu.memory_space<vmem>>, vector<16xf32>,
          tpu.vector_store %arg13[%parallel_loop3A_979, %parallel_loop3A_980], %parallel_loop3A_978 {strides = array<i32>} : memref<8x512xf32, #tpu.memory_space<vmem>>, vector<16xf32>,
        } {sc.loop_unroll_factor = 8 : i64, sc.parallel_access}
        %dma_start3A_883 = arith.constant 72 : i32
        %dma_start3A_884 = arith.constant 0 : i32
        %dma_start3A_885 = tpu.memref_slice %arg5[%add3A_166, %dma_start3A_883, %dma_start3A_884] : memref<1000x104x512xf32, #tpu.memory_space<hbm>> -> memref<1x8x512xf32, #tpu.memory_space<hbm>>
        %dma_start3A_886 = tpu.memref_squeeze %dma_start3A_885 : memref<1x8x512xf32, #tpu.memory_space<hbm>> -> memref<8x512xf32, #tpu.memory_space<hbm>>
        %dma_start3A_887 = arith.constant 72 : i32
        %dma_start3A_888 = arith.constant 0 : i32
        %dma_start3A_889 = tpu.memref_slice %arg5[%add3A_166, %dma_start3A_887, %dma_start3A_888] : memref<1000x104x512xf32, #tpu.memory_space<hbm>> -> memref<1x8x512xf32, #tpu.memory_space<hbm>>
        %dma_start3A_890 = tpu.memref_squeeze %dma_start3A_889 : memref<1x8x512xf32, #tpu.memory_space<hbm>> -> memref<8x512xf32, #tpu.memory_space<hbm>>
        tpu.enqueue_dma source(%arg13 : memref<8x512xf32, #tpu.memory_space<vmem>>) target(%dma_start3A_890 : memref<8x512xf32, #tpu.memory_space<hbm>>) target_semaphore(%arg21 : memref<!tpu.dma_semaphore, #tpu.memory_space<semaphore_mem>>)
        %dma_wait3A_891 = arith.constant 40000 : i32
        %dma_wait3A_892 = tpu.memref_slice %arg7[%dma_wait3A_891] : memref<52096xi32, #tpu.memory_space<vmem_shared>> -> memref<4096xi32, #tpu.memory_space<vmem_shared>>
        %dma_wait3A_893 = arith.constant 40000 : i32
        %dma_wait3A_894 = tpu.memref_slice %arg7[%dma_wait3A_893] : memref<52096xi32, #tpu.memory_space<vmem_shared>> -> memref<4096xi32, #tpu.memory_space<vmem_shared>>
        tpu.wait_dma2 semaphore(%arg17 : memref<!tpu.dma_semaphore, #tpu.memory_space<semaphore_mem>>) src(%dma_wait3A_894 : memref<4096xi32, #tpu.memory_space<vmem_shared>>) dst(%arg10 : memref<4096xi32, #tpu.memory_space<vmem>>)
        %dma_start3A_895 = arith.constant 44000 : i32
        %dma_start3A_896 = tpu.memref_slice %arg7[%dma_start3A_895] : memref<52096xi32, #tpu.memory_space<vmem_shared>> -> memref<4096xi32, #tpu.memory_space<vmem_shared>>
        %dma_start3A_897 = arith.constant 44000 : i32
        %dma_start3A_898 = tpu.memref_slice %arg7[%dma_start3A_897] : memref<52096xi32, #tpu.memory_space<vmem_shared>> -> memref<4096xi32, #tpu.memory_space<vmem_shared>>
        tpu.enqueue_dma source(%dma_start3A_898 : memref<4096xi32, #tpu.memory_space<vmem_shared>>) target(%arg11 : memref<4096xi32, #tpu.memory_space<vmem>>) target_semaphore(%arg17 : memref<!tpu.dma_semaphore, #tpu.memory_space<semaphore_mem>>)
        %dma_wait3A_899 = arith.constant 64 : i32
        %dma_wait3A_900 = arith.constant 0 : i32
        %dma_wait3A_901 = tpu.memref_slice %arg5[%add3A_166, %dma_wait3A_899, %dma_wait3A_900] : memref<1000x104x512xf32, #tpu.memory_space<hbm>> -> memref<1x8x512xf32, #tpu.memory_space<hbm>>
        %dma_wait3A_902 = tpu.memref_squeeze %dma_wait3A_901 : memref<1x8x512xf32, #tpu.memory_space<hbm>> -> memref<8x512xf32, #tpu.memory_space<hbm>>
        %dma_wait3A_903 = arith.constant 64 : i32
        %dma_wait3A_904 = arith.constant 0 : i32
        %dma_wait3A_905 = tpu.memref_slice %arg5[%add3A_166, %dma_wait3A_903, %dma_wait3A_904] : memref<1000x104x512xf32, #tpu.memory_space<hbm>> -> memref<1x8x512xf32, #tpu.memory_space<hbm>>
        %dma_wait3A_906 = tpu.memref_squeeze %dma_wait3A_905 : memref<1x8x512xf32, #tpu.memory_space<hbm>> -> memref<8x512xf32, #tpu.memory_space<hbm>>
        tpu.wait_dma2 semaphore(%arg20 : memref<!tpu.dma_semaphore, #tpu.memory_space<semaphore_mem>>) src(%arg12 : memref<8x512xf32, #tpu.memory_space<vmem>>) dst(%dma_wait3A_906 : memref<8x512xf32, #tpu.memory_space<hbm>>)
        %parallel_loop3A_907 = arith.constant 0 : i32
        %parallel_loop3A_908 = arith.constant 4096 : i32
        %parallel_loop3A_909 = arith.constant 16 : i32
        scf.for %parallel_loop3A_968 = %parallel_loop3A_907 to %parallel_loop3A_908 step %parallel_loop3A_909  : i32 {
          %parallel_loop3A_969 = arith.constant 9 : i32
          %parallel_loop3A_970 = arith.shrsi %parallel_loop3A_968, %parallel_loop3A_969 : i32
          %parallel_loop3A_971 = arith.constant 511 : i32
          %parallel_loop3A_972 = arith.andi %parallel_loop3A_968, %parallel_loop3A_971 : i32
          %parallel_loop3A_973 = arith.constant 500 : i32
          %parallel_loop3A_974 = arith.muli %parallel_loop3A_970, %parallel_loop3A_973 : i32
          %parallel_loop3A_975 = arith.addi %parallel_loop3A_974, %parallel_loop3A_972 : i32
          %parallel_loop3A_976 = arith.index_cast %parallel_loop3A_975 : i32 to index
          %parallel_loop3A_977 = tpu.vector_load %arg10[%parallel_loop3A_976] {strides = array<i32>} : memref<4096xi32, #tpu.memory_space<vmem>>, vector<16xi32>,
          %parallel_loop3A_978 = tpu.vector_load_idx %arg9[%parallel_loop3A_977] : memref<50000xf32, #tpu.memory_space<vmem>>[vector<16xi32>], vector<16xf32>,
          %parallel_loop3A_979 = arith.index_cast %parallel_loop3A_970 : i32 to index
          %parallel_loop3A_980 = arith.index_cast %parallel_loop3A_972 : i32 to index
          %parallel_loop3A_981 = tpu.vector_load %arg12[%parallel_loop3A_979, %parallel_loop3A_980] {strides = array<i32>} : memref<8x512xf32, #tpu.memory_space<vmem>>, vector<16xf32>,
          tpu.vector_store %arg12[%parallel_loop3A_979, %parallel_loop3A_980], %parallel_loop3A_978 {strides = array<i32>} : memref<8x512xf32, #tpu.memory_space<vmem>>, vector<16xf32>,
        } {sc.loop_unroll_factor = 8 : i64, sc.parallel_access}
        %dma_start3A_910 = arith.constant 80 : i32
        %dma_start3A_911 = arith.constant 0 : i32
        %dma_start3A_912 = tpu.memref_slice %arg5[%add3A_166, %dma_start3A_910, %dma_start3A_911] : memref<1000x104x512xf32, #tpu.memory_space<hbm>> -> memref<1x8x512xf32, #tpu.memory_space<hbm>>
        %dma_start3A_913 = tpu.memref_squeeze %dma_start3A_912 : memref<1x8x512xf32, #tpu.memory_space<hbm>> -> memref<8x512xf32, #tpu.memory_space<hbm>>
        %dma_start3A_914 = arith.constant 80 : i32
        %dma_start3A_915 = arith.constant 0 : i32
        %dma_start3A_916 = tpu.memref_slice %arg5[%add3A_166, %dma_start3A_914, %dma_start3A_915] : memref<1000x104x512xf32, #tpu.memory_space<hbm>> -> memref<1x8x512xf32, #tpu.memory_space<hbm>>
        %dma_start3A_917 = tpu.memref_squeeze %dma_start3A_916 : memref<1x8x512xf32, #tpu.memory_space<hbm>> -> memref<8x512xf32, #tpu.memory_space<hbm>>
        tpu.enqueue_dma source(%arg12 : memref<8x512xf32, #tpu.memory_space<vmem>>) target(%dma_start3A_917 : memref<8x512xf32, #tpu.memory_space<hbm>>) target_semaphore(%arg20 : memref<!tpu.dma_semaphore, #tpu.memory_space<semaphore_mem>>)
        %dma_wait3A_918 = arith.constant 44000 : i32
        %dma_wait3A_919 = tpu.memref_slice %arg7[%dma_wait3A_918] : memref<52096xi32, #tpu.memory_space<vmem_shared>> -> memref<4096xi32, #tpu.memory_space<vmem_shared>>
        %dma_wait3A_920 = arith.constant 44000 : i32
        %dma_wait3A_921 = tpu.memref_slice %arg7[%dma_wait3A_920] : memref<52096xi32, #tpu.memory_space<vmem_shared>> -> memref<4096xi32, #tpu.memory_space<vmem_shared>>
        tpu.wait_dma2 semaphore(%arg17 : memref<!tpu.dma_semaphore, #tpu.memory_space<semaphore_mem>>) src(%dma_wait3A_921 : memref<4096xi32, #tpu.memory_space<vmem_shared>>) dst(%arg11 : memref<4096xi32, #tpu.memory_space<vmem>>)
        %dma_start3A_922 = arith.constant 48000 : i32
        %dma_start3A_923 = tpu.memref_slice %arg7[%dma_start3A_922] : memref<52096xi32, #tpu.memory_space<vmem_shared>> -> memref<4096xi32, #tpu.memory_space<vmem_shared>>
        %dma_start3A_924 = arith.constant 48000 : i32
        %dma_start3A_925 = tpu.memref_slice %arg7[%dma_start3A_924] : memref<52096xi32, #tpu.memory_space<vmem_shared>> -> memref<4096xi32, #tpu.memory_space<vmem_shared>>
        tpu.enqueue_dma source(%dma_start3A_925 : memref<4096xi32, #tpu.memory_space<vmem_shared>>) target(%arg10 : memref<4096xi32, #tpu.memory_space<vmem>>) target_semaphore(%arg17 : memref<!tpu.dma_semaphore, #tpu.memory_space<semaphore_mem>>)
        %dma_wait3A_926 = arith.constant 72 : i32
        %dma_wait3A_927 = arith.constant 0 : i32
        %dma_wait3A_928 = tpu.memref_slice %arg5[%add3A_166, %dma_wait3A_926, %dma_wait3A_927] : memref<1000x104x512xf32, #tpu.memory_space<hbm>> -> memref<1x8x512xf32, #tpu.memory_space<hbm>>
        %dma_wait3A_929 = tpu.memref_squeeze %dma_wait3A_928 : memref<1x8x512xf32, #tpu.memory_space<hbm>> -> memref<8x512xf32, #tpu.memory_space<hbm>>
        %dma_wait3A_930 = arith.constant 72 : i32
        %dma_wait3A_931 = arith.constant 0 : i32
        %dma_wait3A_932 = tpu.memref_slice %arg5[%add3A_166, %dma_wait3A_930, %dma_wait3A_931] : memref<1000x104x512xf32, #tpu.memory_space<hbm>> -> memref<1x8x512xf32, #tpu.memory_space<hbm>>
        %dma_wait3A_933 = tpu.memref_squeeze %dma_wait3A_932 : memref<1x8x512xf32, #tpu.memory_space<hbm>> -> memref<8x512xf32, #tpu.memory_space<hbm>>
        tpu.wait_dma2 semaphore(%arg21 : memref<!tpu.dma_semaphore, #tpu.memory_space<semaphore_mem>>) src(%arg13 : memref<8x512xf32, #tpu.memory_space<vmem>>) dst(%dma_wait3A_933 : memref<8x512xf32, #tpu.memory_space<hbm>>)
        %parallel_loop3A_934 = arith.constant 0 : i32
        %parallel_loop3A_935 = arith.constant 4096 : i32
        %parallel_loop3A_936 = arith.constant 16 : i32
        scf.for %parallel_loop3A_968 = %parallel_loop3A_934 to %parallel_loop3A_935 step %parallel_loop3A_936  : i32 {
          %parallel_loop3A_969 = arith.constant 9 : i32
          %parallel_loop3A_970 = arith.shrsi %parallel_loop3A_968, %parallel_loop3A_969 : i32
          %parallel_loop3A_971 = arith.constant 511 : i32
          %parallel_loop3A_972 = arith.andi %parallel_loop3A_968, %parallel_loop3A_971 : i32
          %parallel_loop3A_973 = arith.constant 500 : i32
          %parallel_loop3A_974 = arith.muli %parallel_loop3A_970, %parallel_loop3A_973 : i32
          %parallel_loop3A_975 = arith.addi %parallel_loop3A_974, %parallel_loop3A_972 : i32
          %parallel_loop3A_976 = arith.index_cast %parallel_loop3A_975 : i32 to index
          %parallel_loop3A_977 = tpu.vector_load %arg11[%parallel_loop3A_976] {strides = array<i32>} : memref<4096xi32, #tpu.memory_space<vmem>>, vector<16xi32>,
          %parallel_loop3A_978 = tpu.vector_load_idx %arg9[%parallel_loop3A_977] : memref<50000xf32, #tpu.memory_space<vmem>>[vector<16xi32>], vector<16xf32>,
          %parallel_loop3A_979 = arith.index_cast %parallel_loop3A_970 : i32 to index
          %parallel_loop3A_980 = arith.index_cast %parallel_loop3A_972 : i32 to index
          %parallel_loop3A_981 = tpu.vector_load %arg13[%parallel_loop3A_979, %parallel_loop3A_980] {strides = array<i32>} : memref<8x512xf32, #tpu.memory_space<vmem>>, vector<16xf32>,
          tpu.vector_store %arg13[%parallel_loop3A_979, %parallel_loop3A_980], %parallel_loop3A_978 {strides = array<i32>} : memref<8x512xf32, #tpu.memory_space<vmem>>, vector<16xf32>,
        } {sc.loop_unroll_factor = 8 : i64, sc.parallel_access}
        %dma_start3A_937 = arith.constant 88 : i32
        %dma_start3A_938 = arith.constant 0 : i32
        %dma_start3A_939 = tpu.memref_slice %arg5[%add3A_166, %dma_start3A_937, %dma_start3A_938] : memref<1000x104x512xf32, #tpu.memory_space<hbm>> -> memref<1x8x512xf32, #tpu.memory_space<hbm>>
        %dma_start3A_940 = tpu.memref_squeeze %dma_start3A_939 : memref<1x8x512xf32, #tpu.memory_space<hbm>> -> memref<8x512xf32, #tpu.memory_space<hbm>>
        %dma_start3A_941 = arith.constant 88 : i32
        %dma_start3A_942 = arith.constant 0 : i32
        %dma_start3A_943 = tpu.memref_slice %arg5[%add3A_166, %dma_start3A_941, %dma_start3A_942] : memref<1000x104x512xf32, #tpu.memory_space<hbm>> -> memref<1x8x512xf32, #tpu.memory_space<hbm>>
        %dma_start3A_944 = tpu.memref_squeeze %dma_start3A_943 : memref<1x8x512xf32, #tpu.memory_space<hbm>> -> memref<8x512xf32, #tpu.memory_space<hbm>>
        tpu.enqueue_dma source(%arg13 : memref<8x512xf32, #tpu.memory_space<vmem>>) target(%dma_start3A_944 : memref<8x512xf32, #tpu.memory_space<hbm>>) target_semaphore(%arg21 : memref<!tpu.dma_semaphore, #tpu.memory_space<semaphore_mem>>)
        %dma_wait3A_945 = arith.constant 48000 : i32
        %dma_wait3A_946 = tpu.memref_slice %arg7[%dma_wait3A_945] : memref<52096xi32, #tpu.memory_space<vmem_shared>> -> memref<4096xi32, #tpu.memory_space<vmem_shared>>
        %dma_wait3A_947 = arith.constant 48000 : i32
        %dma_wait3A_948 = tpu.memref_slice %arg7[%dma_wait3A_947] : memref<52096xi32, #tpu.memory_space<vmem_shared>> -> memref<4096xi32, #tpu.memory_space<vmem_shared>>
        tpu.wait_dma2 semaphore(%arg17 : memref<!tpu.dma_semaphore, #tpu.memory_space<semaphore_mem>>) src(%dma_wait3A_948 : memref<4096xi32, #tpu.memory_space<vmem_shared>>) dst(%arg10 : memref<4096xi32, #tpu.memory_space<vmem>>)
        %dma_wait3A_949 = arith.constant 80 : i32
        %dma_wait3A_950 = arith.constant 0 : i32
        %dma_wait3A_951 = tpu.memref_slice %arg5[%add3A_166, %dma_wait3A_949, %dma_wait3A_950] : memref<1000x104x512xf32, #tpu.memory_space<hbm>> -> memref<1x8x512xf32, #tpu.memory_space<hbm>>
        %dma_wait3A_952 = tpu.memref_squeeze %dma_wait3A_951 : memref<1x8x512xf32, #tpu.memory_space<hbm>> -> memref<8x512xf32, #tpu.memory_space<hbm>>
        %dma_wait3A_953 = arith.constant 80 : i32
        %dma_wait3A_954 = arith.constant 0 : i32
        %dma_wait3A_955 = tpu.memref_slice %arg5[%add3A_166, %dma_wait3A_953, %dma_wait3A_954] : memref<1000x104x512xf32, #tpu.memory_space<hbm>> -> memref<1x8x512xf32, #tpu.memory_space<hbm>>
        %dma_wait3A_956 = tpu.memref_squeeze %dma_wait3A_955 : memref<1x8x512xf32, #tpu.memory_space<hbm>> -> memref<8x512xf32, #tpu.memory_space<hbm>>
        tpu.wait_dma2 semaphore(%arg20 : memref<!tpu.dma_semaphore, #tpu.memory_space<semaphore_mem>>) src(%arg12 : memref<8x512xf32, #tpu.memory_space<vmem>>) dst(%dma_wait3A_956 : memref<8x512xf32, #tpu.memory_space<hbm>>)
        %parallel_loop3A_957 = arith.constant 0 : i32
        %parallel_loop3A_958 = arith.constant 4096 : i32
        %parallel_loop3A_959 = arith.constant 16 : i32
        scf.for %parallel_loop3A_968 = %parallel_loop3A_957 to %parallel_loop3A_958 step %parallel_loop3A_959  : i32 {
          %parallel_loop3A_969 = arith.constant 9 : i32
          %parallel_loop3A_970 = arith.shrsi %parallel_loop3A_968, %parallel_loop3A_969 : i32
          %parallel_loop3A_971 = arith.constant 511 : i32
          %parallel_loop3A_972 = arith.andi %parallel_loop3A_968, %parallel_loop3A_971 : i32
          %parallel_loop3A_973 = arith.constant 500 : i32
          %parallel_loop3A_974 = arith.muli %parallel_loop3A_970, %parallel_loop3A_973 : i32
          %parallel_loop3A_975 = arith.addi %parallel_loop3A_974, %parallel_loop3A_972 : i32
          %parallel_loop3A_976 = arith.index_cast %parallel_loop3A_975 : i32 to index
          %parallel_loop3A_977 = tpu.vector_load %arg10[%parallel_loop3A_976] {strides = array<i32>} : memref<4096xi32, #tpu.memory_space<vmem>>, vector<16xi32>,
          %parallel_loop3A_978 = tpu.vector_load_idx %arg9[%parallel_loop3A_977] : memref<50000xf32, #tpu.memory_space<vmem>>[vector<16xi32>], vector<16xf32>,
          %parallel_loop3A_979 = arith.index_cast %parallel_loop3A_970 : i32 to index
          %parallel_loop3A_980 = arith.index_cast %parallel_loop3A_972 : i32 to index
          %parallel_loop3A_981 = tpu.vector_load %arg12[%parallel_loop3A_979, %parallel_loop3A_980] {strides = array<i32>} : memref<8x512xf32, #tpu.memory_space<vmem>>, vector<16xf32>,
          tpu.vector_store %arg12[%parallel_loop3A_979, %parallel_loop3A_980], %parallel_loop3A_978 {strides = array<i32>} : memref<8x512xf32, #tpu.memory_space<vmem>>, vector<16xf32>,
        } {sc.loop_unroll_factor = 8 : i64, sc.parallel_access}
        %dma_start3A_960 = arith.constant 96 : i32
        %dma_start3A_961 = arith.constant 0 : i32
        %dma_start3A_962 = tpu.memref_slice %arg5[%add3A_166, %dma_start3A_960, %dma_start3A_961] : memref<1000x104x512xf32, #tpu.memory_space<hbm>> -> memref<1x8x512xf32, #tpu.memory_space<hbm>>
        %dma_start3A_963 = tpu.memref_squeeze %dma_start3A_962 : memref<1x8x512xf32, #tpu.memory_space<hbm>> -> memref<8x512xf32, #tpu.memory_space<hbm>>
        %dma_start3A_964 = arith.constant 96 : i32
        %dma_start3A_965 = arith.constant 0 : i32
        %dma_start3A_966 = tpu.memref_slice %arg5[%add3A_166, %dma_start3A_964, %dma_start3A_965] : memref<1000x104x512xf32, #tpu.memory_space<hbm>> -> memref<1x8x512xf32, #tpu.memory_space<hbm>>
        %dma_start3A_967 = tpu.memref_squeeze %dma_start3A_966 : memref<1x8x512xf32, #tpu.memory_space<hbm>> -> memref<8x512xf32, #tpu.memory_space<hbm>>
        tpu.enqueue_dma source(%arg12 : memref<8x512xf32, #tpu.memory_space<vmem>>) target(%dma_start3A_967 : memref<8x512xf32, #tpu.memory_space<hbm>>) target_semaphore(%arg20 : memref<!tpu.dma_semaphore, #tpu.memory_space<semaphore_mem>>)
      } else {
      }
    }
    %while3A_143 = arith.constant 1 : i32
    scf.for %while3A_159 = %while3A_141 to %while3A_137 step %while3A_143  : i32 {
      %mul3A_160 = arith.constant 2 : i32
      %mul3A_161 = arith.muli %mul3A_160, %while3A_159 : i32
      %mul3A_162 = arith.constant 32 : i32
      %mul3A_163 = arith.muli %mul3A_161, %mul3A_162 : i32
      %add3A_164 = arith.addi %add3A, %mul3A_163 : i32
      %add3A_165 = arith.constant 32 : i32
      %add3A_166 = arith.addi %add3A_164, %add3A_165 : i32
      %jit3A_167 = arith.constant 50 : i32
      %div3A_168 = arith.divsi %add3A_164, %jit3A_167 : i32
      %sign3A_169 = arith.constant 0 : i32
      %sign3A_170 = arith.cmpi sgt, %add3A_164, %sign3A_169 : i32
      %sign3A_171 = arith.extui %sign3A_170 : i1 to i32
      %sign3A_172 = arith.constant 0 : i32
      %sign3A_173 = arith.cmpi slt, %add3A_164, %sign3A_172 : i32
      %sign3A_174 = arith.extui %sign3A_173 : i1 to i32
      %sign3A_175 = arith.subi %sign3A_171, %sign3A_174 : i32
      %sign3A_176 = arith.constant 0 : i32
      %sign3A_177 = arith.cmpi sgt, %jit3A_167, %sign3A_176 : i32
      %sign3A_178 = arith.extui %sign3A_177 : i1 to i32
      %sign3A_179 = arith.constant 0 : i32
      %sign3A_180 = arith.cmpi slt, %jit3A_167, %sign3A_179 : i32
      %sign3A_181 = arith.extui %sign3A_180 : i1 to i32
      %sign3A_182 = arith.subi %sign3A_178, %sign3A_181 : i32
      %ne3A_183 = arith.cmpi ne, %sign3A_175, %sign3A_182 : i32
      %rem3A_184 = arith.remsi %add3A_164, %jit3A_167 : i32
      %ne3A_185 = arith.constant 0 : i32
      %ne3A_186 = arith.cmpi ne, %rem3A_184, %ne3A_185 : i32
      %and3A_187 = arith.andi %ne3A_183, %ne3A_186 : i1
      %sub3A_188 = arith.constant 1 : i32
      %sub3A_189 = arith.subi %div3A_168, %sub3A_188 : i32
      %select_n3A_190 = arith.select %and3A_187, %sub3A_189, %div3A_168 : i32
      %jit3A_191 = arith.constant 50 : i32
      %eq3A_192 = arith.constant 0 : i32
      %eq3A_193 = arith.cmpi eq, %jit3A_191, %eq3A_192 : i32
      %jit3A_194 = arith.constant 1 : i32
      %select_n3A_195 = arith.select %eq3A_193, %jit3A_194, %jit3A_191 : i32
      %rem3A_196 = arith.remsi %add3A_164, %select_n3A_195 : i32
      %ne3A_197 = arith.constant 0 : i32
      %ne3A_198 = arith.cmpi ne, %rem3A_196, %ne3A_197 : i32
      %lt3A_199 = arith.constant 0 : i32
      %lt3A_200 = arith.cmpi slt, %rem3A_196, %lt3A_199 : i32
      %lt3A_201 = arith.constant 0 : i32
      %lt3A_202 = arith.cmpi slt, %select_n3A_195, %lt3A_201 : i32
      %ne3A_203 = arith.xori %lt3A_200, %lt3A_202 : i1
      %and3A_204 = arith.andi %ne3A_203, %ne3A_198 : i1
      %add3A_205 = arith.addi %rem3A_196, %select_n3A_195 : i32
      %select_n3A_206 = arith.select %and3A_204, %add3A_205, %rem3A_196 : i32
      %dma_wait3A_207 = arith.constant 0 : i32
      %dma_wait3A_208 = tpu.memref_slice %arg2[%select_n3A_190, %select_n3A_206, %dma_wait3A_207] : memref<20x50x50000xf32, #tpu.memory_space<hbm>> -> memref<1x1x50000xf32, #tpu.memory_space<hbm>>
      %dma_wait3A_209 = tpu.memref_squeeze %dma_wait3A_208 : memref<1x1x50000xf32, #tpu.memory_space<hbm>> -> memref<50000xf32, #tpu.memory_space<hbm>>
      %dma_wait3A_210 = arith.constant 0 : i32
      %dma_wait3A_211 = tpu.memref_slice %arg2[%select_n3A_190, %select_n3A_206, %dma_wait3A_210] : memref<20x50x50000xf32, #tpu.memory_space<hbm>> -> memref<1x1x50000xf32, #tpu.memory_space<hbm>>
      %dma_wait3A_212 = tpu.memref_squeeze %dma_wait3A_211 : memref<1x1x50000xf32, #tpu.memory_space<hbm>> -> memref<50000xf32, #tpu.memory_space<hbm>>
      tpu.wait_dma2 semaphore(%arg18 : memref<!tpu.dma_semaphore, #tpu.memory_space<semaphore_mem>>) src(%dma_wait3A_212 : memref<50000xf32, #tpu.memory_space<hbm>>) dst(%arg8 : memref<50000xf32, #tpu.memory_space<vmem>>)
      %lt3A_213 = arith.constant 1000 : i32
      %lt3A_214 = arith.cmpi slt, %add3A_166, %lt3A_213 : i32
      %convert_element_type3A_215 = arith.extui %lt3A_214 : i1 to i32
      %cond3A_216 = arith.constant 0 : i32
      %cond3A_217 = arith.cmpi ne, %convert_element_type3A_215, %cond3A_216 : i32
      scf.if %cond3A_217 {
        %jit3A_564 = arith.constant 50 : i32
        %div3A_565 = arith.divsi %add3A_166, %jit3A_564 : i32
        %sign3A_566 = arith.constant 0 : i32
        %sign3A_567 = arith.cmpi sgt, %add3A_166, %sign3A_566 : i32
        %sign3A_568 = arith.extui %sign3A_567 : i1 to i32
        %sign3A_569 = arith.constant 0 : i32
        %sign3A_570 = arith.cmpi slt, %add3A_166, %sign3A_569 : i32
        %sign3A_571 = arith.extui %sign3A_570 : i1 to i32
        %sign3A_572 = arith.subi %sign3A_568, %sign3A_571 : i32
        %sign3A_573 = arith.constant 0 : i32
        %sign3A_574 = arith.cmpi sgt, %jit3A_564, %sign3A_573 : i32
        %sign3A_575 = arith.extui %sign3A_574 : i1 to i32
        %sign3A_576 = arith.constant 0 : i32
        %sign3A_577 = arith.cmpi slt, %jit3A_564, %sign3A_576 : i32
        %sign3A_578 = arith.extui %sign3A_577 : i1 to i32
        %sign3A_579 = arith.subi %sign3A_575, %sign3A_578 : i32
        %ne3A_580 = arith.cmpi ne, %sign3A_572, %sign3A_579 : i32
        %rem3A_581 = arith.remsi %add3A_166, %jit3A_564 : i32
        %ne3A_582 = arith.constant 0 : i32
        %ne3A_583 = arith.cmpi ne, %rem3A_581, %ne3A_582 : i32
        %and3A_584 = arith.andi %ne3A_580, %ne3A_583 : i1
        %sub3A_585 = arith.constant 1 : i32
        %sub3A_586 = arith.subi %div3A_565, %sub3A_585 : i32
        %select_n3A_587 = arith.select %and3A_584, %sub3A_586, %div3A_565 : i32
        %jit3A_588 = arith.constant 50 : i32
        %eq3A_589 = arith.constant 0 : i32
        %eq3A_590 = arith.cmpi eq, %jit3A_588, %eq3A_589 : i32
        %jit3A_591 = arith.constant 1 : i32
        %select_n3A_592 = arith.select %eq3A_590, %jit3A_591, %jit3A_588 : i32
        %rem3A_593 = arith.remsi %add3A_166, %select_n3A_592 : i32
        %ne3A_594 = arith.constant 0 : i32
        %ne3A_595 = arith.cmpi ne, %rem3A_593, %ne3A_594 : i32
        %lt3A_596 = arith.constant 0 : i32
        %lt3A_597 = arith.cmpi slt, %rem3A_593, %lt3A_596 : i32
        %lt3A_598 = arith.constant 0 : i32
        %lt3A_599 = arith.cmpi slt, %select_n3A_592, %lt3A_598 : i32
        %ne3A_600 = arith.xori %lt3A_597, %lt3A_599 : i1
        %and3A_601 = arith.andi %ne3A_600, %ne3A_595 : i1
        %add3A_602 = arith.addi %rem3A_593, %select_n3A_592 : i32
        %select_n3A_603 = arith.select %and3A_601, %add3A_602, %rem3A_593 : i32
        %dma_start3A_604 = arith.constant 0 : i32
        %dma_start3A_605 = tpu.memref_slice %arg2[%select_n3A_587, %select_n3A_603, %dma_start3A_604] : memref<20x50x50000xf32, #tpu.memory_space<hbm>> -> memref<1x1x50000xf32, #tpu.memory_space<hbm>>
        %dma_start3A_606 = tpu.memref_squeeze %dma_start3A_605 : memref<1x1x50000xf32, #tpu.memory_space<hbm>> -> memref<50000xf32, #tpu.memory_space<hbm>>
        %dma_start3A_607 = arith.constant 0 : i32
        %dma_start3A_608 = tpu.memref_slice %arg2[%select_n3A_587, %select_n3A_603, %dma_start3A_607] : memref<20x50x50000xf32, #tpu.memory_space<hbm>> -> memref<1x1x50000xf32, #tpu.memory_space<hbm>>
        %dma_start3A_609 = tpu.memref_squeeze %dma_start3A_608 : memref<1x1x50000xf32, #tpu.memory_space<hbm>> -> memref<50000xf32, #tpu.memory_space<hbm>>
        tpu.enqueue_dma source(%dma_start3A_609 : memref<50000xf32, #tpu.memory_space<hbm>>) target(%arg9 : memref<50000xf32, #tpu.memory_space<vmem>>) target_semaphore(%arg19 : memref<!tpu.dma_semaphore, #tpu.memory_space<semaphore_mem>>)
      } else {
      }
      %gt3A = arith.constant 0 : i32
      %gt3A_218 = arith.cmpi sgt, %while3A_159, %gt3A : i32
      %dma_start3A_219 = arith.constant 0 : i32
      %dma_start3A_220 = tpu.memref_slice %arg7[%dma_start3A_219] : memref<52096xi32, #tpu.memory_space<vmem_shared>> -> memref<4096xi32, #tpu.memory_space<vmem_shared>>
      %dma_start3A_221 = arith.constant 0 : i32
      %dma_start3A_222 = tpu.memref_slice %arg7[%dma_start3A_221] : memref<52096xi32, #tpu.memory_space<vmem_shared>> -> memref<4096xi32, #tpu.memory_space<vmem_shared>>
      tpu.enqueue_dma source(%dma_start3A_222 : memref<4096xi32, #tpu.memory_space<vmem_shared>>) target(%arg10 : memref<4096xi32, #tpu.memory_space<vmem>>) target_semaphore(%arg17 : memref<!tpu.dma_semaphore, #tpu.memory_space<semaphore_mem>>)
      %dma_wait3A_223 = arith.constant 0 : i32
      %dma_wait3A_224 = tpu.memref_slice %arg7[%dma_wait3A_223] : memref<52096xi32, #tpu.memory_space<vmem_shared>> -> memref<4096xi32, #tpu.memory_space<vmem_shared>>
      %dma_wait3A_225 = arith.constant 0 : i32
      %dma_wait3A_226 = tpu.memref_slice %arg7[%dma_wait3A_225] : memref<52096xi32, #tpu.memory_space<vmem_shared>> -> memref<4096xi32, #tpu.memory_space<vmem_shared>>
      tpu.wait_dma2 semaphore(%arg17 : memref<!tpu.dma_semaphore, #tpu.memory_space<semaphore_mem>>) src(%dma_wait3A_226 : memref<4096xi32, #tpu.memory_space<vmem_shared>>) dst(%arg10 : memref<4096xi32, #tpu.memory_space<vmem>>)
      %dma_start3A_227 = arith.constant 4000 : i32
      %dma_start3A_228 = tpu.memref_slice %arg7[%dma_start3A_227] : memref<52096xi32, #tpu.memory_space<vmem_shared>> -> memref<4096xi32, #tpu.memory_space<vmem_shared>>
      %dma_start3A_229 = arith.constant 4000 : i32
      %dma_start3A_230 = tpu.memref_slice %arg7[%dma_start3A_229] : memref<52096xi32, #tpu.memory_space<vmem_shared>> -> memref<4096xi32, #tpu.memory_space<vmem_shared>>
      tpu.enqueue_dma source(%dma_start3A_230 : memref<4096xi32, #tpu.memory_space<vmem_shared>>) target(%arg11 : memref<4096xi32, #tpu.memory_space<vmem>>) target_semaphore(%arg17 : memref<!tpu.dma_semaphore, #tpu.memory_space<semaphore_mem>>)
      %convert_element_type3A_231 = arith.extui %gt3A_218 : i1 to i32
      %cond3A_232 = arith.constant 0 : i32
      %cond3A_233 = arith.cmpi ne, %convert_element_type3A_231, %cond3A_232 : i32
      scf.if %cond3A_233 {
        %dma_wait3A_564 = arith.constant 88 : i32
        %dma_wait3A_565 = arith.constant 0 : i32
        %dma_wait3A_566 = tpu.memref_slice %arg5[%add3A_164, %dma_wait3A_564, %dma_wait3A_565] : memref<1000x104x512xf32, #tpu.memory_space<hbm>> -> memref<1x8x512xf32, #tpu.memory_space<hbm>>
        %dma_wait3A_567 = tpu.memref_squeeze %dma_wait3A_566 : memref<1x8x512xf32, #tpu.memory_space<hbm>> -> memref<8x512xf32, #tpu.memory_space<hbm>>
        %dma_wait3A_568 = arith.constant 88 : i32
        %dma_wait3A_569 = arith.constant 0 : i32
        %dma_wait3A_570 = tpu.memref_slice %arg5[%add3A_164, %dma_wait3A_568, %dma_wait3A_569] : memref<1000x104x512xf32, #tpu.memory_space<hbm>> -> memref<1x8x512xf32, #tpu.memory_space<hbm>>
        %dma_wait3A_571 = tpu.memref_squeeze %dma_wait3A_570 : memref<1x8x512xf32, #tpu.memory_space<hbm>> -> memref<8x512xf32, #tpu.memory_space<hbm>>
        tpu.wait_dma2 semaphore(%arg21 : memref<!tpu.dma_semaphore, #tpu.memory_space<semaphore_mem>>) src(%arg13 : memref<8x512xf32, #tpu.memory_space<vmem>>) dst(%dma_wait3A_571 : memref<8x512xf32, #tpu.memory_space<hbm>>)
      } else {
      }
      %parallel_loop3A = arith.constant 0 : i32
      %parallel_loop3A_234 = arith.constant 4096 : i32
      %parallel_loop3A_235 = arith.constant 16 : i32
      scf.for %parallel_loop3A_564 = %parallel_loop3A to %parallel_loop3A_234 step %parallel_loop3A_235  : i32 {
        %parallel_loop3A_565 = arith.constant 9 : i32
        %parallel_loop3A_566 = arith.shrsi %parallel_loop3A_564, %parallel_loop3A_565 : i32
        %parallel_loop3A_567 = arith.constant 511 : i32
        %parallel_loop3A_568 = arith.andi %parallel_loop3A_564, %parallel_loop3A_567 : i32
        %parallel_loop3A_569 = arith.constant 500 : i32
        %parallel_loop3A_570 = arith.muli %parallel_loop3A_566, %parallel_loop3A_569 : i32
        %parallel_loop3A_571 = arith.addi %parallel_loop3A_570, %parallel_loop3A_568 : i32
        %parallel_loop3A_572 = arith.index_cast %parallel_loop3A_571 : i32 to index
        %parallel_loop3A_573 = tpu.vector_load %arg10[%parallel_loop3A_572] {strides = array<i32>} : memref<4096xi32, #tpu.memory_space<vmem>>, vector<16xi32>,
        %parallel_loop3A_574 = tpu.vector_load_idx %arg8[%parallel_loop3A_573] : memref<50000xf32, #tpu.memory_space<vmem>>[vector<16xi32>], vector<16xf32>,
        %parallel_loop3A_575 = arith.index_cast %parallel_loop3A_566 : i32 to index
        %parallel_loop3A_576 = arith.index_cast %parallel_loop3A_568 : i32 to index
        %parallel_loop3A_577 = tpu.vector_load %arg12[%parallel_loop3A_575, %parallel_loop3A_576] {strides = array<i32>} : memref<8x512xf32, #tpu.memory_space<vmem>>, vector<16xf32>,
        tpu.vector_store %arg12[%parallel_loop3A_575, %parallel_loop3A_576], %parallel_loop3A_574 {strides = array<i32>} : memref<8x512xf32, #tpu.memory_space<vmem>>, vector<16xf32>,
      } {sc.loop_unroll_factor = 8 : i64, sc.parallel_access}
      %dma_start3A_236 = arith.constant 0 : i32
      %dma_start3A_237 = arith.constant 0 : i32
      %dma_start3A_238 = tpu.memref_slice %arg5[%add3A_164, %dma_start3A_236, %dma_start3A_237] : memref<1000x104x512xf32, #tpu.memory_space<hbm>> -> memref<1x8x512xf32, #tpu.memory_space<hbm>>
      %dma_start3A_239 = tpu.memref_squeeze %dma_start3A_238 : memref<1x8x512xf32, #tpu.memory_space<hbm>> -> memref<8x512xf32, #tpu.memory_space<hbm>>
      %dma_start3A_240 = arith.constant 0 : i32
      %dma_start3A_241 = arith.constant 0 : i32
      %dma_start3A_242 = tpu.memref_slice %arg5[%add3A_164, %dma_start3A_240, %dma_start3A_241] : memref<1000x104x512xf32, #tpu.memory_space<hbm>> -> memref<1x8x512xf32, #tpu.memory_space<hbm>>
      %dma_start3A_243 = tpu.memref_squeeze %dma_start3A_242 : memref<1x8x512xf32, #tpu.memory_space<hbm>> -> memref<8x512xf32, #tpu.memory_space<hbm>>
      tpu.enqueue_dma source(%arg12 : memref<8x512xf32, #tpu.memory_space<vmem>>) target(%dma_start3A_243 : memref<8x512xf32, #tpu.memory_space<hbm>>) target_semaphore(%arg20 : memref<!tpu.dma_semaphore, #tpu.memory_space<semaphore_mem>>)
      %dma_wait3A_244 = arith.constant 4000 : i32
      %dma_wait3A_245 = tpu.memref_slice %arg7[%dma_wait3A_244] : memref<52096xi32, #tpu.memory_space<vmem_shared>> -> memref<4096xi32, #tpu.memory_space<vmem_shared>>
      %dma_wait3A_246 = arith.constant 4000 : i32
      %dma_wait3A_247 = tpu.memref_slice %arg7[%dma_wait3A_246] : memref<52096xi32, #tpu.memory_space<vmem_shared>> -> memref<4096xi32, #tpu.memory_space<vmem_shared>>
      tpu.wait_dma2 semaphore(%arg17 : memref<!tpu.dma_semaphore, #tpu.memory_space<semaphore_mem>>) src(%dma_wait3A_247 : memref<4096xi32, #tpu.memory_space<vmem_shared>>) dst(%arg11 : memref<4096xi32, #tpu.memory_space<vmem>>)
      %dma_start3A_248 = arith.constant 8000 : i32
      %dma_start3A_249 = tpu.memref_slice %arg7[%dma_start3A_248] : memref<52096xi32, #tpu.memory_space<vmem_shared>> -> memref<4096xi32, #tpu.memory_space<vmem_shared>>
      %dma_start3A_250 = arith.constant 8000 : i32
      %dma_start3A_251 = tpu.memref_slice %arg7[%dma_start3A_250] : memref<52096xi32, #tpu.memory_space<vmem_shared>> -> memref<4096xi32, #tpu.memory_space<vmem_shared>>
      tpu.enqueue_dma source(%dma_start3A_251 : memref<4096xi32, #tpu.memory_space<vmem_shared>>) target(%arg10 : memref<4096xi32, #tpu.memory_space<vmem>>) target_semaphore(%arg17 : memref<!tpu.dma_semaphore, #tpu.memory_space<semaphore_mem>>)
      %convert_element_type3A_252 = arith.extui %gt3A_218 : i1 to i32
      %cond3A_253 = arith.constant 0 : i32
      %cond3A_254 = arith.cmpi ne, %convert_element_type3A_252, %cond3A_253 : i32
      scf.if %cond3A_254 {
        %dma_wait3A_564 = arith.constant 96 : i32
        %dma_wait3A_565 = arith.constant 0 : i32
        %dma_wait3A_566 = tpu.memref_slice %arg5[%add3A_164, %dma_wait3A_564, %dma_wait3A_565] : memref<1000x104x512xf32, #tpu.memory_space<hbm>> -> memref<1x8x512xf32, #tpu.memory_space<hbm>>
        %dma_wait3A_567 = tpu.memref_squeeze %dma_wait3A_566 : memref<1x8x512xf32, #tpu.memory_space<hbm>> -> memref<8x512xf32, #tpu.memory_space<hbm>>
        %dma_wait3A_568 = arith.constant 96 : i32
        %dma_wait3A_569 = arith.constant 0 : i32
        %dma_wait3A_570 = tpu.memref_slice %arg5[%add3A_164, %dma_wait3A_568, %dma_wait3A_569] : memref<1000x104x512xf32, #tpu.memory_space<hbm>> -> memref<1x8x512xf32, #tpu.memory_space<hbm>>
        %dma_wait3A_571 = tpu.memref_squeeze %dma_wait3A_570 : memref<1x8x512xf32, #tpu.memory_space<hbm>> -> memref<8x512xf32, #tpu.memory_space<hbm>>
        tpu.wait_dma2 semaphore(%arg20 : memref<!tpu.dma_semaphore, #tpu.memory_space<semaphore_mem>>) src(%arg12 : memref<8x512xf32, #tpu.memory_space<vmem>>) dst(%dma_wait3A_571 : memref<8x512xf32, #tpu.memory_space<hbm>>)
      } else {
      }
      %parallel_loop3A_255 = arith.constant 0 : i32
      %parallel_loop3A_256 = arith.constant 4096 : i32
      %parallel_loop3A_257 = arith.constant 16 : i32
      scf.for %parallel_loop3A_564 = %parallel_loop3A_255 to %parallel_loop3A_256 step %parallel_loop3A_257  : i32 {
        %parallel_loop3A_565 = arith.constant 9 : i32
        %parallel_loop3A_566 = arith.shrsi %parallel_loop3A_564, %parallel_loop3A_565 : i32
        %parallel_loop3A_567 = arith.constant 511 : i32
        %parallel_loop3A_568 = arith.andi %parallel_loop3A_564, %parallel_loop3A_567 : i32
        %parallel_loop3A_569 = arith.constant 500 : i32
        %parallel_loop3A_570 = arith.muli %parallel_loop3A_566, %parallel_loop3A_569 : i32
        %parallel_loop3A_571 = arith.addi %parallel_loop3A_570, %parallel_loop3A_568 : i32
        %parallel_loop3A_572 = arith.index_cast %parallel_loop3A_571 : i32 to index
        %parallel_loop3A_573 = tpu.vector_load %arg11[%parallel_loop3A_572] {strides = array<i32>} : memref<4096xi32, #tpu.memory_space<vmem>>, vector<16xi32>,
        %parallel_loop3A_574 = tpu.vector_load_idx %arg8[%parallel_loop3A_573] : memref<50000xf32, #tpu.memory_space<vmem>>[vector<16xi32>], vector<16xf32>,
        %parallel_loop3A_575 = arith.index_cast %parallel_loop3A_566 : i32 to index
        %parallel_loop3A_576 = arith.index_cast %parallel_loop3A_568 : i32 to index
        %parallel_loop3A_577 = tpu.vector_load %arg13[%parallel_loop3A_575, %parallel_loop3A_576] {strides = array<i32>} : memref<8x512xf32, #tpu.memory_space<vmem>>, vector<16xf32>,
        tpu.vector_store %arg13[%parallel_loop3A_575, %parallel_loop3A_576], %parallel_loop3A_574 {strides = array<i32>} : memref<8x512xf32, #tpu.memory_space<vmem>>, vector<16xf32>,
      } {sc.loop_unroll_factor = 8 : i64, sc.parallel_access}
      %dma_start3A_258 = arith.constant 8 : i32
      %dma_start3A_259 = arith.constant 0 : i32
      %dma_start3A_260 = tpu.memref_slice %arg5[%add3A_164, %dma_start3A_258, %dma_start3A_259] : memref<1000x104x512xf32, #tpu.memory_space<hbm>> -> memref<1x8x512xf32, #tpu.memory_space<hbm>>
      %dma_start3A_261 = tpu.memref_squeeze %dma_start3A_260 : memref<1x8x512xf32, #tpu.memory_space<hbm>> -> memref<8x512xf32, #tpu.memory_space<hbm>>
      %dma_start3A_262 = arith.constant 8 : i32
      %dma_start3A_263 = arith.constant 0 : i32
      %dma_start3A_264 = tpu.memref_slice %arg5[%add3A_164, %dma_start3A_262, %dma_start3A_263] : memref<1000x104x512xf32, #tpu.memory_space<hbm>> -> memref<1x8x512xf32, #tpu.memory_space<hbm>>
      %dma_start3A_265 = tpu.memref_squeeze %dma_start3A_264 : memref<1x8x512xf32, #tpu.memory_space<hbm>> -> memref<8x512xf32, #tpu.memory_space<hbm>>
      tpu.enqueue_dma source(%arg13 : memref<8x512xf32, #tpu.memory_space<vmem>>) target(%dma_start3A_265 : memref<8x512xf32, #tpu.memory_space<hbm>>) target_semaphore(%arg21 : memref<!tpu.dma_semaphore, #tpu.memory_space<semaphore_mem>>)
      %dma_wait3A_266 = arith.constant 8000 : i32
      %dma_wait3A_267 = tpu.memref_slice %arg7[%dma_wait3A_266] : memref<52096xi32, #tpu.memory_space<vmem_shared>> -> memref<4096xi32, #tpu.memory_space<vmem_shared>>
      %dma_wait3A_268 = arith.constant 8000 : i32
      %dma_wait3A_269 = tpu.memref_slice %arg7[%dma_wait3A_268] : memref<52096xi32, #tpu.memory_space<vmem_shared>> -> memref<4096xi32, #tpu.memory_space<vmem_shared>>
      tpu.wait_dma2 semaphore(%arg17 : memref<!tpu.dma_semaphore, #tpu.memory_space<semaphore_mem>>) src(%dma_wait3A_269 : memref<4096xi32, #tpu.memory_space<vmem_shared>>) dst(%arg10 : memref<4096xi32, #tpu.memory_space<vmem>>)
      %dma_start3A_270 = arith.constant 12000 : i32
      %dma_start3A_271 = tpu.memref_slice %arg7[%dma_start3A_270] : memref<52096xi32, #tpu.memory_space<vmem_shared>> -> memref<4096xi32, #tpu.memory_space<vmem_shared>>
      %dma_start3A_272 = arith.constant 12000 : i32
      %dma_start3A_273 = tpu.memref_slice %arg7[%dma_start3A_272] : memref<52096xi32, #tpu.memory_space<vmem_shared>> -> memref<4096xi32, #tpu.memory_space<vmem_shared>>
      tpu.enqueue_dma source(%dma_start3A_273 : memref<4096xi32, #tpu.memory_space<vmem_shared>>) target(%arg11 : memref<4096xi32, #tpu.memory_space<vmem>>) target_semaphore(%arg17 : memref<!tpu.dma_semaphore, #tpu.memory_space<semaphore_mem>>)
      %dma_wait3A_274 = arith.constant 0 : i32
      %dma_wait3A_275 = arith.constant 0 : i32
      %dma_wait3A_276 = tpu.memref_slice %arg5[%add3A_164, %dma_wait3A_274, %dma_wait3A_275] : memref<1000x104x512xf32, #tpu.memory_space<hbm>> -> memref<1x8x512xf32, #tpu.memory_space<hbm>>
      %dma_wait3A_277 = tpu.memref_squeeze %dma_wait3A_276 : memref<1x8x512xf32, #tpu.memory_space<hbm>> -> memref<8x512xf32, #tpu.memory_space<hbm>>
      %dma_wait3A_278 = arith.constant 0 : i32
      %dma_wait3A_279 = arith.constant 0 : i32
      %dma_wait3A_280 = tpu.memref_slice %arg5[%add3A_164, %dma_wait3A_278, %dma_wait3A_279] : memref<1000x104x512xf32, #tpu.memory_space<hbm>> -> memref<1x8x512xf32, #tpu.memory_space<hbm>>
      %dma_wait3A_281 = tpu.memref_squeeze %dma_wait3A_280 : memref<1x8x512xf32, #tpu.memory_space<hbm>> -> memref<8x512xf32, #tpu.memory_space<hbm>>
      tpu.wait_dma2 semaphore(%arg20 : memref<!tpu.dma_semaphore, #tpu.memory_space<semaphore_mem>>) src(%arg12 : memref<8x512xf32, #tpu.memory_space<vmem>>) dst(%dma_wait3A_281 : memref<8x512xf32, #tpu.memory_space<hbm>>)
      %parallel_loop3A_282 = arith.constant 0 : i32
      %parallel_loop3A_283 = arith.constant 4096 : i32
      %parallel_loop3A_284 = arith.constant 16 : i32
      scf.for %parallel_loop3A_564 = %parallel_loop3A_282 to %parallel_loop3A_283 step %parallel_loop3A_284  : i32 {
        %parallel_loop3A_565 = arith.constant 9 : i32
        %parallel_loop3A_566 = arith.shrsi %parallel_loop3A_564, %parallel_loop3A_565 : i32
        %parallel_loop3A_567 = arith.constant 511 : i32
        %parallel_loop3A_568 = arith.andi %parallel_loop3A_564, %parallel_loop3A_567 : i32
        %parallel_loop3A_569 = arith.constant 500 : i32
        %parallel_loop3A_570 = arith.muli %parallel_loop3A_566, %parallel_loop3A_569 : i32
        %parallel_loop3A_571 = arith.addi %parallel_loop3A_570, %parallel_loop3A_568 : i32
        %parallel_loop3A_572 = arith.index_cast %parallel_loop3A_571 : i32 to index
        %parallel_loop3A_573 = tpu.vector_load %arg10[%parallel_loop3A_572] {strides = array<i32>} : memref<4096xi32, #tpu.memory_space<vmem>>, vector<16xi32>,
        %parallel_loop3A_574 = tpu.vector_load_idx %arg8[%parallel_loop3A_573] : memref<50000xf32, #tpu.memory_space<vmem>>[vector<16xi32>], vector<16xf32>,
        %parallel_loop3A_575 = arith.index_cast %parallel_loop3A_566 : i32 to index
        %parallel_loop3A_576 = arith.index_cast %parallel_loop3A_568 : i32 to index
        %parallel_loop3A_577 = tpu.vector_load %arg12[%parallel_loop3A_575, %parallel_loop3A_576] {strides = array<i32>} : memref<8x512xf32, #tpu.memory_space<vmem>>, vector<16xf32>,
        tpu.vector_store %arg12[%parallel_loop3A_575, %parallel_loop3A_576], %parallel_loop3A_574 {strides = array<i32>} : memref<8x512xf32, #tpu.memory_space<vmem>>, vector<16xf32>,
      } {sc.loop_unroll_factor = 8 : i64, sc.parallel_access}
      %dma_start3A_285 = arith.constant 16 : i32
      %dma_start3A_286 = arith.constant 0 : i32
      %dma_start3A_287 = tpu.memref_slice %arg5[%add3A_164, %dma_start3A_285, %dma_start3A_286] : memref<1000x104x512xf32, #tpu.memory_space<hbm>> -> memref<1x8x512xf32, #tpu.memory_space<hbm>>
      %dma_start3A_288 = tpu.memref_squeeze %dma_start3A_287 : memref<1x8x512xf32, #tpu.memory_space<hbm>> -> memref<8x512xf32, #tpu.memory_space<hbm>>
      %dma_start3A_289 = arith.constant 16 : i32
      %dma_start3A_290 = arith.constant 0 : i32
      %dma_start3A_291 = tpu.memref_slice %arg5[%add3A_164, %dma_start3A_289, %dma_start3A_290] : memref<1000x104x512xf32, #tpu.memory_space<hbm>> -> memref<1x8x512xf32, #tpu.memory_space<hbm>>
      %dma_start3A_292 = tpu.memref_squeeze %dma_start3A_291 : memref<1x8x512xf32, #tpu.memory_space<hbm>> -> memref<8x512xf32, #tpu.memory_space<hbm>>
      tpu.enqueue_dma source(%arg12 : memref<8x512xf32, #tpu.memory_space<vmem>>) target(%dma_start3A_292 : memref<8x512xf32, #tpu.memory_space<hbm>>) target_semaphore(%arg20 : memref<!tpu.dma_semaphore, #tpu.memory_space<semaphore_mem>>)
      %dma_wait3A_293 = arith.constant 12000 : i32
      %dma_wait3A_294 = tpu.memref_slice %arg7[%dma_wait3A_293] : memref<52096xi32, #tpu.memory_space<vmem_shared>> -> memref<4096xi32, #tpu.memory_space<vmem_shared>>
      %dma_wait3A_295 = arith.constant 12000 : i32
      %dma_wait3A_296 = tpu.memref_slice %arg7[%dma_wait3A_295] : memref<52096xi32, #tpu.memory_space<vmem_shared>> -> memref<4096xi32, #tpu.memory_space<vmem_shared>>
      tpu.wait_dma2 semaphore(%arg17 : memref<!tpu.dma_semaphore, #tpu.memory_space<semaphore_mem>>) src(%dma_wait3A_296 : memref<4096xi32, #tpu.memory_space<vmem_shared>>) dst(%arg11 : memref<4096xi32, #tpu.memory_space<vmem>>)
      %dma_start3A_297 = arith.constant 16000 : i32
      %dma_start3A_298 = tpu.memref_slice %arg7[%dma_start3A_297] : memref<52096xi32, #tpu.memory_space<vmem_shared>> -> memref<4096xi32, #tpu.memory_space<vmem_shared>>
      %dma_start3A_299 = arith.constant 16000 : i32
      %dma_start3A_300 = tpu.memref_slice %arg7[%dma_start3A_299] : memref<52096xi32, #tpu.memory_space<vmem_shared>> -> memref<4096xi32, #tpu.memory_space<vmem_shared>>
      tpu.enqueue_dma source(%dma_start3A_300 : memref<4096xi32, #tpu.memory_space<vmem_shared>>) target(%arg10 : memref<4096xi32, #tpu.memory_space<vmem>>) target_semaphore(%arg17 : memref<!tpu.dma_semaphore, #tpu.memory_space<semaphore_mem>>)
      %dma_wait3A_301 = arith.constant 8 : i32
      %dma_wait3A_302 = arith.constant 0 : i32
      %dma_wait3A_303 = tpu.memref_slice %arg5[%add3A_164, %dma_wait3A_301, %dma_wait3A_302] : memref<1000x104x512xf32, #tpu.memory_space<hbm>> -> memref<1x8x512xf32, #tpu.memory_space<hbm>>
      %dma_wait3A_304 = tpu.memref_squeeze %dma_wait3A_303 : memref<1x8x512xf32, #tpu.memory_space<hbm>> -> memref<8x512xf32, #tpu.memory_space<hbm>>
      %dma_wait3A_305 = arith.constant 8 : i32
      %dma_wait3A_306 = arith.constant 0 : i32
      %dma_wait3A_307 = tpu.memref_slice %arg5[%add3A_164, %dma_wait3A_305, %dma_wait3A_306] : memref<1000x104x512xf32, #tpu.memory_space<hbm>> -> memref<1x8x512xf32, #tpu.memory_space<hbm>>
      %dma_wait3A_308 = tpu.memref_squeeze %dma_wait3A_307 : memref<1x8x512xf32, #tpu.memory_space<hbm>> -> memref<8x512xf32, #tpu.memory_space<hbm>>
      tpu.wait_dma2 semaphore(%arg21 : memref<!tpu.dma_semaphore, #tpu.memory_space<semaphore_mem>>) src(%arg13 : memref<8x512xf32, #tpu.memory_space<vmem>>) dst(%dma_wait3A_308 : memref<8x512xf32, #tpu.memory_space<hbm>>)
      %parallel_loop3A_309 = arith.constant 0 : i32
      %parallel_loop3A_310 = arith.constant 4096 : i32
      %parallel_loop3A_311 = arith.constant 16 : i32
      scf.for %parallel_loop3A_564 = %parallel_loop3A_309 to %parallel_loop3A_310 step %parallel_loop3A_311  : i32 {
        %parallel_loop3A_565 = arith.constant 9 : i32
        %parallel_loop3A_566 = arith.shrsi %parallel_loop3A_564, %parallel_loop3A_565 : i32
        %parallel_loop3A_567 = arith.constant 511 : i32
        %parallel_loop3A_568 = arith.andi %parallel_loop3A_564, %parallel_loop3A_567 : i32
        %parallel_loop3A_569 = arith.constant 500 : i32
        %parallel_loop3A_570 = arith.muli %parallel_loop3A_566, %parallel_loop3A_569 : i32
        %parallel_loop3A_571 = arith.addi %parallel_loop3A_570, %parallel_loop3A_568 : i32
        %parallel_loop3A_572 = arith.index_cast %parallel_loop3A_571 : i32 to index
        %parallel_loop3A_573 = tpu.vector_load %arg11[%parallel_loop3A_572] {strides = array<i32>} : memref<4096xi32, #tpu.memory_space<vmem>>, vector<16xi32>,
        %parallel_loop3A_574 = tpu.vector_load_idx %arg8[%parallel_loop3A_573] : memref<50000xf32, #tpu.memory_space<vmem>>[vector<16xi32>], vector<16xf32>,
        %parallel_loop3A_575 = arith.index_cast %parallel_loop3A_566 : i32 to index
        %parallel_loop3A_576 = arith.index_cast %parallel_loop3A_568 : i32 to index
        %parallel_loop3A_577 = tpu.vector_load %arg13[%parallel_loop3A_575, %parallel_loop3A_576] {strides = array<i32>} : memref<8x512xf32, #tpu.memory_space<vmem>>, vector<16xf32>,
        tpu.vector_store %arg13[%parallel_loop3A_575, %parallel_loop3A_576], %parallel_loop3A_574 {strides = array<i32>} : memref<8x512xf32, #tpu.memory_space<vmem>>, vector<16xf32>,
      } {sc.loop_unroll_factor = 8 : i64, sc.parallel_access}
      %dma_start3A_312 = arith.constant 24 : i32
      %dma_start3A_313 = arith.constant 0 : i32
      %dma_start3A_314 = tpu.memref_slice %arg5[%add3A_164, %dma_start3A_312, %dma_start3A_313] : memref<1000x104x512xf32, #tpu.memory_space<hbm>> -> memref<1x8x512xf32, #tpu.memory_space<hbm>>
      %dma_start3A_315 = tpu.memref_squeeze %dma_start3A_314 : memref<1x8x512xf32, #tpu.memory_space<hbm>> -> memref<8x512xf32, #tpu.memory_space<hbm>>
      %dma_start3A_316 = arith.constant 24 : i32
      %dma_start3A_317 = arith.constant 0 : i32
      %dma_start3A_318 = tpu.memref_slice %arg5[%add3A_164, %dma_start3A_316, %dma_start3A_317] : memref<1000x104x512xf32, #tpu.memory_space<hbm>> -> memref<1x8x512xf32, #tpu.memory_space<hbm>>
      %dma_start3A_319 = tpu.memref_squeeze %dma_start3A_318 : memref<1x8x512xf32, #tpu.memory_space<hbm>> -> memref<8x512xf32, #tpu.memory_space<hbm>>
      tpu.enqueue_dma source(%arg13 : memref<8x512xf32, #tpu.memory_space<vmem>>) target(%dma_start3A_319 : memref<8x512xf32, #tpu.memory_space<hbm>>) target_semaphore(%arg21 : memref<!tpu.dma_semaphore, #tpu.memory_space<semaphore_mem>>)
      %dma_wait3A_320 = arith.constant 16000 : i32
      %dma_wait3A_321 = tpu.memref_slice %arg7[%dma_wait3A_320] : memref<52096xi32, #tpu.memory_space<vmem_shared>> -> memref<4096xi32, #tpu.memory_space<vmem_shared>>
      %dma_wait3A_322 = arith.constant 16000 : i32
      %dma_wait3A_323 = tpu.memref_slice %arg7[%dma_wait3A_322] : memref<52096xi32, #tpu.memory_space<vmem_shared>> -> memref<4096xi32, #tpu.memory_space<vmem_shared>>
      tpu.wait_dma2 semaphore(%arg17 : memref<!tpu.dma_semaphore, #tpu.memory_space<semaphore_mem>>) src(%dma_wait3A_323 : memref<4096xi32, #tpu.memory_space<vmem_shared>>) dst(%arg10 : memref<4096xi32, #tpu.memory_space<vmem>>)
      %dma_start3A_324 = arith.constant 20000 : i32
      %dma_start3A_325 = tpu.memref_slice %arg7[%dma_start3A_324] : memref<52096xi32, #tpu.memory_space<vmem_shared>> -> memref<4096xi32, #tpu.memory_space<vmem_shared>>
      %dma_start3A_326 = arith.constant 20000 : i32
      %dma_start3A_327 = tpu.memref_slice %arg7[%dma_start3A_326] : memref<52096xi32, #tpu.memory_space<vmem_shared>> -> memref<4096xi32, #tpu.memory_space<vmem_shared>>
      tpu.enqueue_dma source(%dma_start3A_327 : memref<4096xi32, #tpu.memory_space<vmem_shared>>) target(%arg11 : memref<4096xi32, #tpu.memory_space<vmem>>) target_semaphore(%arg17 : memref<!tpu.dma_semaphore, #tpu.memory_space<semaphore_mem>>)
      %dma_wait3A_328 = arith.constant 16 : i32
      %dma_wait3A_329 = arith.constant 0 : i32
      %dma_wait3A_330 = tpu.memref_slice %arg5[%add3A_164, %dma_wait3A_328, %dma_wait3A_329] : memref<1000x104x512xf32, #tpu.memory_space<hbm>> -> memref<1x8x512xf32, #tpu.memory_space<hbm>>
      %dma_wait3A_331 = tpu.memref_squeeze %dma_wait3A_330 : memref<1x8x512xf32, #tpu.memory_space<hbm>> -> memref<8x512xf32, #tpu.memory_space<hbm>>
      %dma_wait3A_332 = arith.constant 16 : i32
      %dma_wait3A_333 = arith.constant 0 : i32
      %dma_wait3A_334 = tpu.memref_slice %arg5[%add3A_164, %dma_wait3A_332, %dma_wait3A_333] : memref<1000x104x512xf32, #tpu.memory_space<hbm>> -> memref<1x8x512xf32, #tpu.memory_space<hbm>>
      %dma_wait3A_335 = tpu.memref_squeeze %dma_wait3A_334 : memref<1x8x512xf32, #tpu.memory_space<hbm>> -> memref<8x512xf32, #tpu.memory_space<hbm>>
      tpu.wait_dma2 semaphore(%arg20 : memref<!tpu.dma_semaphore, #tpu.memory_space<semaphore_mem>>) src(%arg12 : memref<8x512xf32, #tpu.memory_space<vmem>>) dst(%dma_wait3A_335 : memref<8x512xf32, #tpu.memory_space<hbm>>)
      %parallel_loop3A_336 = arith.constant 0 : i32
      %parallel_loop3A_337 = arith.constant 4096 : i32
      %parallel_loop3A_338 = arith.constant 16 : i32
      scf.for %parallel_loop3A_564 = %parallel_loop3A_336 to %parallel_loop3A_337 step %parallel_loop3A_338  : i32 {
        %parallel_loop3A_565 = arith.constant 9 : i32
        %parallel_loop3A_566 = arith.shrsi %parallel_loop3A_564, %parallel_loop3A_565 : i32
        %parallel_loop3A_567 = arith.constant 511 : i32
        %parallel_loop3A_568 = arith.andi %parallel_loop3A_564, %parallel_loop3A_567 : i32
        %parallel_loop3A_569 = arith.constant 500 : i32
        %parallel_loop3A_570 = arith.muli %parallel_loop3A_566, %parallel_loop3A_569 : i32
        %parallel_loop3A_571 = arith.addi %parallel_loop3A_570, %parallel_loop3A_568 : i32
        %parallel_loop3A_572 = arith.index_cast %parallel_loop3A_571 : i32 to index
        %parallel_loop3A_573 = tpu.vector_load %arg10[%parallel_loop3A_572] {strides = array<i32>} : memref<4096xi32, #tpu.memory_space<vmem>>, vector<16xi32>,
        %parallel_loop3A_574 = tpu.vector_load_idx %arg8[%parallel_loop3A_573] : memref<50000xf32, #tpu.memory_space<vmem>>[vector<16xi32>], vector<16xf32>,
        %parallel_loop3A_575 = arith.index_cast %parallel_loop3A_566 : i32 to index
        %parallel_loop3A_576 = arith.index_cast %parallel_loop3A_568 : i32 to index
        %parallel_loop3A_577 = tpu.vector_load %arg12[%parallel_loop3A_575, %parallel_loop3A_576] {strides = array<i32>} : memref<8x512xf32, #tpu.memory_space<vmem>>, vector<16xf32>,
        tpu.vector_store %arg12[%parallel_loop3A_575, %parallel_loop3A_576], %parallel_loop3A_574 {strides = array<i32>} : memref<8x512xf32, #tpu.memory_space<vmem>>, vector<16xf32>,
      } {sc.loop_unroll_factor = 8 : i64, sc.parallel_access}
      %dma_start3A_339 = arith.constant 32 : i32
      %dma_start3A_340 = arith.constant 0 : i32
      %dma_start3A_341 = tpu.memref_slice %arg5[%add3A_164, %dma_start3A_339, %dma_start3A_340] : memref<1000x104x512xf32, #tpu.memory_space<hbm>> -> memref<1x8x512xf32, #tpu.memory_space<hbm>>
      %dma_start3A_342 = tpu.memref_squeeze %dma_start3A_341 : memref<1x8x512xf32, #tpu.memory_space<hbm>> -> memref<8x512xf32, #tpu.memory_space<hbm>>
      %dma_start3A_343 = arith.constant 32 : i32
      %dma_start3A_344 = arith.constant 0 : i32
      %dma_start3A_345 = tpu.memref_slice %arg5[%add3A_164, %dma_start3A_343, %dma_start3A_344] : memref<1000x104x512xf32, #tpu.memory_space<hbm>> -> memref<1x8x512xf32, #tpu.memory_space<hbm>>
      %dma_start3A_346 = tpu.memref_squeeze %dma_start3A_345 : memref<1x8x512xf32, #tpu.memory_space<hbm>> -> memref<8x512xf32, #tpu.memory_space<hbm>>
      tpu.enqueue_dma source(%arg12 : memref<8x512xf32, #tpu.memory_space<vmem>>) target(%dma_start3A_346 : memref<8x512xf32, #tpu.memory_space<hbm>>) target_semaphore(%arg20 : memref<!tpu.dma_semaphore, #tpu.memory_space<semaphore_mem>>)
      %dma_wait3A_347 = arith.constant 20000 : i32
      %dma_wait3A_348 = tpu.memref_slice %arg7[%dma_wait3A_347] : memref<52096xi32, #tpu.memory_space<vmem_shared>> -> memref<4096xi32, #tpu.memory_space<vmem_shared>>
      %dma_wait3A_349 = arith.constant 20000 : i32
      %dma_wait3A_350 = tpu.memref_slice %arg7[%dma_wait3A_349] : memref<52096xi32, #tpu.memory_space<vmem_shared>> -> memref<4096xi32, #tpu.memory_space<vmem_shared>>
      tpu.wait_dma2 semaphore(%arg17 : memref<!tpu.dma_semaphore, #tpu.memory_space<semaphore_mem>>) src(%dma_wait3A_350 : memref<4096xi32, #tpu.memory_space<vmem_shared>>) dst(%arg11 : memref<4096xi32, #tpu.memory_space<vmem>>)
      %dma_start3A_351 = arith.constant 24000 : i32
      %dma_start3A_352 = tpu.memref_slice %arg7[%dma_start3A_351] : memref<52096xi32, #tpu.memory_space<vmem_shared>> -> memref<4096xi32, #tpu.memory_space<vmem_shared>>
      %dma_start3A_353 = arith.constant 24000 : i32
      %dma_start3A_354 = tpu.memref_slice %arg7[%dma_start3A_353] : memref<52096xi32, #tpu.memory_space<vmem_shared>> -> memref<4096xi32, #tpu.memory_space<vmem_shared>>
      tpu.enqueue_dma source(%dma_start3A_354 : memref<4096xi32, #tpu.memory_space<vmem_shared>>) target(%arg10 : memref<4096xi32, #tpu.memory_space<vmem>>) target_semaphore(%arg17 : memref<!tpu.dma_semaphore, #tpu.memory_space<semaphore_mem>>)
      %dma_wait3A_355 = arith.constant 24 : i32
      %dma_wait3A_356 = arith.constant 0 : i32
      %dma_wait3A_357 = tpu.memref_slice %arg5[%add3A_164, %dma_wait3A_355, %dma_wait3A_356] : memref<1000x104x512xf32, #tpu.memory_space<hbm>> -> memref<1x8x512xf32, #tpu.memory_space<hbm>>
      %dma_wait3A_358 = tpu.memref_squeeze %dma_wait3A_357 : memref<1x8x512xf32, #tpu.memory_space<hbm>> -> memref<8x512xf32, #tpu.memory_space<hbm>>
      %dma_wait3A_359 = arith.constant 24 : i32
      %dma_wait3A_360 = arith.constant 0 : i32
      %dma_wait3A_361 = tpu.memref_slice %arg5[%add3A_164, %dma_wait3A_359, %dma_wait3A_360] : memref<1000x104x512xf32, #tpu.memory_space<hbm>> -> memref<1x8x512xf32, #tpu.memory_space<hbm>>
      %dma_wait3A_362 = tpu.memref_squeeze %dma_wait3A_361 : memref<1x8x512xf32, #tpu.memory_space<hbm>> -> memref<8x512xf32, #tpu.memory_space<hbm>>
      tpu.wait_dma2 semaphore(%arg21 : memref<!tpu.dma_semaphore, #tpu.memory_space<semaphore_mem>>) src(%arg13 : memref<8x512xf32, #tpu.memory_space<vmem>>) dst(%dma_wait3A_362 : memref<8x512xf32, #tpu.memory_space<hbm>>)
      %parallel_loop3A_363 = arith.constant 0 : i32
      %parallel_loop3A_364 = arith.constant 4096 : i32
      %parallel_loop3A_365 = arith.constant 16 : i32
      scf.for %parallel_loop3A_564 = %parallel_loop3A_363 to %parallel_loop3A_364 step %parallel_loop3A_365  : i32 {
        %parallel_loop3A_565 = arith.constant 9 : i32
        %parallel_loop3A_566 = arith.shrsi %parallel_loop3A_564, %parallel_loop3A_565 : i32
        %parallel_loop3A_567 = arith.constant 511 : i32
        %parallel_loop3A_568 = arith.andi %parallel_loop3A_564, %parallel_loop3A_567 : i32
        %parallel_loop3A_569 = arith.constant 500 : i32
        %parallel_loop3A_570 = arith.muli %parallel_loop3A_566, %parallel_loop3A_569 : i32
        %parallel_loop3A_571 = arith.addi %parallel_loop3A_570, %parallel_loop3A_568 : i32
        %parallel_loop3A_572 = arith.index_cast %parallel_loop3A_571 : i32 to index
        %parallel_loop3A_573 = tpu.vector_load %arg11[%parallel_loop3A_572] {strides = array<i32>} : memref<4096xi32, #tpu.memory_space<vmem>>, vector<16xi32>,
        %parallel_loop3A_574 = tpu.vector_load_idx %arg8[%parallel_loop3A_573] : memref<50000xf32, #tpu.memory_space<vmem>>[vector<16xi32>], vector<16xf32>,
        %parallel_loop3A_575 = arith.index_cast %parallel_loop3A_566 : i32 to index
        %parallel_loop3A_576 = arith.index_cast %parallel_loop3A_568 : i32 to index
        %parallel_loop3A_577 = tpu.vector_load %arg13[%parallel_loop3A_575, %parallel_loop3A_576] {strides = array<i32>} : memref<8x512xf32, #tpu.memory_space<vmem>>, vector<16xf32>,
        tpu.vector_store %arg13[%parallel_loop3A_575, %parallel_loop3A_576], %parallel_loop3A_574 {strides = array<i32>} : memref<8x512xf32, #tpu.memory_space<vmem>>, vector<16xf32>,
      } {sc.loop_unroll_factor = 8 : i64, sc.parallel_access}
      %dma_start3A_366 = arith.constant 40 : i32
      %dma_start3A_367 = arith.constant 0 : i32
      %dma_start3A_368 = tpu.memref_slice %arg5[%add3A_164, %dma_start3A_366, %dma_start3A_367] : memref<1000x104x512xf32, #tpu.memory_space<hbm>> -> memref<1x8x512xf32, #tpu.memory_space<hbm>>
      %dma_start3A_369 = tpu.memref_squeeze %dma_start3A_368 : memref<1x8x512xf32, #tpu.memory_space<hbm>> -> memref<8x512xf32, #tpu.memory_space<hbm>>
      %dma_start3A_370 = arith.constant 40 : i32
      %dma_start3A_371 = arith.constant 0 : i32
      %dma_start3A_372 = tpu.memref_slice %arg5[%add3A_164, %dma_start3A_370, %dma_start3A_371] : memref<1000x104x512xf32, #tpu.memory_space<hbm>> -> memref<1x8x512xf32, #tpu.memory_space<hbm>>
      %dma_start3A_373 = tpu.memref_squeeze %dma_start3A_372 : memref<1x8x512xf32, #tpu.memory_space<hbm>> -> memref<8x512xf32, #tpu.memory_space<hbm>>
      tpu.enqueue_dma source(%arg13 : memref<8x512xf32, #tpu.memory_space<vmem>>) target(%dma_start3A_373 : memref<8x512xf32, #tpu.memory_space<hbm>>) target_semaphore(%arg21 : memref<!tpu.dma_semaphore, #tpu.memory_space<semaphore_mem>>)
      %dma_wait3A_374 = arith.constant 24000 : i32
      %dma_wait3A_375 = tpu.memref_slice %arg7[%dma_wait3A_374] : memref<52096xi32, #tpu.memory_space<vmem_shared>> -> memref<4096xi32, #tpu.memory_space<vmem_shared>>
      %dma_wait3A_376 = arith.constant 24000 : i32
      %dma_wait3A_377 = tpu.memref_slice %arg7[%dma_wait3A_376] : memref<52096xi32, #tpu.memory_space<vmem_shared>> -> memref<4096xi32, #tpu.memory_space<vmem_shared>>
      tpu.wait_dma2 semaphore(%arg17 : memref<!tpu.dma_semaphore, #tpu.memory_space<semaphore_mem>>) src(%dma_wait3A_377 : memref<4096xi32, #tpu.memory_space<vmem_shared>>) dst(%arg10 : memref<4096xi32, #tpu.memory_space<vmem>>)
      %dma_start3A_378 = arith.constant 28000 : i32
      %dma_start3A_379 = tpu.memref_slice %arg7[%dma_start3A_378] : memref<52096xi32, #tpu.memory_space<vmem_shared>> -> memref<4096xi32, #tpu.memory_space<vmem_shared>>
      %dma_start3A_380 = arith.constant 28000 : i32
      %dma_start3A_381 = tpu.memref_slice %arg7[%dma_start3A_380] : memref<52096xi32, #tpu.memory_space<vmem_shared>> -> memref<4096xi32, #tpu.memory_space<vmem_shared>>
      tpu.enqueue_dma source(%dma_start3A_381 : memref<4096xi32, #tpu.memory_space<vmem_shared>>) target(%arg11 : memref<4096xi32, #tpu.memory_space<vmem>>) target_semaphore(%arg17 : memref<!tpu.dma_semaphore, #tpu.memory_space<semaphore_mem>>)
      %dma_wait3A_382 = arith.constant 32 : i32
      %dma_wait3A_383 = arith.constant 0 : i32
      %dma_wait3A_384 = tpu.memref_slice %arg5[%add3A_164, %dma_wait3A_382, %dma_wait3A_383] : memref<1000x104x512xf32, #tpu.memory_space<hbm>> -> memref<1x8x512xf32, #tpu.memory_space<hbm>>
      %dma_wait3A_385 = tpu.memref_squeeze %dma_wait3A_384 : memref<1x8x512xf32, #tpu.memory_space<hbm>> -> memref<8x512xf32, #tpu.memory_space<hbm>>
      %dma_wait3A_386 = arith.constant 32 : i32
      %dma_wait3A_387 = arith.constant 0 : i32
      %dma_wait3A_388 = tpu.memref_slice %arg5[%add3A_164, %dma_wait3A_386, %dma_wait3A_387] : memref<1000x104x512xf32, #tpu.memory_space<hbm>> -> memref<1x8x512xf32, #tpu.memory_space<hbm>>
      %dma_wait3A_389 = tpu.memref_squeeze %dma_wait3A_388 : memref<1x8x512xf32, #tpu.memory_space<hbm>> -> memref<8x512xf32, #tpu.memory_space<hbm>>
      tpu.wait_dma2 semaphore(%arg20 : memref<!tpu.dma_semaphore, #tpu.memory_space<semaphore_mem>>) src(%arg12 : memref<8x512xf32, #tpu.memory_space<vmem>>) dst(%dma_wait3A_389 : memref<8x512xf32, #tpu.memory_space<hbm>>)
      %parallel_loop3A_390 = arith.constant 0 : i32
      %parallel_loop3A_391 = arith.constant 4096 : i32
      %parallel_loop3A_392 = arith.constant 16 : i32
      scf.for %parallel_loop3A_564 = %parallel_loop3A_390 to %parallel_loop3A_391 step %parallel_loop3A_392  : i32 {
        %parallel_loop3A_565 = arith.constant 9 : i32
        %parallel_loop3A_566 = arith.shrsi %parallel_loop3A_564, %parallel_loop3A_565 : i32
        %parallel_loop3A_567 = arith.constant 511 : i32
        %parallel_loop3A_568 = arith.andi %parallel_loop3A_564, %parallel_loop3A_567 : i32
        %parallel_loop3A_569 = arith.constant 500 : i32
        %parallel_loop3A_570 = arith.muli %parallel_loop3A_566, %parallel_loop3A_569 : i32
        %parallel_loop3A_571 = arith.addi %parallel_loop3A_570, %parallel_loop3A_568 : i32
        %parallel_loop3A_572 = arith.index_cast %parallel_loop3A_571 : i32 to index
        %parallel_loop3A_573 = tpu.vector_load %arg10[%parallel_loop3A_572] {strides = array<i32>} : memref<4096xi32, #tpu.memory_space<vmem>>, vector<16xi32>,
        %parallel_loop3A_574 = tpu.vector_load_idx %arg8[%parallel_loop3A_573] : memref<50000xf32, #tpu.memory_space<vmem>>[vector<16xi32>], vector<16xf32>,
        %parallel_loop3A_575 = arith.index_cast %parallel_loop3A_566 : i32 to index
        %parallel_loop3A_576 = arith.index_cast %parallel_loop3A_568 : i32 to index
        %parallel_loop3A_577 = tpu.vector_load %arg12[%parallel_loop3A_575, %parallel_loop3A_576] {strides = array<i32>} : memref<8x512xf32, #tpu.memory_space<vmem>>, vector<16xf32>,
        tpu.vector_store %arg12[%parallel_loop3A_575, %parallel_loop3A_576], %parallel_loop3A_574 {strides = array<i32>} : memref<8x512xf32, #tpu.memory_space<vmem>>, vector<16xf32>,
      } {sc.loop_unroll_factor = 8 : i64, sc.parallel_access}
      %dma_start3A_393 = arith.constant 48 : i32
      %dma_start3A_394 = arith.constant 0 : i32
      %dma_start3A_395 = tpu.memref_slice %arg5[%add3A_164, %dma_start3A_393, %dma_start3A_394] : memref<1000x104x512xf32, #tpu.memory_space<hbm>> -> memref<1x8x512xf32, #tpu.memory_space<hbm>>
      %dma_start3A_396 = tpu.memref_squeeze %dma_start3A_395 : memref<1x8x512xf32, #tpu.memory_space<hbm>> -> memref<8x512xf32, #tpu.memory_space<hbm>>
      %dma_start3A_397 = arith.constant 48 : i32
      %dma_start3A_398 = arith.constant 0 : i32
      %dma_start3A_399 = tpu.memref_slice %arg5[%add3A_164, %dma_start3A_397, %dma_start3A_398] : memref<1000x104x512xf32, #tpu.memory_space<hbm>> -> memref<1x8x512xf32, #tpu.memory_space<hbm>>
      %dma_start3A_400 = tpu.memref_squeeze %dma_start3A_399 : memref<1x8x512xf32, #tpu.memory_space<hbm>> -> memref<8x512xf32, #tpu.memory_space<hbm>>
      tpu.enqueue_dma source(%arg12 : memref<8x512xf32, #tpu.memory_space<vmem>>) target(%dma_start3A_400 : memref<8x512xf32, #tpu.memory_space<hbm>>) target_semaphore(%arg20 : memref<!tpu.dma_semaphore, #tpu.memory_space<semaphore_mem>>)
      %dma_wait3A_401 = arith.constant 28000 : i32
      %dma_wait3A_402 = tpu.memref_slice %arg7[%dma_wait3A_401] : memref<52096xi32, #tpu.memory_space<vmem_shared>> -> memref<4096xi32, #tpu.memory_space<vmem_shared>>
      %dma_wait3A_403 = arith.constant 28000 : i32
      %dma_wait3A_404 = tpu.memref_slice %arg7[%dma_wait3A_403] : memref<52096xi32, #tpu.memory_space<vmem_shared>> -> memref<4096xi32, #tpu.memory_space<vmem_shared>>
      tpu.wait_dma2 semaphore(%arg17 : memref<!tpu.dma_semaphore, #tpu.memory_space<semaphore_mem>>) src(%dma_wait3A_404 : memref<4096xi32, #tpu.memory_space<vmem_shared>>) dst(%arg11 : memref<4096xi32, #tpu.memory_space<vmem>>)
      %dma_start3A_405 = arith.constant 32000 : i32
      %dma_start3A_406 = tpu.memref_slice %arg7[%dma_start3A_405] : memref<52096xi32, #tpu.memory_space<vmem_shared>> -> memref<4096xi32, #tpu.memory_space<vmem_shared>>
      %dma_start3A_407 = arith.constant 32000 : i32
      %dma_start3A_408 = tpu.memref_slice %arg7[%dma_start3A_407] : memref<52096xi32, #tpu.memory_space<vmem_shared>> -> memref<4096xi32, #tpu.memory_space<vmem_shared>>
      tpu.enqueue_dma source(%dma_start3A_408 : memref<4096xi32, #tpu.memory_space<vmem_shared>>) target(%arg10 : memref<4096xi32, #tpu.memory_space<vmem>>) target_semaphore(%arg17 : memref<!tpu.dma_semaphore, #tpu.memory_space<semaphore_mem>>)
      %dma_wait3A_409 = arith.constant 40 : i32
      %dma_wait3A_410 = arith.constant 0 : i32
      %dma_wait3A_411 = tpu.memref_slice %arg5[%add3A_164, %dma_wait3A_409, %dma_wait3A_410] : memref<1000x104x512xf32, #tpu.memory_space<hbm>> -> memref<1x8x512xf32, #tpu.memory_space<hbm>>
      %dma_wait3A_412 = tpu.memref_squeeze %dma_wait3A_411 : memref<1x8x512xf32, #tpu.memory_space<hbm>> -> memref<8x512xf32, #tpu.memory_space<hbm>>
      %dma_wait3A_413 = arith.constant 40 : i32
      %dma_wait3A_414 = arith.constant 0 : i32
      %dma_wait3A_415 = tpu.memref_slice %arg5[%add3A_164, %dma_wait3A_413, %dma_wait3A_414] : memref<1000x104x512xf32, #tpu.memory_space<hbm>> -> memref<1x8x512xf32, #tpu.memory_space<hbm>>
      %dma_wait3A_416 = tpu.memref_squeeze %dma_wait3A_415 : memref<1x8x512xf32, #tpu.memory_space<hbm>> -> memref<8x512xf32, #tpu.memory_space<hbm>>
      tpu.wait_dma2 semaphore(%arg21 : memref<!tpu.dma_semaphore, #tpu.memory_space<semaphore_mem>>) src(%arg13 : memref<8x512xf32, #tpu.memory_space<vmem>>) dst(%dma_wait3A_416 : memref<8x512xf32, #tpu.memory_space<hbm>>)
      %parallel_loop3A_417 = arith.constant 0 : i32
      %parallel_loop3A_418 = arith.constant 4096 : i32
      %parallel_loop3A_419 = arith.constant 16 : i32
      scf.for %parallel_loop3A_564 = %parallel_loop3A_417 to %parallel_loop3A_418 step %parallel_loop3A_419  : i32 {
        %parallel_loop3A_565 = arith.constant 9 : i32
        %parallel_loop3A_566 = arith.shrsi %parallel_loop3A_564, %parallel_loop3A_565 : i32
        %parallel_loop3A_567 = arith.constant 511 : i32
        %parallel_loop3A_568 = arith.andi %parallel_loop3A_564, %parallel_loop3A_567 : i32
        %parallel_loop3A_569 = arith.constant 500 : i32
        %parallel_loop3A_570 = arith.muli %parallel_loop3A_566, %parallel_loop3A_569 : i32
        %parallel_loop3A_571 = arith.addi %parallel_loop3A_570, %parallel_loop3A_568 : i32
        %parallel_loop3A_572 = arith.index_cast %parallel_loop3A_571 : i32 to index
        %parallel_loop3A_573 = tpu.vector_load %arg11[%parallel_loop3A_572] {strides = array<i32>} : memref<4096xi32, #tpu.memory_space<vmem>>, vector<16xi32>,
        %parallel_loop3A_574 = tpu.vector_load_idx %arg8[%parallel_loop3A_573] : memref<50000xf32, #tpu.memory_space<vmem>>[vector<16xi32>], vector<16xf32>,
        %parallel_loop3A_575 = arith.index_cast %parallel_loop3A_566 : i32 to index
        %parallel_loop3A_576 = arith.index_cast %parallel_loop3A_568 : i32 to index
        %parallel_loop3A_577 = tpu.vector_load %arg13[%parallel_loop3A_575, %parallel_loop3A_576] {strides = array<i32>} : memref<8x512xf32, #tpu.memory_space<vmem>>, vector<16xf32>,
        tpu.vector_store %arg13[%parallel_loop3A_575, %parallel_loop3A_576], %parallel_loop3A_574 {strides = array<i32>} : memref<8x512xf32, #tpu.memory_space<vmem>>, vector<16xf32>,
      } {sc.loop_unroll_factor = 8 : i64, sc.parallel_access}
      %dma_start3A_420 = arith.constant 56 : i32
      %dma_start3A_421 = arith.constant 0 : i32
      %dma_start3A_422 = tpu.memref_slice %arg5[%add3A_164, %dma_start3A_420, %dma_start3A_421] : memref<1000x104x512xf32, #tpu.memory_space<hbm>> -> memref<1x8x512xf32, #tpu.memory_space<hbm>>
      %dma_start3A_423 = tpu.memref_squeeze %dma_start3A_422 : memref<1x8x512xf32, #tpu.memory_space<hbm>> -> memref<8x512xf32, #tpu.memory_space<hbm>>
      %dma_start3A_424 = arith.constant 56 : i32
      %dma_start3A_425 = arith.constant 0 : i32
      %dma_start3A_426 = tpu.memref_slice %arg5[%add3A_164, %dma_start3A_424, %dma_start3A_425] : memref<1000x104x512xf32, #tpu.memory_space<hbm>> -> memref<1x8x512xf32, #tpu.memory_space<hbm>>
      %dma_start3A_427 = tpu.memref_squeeze %dma_start3A_426 : memref<1x8x512xf32, #tpu.memory_space<hbm>> -> memref<8x512xf32, #tpu.memory_space<hbm>>
      tpu.enqueue_dma source(%arg13 : memref<8x512xf32, #tpu.memory_space<vmem>>) target(%dma_start3A_427 : memref<8x512xf32, #tpu.memory_space<hbm>>) target_semaphore(%arg21 : memref<!tpu.dma_semaphore, #tpu.memory_space<semaphore_mem>>)
      %dma_wait3A_428 = arith.constant 32000 : i32
      %dma_wait3A_429 = tpu.memref_slice %arg7[%dma_wait3A_428] : memref<52096xi32, #tpu.memory_space<vmem_shared>> -> memref<4096xi32, #tpu.memory_space<vmem_shared>>
      %dma_wait3A_430 = arith.constant 32000 : i32
      %dma_wait3A_431 = tpu.memref_slice %arg7[%dma_wait3A_430] : memref<52096xi32, #tpu.memory_space<vmem_shared>> -> memref<4096xi32, #tpu.memory_space<vmem_shared>>
      tpu.wait_dma2 semaphore(%arg17 : memref<!tpu.dma_semaphore, #tpu.memory_space<semaphore_mem>>) src(%dma_wait3A_431 : memref<4096xi32, #tpu.memory_space<vmem_shared>>) dst(%arg10 : memref<4096xi32, #tpu.memory_space<vmem>>)
      %dma_start3A_432 = arith.constant 36000 : i32
      %dma_start3A_433 = tpu.memref_slice %arg7[%dma_start3A_432] : memref<52096xi32, #tpu.memory_space<vmem_shared>> -> memref<4096xi32, #tpu.memory_space<vmem_shared>>
      %dma_start3A_434 = arith.constant 36000 : i32
      %dma_start3A_435 = tpu.memref_slice %arg7[%dma_start3A_434] : memref<52096xi32, #tpu.memory_space<vmem_shared>> -> memref<4096xi32, #tpu.memory_space<vmem_shared>>
      tpu.enqueue_dma source(%dma_start3A_435 : memref<4096xi32, #tpu.memory_space<vmem_shared>>) target(%arg11 : memref<4096xi32, #tpu.memory_space<vmem>>) target_semaphore(%arg17 : memref<!tpu.dma_semaphore, #tpu.memory_space<semaphore_mem>>)
      %dma_wait3A_436 = arith.constant 48 : i32
      %dma_wait3A_437 = arith.constant 0 : i32
      %dma_wait3A_438 = tpu.memref_slice %arg5[%add3A_164, %dma_wait3A_436, %dma_wait3A_437] : memref<1000x104x512xf32, #tpu.memory_space<hbm>> -> memref<1x8x512xf32, #tpu.memory_space<hbm>>
      %dma_wait3A_439 = tpu.memref_squeeze %dma_wait3A_438 : memref<1x8x512xf32, #tpu.memory_space<hbm>> -> memref<8x512xf32, #tpu.memory_space<hbm>>
      %dma_wait3A_440 = arith.constant 48 : i32
      %dma_wait3A_441 = arith.constant 0 : i32
      %dma_wait3A_442 = tpu.memref_slice %arg5[%add3A_164, %dma_wait3A_440, %dma_wait3A_441] : memref<1000x104x512xf32, #tpu.memory_space<hbm>> -> memref<1x8x512xf32, #tpu.memory_space<hbm>>
      %dma_wait3A_443 = tpu.memref_squeeze %dma_wait3A_442 : memref<1x8x512xf32, #tpu.memory_space<hbm>> -> memref<8x512xf32, #tpu.memory_space<hbm>>
      tpu.wait_dma2 semaphore(%arg20 : memref<!tpu.dma_semaphore, #tpu.memory_space<semaphore_mem>>) src(%arg12 : memref<8x512xf32, #tpu.memory_space<vmem>>) dst(%dma_wait3A_443 : memref<8x512xf32, #tpu.memory_space<hbm>>)
      %parallel_loop3A_444 = arith.constant 0 : i32
      %parallel_loop3A_445 = arith.constant 4096 : i32
      %parallel_loop3A_446 = arith.constant 16 : i32
      scf.for %parallel_loop3A_564 = %parallel_loop3A_444 to %parallel_loop3A_445 step %parallel_loop3A_446  : i32 {
        %parallel_loop3A_565 = arith.constant 9 : i32
        %parallel_loop3A_566 = arith.shrsi %parallel_loop3A_564, %parallel_loop3A_565 : i32
        %parallel_loop3A_567 = arith.constant 511 : i32
        %parallel_loop3A_568 = arith.andi %parallel_loop3A_564, %parallel_loop3A_567 : i32
        %parallel_loop3A_569 = arith.constant 500 : i32
        %parallel_loop3A_570 = arith.muli %parallel_loop3A_566, %parallel_loop3A_569 : i32
        %parallel_loop3A_571 = arith.addi %parallel_loop3A_570, %parallel_loop3A_568 : i32
        %parallel_loop3A_572 = arith.index_cast %parallel_loop3A_571 : i32 to index
        %parallel_loop3A_573 = tpu.vector_load %arg10[%parallel_loop3A_572] {strides = array<i32>} : memref<4096xi32, #tpu.memory_space<vmem>>, vector<16xi32>,
        %parallel_loop3A_574 = tpu.vector_load_idx %arg8[%parallel_loop3A_573] : memref<50000xf32, #tpu.memory_space<vmem>>[vector<16xi32>], vector<16xf32>,
        %parallel_loop3A_575 = arith.index_cast %parallel_loop3A_566 : i32 to index
        %parallel_loop3A_576 = arith.index_cast %parallel_loop3A_568 : i32 to index
        %parallel_loop3A_577 = tpu.vector_load %arg12[%parallel_loop3A_575, %parallel_loop3A_576] {strides = array<i32>} : memref<8x512xf32, #tpu.memory_space<vmem>>, vector<16xf32>,
        tpu.vector_store %arg12[%parallel_loop3A_575, %parallel_loop3A_576], %parallel_loop3A_574 {strides = array<i32>} : memref<8x512xf32, #tpu.memory_space<vmem>>, vector<16xf32>,
      } {sc.loop_unroll_factor = 8 : i64, sc.parallel_access}
      %dma_start3A_447 = arith.constant 64 : i32
      %dma_start3A_448 = arith.constant 0 : i32
      %dma_start3A_449 = tpu.memref_slice %arg5[%add3A_164, %dma_start3A_447, %dma_start3A_448] : memref<1000x104x512xf32, #tpu.memory_space<hbm>> -> memref<1x8x512xf32, #tpu.memory_space<hbm>>
      %dma_start3A_450 = tpu.memref_squeeze %dma_start3A_449 : memref<1x8x512xf32, #tpu.memory_space<hbm>> -> memref<8x512xf32, #tpu.memory_space<hbm>>
      %dma_start3A_451 = arith.constant 64 : i32
      %dma_start3A_452 = arith.constant 0 : i32
      %dma_start3A_453 = tpu.memref_slice %arg5[%add3A_164, %dma_start3A_451, %dma_start3A_452] : memref<1000x104x512xf32, #tpu.memory_space<hbm>> -> memref<1x8x512xf32, #tpu.memory_space<hbm>>
      %dma_start3A_454 = tpu.memref_squeeze %dma_start3A_453 : memref<1x8x512xf32, #tpu.memory_space<hbm>> -> memref<8x512xf32, #tpu.memory_space<hbm>>
      tpu.enqueue_dma source(%arg12 : memref<8x512xf32, #tpu.memory_space<vmem>>) target(%dma_start3A_454 : memref<8x512xf32, #tpu.memory_space<hbm>>) target_semaphore(%arg20 : memref<!tpu.dma_semaphore, #tpu.memory_space<semaphore_mem>>)
      %dma_wait3A_455 = arith.constant 36000 : i32
      %dma_wait3A_456 = tpu.memref_slice %arg7[%dma_wait3A_455] : memref<52096xi32, #tpu.memory_space<vmem_shared>> -> memref<4096xi32, #tpu.memory_space<vmem_shared>>
      %dma_wait3A_457 = arith.constant 36000 : i32
      %dma_wait3A_458 = tpu.memref_slice %arg7[%dma_wait3A_457] : memref<52096xi32, #tpu.memory_space<vmem_shared>> -> memref<4096xi32, #tpu.memory_space<vmem_shared>>
      tpu.wait_dma2 semaphore(%arg17 : memref<!tpu.dma_semaphore, #tpu.memory_space<semaphore_mem>>) src(%dma_wait3A_458 : memref<4096xi32, #tpu.memory_space<vmem_shared>>) dst(%arg11 : memref<4096xi32, #tpu.memory_space<vmem>>)
      %dma_start3A_459 = arith.constant 40000 : i32
      %dma_start3A_460 = tpu.memref_slice %arg7[%dma_start3A_459] : memref<52096xi32, #tpu.memory_space<vmem_shared>> -> memref<4096xi32, #tpu.memory_space<vmem_shared>>
      %dma_start3A_461 = arith.constant 40000 : i32
      %dma_start3A_462 = tpu.memref_slice %arg7[%dma_start3A_461] : memref<52096xi32, #tpu.memory_space<vmem_shared>> -> memref<4096xi32, #tpu.memory_space<vmem_shared>>
      tpu.enqueue_dma source(%dma_start3A_462 : memref<4096xi32, #tpu.memory_space<vmem_shared>>) target(%arg10 : memref<4096xi32, #tpu.memory_space<vmem>>) target_semaphore(%arg17 : memref<!tpu.dma_semaphore, #tpu.memory_space<semaphore_mem>>)
      %dma_wait3A_463 = arith.constant 56 : i32
      %dma_wait3A_464 = arith.constant 0 : i32
      %dma_wait3A_465 = tpu.memref_slice %arg5[%add3A_164, %dma_wait3A_463, %dma_wait3A_464] : memref<1000x104x512xf32, #tpu.memory_space<hbm>> -> memref<1x8x512xf32, #tpu.memory_space<hbm>>
      %dma_wait3A_466 = tpu.memref_squeeze %dma_wait3A_465 : memref<1x8x512xf32, #tpu.memory_space<hbm>> -> memref<8x512xf32, #tpu.memory_space<hbm>>
      %dma_wait3A_467 = arith.constant 56 : i32
      %dma_wait3A_468 = arith.constant 0 : i32
      %dma_wait3A_469 = tpu.memref_slice %arg5[%add3A_164, %dma_wait3A_467, %dma_wait3A_468] : memref<1000x104x512xf32, #tpu.memory_space<hbm>> -> memref<1x8x512xf32, #tpu.memory_space<hbm>>
      %dma_wait3A_470 = tpu.memref_squeeze %dma_wait3A_469 : memref<1x8x512xf32, #tpu.memory_space<hbm>> -> memref<8x512xf32, #tpu.memory_space<hbm>>
      tpu.wait_dma2 semaphore(%arg21 : memref<!tpu.dma_semaphore, #tpu.memory_space<semaphore_mem>>) src(%arg13 : memref<8x512xf32, #tpu.memory_space<vmem>>) dst(%dma_wait3A_470 : memref<8x512xf32, #tpu.memory_space<hbm>>)
      %parallel_loop3A_471 = arith.constant 0 : i32
      %parallel_loop3A_472 = arith.constant 4096 : i32
      %parallel_loop3A_473 = arith.constant 16 : i32
      scf.for %parallel_loop3A_564 = %parallel_loop3A_471 to %parallel_loop3A_472 step %parallel_loop3A_473  : i32 {
        %parallel_loop3A_565 = arith.constant 9 : i32
        %parallel_loop3A_566 = arith.shrsi %parallel_loop3A_564, %parallel_loop3A_565 : i32
        %parallel_loop3A_567 = arith.constant 511 : i32
        %parallel_loop3A_568 = arith.andi %parallel_loop3A_564, %parallel_loop3A_567 : i32
        %parallel_loop3A_569 = arith.constant 500 : i32
        %parallel_loop3A_570 = arith.muli %parallel_loop3A_566, %parallel_loop3A_569 : i32
        %parallel_loop3A_571 = arith.addi %parallel_loop3A_570, %parallel_loop3A_568 : i32
        %parallel_loop3A_572 = arith.index_cast %parallel_loop3A_571 : i32 to index
        %parallel_loop3A_573 = tpu.vector_load %arg11[%parallel_loop3A_572] {strides = array<i32>} : memref<4096xi32, #tpu.memory_space<vmem>>, vector<16xi32>,
        %parallel_loop3A_574 = tpu.vector_load_idx %arg8[%parallel_loop3A_573] : memref<50000xf32, #tpu.memory_space<vmem>>[vector<16xi32>], vector<16xf32>,
        %parallel_loop3A_575 = arith.index_cast %parallel_loop3A_566 : i32 to index
        %parallel_loop3A_576 = arith.index_cast %parallel_loop3A_568 : i32 to index
        %parallel_loop3A_577 = tpu.vector_load %arg13[%parallel_loop3A_575, %parallel_loop3A_576] {strides = array<i32>} : memref<8x512xf32, #tpu.memory_space<vmem>>, vector<16xf32>,
        tpu.vector_store %arg13[%parallel_loop3A_575, %parallel_loop3A_576], %parallel_loop3A_574 {strides = array<i32>} : memref<8x512xf32, #tpu.memory_space<vmem>>, vector<16xf32>,
      } {sc.loop_unroll_factor = 8 : i64, sc.parallel_access}
      %dma_start3A_474 = arith.constant 72 : i32
      %dma_start3A_475 = arith.constant 0 : i32
      %dma_start3A_476 = tpu.memref_slice %arg5[%add3A_164, %dma_start3A_474, %dma_start3A_475] : memref<1000x104x512xf32, #tpu.memory_space<hbm>> -> memref<1x8x512xf32, #tpu.memory_space<hbm>>
      %dma_start3A_477 = tpu.memref_squeeze %dma_start3A_476 : memref<1x8x512xf32, #tpu.memory_space<hbm>> -> memref<8x512xf32, #tpu.memory_space<hbm>>
      %dma_start3A_478 = arith.constant 72 : i32
      %dma_start3A_479 = arith.constant 0 : i32
      %dma_start3A_480 = tpu.memref_slice %arg5[%add3A_164, %dma_start3A_478, %dma_start3A_479] : memref<1000x104x512xf32, #tpu.memory_space<hbm>> -> memref<1x8x512xf32, #tpu.memory_space<hbm>>
      %dma_start3A_481 = tpu.memref_squeeze %dma_start3A_480 : memref<1x8x512xf32, #tpu.memory_space<hbm>> -> memref<8x512xf32, #tpu.memory_space<hbm>>
      tpu.enqueue_dma source(%arg13 : memref<8x512xf32, #tpu.memory_space<vmem>>) target(%dma_start3A_481 : memref<8x512xf32, #tpu.memory_space<hbm>>) target_semaphore(%arg21 : memref<!tpu.dma_semaphore, #tpu.memory_space<semaphore_mem>>)
      %dma_wait3A_482 = arith.constant 40000 : i32
      %dma_wait3A_483 = tpu.memref_slice %arg7[%dma_wait3A_482] : memref<52096xi32, #tpu.memory_space<vmem_shared>> -> memref<4096xi32, #tpu.memory_space<vmem_shared>>
      %dma_wait3A_484 = arith.constant 40000 : i32
      %dma_wait3A_485 = tpu.memref_slice %arg7[%dma_wait3A_484] : memref<52096xi32, #tpu.memory_space<vmem_shared>> -> memref<4096xi32, #tpu.memory_space<vmem_shared>>
      tpu.wait_dma2 semaphore(%arg17 : memref<!tpu.dma_semaphore, #tpu.memory_space<semaphore_mem>>) src(%dma_wait3A_485 : memref<4096xi32, #tpu.memory_space<vmem_shared>>) dst(%arg10 : memref<4096xi32, #tpu.memory_space<vmem>>)
      %dma_start3A_486 = arith.constant 44000 : i32
      %dma_start3A_487 = tpu.memref_slice %arg7[%dma_start3A_486] : memref<52096xi32, #tpu.memory_space<vmem_shared>> -> memref<4096xi32, #tpu.memory_space<vmem_shared>>
      %dma_start3A_488 = arith.constant 44000 : i32
      %dma_start3A_489 = tpu.memref_slice %arg7[%dma_start3A_488] : memref<52096xi32, #tpu.memory_space<vmem_shared>> -> memref<4096xi32, #tpu.memory_space<vmem_shared>>
      tpu.enqueue_dma source(%dma_start3A_489 : memref<4096xi32, #tpu.memory_space<vmem_shared>>) target(%arg11 : memref<4096xi32, #tpu.memory_space<vmem>>) target_semaphore(%arg17 : memref<!tpu.dma_semaphore, #tpu.memory_space<semaphore_mem>>)
      %dma_wait3A_490 = arith.constant 64 : i32
      %dma_wait3A_491 = arith.constant 0 : i32
      %dma_wait3A_492 = tpu.memref_slice %arg5[%add3A_164, %dma_wait3A_490, %dma_wait3A_491] : memref<1000x104x512xf32, #tpu.memory_space<hbm>> -> memref<1x8x512xf32, #tpu.memory_space<hbm>>
      %dma_wait3A_493 = tpu.memref_squeeze %dma_wait3A_492 : memref<1x8x512xf32, #tpu.memory_space<hbm>> -> memref<8x512xf32, #tpu.memory_space<hbm>>
      %dma_wait3A_494 = arith.constant 64 : i32
      %dma_wait3A_495 = arith.constant 0 : i32
      %dma_wait3A_496 = tpu.memref_slice %arg5[%add3A_164, %dma_wait3A_494, %dma_wait3A_495] : memref<1000x104x512xf32, #tpu.memory_space<hbm>> -> memref<1x8x512xf32, #tpu.memory_space<hbm>>
      %dma_wait3A_497 = tpu.memref_squeeze %dma_wait3A_496 : memref<1x8x512xf32, #tpu.memory_space<hbm>> -> memref<8x512xf32, #tpu.memory_space<hbm>>
      tpu.wait_dma2 semaphore(%arg20 : memref<!tpu.dma_semaphore, #tpu.memory_space<semaphore_mem>>) src(%arg12 : memref<8x512xf32, #tpu.memory_space<vmem>>) dst(%dma_wait3A_497 : memref<8x512xf32, #tpu.memory_space<hbm>>)
      %parallel_loop3A_498 = arith.constant 0 : i32
      %parallel_loop3A_499 = arith.constant 4096 : i32
      %parallel_loop3A_500 = arith.constant 16 : i32
      scf.for %parallel_loop3A_564 = %parallel_loop3A_498 to %parallel_loop3A_499 step %parallel_loop3A_500  : i32 {
        %parallel_loop3A_565 = arith.constant 9 : i32
        %parallel_loop3A_566 = arith.shrsi %parallel_loop3A_564, %parallel_loop3A_565 : i32
        %parallel_loop3A_567 = arith.constant 511 : i32
        %parallel_loop3A_568 = arith.andi %parallel_loop3A_564, %parallel_loop3A_567 : i32
        %parallel_loop3A_569 = arith.constant 500 : i32
        %parallel_loop3A_570 = arith.muli %parallel_loop3A_566, %parallel_loop3A_569 : i32
        %parallel_loop3A_571 = arith.addi %parallel_loop3A_570, %parallel_loop3A_568 : i32
        %parallel_loop3A_572 = arith.index_cast %parallel_loop3A_571 : i32 to index
        %parallel_loop3A_573 = tpu.vector_load %arg10[%parallel_loop3A_572] {strides = array<i32>} : memref<4096xi32, #tpu.memory_space<vmem>>, vector<16xi32>,
        %parallel_loop3A_574 = tpu.vector_load_idx %arg8[%parallel_loop3A_573] : memref<50000xf32, #tpu.memory_space<vmem>>[vector<16xi32>], vector<16xf32>,
        %parallel_loop3A_575 = arith.index_cast %parallel_loop3A_566 : i32 to index
        %parallel_loop3A_576 = arith.index_cast %parallel_loop3A_568 : i32 to index
        %parallel_loop3A_577 = tpu.vector_load %arg12[%parallel_loop3A_575, %parallel_loop3A_576] {strides = array<i32>} : memref<8x512xf32, #tpu.memory_space<vmem>>, vector<16xf32>,
        tpu.vector_store %arg12[%parallel_loop3A_575, %parallel_loop3A_576], %parallel_loop3A_574 {strides = array<i32>} : memref<8x512xf32, #tpu.memory_space<vmem>>, vector<16xf32>,
      } {sc.loop_unroll_factor = 8 : i64, sc.parallel_access}
      %dma_start3A_501 = arith.constant 80 : i32
      %dma_start3A_502 = arith.constant 0 : i32
      %dma_start3A_503 = tpu.memref_slice %arg5[%add3A_164, %dma_start3A_501, %dma_start3A_502] : memref<1000x104x512xf32, #tpu.memory_space<hbm>> -> memref<1x8x512xf32, #tpu.memory_space<hbm>>
      %dma_start3A_504 = tpu.memref_squeeze %dma_start3A_503 : memref<1x8x512xf32, #tpu.memory_space<hbm>> -> memref<8x512xf32, #tpu.memory_space<hbm>>
      %dma_start3A_505 = arith.constant 80 : i32
      %dma_start3A_506 = arith.constant 0 : i32
      %dma_start3A_507 = tpu.memref_slice %arg5[%add3A_164, %dma_start3A_505, %dma_start3A_506] : memref<1000x104x512xf32, #tpu.memory_space<hbm>> -> memref<1x8x512xf32, #tpu.memory_space<hbm>>
      %dma_start3A_508 = tpu.memref_squeeze %dma_start3A_507 : memref<1x8x512xf32, #tpu.memory_space<hbm>> -> memref<8x512xf32, #tpu.memory_space<hbm>>
      tpu.enqueue_dma source(%arg12 : memref<8x512xf32, #tpu.memory_space<vmem>>) target(%dma_start3A_508 : memref<8x512xf32, #tpu.memory_space<hbm>>) target_semaphore(%arg20 : memref<!tpu.dma_semaphore, #tpu.memory_space<semaphore_mem>>)
      %dma_wait3A_509 = arith.constant 44000 : i32
      %dma_wait3A_510 = tpu.memref_slice %arg7[%dma_wait3A_509] : memref<52096xi32, #tpu.memory_space<vmem_shared>> -> memref<4096xi32, #tpu.memory_space<vmem_shared>>
      %dma_wait3A_511 = arith.constant 44000 : i32
      %dma_wait3A_512 = tpu.memref_slice %arg7[%dma_wait3A_511] : memref<52096xi32, #tpu.memory_space<vmem_shared>> -> memref<4096xi32, #tpu.memory_space<vmem_shared>>
      tpu.wait_dma2 semaphore(%arg17 : memref<!tpu.dma_semaphore, #tpu.memory_space<semaphore_mem>>) src(%dma_wait3A_512 : memref<4096xi32, #tpu.memory_space<vmem_shared>>) dst(%arg11 : memref<4096xi32, #tpu.memory_space<vmem>>)
      %dma_start3A_513 = arith.constant 48000 : i32
      %dma_start3A_514 = tpu.memref_slice %arg7[%dma_start3A_513] : memref<52096xi32, #tpu.memory_space<vmem_shared>> -> memref<4096xi32, #tpu.memory_space<vmem_shared>>
      %dma_start3A_515 = arith.constant 48000 : i32
      %dma_start3A_516 = tpu.memref_slice %arg7[%dma_start3A_515] : memref<52096xi32, #tpu.memory_space<vmem_shared>> -> memref<4096xi32, #tpu.memory_space<vmem_shared>>
      tpu.enqueue_dma source(%dma_start3A_516 : memref<4096xi32, #tpu.memory_space<vmem_shared>>) target(%arg10 : memref<4096xi32, #tpu.memory_space<vmem>>) target_semaphore(%arg17 : memref<!tpu.dma_semaphore, #tpu.memory_space<semaphore_mem>>)
      %dma_wait3A_517 = arith.constant 72 : i32
      %dma_wait3A_518 = arith.constant 0 : i32
      %dma_wait3A_519 = tpu.memref_slice %arg5[%add3A_164, %dma_wait3A_517, %dma_wait3A_518] : memref<1000x104x512xf32, #tpu.memory_space<hbm>> -> memref<1x8x512xf32, #tpu.memory_space<hbm>>
      %dma_wait3A_520 = tpu.memref_squeeze %dma_wait3A_519 : memref<1x8x512xf32, #tpu.memory_space<hbm>> -> memref<8x512xf32, #tpu.memory_space<hbm>>
      %dma_wait3A_521 = arith.constant 72 : i32
      %dma_wait3A_522 = arith.constant 0 : i32
      %dma_wait3A_523 = tpu.memref_slice %arg5[%add3A_164, %dma_wait3A_521, %dma_wait3A_522] : memref<1000x104x512xf32, #tpu.memory_space<hbm>> -> memref<1x8x512xf32, #tpu.memory_space<hbm>>
      %dma_wait3A_524 = tpu.memref_squeeze %dma_wait3A_523 : memref<1x8x512xf32, #tpu.memory_space<hbm>> -> memref<8x512xf32, #tpu.memory_space<hbm>>
      tpu.wait_dma2 semaphore(%arg21 : memref<!tpu.dma_semaphore, #tpu.memory_space<semaphore_mem>>) src(%arg13 : memref<8x512xf32, #tpu.memory_space<vmem>>) dst(%dma_wait3A_524 : memref<8x512xf32, #tpu.memory_space<hbm>>)
      %parallel_loop3A_525 = arith.constant 0 : i32
      %parallel_loop3A_526 = arith.constant 4096 : i32
      %parallel_loop3A_527 = arith.constant 16 : i32
      scf.for %parallel_loop3A_564 = %parallel_loop3A_525 to %parallel_loop3A_526 step %parallel_loop3A_527  : i32 {
        %parallel_loop3A_565 = arith.constant 9 : i32
        %parallel_loop3A_566 = arith.shrsi %parallel_loop3A_564, %parallel_loop3A_565 : i32
        %parallel_loop3A_567 = arith.constant 511 : i32
        %parallel_loop3A_568 = arith.andi %parallel_loop3A_564, %parallel_loop3A_567 : i32
        %parallel_loop3A_569 = arith.constant 500 : i32
        %parallel_loop3A_570 = arith.muli %parallel_loop3A_566, %parallel_loop3A_569 : i32
        %parallel_loop3A_571 = arith.addi %parallel_loop3A_570, %parallel_loop3A_568 : i32
        %parallel_loop3A_572 = arith.index_cast %parallel_loop3A_571 : i32 to index
        %parallel_loop3A_573 = tpu.vector_load %arg11[%parallel_loop3A_572] {strides = array<i32>} : memref<4096xi32, #tpu.memory_space<vmem>>, vector<16xi32>,
        %parallel_loop3A_574 = tpu.vector_load_idx %arg8[%parallel_loop3A_573] : memref<50000xf32, #tpu.memory_space<vmem>>[vector<16xi32>], vector<16xf32>,
        %parallel_loop3A_575 = arith.index_cast %parallel_loop3A_566 : i32 to index
        %parallel_loop3A_576 = arith.index_cast %parallel_loop3A_568 : i32 to index
        %parallel_loop3A_577 = tpu.vector_load %arg13[%parallel_loop3A_575, %parallel_loop3A_576] {strides = array<i32>} : memref<8x512xf32, #tpu.memory_space<vmem>>, vector<16xf32>,
        tpu.vector_store %arg13[%parallel_loop3A_575, %parallel_loop3A_576], %parallel_loop3A_574 {strides = array<i32>} : memref<8x512xf32, #tpu.memory_space<vmem>>, vector<16xf32>,
      } {sc.loop_unroll_factor = 8 : i64, sc.parallel_access}
      %dma_start3A_528 = arith.constant 88 : i32
      %dma_start3A_529 = arith.constant 0 : i32
      %dma_start3A_530 = tpu.memref_slice %arg5[%add3A_164, %dma_start3A_528, %dma_start3A_529] : memref<1000x104x512xf32, #tpu.memory_space<hbm>> -> memref<1x8x512xf32, #tpu.memory_space<hbm>>
      %dma_start3A_531 = tpu.memref_squeeze %dma_start3A_530 : memref<1x8x512xf32, #tpu.memory_space<hbm>> -> memref<8x512xf32, #tpu.memory_space<hbm>>
      %dma_start3A_532 = arith.constant 88 : i32
      %dma_start3A_533 = arith.constant 0 : i32
      %dma_start3A_534 = tpu.memref_slice %arg5[%add3A_164, %dma_start3A_532, %dma_start3A_533] : memref<1000x104x512xf32, #tpu.memory_space<hbm>> -> memref<1x8x512xf32, #tpu.memory_space<hbm>>
      %dma_start3A_535 = tpu.memref_squeeze %dma_start3A_534 : memref<1x8x512xf32, #tpu.memory_space<hbm>> -> memref<8x512xf32, #tpu.memory_space<hbm>>
      tpu.enqueue_dma source(%arg13 : memref<8x512xf32, #tpu.memory_space<vmem>>) target(%dma_start3A_535 : memref<8x512xf32, #tpu.memory_space<hbm>>) target_semaphore(%arg21 : memref<!tpu.dma_semaphore, #tpu.memory_space<semaphore_mem>>)
      %dma_wait3A_536 = arith.constant 48000 : i32
      %dma_wait3A_537 = tpu.memref_slice %arg7[%dma_wait3A_536] : memref<52096xi32, #tpu.memory_space<vmem_shared>> -> memref<4096xi32, #tpu.memory_space<vmem_shared>>
      %dma_wait3A_538 = arith.constant 48000 : i32
      %dma_wait3A_539 = tpu.memref_slice %arg7[%dma_wait3A_538] : memref<52096xi32, #tpu.memory_space<vmem_shared>> -> memref<4096xi32, #tpu.memory_space<vmem_shared>>
      tpu.wait_dma2 semaphore(%arg17 : memref<!tpu.dma_semaphore, #tpu.memory_space<semaphore_mem>>) src(%dma_wait3A_539 : memref<4096xi32, #tpu.memory_space<vmem_shared>>) dst(%arg10 : memref<4096xi32, #tpu.memory_space<vmem>>)
      %dma_wait3A_540 = arith.constant 80 : i32
      %dma_wait3A_541 = arith.constant 0 : i32
      %dma_wait3A_542 = tpu.memref_slice %arg5[%add3A_164, %dma_wait3A_540, %dma_wait3A_541] : memref<1000x104x512xf32, #tpu.memory_space<hbm>> -> memref<1x8x512xf32, #tpu.memory_space<hbm>>
      %dma_wait3A_543 = tpu.memref_squeeze %dma_wait3A_542 : memref<1x8x512xf32, #tpu.memory_space<hbm>> -> memref<8x512xf32, #tpu.memory_space<hbm>>
      %dma_wait3A_544 = arith.constant 80 : i32
      %dma_wait3A_545 = arith.constant 0 : i32
      %dma_wait3A_546 = tpu.memref_slice %arg5[%add3A_164, %dma_wait3A_544, %dma_wait3A_545] : memref<1000x104x512xf32, #tpu.memory_space<hbm>> -> memref<1x8x512xf32, #tpu.memory_space<hbm>>
      %dma_wait3A_547 = tpu.memref_squeeze %dma_wait3A_546 : memref<1x8x512xf32, #tpu.memory_space<hbm>> -> memref<8x512xf32, #tpu.memory_space<hbm>>
      tpu.wait_dma2 semaphore(%arg20 : memref<!tpu.dma_semaphore, #tpu.memory_space<semaphore_mem>>) src(%arg12 : memref<8x512xf32, #tpu.memory_space<vmem>>) dst(%dma_wait3A_547 : memref<8x512xf32, #tpu.memory_space<hbm>>)
      %parallel_loop3A_548 = arith.constant 0 : i32
      %parallel_loop3A_549 = arith.constant 4096 : i32
      %parallel_loop3A_550 = arith.constant 16 : i32
      scf.for %parallel_loop3A_564 = %parallel_loop3A_548 to %parallel_loop3A_549 step %parallel_loop3A_550  : i32 {
        %parallel_loop3A_565 = arith.constant 9 : i32
        %parallel_loop3A_566 = arith.shrsi %parallel_loop3A_564, %parallel_loop3A_565 : i32
        %parallel_loop3A_567 = arith.constant 511 : i32
        %parallel_loop3A_568 = arith.andi %parallel_loop3A_564, %parallel_loop3A_567 : i32
        %parallel_loop3A_569 = arith.constant 500 : i32
        %parallel_loop3A_570 = arith.muli %parallel_loop3A_566, %parallel_loop3A_569 : i32
        %parallel_loop3A_571 = arith.addi %parallel_loop3A_570, %parallel_loop3A_568 : i32
        %parallel_loop3A_572 = arith.index_cast %parallel_loop3A_571 : i32 to index
        %parallel_loop3A_573 = tpu.vector_load %arg10[%parallel_loop3A_572] {strides = array<i32>} : memref<4096xi32, #tpu.memory_space<vmem>>, vector<16xi32>,
        %parallel_loop3A_574 = tpu.vector_load_idx %arg8[%parallel_loop3A_573] : memref<50000xf32, #tpu.memory_space<vmem>>[vector<16xi32>], vector<16xf32>,
        %parallel_loop3A_575 = arith.index_cast %parallel_loop3A_566 : i32 to index
        %parallel_loop3A_576 = arith.index_cast %parallel_loop3A_568 : i32 to index
        %parallel_loop3A_577 = tpu.vector_load %arg12[%parallel_loop3A_575, %parallel_loop3A_576] {strides = array<i32>} : memref<8x512xf32, #tpu.memory_space<vmem>>, vector<16xf32>,
        tpu.vector_store %arg12[%parallel_loop3A_575, %parallel_loop3A_576], %parallel_loop3A_574 {strides = array<i32>} : memref<8x512xf32, #tpu.memory_space<vmem>>, vector<16xf32>,
      } {sc.loop_unroll_factor = 8 : i64, sc.parallel_access}
      %dma_start3A_551 = arith.constant 96 : i32
      %dma_start3A_552 = arith.constant 0 : i32
      %dma_start3A_553 = tpu.memref_slice %arg5[%add3A_164, %dma_start3A_551, %dma_start3A_552] : memref<1000x104x512xf32, #tpu.memory_space<hbm>> -> memref<1x8x512xf32, #tpu.memory_space<hbm>>
      %dma_start3A_554 = tpu.memref_squeeze %dma_start3A_553 : memref<1x8x512xf32, #tpu.memory_space<hbm>> -> memref<8x512xf32, #tpu.memory_space<hbm>>
      %dma_start3A_555 = arith.constant 96 : i32
      %dma_start3A_556 = arith.constant 0 : i32
      %dma_start3A_557 = tpu.memref_slice %arg5[%add3A_164, %dma_start3A_555, %dma_start3A_556] : memref<1000x104x512xf32, #tpu.memory_space<hbm>> -> memref<1x8x512xf32, #tpu.memory_space<hbm>>
      %dma_start3A_558 = tpu.memref_squeeze %dma_start3A_557 : memref<1x8x512xf32, #tpu.memory_space<hbm>> -> memref<8x512xf32, #tpu.memory_space<hbm>>
      tpu.enqueue_dma source(%arg12 : memref<8x512xf32, #tpu.memory_space<vmem>>) target(%dma_start3A_558 : memref<8x512xf32, #tpu.memory_space<hbm>>) target_semaphore(%arg20 : memref<!tpu.dma_semaphore, #tpu.memory_space<semaphore_mem>>)
      %lt3A_559 = arith.constant 1000 : i32
      %lt3A_560 = arith.cmpi slt, %add3A_166, %lt3A_559 : i32
      %convert_element_type3A_561 = arith.extui %lt3A_560 : i1 to i32
      %cond3A_562 = arith.constant 0 : i32
      %cond3A_563 = arith.cmpi ne, %convert_element_type3A_561, %cond3A_562 : i32
      scf.if %cond3A_563 {
        %jit3A_564 = arith.constant 50 : i32
        %div3A_565 = arith.divsi %add3A_166, %jit3A_564 : i32
        %sign3A_566 = arith.constant 0 : i32
        %sign3A_567 = arith.cmpi sgt, %add3A_166, %sign3A_566 : i32
        %sign3A_568 = arith.extui %sign3A_567 : i1 to i32
        %sign3A_569 = arith.constant 0 : i32
        %sign3A_570 = arith.cmpi slt, %add3A_166, %sign3A_569 : i32
        %sign3A_571 = arith.extui %sign3A_570 : i1 to i32
        %sign3A_572 = arith.subi %sign3A_568, %sign3A_571 : i32
        %sign3A_573 = arith.constant 0 : i32
        %sign3A_574 = arith.cmpi sgt, %jit3A_564, %sign3A_573 : i32
        %sign3A_575 = arith.extui %sign3A_574 : i1 to i32
        %sign3A_576 = arith.constant 0 : i32
        %sign3A_577 = arith.cmpi slt, %jit3A_564, %sign3A_576 : i32
        %sign3A_578 = arith.extui %sign3A_577 : i1 to i32
        %sign3A_579 = arith.subi %sign3A_575, %sign3A_578 : i32
        %ne3A_580 = arith.cmpi ne, %sign3A_572, %sign3A_579 : i32
        %rem3A_581 = arith.remsi %add3A_166, %jit3A_564 : i32
        %ne3A_582 = arith.constant 0 : i32
        %ne3A_583 = arith.cmpi ne, %rem3A_581, %ne3A_582 : i32
        %and3A_584 = arith.andi %ne3A_580, %ne3A_583 : i1
        %sub3A_585 = arith.constant 1 : i32
        %sub3A_586 = arith.subi %div3A_565, %sub3A_585 : i32
        %select_n3A_587 = arith.select %and3A_584, %sub3A_586, %div3A_565 : i32
        %jit3A_588 = arith.constant 50 : i32
        %eq3A_589 = arith.constant 0 : i32
        %eq3A_590 = arith.cmpi eq, %jit3A_588, %eq3A_589 : i32
        %jit3A_591 = arith.constant 1 : i32
        %select_n3A_592 = arith.select %eq3A_590, %jit3A_591, %jit3A_588 : i32
        %rem3A_593 = arith.remsi %add3A_166, %select_n3A_592 : i32
        %ne3A_594 = arith.constant 0 : i32
        %ne3A_595 = arith.cmpi ne, %rem3A_593, %ne3A_594 : i32
        %lt3A_596 = arith.constant 0 : i32
        %lt3A_597 = arith.cmpi slt, %rem3A_593, %lt3A_596 : i32
        %lt3A_598 = arith.constant 0 : i32
        %lt3A_599 = arith.cmpi slt, %select_n3A_592, %lt3A_598 : i32
        %ne3A_600 = arith.xori %lt3A_597, %lt3A_599 : i1
        %and3A_601 = arith.andi %ne3A_600, %ne3A_595 : i1
        %add3A_602 = arith.addi %rem3A_593, %select_n3A_592 : i32
        %select_n3A_603 = arith.select %and3A_601, %add3A_602, %rem3A_593 : i32
        %dma_wait3A_604 = arith.constant 0 : i32
        %dma_wait3A_605 = tpu.memref_slice %arg2[%select_n3A_587, %select_n3A_603, %dma_wait3A_604] : memref<20x50x50000xf32, #tpu.memory_space<hbm>> -> memref<1x1x50000xf32, #tpu.memory_space<hbm>>
        %dma_wait3A_606 = tpu.memref_squeeze %dma_wait3A_605 : memref<1x1x50000xf32, #tpu.memory_space<hbm>> -> memref<50000xf32, #tpu.memory_space<hbm>>
        %dma_wait3A_607 = arith.constant 0 : i32
        %dma_wait3A_608 = tpu.memref_slice %arg2[%select_n3A_587, %select_n3A_603, %dma_wait3A_607] : memref<20x50x50000xf32, #tpu.memory_space<hbm>> -> memref<1x1x50000xf32, #tpu.memory_space<hbm>>
        %dma_wait3A_609 = tpu.memref_squeeze %dma_wait3A_608 : memref<1x1x50000xf32, #tpu.memory_space<hbm>> -> memref<50000xf32, #tpu.memory_space<hbm>>
        tpu.wait_dma2 semaphore(%arg19 : memref<!tpu.dma_semaphore, #tpu.memory_space<semaphore_mem>>) src(%dma_wait3A_609 : memref<50000xf32, #tpu.memory_space<hbm>>) dst(%arg9 : memref<50000xf32, #tpu.memory_space<vmem>>)
        %add3A_610 = arith.constant 32 : i32
        %add3A_611 = arith.addi %add3A_166, %add3A_610 : i32
        %lt3A_612 = arith.constant 1000 : i32
        %lt3A_613 = arith.cmpi slt, %add3A_611, %lt3A_612 : i32
        %convert_element_type3A_614 = arith.extui %lt3A_613 : i1 to i32
        %cond3A_615 = arith.constant 0 : i32
        %cond3A_616 = arith.cmpi ne, %convert_element_type3A_614, %cond3A_615 : i32
        scf.if %cond3A_616 {
          %jit3A_968 = arith.constant 50 : i32
          %div3A_969 = arith.divsi %add3A_611, %jit3A_968 : i32
          %sign3A_970 = arith.constant 0 : i32
          %sign3A_971 = arith.cmpi sgt, %add3A_611, %sign3A_970 : i32
          %sign3A_972 = arith.extui %sign3A_971 : i1 to i32
          %sign3A_973 = arith.constant 0 : i32
          %sign3A_974 = arith.cmpi slt, %add3A_611, %sign3A_973 : i32
          %sign3A_975 = arith.extui %sign3A_974 : i1 to i32
          %sign3A_976 = arith.subi %sign3A_972, %sign3A_975 : i32
          %sign3A_977 = arith.constant 0 : i32
          %sign3A_978 = arith.cmpi sgt, %jit3A_968, %sign3A_977 : i32
          %sign3A_979 = arith.extui %sign3A_978 : i1 to i32
          %sign3A_980 = arith.constant 0 : i32
          %sign3A_981 = arith.cmpi slt, %jit3A_968, %sign3A_980 : i32
          %sign3A_982 = arith.extui %sign3A_981 : i1 to i32
          %sign3A_983 = arith.subi %sign3A_979, %sign3A_982 : i32
          %ne3A_984 = arith.cmpi ne, %sign3A_976, %sign3A_983 : i32
          %rem3A_985 = arith.remsi %add3A_611, %jit3A_968 : i32
          %ne3A_986 = arith.constant 0 : i32
          %ne3A_987 = arith.cmpi ne, %rem3A_985, %ne3A_986 : i32
          %and3A_988 = arith.andi %ne3A_984, %ne3A_987 : i1
          %sub3A_989 = arith.constant 1 : i32
          %sub3A_990 = arith.subi %div3A_969, %sub3A_989 : i32
          %select_n3A_991 = arith.select %and3A_988, %sub3A_990, %div3A_969 : i32
          %jit3A_992 = arith.constant 50 : i32
          %eq3A_993 = arith.constant 0 : i32
          %eq3A_994 = arith.cmpi eq, %jit3A_992, %eq3A_993 : i32
          %jit3A_995 = arith.constant 1 : i32
          %select_n3A_996 = arith.select %eq3A_994, %jit3A_995, %jit3A_992 : i32
          %rem3A_997 = arith.remsi %add3A_611, %select_n3A_996 : i32
          %ne3A_998 = arith.constant 0 : i32
          %ne3A_999 = arith.cmpi ne, %rem3A_997, %ne3A_998 : i32
          %lt3A_1000 = arith.constant 0 : i32
          %lt3A_1001 = arith.cmpi slt, %rem3A_997, %lt3A_1000 : i32
          %lt3A_1002 = arith.constant 0 : i32
          %lt3A_1003 = arith.cmpi slt, %select_n3A_996, %lt3A_1002 : i32
          %ne3A_1004 = arith.xori %lt3A_1001, %lt3A_1003 : i1
          %and3A_1005 = arith.andi %ne3A_1004, %ne3A_999 : i1
          %add3A_1006 = arith.addi %rem3A_997, %select_n3A_996 : i32
          %select_n3A_1007 = arith.select %and3A_1005, %add3A_1006, %rem3A_997 : i32
          %dma_start3A_1008 = arith.constant 0 : i32
          %dma_start3A_1009 = tpu.memref_slice %arg2[%select_n3A_991, %select_n3A_1007, %dma_start3A_1008] : memref<20x50x50000xf32, #tpu.memory_space<hbm>> -> memref<1x1x50000xf32, #tpu.memory_space<hbm>>
          %dma_start3A_1010 = tpu.memref_squeeze %dma_start3A_1009 : memref<1x1x50000xf32, #tpu.memory_space<hbm>> -> memref<50000xf32, #tpu.memory_space<hbm>>
          %dma_start3A_1011 = arith.constant 0 : i32
          %dma_start3A_1012 = tpu.memref_slice %arg2[%select_n3A_991, %select_n3A_1007, %dma_start3A_1011] : memref<20x50x50000xf32, #tpu.memory_space<hbm>> -> memref<1x1x50000xf32, #tpu.memory_space<hbm>>
          %dma_start3A_1013 = tpu.memref_squeeze %dma_start3A_1012 : memref<1x1x50000xf32, #tpu.memory_space<hbm>> -> memref<50000xf32, #tpu.memory_space<hbm>>
          tpu.enqueue_dma source(%dma_start3A_1013 : memref<50000xf32, #tpu.memory_space<hbm>>) target(%arg8 : memref<50000xf32, #tpu.memory_space<vmem>>) target_semaphore(%arg18 : memref<!tpu.dma_semaphore, #tpu.memory_space<semaphore_mem>>)
        } else {
        }
        %dma_start3A_617 = arith.constant 0 : i32
        %dma_start3A_618 = tpu.memref_slice %arg7[%dma_start3A_617] : memref<52096xi32, #tpu.memory_space<vmem_shared>> -> memref<4096xi32, #tpu.memory_space<vmem_shared>>
        %dma_start3A_619 = arith.constant 0 : i32
        %dma_start3A_620 = tpu.memref_slice %arg7[%dma_start3A_619] : memref<52096xi32, #tpu.memory_space<vmem_shared>> -> memref<4096xi32, #tpu.memory_space<vmem_shared>>
        tpu.enqueue_dma source(%dma_start3A_620 : memref<4096xi32, #tpu.memory_space<vmem_shared>>) target(%arg10 : memref<4096xi32, #tpu.memory_space<vmem>>) target_semaphore(%arg17 : memref<!tpu.dma_semaphore, #tpu.memory_space<semaphore_mem>>)
        %dma_wait3A_621 = arith.constant 0 : i32
        %dma_wait3A_622 = tpu.memref_slice %arg7[%dma_wait3A_621] : memref<52096xi32, #tpu.memory_space<vmem_shared>> -> memref<4096xi32, #tpu.memory_space<vmem_shared>>
        %dma_wait3A_623 = arith.constant 0 : i32
        %dma_wait3A_624 = tpu.memref_slice %arg7[%dma_wait3A_623] : memref<52096xi32, #tpu.memory_space<vmem_shared>> -> memref<4096xi32, #tpu.memory_space<vmem_shared>>
        tpu.wait_dma2 semaphore(%arg17 : memref<!tpu.dma_semaphore, #tpu.memory_space<semaphore_mem>>) src(%dma_wait3A_624 : memref<4096xi32, #tpu.memory_space<vmem_shared>>) dst(%arg10 : memref<4096xi32, #tpu.memory_space<vmem>>)
        %dma_start3A_625 = arith.constant 4000 : i32
        %dma_start3A_626 = tpu.memref_slice %arg7[%dma_start3A_625] : memref<52096xi32, #tpu.memory_space<vmem_shared>> -> memref<4096xi32, #tpu.memory_space<vmem_shared>>
        %dma_start3A_627 = arith.constant 4000 : i32
        %dma_start3A_628 = tpu.memref_slice %arg7[%dma_start3A_627] : memref<52096xi32, #tpu.memory_space<vmem_shared>> -> memref<4096xi32, #tpu.memory_space<vmem_shared>>
        tpu.enqueue_dma source(%dma_start3A_628 : memref<4096xi32, #tpu.memory_space<vmem_shared>>) target(%arg11 : memref<4096xi32, #tpu.memory_space<vmem>>) target_semaphore(%arg17 : memref<!tpu.dma_semaphore, #tpu.memory_space<semaphore_mem>>)
        %dma_wait3A_629 = arith.constant 88 : i32
        %dma_wait3A_630 = arith.constant 0 : i32
        %dma_wait3A_631 = tpu.memref_slice %arg5[%add3A_166, %dma_wait3A_629, %dma_wait3A_630] : memref<1000x104x512xf32, #tpu.memory_space<hbm>> -> memref<1x8x512xf32, #tpu.memory_space<hbm>>
        %dma_wait3A_632 = tpu.memref_squeeze %dma_wait3A_631 : memref<1x8x512xf32, #tpu.memory_space<hbm>> -> memref<8x512xf32, #tpu.memory_space<hbm>>
        %dma_wait3A_633 = arith.constant 88 : i32
        %dma_wait3A_634 = arith.constant 0 : i32
        %dma_wait3A_635 = tpu.memref_slice %arg5[%add3A_166, %dma_wait3A_633, %dma_wait3A_634] : memref<1000x104x512xf32, #tpu.memory_space<hbm>> -> memref<1x8x512xf32, #tpu.memory_space<hbm>>
        %dma_wait3A_636 = tpu.memref_squeeze %dma_wait3A_635 : memref<1x8x512xf32, #tpu.memory_space<hbm>> -> memref<8x512xf32, #tpu.memory_space<hbm>>
        tpu.wait_dma2 semaphore(%arg21 : memref<!tpu.dma_semaphore, #tpu.memory_space<semaphore_mem>>) src(%arg13 : memref<8x512xf32, #tpu.memory_space<vmem>>) dst(%dma_wait3A_636 : memref<8x512xf32, #tpu.memory_space<hbm>>)
        %parallel_loop3A_637 = arith.constant 0 : i32
        %parallel_loop3A_638 = arith.constant 4096 : i32
        %parallel_loop3A_639 = arith.constant 16 : i32
        scf.for %parallel_loop3A_968 = %parallel_loop3A_637 to %parallel_loop3A_638 step %parallel_loop3A_639  : i32 {
          %parallel_loop3A_969 = arith.constant 9 : i32
          %parallel_loop3A_970 = arith.shrsi %parallel_loop3A_968, %parallel_loop3A_969 : i32
          %parallel_loop3A_971 = arith.constant 511 : i32
          %parallel_loop3A_972 = arith.andi %parallel_loop3A_968, %parallel_loop3A_971 : i32
          %parallel_loop3A_973 = arith.constant 500 : i32
          %parallel_loop3A_974 = arith.muli %parallel_loop3A_970, %parallel_loop3A_973 : i32
          %parallel_loop3A_975 = arith.addi %parallel_loop3A_974, %parallel_loop3A_972 : i32
          %parallel_loop3A_976 = arith.index_cast %parallel_loop3A_975 : i32 to index
          %parallel_loop3A_977 = tpu.vector_load %arg10[%parallel_loop3A_976] {strides = array<i32>} : memref<4096xi32, #tpu.memory_space<vmem>>, vector<16xi32>,
          %parallel_loop3A_978 = tpu.vector_load_idx %arg9[%parallel_loop3A_977] : memref<50000xf32, #tpu.memory_space<vmem>>[vector<16xi32>], vector<16xf32>,
          %parallel_loop3A_979 = arith.index_cast %parallel_loop3A_970 : i32 to index
          %parallel_loop3A_980 = arith.index_cast %parallel_loop3A_972 : i32 to index
          %parallel_loop3A_981 = tpu.vector_load %arg12[%parallel_loop3A_979, %parallel_loop3A_980] {strides = array<i32>} : memref<8x512xf32, #tpu.memory_space<vmem>>, vector<16xf32>,
          tpu.vector_store %arg12[%parallel_loop3A_979, %parallel_loop3A_980], %parallel_loop3A_978 {strides = array<i32>} : memref<8x512xf32, #tpu.memory_space<vmem>>, vector<16xf32>,
        } {sc.loop_unroll_factor = 8 : i64, sc.parallel_access}
        %dma_start3A_640 = arith.constant 0 : i32
        %dma_start3A_641 = arith.constant 0 : i32
        %dma_start3A_642 = tpu.memref_slice %arg5[%add3A_166, %dma_start3A_640, %dma_start3A_641] : memref<1000x104x512xf32, #tpu.memory_space<hbm>> -> memref<1x8x512xf32, #tpu.memory_space<hbm>>
        %dma_start3A_643 = tpu.memref_squeeze %dma_start3A_642 : memref<1x8x512xf32, #tpu.memory_space<hbm>> -> memref<8x512xf32, #tpu.memory_space<hbm>>
        %dma_start3A_644 = arith.constant 0 : i32
        %dma_start3A_645 = arith.constant 0 : i32
        %dma_start3A_646 = tpu.memref_slice %arg5[%add3A_166, %dma_start3A_644, %dma_start3A_645] : memref<1000x104x512xf32, #tpu.memory_space<hbm>> -> memref<1x8x512xf32, #tpu.memory_space<hbm>>
        %dma_start3A_647 = tpu.memref_squeeze %dma_start3A_646 : memref<1x8x512xf32, #tpu.memory_space<hbm>> -> memref<8x512xf32, #tpu.memory_space<hbm>>
        tpu.enqueue_dma source(%arg12 : memref<8x512xf32, #tpu.memory_space<vmem>>) target(%dma_start3A_647 : memref<8x512xf32, #tpu.memory_space<hbm>>) target_semaphore(%arg20 : memref<!tpu.dma_semaphore, #tpu.memory_space<semaphore_mem>>)
        %dma_wait3A_648 = arith.constant 4000 : i32
        %dma_wait3A_649 = tpu.memref_slice %arg7[%dma_wait3A_648] : memref<52096xi32, #tpu.memory_space<vmem_shared>> -> memref<4096xi32, #tpu.memory_space<vmem_shared>>
        %dma_wait3A_650 = arith.constant 4000 : i32
        %dma_wait3A_651 = tpu.memref_slice %arg7[%dma_wait3A_650] : memref<52096xi32, #tpu.memory_space<vmem_shared>> -> memref<4096xi32, #tpu.memory_space<vmem_shared>>
        tpu.wait_dma2 semaphore(%arg17 : memref<!tpu.dma_semaphore, #tpu.memory_space<semaphore_mem>>) src(%dma_wait3A_651 : memref<4096xi32, #tpu.memory_space<vmem_shared>>) dst(%arg11 : memref<4096xi32, #tpu.memory_space<vmem>>)
        %dma_start3A_652 = arith.constant 8000 : i32
        %dma_start3A_653 = tpu.memref_slice %arg7[%dma_start3A_652] : memref<52096xi32, #tpu.memory_space<vmem_shared>> -> memref<4096xi32, #tpu.memory_space<vmem_shared>>
        %dma_start3A_654 = arith.constant 8000 : i32
        %dma_start3A_655 = tpu.memref_slice %arg7[%dma_start3A_654] : memref<52096xi32, #tpu.memory_space<vmem_shared>> -> memref<4096xi32, #tpu.memory_space<vmem_shared>>
        tpu.enqueue_dma source(%dma_start3A_655 : memref<4096xi32, #tpu.memory_space<vmem_shared>>) target(%arg10 : memref<4096xi32, #tpu.memory_space<vmem>>) target_semaphore(%arg17 : memref<!tpu.dma_semaphore, #tpu.memory_space<semaphore_mem>>)
        %dma_wait3A_656 = arith.constant 96 : i32
        %dma_wait3A_657 = arith.constant 0 : i32
        %dma_wait3A_658 = tpu.memref_slice %arg5[%add3A_166, %dma_wait3A_656, %dma_wait3A_657] : memref<1000x104x512xf32, #tpu.memory_space<hbm>> -> memref<1x8x512xf32, #tpu.memory_space<hbm>>
        %dma_wait3A_659 = tpu.memref_squeeze %dma_wait3A_658 : memref<1x8x512xf32, #tpu.memory_space<hbm>> -> memref<8x512xf32, #tpu.memory_space<hbm>>
        %dma_wait3A_660 = arith.constant 96 : i32
        %dma_wait3A_661 = arith.constant 0 : i32
        %dma_wait3A_662 = tpu.memref_slice %arg5[%add3A_166, %dma_wait3A_660, %dma_wait3A_661] : memref<1000x104x512xf32, #tpu.memory_space<hbm>> -> memref<1x8x512xf32, #tpu.memory_space<hbm>>
        %dma_wait3A_663 = tpu.memref_squeeze %dma_wait3A_662 : memref<1x8x512xf32, #tpu.memory_space<hbm>> -> memref<8x512xf32, #tpu.memory_space<hbm>>
        tpu.wait_dma2 semaphore(%arg20 : memref<!tpu.dma_semaphore, #tpu.memory_space<semaphore_mem>>) src(%arg12 : memref<8x512xf32, #tpu.memory_space<vmem>>) dst(%dma_wait3A_663 : memref<8x512xf32, #tpu.memory_space<hbm>>)
        %parallel_loop3A_664 = arith.constant 0 : i32
        %parallel_loop3A_665 = arith.constant 4096 : i32
        %parallel_loop3A_666 = arith.constant 16 : i32
        scf.for %parallel_loop3A_968 = %parallel_loop3A_664 to %parallel_loop3A_665 step %parallel_loop3A_666  : i32 {
          %parallel_loop3A_969 = arith.constant 9 : i32
          %parallel_loop3A_970 = arith.shrsi %parallel_loop3A_968, %parallel_loop3A_969 : i32
          %parallel_loop3A_971 = arith.constant 511 : i32
          %parallel_loop3A_972 = arith.andi %parallel_loop3A_968, %parallel_loop3A_971 : i32
          %parallel_loop3A_973 = arith.constant 500 : i32
          %parallel_loop3A_974 = arith.muli %parallel_loop3A_970, %parallel_loop3A_973 : i32
          %parallel_loop3A_975 = arith.addi %parallel_loop3A_974, %parallel_loop3A_972 : i32
          %parallel_loop3A_976 = arith.index_cast %parallel_loop3A_975 : i32 to index
          %parallel_loop3A_977 = tpu.vector_load %arg11[%parallel_loop3A_976] {strides = array<i32>} : memref<4096xi32, #tpu.memory_space<vmem>>, vector<16xi32>,
          %parallel_loop3A_978 = tpu.vector_load_idx %arg9[%parallel_loop3A_977] : memref<50000xf32, #tpu.memory_space<vmem>>[vector<16xi32>], vector<16xf32>,
          %parallel_loop3A_979 = arith.index_cast %parallel_loop3A_970 : i32 to index
          %parallel_loop3A_980 = arith.index_cast %parallel_loop3A_972 : i32 to index
          %parallel_loop3A_981 = tpu.vector_load %arg13[%parallel_loop3A_979, %parallel_loop3A_980] {strides = array<i32>} : memref<8x512xf32, #tpu.memory_space<vmem>>, vector<16xf32>,
          tpu.vector_store %arg13[%parallel_loop3A_979, %parallel_loop3A_980], %parallel_loop3A_978 {strides = array<i32>} : memref<8x512xf32, #tpu.memory_space<vmem>>, vector<16xf32>,
        } {sc.loop_unroll_factor = 8 : i64, sc.parallel_access}
        %dma_start3A_667 = arith.constant 8 : i32
        %dma_start3A_668 = arith.constant 0 : i32
        %dma_start3A_669 = tpu.memref_slice %arg5[%add3A_166, %dma_start3A_667, %dma_start3A_668] : memref<1000x104x512xf32, #tpu.memory_space<hbm>> -> memref<1x8x512xf32, #tpu.memory_space<hbm>>
        %dma_start3A_670 = tpu.memref_squeeze %dma_start3A_669 : memref<1x8x512xf32, #tpu.memory_space<hbm>> -> memref<8x512xf32, #tpu.memory_space<hbm>>
        %dma_start3A_671 = arith.constant 8 : i32
        %dma_start3A_672 = arith.constant 0 : i32
        %dma_start3A_673 = tpu.memref_slice %arg5[%add3A_166, %dma_start3A_671, %dma_start3A_672] : memref<1000x104x512xf32, #tpu.memory_space<hbm>> -> memref<1x8x512xf32, #tpu.memory_space<hbm>>
        %dma_start3A_674 = tpu.memref_squeeze %dma_start3A_673 : memref<1x8x512xf32, #tpu.memory_space<hbm>> -> memref<8x512xf32, #tpu.memory_space<hbm>>
        tpu.enqueue_dma source(%arg13 : memref<8x512xf32, #tpu.memory_space<vmem>>) target(%dma_start3A_674 : memref<8x512xf32, #tpu.memory_space<hbm>>) target_semaphore(%arg21 : memref<!tpu.dma_semaphore, #tpu.memory_space<semaphore_mem>>)
        %dma_wait3A_675 = arith.constant 8000 : i32
        %dma_wait3A_676 = tpu.memref_slice %arg7[%dma_wait3A_675] : memref<52096xi32, #tpu.memory_space<vmem_shared>> -> memref<4096xi32, #tpu.memory_space<vmem_shared>>
        %dma_wait3A_677 = arith.constant 8000 : i32
        %dma_wait3A_678 = tpu.memref_slice %arg7[%dma_wait3A_677] : memref<52096xi32, #tpu.memory_space<vmem_shared>> -> memref<4096xi32, #tpu.memory_space<vmem_shared>>
        tpu.wait_dma2 semaphore(%arg17 : memref<!tpu.dma_semaphore, #tpu.memory_space<semaphore_mem>>) src(%dma_wait3A_678 : memref<4096xi32, #tpu.memory_space<vmem_shared>>) dst(%arg10 : memref<4096xi32, #tpu.memory_space<vmem>>)
        %dma_start3A_679 = arith.constant 12000 : i32
        %dma_start3A_680 = tpu.memref_slice %arg7[%dma_start3A_679] : memref<52096xi32, #tpu.memory_space<vmem_shared>> -> memref<4096xi32, #tpu.memory_space<vmem_shared>>
        %dma_start3A_681 = arith.constant 12000 : i32
        %dma_start3A_682 = tpu.memref_slice %arg7[%dma_start3A_681] : memref<52096xi32, #tpu.memory_space<vmem_shared>> -> memref<4096xi32, #tpu.memory_space<vmem_shared>>
        tpu.enqueue_dma source(%dma_start3A_682 : memref<4096xi32, #tpu.memory_space<vmem_shared>>) target(%arg11 : memref<4096xi32, #tpu.memory_space<vmem>>) target_semaphore(%arg17 : memref<!tpu.dma_semaphore, #tpu.memory_space<semaphore_mem>>)
        %dma_wait3A_683 = arith.constant 0 : i32
        %dma_wait3A_684 = arith.constant 0 : i32
        %dma_wait3A_685 = tpu.memref_slice %arg5[%add3A_166, %dma_wait3A_683, %dma_wait3A_684] : memref<1000x104x512xf32, #tpu.memory_space<hbm>> -> memref<1x8x512xf32, #tpu.memory_space<hbm>>
        %dma_wait3A_686 = tpu.memref_squeeze %dma_wait3A_685 : memref<1x8x512xf32, #tpu.memory_space<hbm>> -> memref<8x512xf32, #tpu.memory_space<hbm>>
        %dma_wait3A_687 = arith.constant 0 : i32
        %dma_wait3A_688 = arith.constant 0 : i32
        %dma_wait3A_689 = tpu.memref_slice %arg5[%add3A_166, %dma_wait3A_687, %dma_wait3A_688] : memref<1000x104x512xf32, #tpu.memory_space<hbm>> -> memref<1x8x512xf32, #tpu.memory_space<hbm>>
        %dma_wait3A_690 = tpu.memref_squeeze %dma_wait3A_689 : memref<1x8x512xf32, #tpu.memory_space<hbm>> -> memref<8x512xf32, #tpu.memory_space<hbm>>
        tpu.wait_dma2 semaphore(%arg20 : memref<!tpu.dma_semaphore, #tpu.memory_space<semaphore_mem>>) src(%arg12 : memref<8x512xf32, #tpu.memory_space<vmem>>) dst(%dma_wait3A_690 : memref<8x512xf32, #tpu.memory_space<hbm>>)
        %parallel_loop3A_691 = arith.constant 0 : i32
        %parallel_loop3A_692 = arith.constant 4096 : i32
        %parallel_loop3A_693 = arith.constant 16 : i32
        scf.for %parallel_loop3A_968 = %parallel_loop3A_691 to %parallel_loop3A_692 step %parallel_loop3A_693  : i32 {
          %parallel_loop3A_969 = arith.constant 9 : i32
          %parallel_loop3A_970 = arith.shrsi %parallel_loop3A_968, %parallel_loop3A_969 : i32
          %parallel_loop3A_971 = arith.constant 511 : i32
          %parallel_loop3A_972 = arith.andi %parallel_loop3A_968, %parallel_loop3A_971 : i32
          %parallel_loop3A_973 = arith.constant 500 : i32
          %parallel_loop3A_974 = arith.muli %parallel_loop3A_970, %parallel_loop3A_973 : i32
          %parallel_loop3A_975 = arith.addi %parallel_loop3A_974, %parallel_loop3A_972 : i32
          %parallel_loop3A_976 = arith.index_cast %parallel_loop3A_975 : i32 to index
          %parallel_loop3A_977 = tpu.vector_load %arg10[%parallel_loop3A_976] {strides = array<i32>} : memref<4096xi32, #tpu.memory_space<vmem>>, vector<16xi32>,
          %parallel_loop3A_978 = tpu.vector_load_idx %arg9[%parallel_loop3A_977] : memref<50000xf32, #tpu.memory_space<vmem>>[vector<16xi32>], vector<16xf32>,
          %parallel_loop3A_979 = arith.index_cast %parallel_loop3A_970 : i32 to index
          %parallel_loop3A_980 = arith.index_cast %parallel_loop3A_972 : i32 to index
          %parallel_loop3A_981 = tpu.vector_load %arg12[%parallel_loop3A_979, %parallel_loop3A_980] {strides = array<i32>} : memref<8x512xf32, #tpu.memory_space<vmem>>, vector<16xf32>,
          tpu.vector_store %arg12[%parallel_loop3A_979, %parallel_loop3A_980], %parallel_loop3A_978 {strides = array<i32>} : memref<8x512xf32, #tpu.memory_space<vmem>>, vector<16xf32>,
        } {sc.loop_unroll_factor = 8 : i64, sc.parallel_access}
        %dma_start3A_694 = arith.constant 16 : i32
        %dma_start3A_695 = arith.constant 0 : i32
        %dma_start3A_696 = tpu.memref_slice %arg5[%add3A_166, %dma_start3A_694, %dma_start3A_695] : memref<1000x104x512xf32, #tpu.memory_space<hbm>> -> memref<1x8x512xf32, #tpu.memory_space<hbm>>
        %dma_start3A_697 = tpu.memref_squeeze %dma_start3A_696 : memref<1x8x512xf32, #tpu.memory_space<hbm>> -> memref<8x512xf32, #tpu.memory_space<hbm>>
        %dma_start3A_698 = arith.constant 16 : i32
        %dma_start3A_699 = arith.constant 0 : i32
        %dma_start3A_700 = tpu.memref_slice %arg5[%add3A_166, %dma_start3A_698, %dma_start3A_699] : memref<1000x104x512xf32, #tpu.memory_space<hbm>> -> memref<1x8x512xf32, #tpu.memory_space<hbm>>
        %dma_start3A_701 = tpu.memref_squeeze %dma_start3A_700 : memref<1x8x512xf32, #tpu.memory_space<hbm>> -> memref<8x512xf32, #tpu.memory_space<hbm>>
        tpu.enqueue_dma source(%arg12 : memref<8x512xf32, #tpu.memory_space<vmem>>) target(%dma_start3A_701 : memref<8x512xf32, #tpu.memory_space<hbm>>) target_semaphore(%arg20 : memref<!tpu.dma_semaphore, #tpu.memory_space<semaphore_mem>>)
        %dma_wait3A_702 = arith.constant 12000 : i32
        %dma_wait3A_703 = tpu.memref_slice %arg7[%dma_wait3A_702] : memref<52096xi32, #tpu.memory_space<vmem_shared>> -> memref<4096xi32, #tpu.memory_space<vmem_shared>>
        %dma_wait3A_704 = arith.constant 12000 : i32
        %dma_wait3A_705 = tpu.memref_slice %arg7[%dma_wait3A_704] : memref<52096xi32, #tpu.memory_space<vmem_shared>> -> memref<4096xi32, #tpu.memory_space<vmem_shared>>
        tpu.wait_dma2 semaphore(%arg17 : memref<!tpu.dma_semaphore, #tpu.memory_space<semaphore_mem>>) src(%dma_wait3A_705 : memref<4096xi32, #tpu.memory_space<vmem_shared>>) dst(%arg11 : memref<4096xi32, #tpu.memory_space<vmem>>)
        %dma_start3A_706 = arith.constant 16000 : i32
        %dma_start3A_707 = tpu.memref_slice %arg7[%dma_start3A_706] : memref<52096xi32, #tpu.memory_space<vmem_shared>> -> memref<4096xi32, #tpu.memory_space<vmem_shared>>
        %dma_start3A_708 = arith.constant 16000 : i32
        %dma_start3A_709 = tpu.memref_slice %arg7[%dma_start3A_708] : memref<52096xi32, #tpu.memory_space<vmem_shared>> -> memref<4096xi32, #tpu.memory_space<vmem_shared>>
        tpu.enqueue_dma source(%dma_start3A_709 : memref<4096xi32, #tpu.memory_space<vmem_shared>>) target(%arg10 : memref<4096xi32, #tpu.memory_space<vmem>>) target_semaphore(%arg17 : memref<!tpu.dma_semaphore, #tpu.memory_space<semaphore_mem>>)
        %dma_wait3A_710 = arith.constant 8 : i32
        %dma_wait3A_711 = arith.constant 0 : i32
        %dma_wait3A_712 = tpu.memref_slice %arg5[%add3A_166, %dma_wait3A_710, %dma_wait3A_711] : memref<1000x104x512xf32, #tpu.memory_space<hbm>> -> memref<1x8x512xf32, #tpu.memory_space<hbm>>
        %dma_wait3A_713 = tpu.memref_squeeze %dma_wait3A_712 : memref<1x8x512xf32, #tpu.memory_space<hbm>> -> memref<8x512xf32, #tpu.memory_space<hbm>>
        %dma_wait3A_714 = arith.constant 8 : i32
        %dma_wait3A_715 = arith.constant 0 : i32
        %dma_wait3A_716 = tpu.memref_slice %arg5[%add3A_166, %dma_wait3A_714, %dma_wait3A_715] : memref<1000x104x512xf32, #tpu.memory_space<hbm>> -> memref<1x8x512xf32, #tpu.memory_space<hbm>>
        %dma_wait3A_717 = tpu.memref_squeeze %dma_wait3A_716 : memref<1x8x512xf32, #tpu.memory_space<hbm>> -> memref<8x512xf32, #tpu.memory_space<hbm>>
        tpu.wait_dma2 semaphore(%arg21 : memref<!tpu.dma_semaphore, #tpu.memory_space<semaphore_mem>>) src(%arg13 : memref<8x512xf32, #tpu.memory_space<vmem>>) dst(%dma_wait3A_717 : memref<8x512xf32, #tpu.memory_space<hbm>>)
        %parallel_loop3A_718 = arith.constant 0 : i32
        %parallel_loop3A_719 = arith.constant 4096 : i32
        %parallel_loop3A_720 = arith.constant 16 : i32
        scf.for %parallel_loop3A_968 = %parallel_loop3A_718 to %parallel_loop3A_719 step %parallel_loop3A_720  : i32 {
          %parallel_loop3A_969 = arith.constant 9 : i32
          %parallel_loop3A_970 = arith.shrsi %parallel_loop3A_968, %parallel_loop3A_969 : i32
          %parallel_loop3A_971 = arith.constant 511 : i32
          %parallel_loop3A_972 = arith.andi %parallel_loop3A_968, %parallel_loop3A_971 : i32
          %parallel_loop3A_973 = arith.constant 500 : i32
          %parallel_loop3A_974 = arith.muli %parallel_loop3A_970, %parallel_loop3A_973 : i32
          %parallel_loop3A_975 = arith.addi %parallel_loop3A_974, %parallel_loop3A_972 : i32
          %parallel_loop3A_976 = arith.index_cast %parallel_loop3A_975 : i32 to index
          %parallel_loop3A_977 = tpu.vector_load %arg11[%parallel_loop3A_976] {strides = array<i32>} : memref<4096xi32, #tpu.memory_space<vmem>>, vector<16xi32>,
          %parallel_loop3A_978 = tpu.vector_load_idx %arg9[%parallel_loop3A_977] : memref<50000xf32, #tpu.memory_space<vmem>>[vector<16xi32>], vector<16xf32>,
          %parallel_loop3A_979 = arith.index_cast %parallel_loop3A_970 : i32 to index
          %parallel_loop3A_980 = arith.index_cast %parallel_loop3A_972 : i32 to index
          %parallel_loop3A_981 = tpu.vector_load %arg13[%parallel_loop3A_979, %parallel_loop3A_980] {strides = array<i32>} : memref<8x512xf32, #tpu.memory_space<vmem>>, vector<16xf32>,
          tpu.vector_store %arg13[%parallel_loop3A_979, %parallel_loop3A_980], %parallel_loop3A_978 {strides = array<i32>} : memref<8x512xf32, #tpu.memory_space<vmem>>, vector<16xf32>,
        } {sc.loop_unroll_factor = 8 : i64, sc.parallel_access}
        %dma_start3A_721 = arith.constant 24 : i32
        %dma_start3A_722 = arith.constant 0 : i32
        %dma_start3A_723 = tpu.memref_slice %arg5[%add3A_166, %dma_start3A_721, %dma_start3A_722] : memref<1000x104x512xf32, #tpu.memory_space<hbm>> -> memref<1x8x512xf32, #tpu.memory_space<hbm>>
        %dma_start3A_724 = tpu.memref_squeeze %dma_start3A_723 : memref<1x8x512xf32, #tpu.memory_space<hbm>> -> memref<8x512xf32, #tpu.memory_space<hbm>>
        %dma_start3A_725 = arith.constant 24 : i32
        %dma_start3A_726 = arith.constant 0 : i32
        %dma_start3A_727 = tpu.memref_slice %arg5[%add3A_166, %dma_start3A_725, %dma_start3A_726] : memref<1000x104x512xf32, #tpu.memory_space<hbm>> -> memref<1x8x512xf32, #tpu.memory_space<hbm>>
        %dma_start3A_728 = tpu.memref_squeeze %dma_start3A_727 : memref<1x8x512xf32, #tpu.memory_space<hbm>> -> memref<8x512xf32, #tpu.memory_space<hbm>>
        tpu.enqueue_dma source(%arg13 : memref<8x512xf32, #tpu.memory_space<vmem>>) target(%dma_start3A_728 : memref<8x512xf32, #tpu.memory_space<hbm>>) target_semaphore(%arg21 : memref<!tpu.dma_semaphore, #tpu.memory_space<semaphore_mem>>)
        %dma_wait3A_729 = arith.constant 16000 : i32
        %dma_wait3A_730 = tpu.memref_slice %arg7[%dma_wait3A_729] : memref<52096xi32, #tpu.memory_space<vmem_shared>> -> memref<4096xi32, #tpu.memory_space<vmem_shared>>
        %dma_wait3A_731 = arith.constant 16000 : i32
        %dma_wait3A_732 = tpu.memref_slice %arg7[%dma_wait3A_731] : memref<52096xi32, #tpu.memory_space<vmem_shared>> -> memref<4096xi32, #tpu.memory_space<vmem_shared>>
        tpu.wait_dma2 semaphore(%arg17 : memref<!tpu.dma_semaphore, #tpu.memory_space<semaphore_mem>>) src(%dma_wait3A_732 : memref<4096xi32, #tpu.memory_space<vmem_shared>>) dst(%arg10 : memref<4096xi32, #tpu.memory_space<vmem>>)
        %dma_start3A_733 = arith.constant 20000 : i32
        %dma_start3A_734 = tpu.memref_slice %arg7[%dma_start3A_733] : memref<52096xi32, #tpu.memory_space<vmem_shared>> -> memref<4096xi32, #tpu.memory_space<vmem_shared>>
        %dma_start3A_735 = arith.constant 20000 : i32
        %dma_start3A_736 = tpu.memref_slice %arg7[%dma_start3A_735] : memref<52096xi32, #tpu.memory_space<vmem_shared>> -> memref<4096xi32, #tpu.memory_space<vmem_shared>>
        tpu.enqueue_dma source(%dma_start3A_736 : memref<4096xi32, #tpu.memory_space<vmem_shared>>) target(%arg11 : memref<4096xi32, #tpu.memory_space<vmem>>) target_semaphore(%arg17 : memref<!tpu.dma_semaphore, #tpu.memory_space<semaphore_mem>>)
        %dma_wait3A_737 = arith.constant 16 : i32
        %dma_wait3A_738 = arith.constant 0 : i32
        %dma_wait3A_739 = tpu.memref_slice %arg5[%add3A_166, %dma_wait3A_737, %dma_wait3A_738] : memref<1000x104x512xf32, #tpu.memory_space<hbm>> -> memref<1x8x512xf32, #tpu.memory_space<hbm>>
        %dma_wait3A_740 = tpu.memref_squeeze %dma_wait3A_739 : memref<1x8x512xf32, #tpu.memory_space<hbm>> -> memref<8x512xf32, #tpu.memory_space<hbm>>
        %dma_wait3A_741 = arith.constant 16 : i32
        %dma_wait3A_742 = arith.constant 0 : i32
        %dma_wait3A_743 = tpu.memref_slice %arg5[%add3A_166, %dma_wait3A_741, %dma_wait3A_742] : memref<1000x104x512xf32, #tpu.memory_space<hbm>> -> memref<1x8x512xf32, #tpu.memory_space<hbm>>
        %dma_wait3A_744 = tpu.memref_squeeze %dma_wait3A_743 : memref<1x8x512xf32, #tpu.memory_space<hbm>> -> memref<8x512xf32, #tpu.memory_space<hbm>>
        tpu.wait_dma2 semaphore(%arg20 : memref<!tpu.dma_semaphore, #tpu.memory_space<semaphore_mem>>) src(%arg12 : memref<8x512xf32, #tpu.memory_space<vmem>>) dst(%dma_wait3A_744 : memref<8x512xf32, #tpu.memory_space<hbm>>)
        %parallel_loop3A_745 = arith.constant 0 : i32
        %parallel_loop3A_746 = arith.constant 4096 : i32
        %parallel_loop3A_747 = arith.constant 16 : i32
        scf.for %parallel_loop3A_968 = %parallel_loop3A_745 to %parallel_loop3A_746 step %parallel_loop3A_747  : i32 {
          %parallel_loop3A_969 = arith.constant 9 : i32
          %parallel_loop3A_970 = arith.shrsi %parallel_loop3A_968, %parallel_loop3A_969 : i32
          %parallel_loop3A_971 = arith.constant 511 : i32
          %parallel_loop3A_972 = arith.andi %parallel_loop3A_968, %parallel_loop3A_971 : i32
          %parallel_loop3A_973 = arith.constant 500 : i32
          %parallel_loop3A_974 = arith.muli %parallel_loop3A_970, %parallel_loop3A_973 : i32
          %parallel_loop3A_975 = arith.addi %parallel_loop3A_974, %parallel_loop3A_972 : i32
          %parallel_loop3A_976 = arith.index_cast %parallel_loop3A_975 : i32 to index
          %parallel_loop3A_977 = tpu.vector_load %arg10[%parallel_loop3A_976] {strides = array<i32>} : memref<4096xi32, #tpu.memory_space<vmem>>, vector<16xi32>,
          %parallel_loop3A_978 = tpu.vector_load_idx %arg9[%parallel_loop3A_977] : memref<50000xf32, #tpu.memory_space<vmem>>[vector<16xi32>], vector<16xf32>,
          %parallel_loop3A_979 = arith.index_cast %parallel_loop3A_970 : i32 to index
          %parallel_loop3A_980 = arith.index_cast %parallel_loop3A_972 : i32 to index
          %parallel_loop3A_981 = tpu.vector_load %arg12[%parallel_loop3A_979, %parallel_loop3A_980] {strides = array<i32>} : memref<8x512xf32, #tpu.memory_space<vmem>>, vector<16xf32>,
          tpu.vector_store %arg12[%parallel_loop3A_979, %parallel_loop3A_980], %parallel_loop3A_978 {strides = array<i32>} : memref<8x512xf32, #tpu.memory_space<vmem>>, vector<16xf32>,
        } {sc.loop_unroll_factor = 8 : i64, sc.parallel_access}
        %dma_start3A_748 = arith.constant 32 : i32
        %dma_start3A_749 = arith.constant 0 : i32
        %dma_start3A_750 = tpu.memref_slice %arg5[%add3A_166, %dma_start3A_748, %dma_start3A_749] : memref<1000x104x512xf32, #tpu.memory_space<hbm>> -> memref<1x8x512xf32, #tpu.memory_space<hbm>>
        %dma_start3A_751 = tpu.memref_squeeze %dma_start3A_750 : memref<1x8x512xf32, #tpu.memory_space<hbm>> -> memref<8x512xf32, #tpu.memory_space<hbm>>
        %dma_start3A_752 = arith.constant 32 : i32
        %dma_start3A_753 = arith.constant 0 : i32
        %dma_start3A_754 = tpu.memref_slice %arg5[%add3A_166, %dma_start3A_752, %dma_start3A_753] : memref<1000x104x512xf32, #tpu.memory_space<hbm>> -> memref<1x8x512xf32, #tpu.memory_space<hbm>>
        %dma_start3A_755 = tpu.memref_squeeze %dma_start3A_754 : memref<1x8x512xf32, #tpu.memory_space<hbm>> -> memref<8x512xf32, #tpu.memory_space<hbm>>
        tpu.enqueue_dma source(%arg12 : memref<8x512xf32, #tpu.memory_space<vmem>>) target(%dma_start3A_755 : memref<8x512xf32, #tpu.memory_space<hbm>>) target_semaphore(%arg20 : memref<!tpu.dma_semaphore, #tpu.memory_space<semaphore_mem>>)
        %dma_wait3A_756 = arith.constant 20000 : i32
        %dma_wait3A_757 = tpu.memref_slice %arg7[%dma_wait3A_756] : memref<52096xi32, #tpu.memory_space<vmem_shared>> -> memref<4096xi32, #tpu.memory_space<vmem_shared>>
        %dma_wait3A_758 = arith.constant 20000 : i32
        %dma_wait3A_759 = tpu.memref_slice %arg7[%dma_wait3A_758] : memref<52096xi32, #tpu.memory_space<vmem_shared>> -> memref<4096xi32, #tpu.memory_space<vmem_shared>>
        tpu.wait_dma2 semaphore(%arg17 : memref<!tpu.dma_semaphore, #tpu.memory_space<semaphore_mem>>) src(%dma_wait3A_759 : memref<4096xi32, #tpu.memory_space<vmem_shared>>) dst(%arg11 : memref<4096xi32, #tpu.memory_space<vmem>>)
        %dma_start3A_760 = arith.constant 24000 : i32
        %dma_start3A_761 = tpu.memref_slice %arg7[%dma_start3A_760] : memref<52096xi32, #tpu.memory_space<vmem_shared>> -> memref<4096xi32, #tpu.memory_space<vmem_shared>>
        %dma_start3A_762 = arith.constant 24000 : i32
        %dma_start3A_763 = tpu.memref_slice %arg7[%dma_start3A_762] : memref<52096xi32, #tpu.memory_space<vmem_shared>> -> memref<4096xi32, #tpu.memory_space<vmem_shared>>
        tpu.enqueue_dma source(%dma_start3A_763 : memref<4096xi32, #tpu.memory_space<vmem_shared>>) target(%arg10 : memref<4096xi32, #tpu.memory_space<vmem>>) target_semaphore(%arg17 : memref<!tpu.dma_semaphore, #tpu.memory_space<semaphore_mem>>)
        %dma_wait3A_764 = arith.constant 24 : i32
        %dma_wait3A_765 = arith.constant 0 : i32
        %dma_wait3A_766 = tpu.memref_slice %arg5[%add3A_166, %dma_wait3A_764, %dma_wait3A_765] : memref<1000x104x512xf32, #tpu.memory_space<hbm>> -> memref<1x8x512xf32, #tpu.memory_space<hbm>>
        %dma_wait3A_767 = tpu.memref_squeeze %dma_wait3A_766 : memref<1x8x512xf32, #tpu.memory_space<hbm>> -> memref<8x512xf32, #tpu.memory_space<hbm>>
        %dma_wait3A_768 = arith.constant 24 : i32
        %dma_wait3A_769 = arith.constant 0 : i32
        %dma_wait3A_770 = tpu.memref_slice %arg5[%add3A_166, %dma_wait3A_768, %dma_wait3A_769] : memref<1000x104x512xf32, #tpu.memory_space<hbm>> -> memref<1x8x512xf32, #tpu.memory_space<hbm>>
        %dma_wait3A_771 = tpu.memref_squeeze %dma_wait3A_770 : memref<1x8x512xf32, #tpu.memory_space<hbm>> -> memref<8x512xf32, #tpu.memory_space<hbm>>
        tpu.wait_dma2 semaphore(%arg21 : memref<!tpu.dma_semaphore, #tpu.memory_space<semaphore_mem>>) src(%arg13 : memref<8x512xf32, #tpu.memory_space<vmem>>) dst(%dma_wait3A_771 : memref<8x512xf32, #tpu.memory_space<hbm>>)
        %parallel_loop3A_772 = arith.constant 0 : i32
        %parallel_loop3A_773 = arith.constant 4096 : i32
        %parallel_loop3A_774 = arith.constant 16 : i32
        scf.for %parallel_loop3A_968 = %parallel_loop3A_772 to %parallel_loop3A_773 step %parallel_loop3A_774  : i32 {
          %parallel_loop3A_969 = arith.constant 9 : i32
          %parallel_loop3A_970 = arith.shrsi %parallel_loop3A_968, %parallel_loop3A_969 : i32
          %parallel_loop3A_971 = arith.constant 511 : i32
          %parallel_loop3A_972 = arith.andi %parallel_loop3A_968, %parallel_loop3A_971 : i32
          %parallel_loop3A_973 = arith.constant 500 : i32
          %parallel_loop3A_974 = arith.muli %parallel_loop3A_970, %parallel_loop3A_973 : i32
          %parallel_loop3A_975 = arith.addi %parallel_loop3A_974, %parallel_loop3A_972 : i32
          %parallel_loop3A_976 = arith.index_cast %parallel_loop3A_975 : i32 to index
          %parallel_loop3A_977 = tpu.vector_load %arg11[%parallel_loop3A_976] {strides = array<i32>} : memref<4096xi32, #tpu.memory_space<vmem>>, vector<16xi32>,
          %parallel_loop3A_978 = tpu.vector_load_idx %arg9[%parallel_loop3A_977] : memref<50000xf32, #tpu.memory_space<vmem>>[vector<16xi32>], vector<16xf32>,
          %parallel_loop3A_979 = arith.index_cast %parallel_loop3A_970 : i32 to index
          %parallel_loop3A_980 = arith.index_cast %parallel_loop3A_972 : i32 to index
          %parallel_loop3A_981 = tpu.vector_load %arg13[%parallel_loop3A_979, %parallel_loop3A_980] {strides = array<i32>} : memref<8x512xf32, #tpu.memory_space<vmem>>, vector<16xf32>,
          tpu.vector_store %arg13[%parallel_loop3A_979, %parallel_loop3A_980], %parallel_loop3A_978 {strides = array<i32>} : memref<8x512xf32, #tpu.memory_space<vmem>>, vector<16xf32>,
        } {sc.loop_unroll_factor = 8 : i64, sc.parallel_access}
        %dma_start3A_775 = arith.constant 40 : i32
        %dma_start3A_776 = arith.constant 0 : i32
        %dma_start3A_777 = tpu.memref_slice %arg5[%add3A_166, %dma_start3A_775, %dma_start3A_776] : memref<1000x104x512xf32, #tpu.memory_space<hbm>> -> memref<1x8x512xf32, #tpu.memory_space<hbm>>
        %dma_start3A_778 = tpu.memref_squeeze %dma_start3A_777 : memref<1x8x512xf32, #tpu.memory_space<hbm>> -> memref<8x512xf32, #tpu.memory_space<hbm>>
        %dma_start3A_779 = arith.constant 40 : i32
        %dma_start3A_780 = arith.constant 0 : i32
        %dma_start3A_781 = tpu.memref_slice %arg5[%add3A_166, %dma_start3A_779, %dma_start3A_780] : memref<1000x104x512xf32, #tpu.memory_space<hbm>> -> memref<1x8x512xf32, #tpu.memory_space<hbm>>
        %dma_start3A_782 = tpu.memref_squeeze %dma_start3A_781 : memref<1x8x512xf32, #tpu.memory_space<hbm>> -> memref<8x512xf32, #tpu.memory_space<hbm>>
        tpu.enqueue_dma source(%arg13 : memref<8x512xf32, #tpu.memory_space<vmem>>) target(%dma_start3A_782 : memref<8x512xf32, #tpu.memory_space<hbm>>) target_semaphore(%arg21 : memref<!tpu.dma_semaphore, #tpu.memory_space<semaphore_mem>>)
        %dma_wait3A_783 = arith.constant 24000 : i32
        %dma_wait3A_784 = tpu.memref_slice %arg7[%dma_wait3A_783] : memref<52096xi32, #tpu.memory_space<vmem_shared>> -> memref<4096xi32, #tpu.memory_space<vmem_shared>>
        %dma_wait3A_785 = arith.constant 24000 : i32
        %dma_wait3A_786 = tpu.memref_slice %arg7[%dma_wait3A_785] : memref<52096xi32, #tpu.memory_space<vmem_shared>> -> memref<4096xi32, #tpu.memory_space<vmem_shared>>
        tpu.wait_dma2 semaphore(%arg17 : memref<!tpu.dma_semaphore, #tpu.memory_space<semaphore_mem>>) src(%dma_wait3A_786 : memref<4096xi32, #tpu.memory_space<vmem_shared>>) dst(%arg10 : memref<4096xi32, #tpu.memory_space<vmem>>)
        %dma_start3A_787 = arith.constant 28000 : i32
        %dma_start3A_788 = tpu.memref_slice %arg7[%dma_start3A_787] : memref<52096xi32, #tpu.memory_space<vmem_shared>> -> memref<4096xi32, #tpu.memory_space<vmem_shared>>
        %dma_start3A_789 = arith.constant 28000 : i32
        %dma_start3A_790 = tpu.memref_slice %arg7[%dma_start3A_789] : memref<52096xi32, #tpu.memory_space<vmem_shared>> -> memref<4096xi32, #tpu.memory_space<vmem_shared>>
        tpu.enqueue_dma source(%dma_start3A_790 : memref<4096xi32, #tpu.memory_space<vmem_shared>>) target(%arg11 : memref<4096xi32, #tpu.memory_space<vmem>>) target_semaphore(%arg17 : memref<!tpu.dma_semaphore, #tpu.memory_space<semaphore_mem>>)
        %dma_wait3A_791 = arith.constant 32 : i32
        %dma_wait3A_792 = arith.constant 0 : i32
        %dma_wait3A_793 = tpu.memref_slice %arg5[%add3A_166, %dma_wait3A_791, %dma_wait3A_792] : memref<1000x104x512xf32, #tpu.memory_space<hbm>> -> memref<1x8x512xf32, #tpu.memory_space<hbm>>
        %dma_wait3A_794 = tpu.memref_squeeze %dma_wait3A_793 : memref<1x8x512xf32, #tpu.memory_space<hbm>> -> memref<8x512xf32, #tpu.memory_space<hbm>>
        %dma_wait3A_795 = arith.constant 32 : i32
        %dma_wait3A_796 = arith.constant 0 : i32
        %dma_wait3A_797 = tpu.memref_slice %arg5[%add3A_166, %dma_wait3A_795, %dma_wait3A_796] : memref<1000x104x512xf32, #tpu.memory_space<hbm>> -> memref<1x8x512xf32, #tpu.memory_space<hbm>>
        %dma_wait3A_798 = tpu.memref_squeeze %dma_wait3A_797 : memref<1x8x512xf32, #tpu.memory_space<hbm>> -> memref<8x512xf32, #tpu.memory_space<hbm>>
        tpu.wait_dma2 semaphore(%arg20 : memref<!tpu.dma_semaphore, #tpu.memory_space<semaphore_mem>>) src(%arg12 : memref<8x512xf32, #tpu.memory_space<vmem>>) dst(%dma_wait3A_798 : memref<8x512xf32, #tpu.memory_space<hbm>>)
        %parallel_loop3A_799 = arith.constant 0 : i32
        %parallel_loop3A_800 = arith.constant 4096 : i32
        %parallel_loop3A_801 = arith.constant 16 : i32
        scf.for %parallel_loop3A_968 = %parallel_loop3A_799 to %parallel_loop3A_800 step %parallel_loop3A_801  : i32 {
          %parallel_loop3A_969 = arith.constant 9 : i32
          %parallel_loop3A_970 = arith.shrsi %parallel_loop3A_968, %parallel_loop3A_969 : i32
          %parallel_loop3A_971 = arith.constant 511 : i32
          %parallel_loop3A_972 = arith.andi %parallel_loop3A_968, %parallel_loop3A_971 : i32
          %parallel_loop3A_973 = arith.constant 500 : i32
          %parallel_loop3A_974 = arith.muli %parallel_loop3A_970, %parallel_loop3A_973 : i32
          %parallel_loop3A_975 = arith.addi %parallel_loop3A_974, %parallel_loop3A_972 : i32
          %parallel_loop3A_976 = arith.index_cast %parallel_loop3A_975 : i32 to index
          %parallel_loop3A_977 = tpu.vector_load %arg10[%parallel_loop3A_976] {strides = array<i32>} : memref<4096xi32, #tpu.memory_space<vmem>>, vector<16xi32>,
          %parallel_loop3A_978 = tpu.vector_load_idx %arg9[%parallel_loop3A_977] : memref<50000xf32, #tpu.memory_space<vmem>>[vector<16xi32>], vector<16xf32>,
          %parallel_loop3A_979 = arith.index_cast %parallel_loop3A_970 : i32 to index
          %parallel_loop3A_980 = arith.index_cast %parallel_loop3A_972 : i32 to index
          %parallel_loop3A_981 = tpu.vector_load %arg12[%parallel_loop3A_979, %parallel_loop3A_980] {strides = array<i32>} : memref<8x512xf32, #tpu.memory_space<vmem>>, vector<16xf32>,
          tpu.vector_store %arg12[%parallel_loop3A_979, %parallel_loop3A_980], %parallel_loop3A_978 {strides = array<i32>} : memref<8x512xf32, #tpu.memory_space<vmem>>, vector<16xf32>,
        } {sc.loop_unroll_factor = 8 : i64, sc.parallel_access}
        %dma_start3A_802 = arith.constant 48 : i32
        %dma_start3A_803 = arith.constant 0 : i32
        %dma_start3A_804 = tpu.memref_slice %arg5[%add3A_166, %dma_start3A_802, %dma_start3A_803] : memref<1000x104x512xf32, #tpu.memory_space<hbm>> -> memref<1x8x512xf32, #tpu.memory_space<hbm>>
        %dma_start3A_805 = tpu.memref_squeeze %dma_start3A_804 : memref<1x8x512xf32, #tpu.memory_space<hbm>> -> memref<8x512xf32, #tpu.memory_space<hbm>>
        %dma_start3A_806 = arith.constant 48 : i32
        %dma_start3A_807 = arith.constant 0 : i32
        %dma_start3A_808 = tpu.memref_slice %arg5[%add3A_166, %dma_start3A_806, %dma_start3A_807] : memref<1000x104x512xf32, #tpu.memory_space<hbm>> -> memref<1x8x512xf32, #tpu.memory_space<hbm>>
        %dma_start3A_809 = tpu.memref_squeeze %dma_start3A_808 : memref<1x8x512xf32, #tpu.memory_space<hbm>> -> memref<8x512xf32, #tpu.memory_space<hbm>>
        tpu.enqueue_dma source(%arg12 : memref<8x512xf32, #tpu.memory_space<vmem>>) target(%dma_start3A_809 : memref<8x512xf32, #tpu.memory_space<hbm>>) target_semaphore(%arg20 : memref<!tpu.dma_semaphore, #tpu.memory_space<semaphore_mem>>)
        %dma_wait3A_810 = arith.constant 28000 : i32
        %dma_wait3A_811 = tpu.memref_slice %arg7[%dma_wait3A_810] : memref<52096xi32, #tpu.memory_space<vmem_shared>> -> memref<4096xi32, #tpu.memory_space<vmem_shared>>
        %dma_wait3A_812 = arith.constant 28000 : i32
        %dma_wait3A_813 = tpu.memref_slice %arg7[%dma_wait3A_812] : memref<52096xi32, #tpu.memory_space<vmem_shared>> -> memref<4096xi32, #tpu.memory_space<vmem_shared>>
        tpu.wait_dma2 semaphore(%arg17 : memref<!tpu.dma_semaphore, #tpu.memory_space<semaphore_mem>>) src(%dma_wait3A_813 : memref<4096xi32, #tpu.memory_space<vmem_shared>>) dst(%arg11 : memref<4096xi32, #tpu.memory_space<vmem>>)
        %dma_start3A_814 = arith.constant 32000 : i32
        %dma_start3A_815 = tpu.memref_slice %arg7[%dma_start3A_814] : memref<52096xi32, #tpu.memory_space<vmem_shared>> -> memref<4096xi32, #tpu.memory_space<vmem_shared>>
        %dma_start3A_816 = arith.constant 32000 : i32
        %dma_start3A_817 = tpu.memref_slice %arg7[%dma_start3A_816] : memref<52096xi32, #tpu.memory_space<vmem_shared>> -> memref<4096xi32, #tpu.memory_space<vmem_shared>>
        tpu.enqueue_dma source(%dma_start3A_817 : memref<4096xi32, #tpu.memory_space<vmem_shared>>) target(%arg10 : memref<4096xi32, #tpu.memory_space<vmem>>) target_semaphore(%arg17 : memref<!tpu.dma_semaphore, #tpu.memory_space<semaphore_mem>>)
        %dma_wait3A_818 = arith.constant 40 : i32
        %dma_wait3A_819 = arith.constant 0 : i32
        %dma_wait3A_820 = tpu.memref_slice %arg5[%add3A_166, %dma_wait3A_818, %dma_wait3A_819] : memref<1000x104x512xf32, #tpu.memory_space<hbm>> -> memref<1x8x512xf32, #tpu.memory_space<hbm>>
        %dma_wait3A_821 = tpu.memref_squeeze %dma_wait3A_820 : memref<1x8x512xf32, #tpu.memory_space<hbm>> -> memref<8x512xf32, #tpu.memory_space<hbm>>
        %dma_wait3A_822 = arith.constant 40 : i32
        %dma_wait3A_823 = arith.constant 0 : i32
        %dma_wait3A_824 = tpu.memref_slice %arg5[%add3A_166, %dma_wait3A_822, %dma_wait3A_823] : memref<1000x104x512xf32, #tpu.memory_space<hbm>> -> memref<1x8x512xf32, #tpu.memory_space<hbm>>
        %dma_wait3A_825 = tpu.memref_squeeze %dma_wait3A_824 : memref<1x8x512xf32, #tpu.memory_space<hbm>> -> memref<8x512xf32, #tpu.memory_space<hbm>>
        tpu.wait_dma2 semaphore(%arg21 : memref<!tpu.dma_semaphore, #tpu.memory_space<semaphore_mem>>) src(%arg13 : memref<8x512xf32, #tpu.memory_space<vmem>>) dst(%dma_wait3A_825 : memref<8x512xf32, #tpu.memory_space<hbm>>)
        %parallel_loop3A_826 = arith.constant 0 : i32
        %parallel_loop3A_827 = arith.constant 4096 : i32
        %parallel_loop3A_828 = arith.constant 16 : i32
        scf.for %parallel_loop3A_968 = %parallel_loop3A_826 to %parallel_loop3A_827 step %parallel_loop3A_828  : i32 {
          %parallel_loop3A_969 = arith.constant 9 : i32
          %parallel_loop3A_970 = arith.shrsi %parallel_loop3A_968, %parallel_loop3A_969 : i32
          %parallel_loop3A_971 = arith.constant 511 : i32
          %parallel_loop3A_972 = arith.andi %parallel_loop3A_968, %parallel_loop3A_971 : i32
          %parallel_loop3A_973 = arith.constant 500 : i32
          %parallel_loop3A_974 = arith.muli %parallel_loop3A_970, %parallel_loop3A_973 : i32
          %parallel_loop3A_975 = arith.addi %parallel_loop3A_974, %parallel_loop3A_972 : i32
          %parallel_loop3A_976 = arith.index_cast %parallel_loop3A_975 : i32 to index
          %parallel_loop3A_977 = tpu.vector_load %arg11[%parallel_loop3A_976] {strides = array<i32>} : memref<4096xi32, #tpu.memory_space<vmem>>, vector<16xi32>,
          %parallel_loop3A_978 = tpu.vector_load_idx %arg9[%parallel_loop3A_977] : memref<50000xf32, #tpu.memory_space<vmem>>[vector<16xi32>], vector<16xf32>,
          %parallel_loop3A_979 = arith.index_cast %parallel_loop3A_970 : i32 to index
          %parallel_loop3A_980 = arith.index_cast %parallel_loop3A_972 : i32 to index
          %parallel_loop3A_981 = tpu.vector_load %arg13[%parallel_loop3A_979, %parallel_loop3A_980] {strides = array<i32>} : memref<8x512xf32, #tpu.memory_space<vmem>>, vector<16xf32>,
          tpu.vector_store %arg13[%parallel_loop3A_979, %parallel_loop3A_980], %parallel_loop3A_978 {strides = array<i32>} : memref<8x512xf32, #tpu.memory_space<vmem>>, vector<16xf32>,
        } {sc.loop_unroll_factor = 8 : i64, sc.parallel_access}
        %dma_start3A_829 = arith.constant 56 : i32
        %dma_start3A_830 = arith.constant 0 : i32
        %dma_start3A_831 = tpu.memref_slice %arg5[%add3A_166, %dma_start3A_829, %dma_start3A_830] : memref<1000x104x512xf32, #tpu.memory_space<hbm>> -> memref<1x8x512xf32, #tpu.memory_space<hbm>>
        %dma_start3A_832 = tpu.memref_squeeze %dma_start3A_831 : memref<1x8x512xf32, #tpu.memory_space<hbm>> -> memref<8x512xf32, #tpu.memory_space<hbm>>
        %dma_start3A_833 = arith.constant 56 : i32
        %dma_start3A_834 = arith.constant 0 : i32
        %dma_start3A_835 = tpu.memref_slice %arg5[%add3A_166, %dma_start3A_833, %dma_start3A_834] : memref<1000x104x512xf32, #tpu.memory_space<hbm>> -> memref<1x8x512xf32, #tpu.memory_space<hbm>>
        %dma_start3A_836 = tpu.memref_squeeze %dma_start3A_835 : memref<1x8x512xf32, #tpu.memory_space<hbm>> -> memref<8x512xf32, #tpu.memory_space<hbm>>
        tpu.enqueue_dma source(%arg13 : memref<8x512xf32, #tpu.memory_space<vmem>>) target(%dma_start3A_836 : memref<8x512xf32, #tpu.memory_space<hbm>>) target_semaphore(%arg21 : memref<!tpu.dma_semaphore, #tpu.memory_space<semaphore_mem>>)
        %dma_wait3A_837 = arith.constant 32000 : i32
        %dma_wait3A_838 = tpu.memref_slice %arg7[%dma_wait3A_837] : memref<52096xi32, #tpu.memory_space<vmem_shared>> -> memref<4096xi32, #tpu.memory_space<vmem_shared>>
        %dma_wait3A_839 = arith.constant 32000 : i32
        %dma_wait3A_840 = tpu.memref_slice %arg7[%dma_wait3A_839] : memref<52096xi32, #tpu.memory_space<vmem_shared>> -> memref<4096xi32, #tpu.memory_space<vmem_shared>>
        tpu.wait_dma2 semaphore(%arg17 : memref<!tpu.dma_semaphore, #tpu.memory_space<semaphore_mem>>) src(%dma_wait3A_840 : memref<4096xi32, #tpu.memory_space<vmem_shared>>) dst(%arg10 : memref<4096xi32, #tpu.memory_space<vmem>>)
        %dma_start3A_841 = arith.constant 36000 : i32
        %dma_start3A_842 = tpu.memref_slice %arg7[%dma_start3A_841] : memref<52096xi32, #tpu.memory_space<vmem_shared>> -> memref<4096xi32, #tpu.memory_space<vmem_shared>>
        %dma_start3A_843 = arith.constant 36000 : i32
        %dma_start3A_844 = tpu.memref_slice %arg7[%dma_start3A_843] : memref<52096xi32, #tpu.memory_space<vmem_shared>> -> memref<4096xi32, #tpu.memory_space<vmem_shared>>
        tpu.enqueue_dma source(%dma_start3A_844 : memref<4096xi32, #tpu.memory_space<vmem_shared>>) target(%arg11 : memref<4096xi32, #tpu.memory_space<vmem>>) target_semaphore(%arg17 : memref<!tpu.dma_semaphore, #tpu.memory_space<semaphore_mem>>)
        %dma_wait3A_845 = arith.constant 48 : i32
        %dma_wait3A_846 = arith.constant 0 : i32
        %dma_wait3A_847 = tpu.memref_slice %arg5[%add3A_166, %dma_wait3A_845, %dma_wait3A_846] : memref<1000x104x512xf32, #tpu.memory_space<hbm>> -> memref<1x8x512xf32, #tpu.memory_space<hbm>>
        %dma_wait3A_848 = tpu.memref_squeeze %dma_wait3A_847 : memref<1x8x512xf32, #tpu.memory_space<hbm>> -> memref<8x512xf32, #tpu.memory_space<hbm>>
        %dma_wait3A_849 = arith.constant 48 : i32
        %dma_wait3A_850 = arith.constant 0 : i32
        %dma_wait3A_851 = tpu.memref_slice %arg5[%add3A_166, %dma_wait3A_849, %dma_wait3A_850] : memref<1000x104x512xf32, #tpu.memory_space<hbm>> -> memref<1x8x512xf32, #tpu.memory_space<hbm>>
        %dma_wait3A_852 = tpu.memref_squeeze %dma_wait3A_851 : memref<1x8x512xf32, #tpu.memory_space<hbm>> -> memref<8x512xf32, #tpu.memory_space<hbm>>
        tpu.wait_dma2 semaphore(%arg20 : memref<!tpu.dma_semaphore, #tpu.memory_space<semaphore_mem>>) src(%arg12 : memref<8x512xf32, #tpu.memory_space<vmem>>) dst(%dma_wait3A_852 : memref<8x512xf32, #tpu.memory_space<hbm>>)
        %parallel_loop3A_853 = arith.constant 0 : i32
        %parallel_loop3A_854 = arith.constant 4096 : i32
        %parallel_loop3A_855 = arith.constant 16 : i32
        scf.for %parallel_loop3A_968 = %parallel_loop3A_853 to %parallel_loop3A_854 step %parallel_loop3A_855  : i32 {
          %parallel_loop3A_969 = arith.constant 9 : i32
          %parallel_loop3A_970 = arith.shrsi %parallel_loop3A_968, %parallel_loop3A_969 : i32
          %parallel_loop3A_971 = arith.constant 511 : i32
          %parallel_loop3A_972 = arith.andi %parallel_loop3A_968, %parallel_loop3A_971 : i32
          %parallel_loop3A_973 = arith.constant 500 : i32
          %parallel_loop3A_974 = arith.muli %parallel_loop3A_970, %parallel_loop3A_973 : i32
          %parallel_loop3A_975 = arith.addi %parallel_loop3A_974, %parallel_loop3A_972 : i32
          %parallel_loop3A_976 = arith.index_cast %parallel_loop3A_975 : i32 to index
          %parallel_loop3A_977 = tpu.vector_load %arg10[%parallel_loop3A_976] {strides = array<i32>} : memref<4096xi32, #tpu.memory_space<vmem>>, vector<16xi32>,
          %parallel_loop3A_978 = tpu.vector_load_idx %arg9[%parallel_loop3A_977] : memref<50000xf32, #tpu.memory_space<vmem>>[vector<16xi32>], vector<16xf32>,
          %parallel_loop3A_979 = arith.index_cast %parallel_loop3A_970 : i32 to index
          %parallel_loop3A_980 = arith.index_cast %parallel_loop3A_972 : i32 to index
          %parallel_loop3A_981 = tpu.vector_load %arg12[%parallel_loop3A_979, %parallel_loop3A_980] {strides = array<i32>} : memref<8x512xf32, #tpu.memory_space<vmem>>, vector<16xf32>,
          tpu.vector_store %arg12[%parallel_loop3A_979, %parallel_loop3A_980], %parallel_loop3A_978 {strides = array<i32>} : memref<8x512xf32, #tpu.memory_space<vmem>>, vector<16xf32>,
        } {sc.loop_unroll_factor = 8 : i64, sc.parallel_access}
        %dma_start3A_856 = arith.constant 64 : i32
        %dma_start3A_857 = arith.constant 0 : i32
        %dma_start3A_858 = tpu.memref_slice %arg5[%add3A_166, %dma_start3A_856, %dma_start3A_857] : memref<1000x104x512xf32, #tpu.memory_space<hbm>> -> memref<1x8x512xf32, #tpu.memory_space<hbm>>
        %dma_start3A_859 = tpu.memref_squeeze %dma_start3A_858 : memref<1x8x512xf32, #tpu.memory_space<hbm>> -> memref<8x512xf32, #tpu.memory_space<hbm>>
        %dma_start3A_860 = arith.constant 64 : i32
        %dma_start3A_861 = arith.constant 0 : i32
        %dma_start3A_862 = tpu.memref_slice %arg5[%add3A_166, %dma_start3A_860, %dma_start3A_861] : memref<1000x104x512xf32, #tpu.memory_space<hbm>> -> memref<1x8x512xf32, #tpu.memory_space<hbm>>
        %dma_start3A_863 = tpu.memref_squeeze %dma_start3A_862 : memref<1x8x512xf32, #tpu.memory_space<hbm>> -> memref<8x512xf32, #tpu.memory_space<hbm>>
        tpu.enqueue_dma source(%arg12 : memref<8x512xf32, #tpu.memory_space<vmem>>) target(%dma_start3A_863 : memref<8x512xf32, #tpu.memory_space<hbm>>) target_semaphore(%arg20 : memref<!tpu.dma_semaphore, #tpu.memory_space<semaphore_mem>>)
        %dma_wait3A_864 = arith.constant 36000 : i32
        %dma_wait3A_865 = tpu.memref_slice %arg7[%dma_wait3A_864] : memref<52096xi32, #tpu.memory_space<vmem_shared>> -> memref<4096xi32, #tpu.memory_space<vmem_shared>>
        %dma_wait3A_866 = arith.constant 36000 : i32
        %dma_wait3A_867 = tpu.memref_slice %arg7[%dma_wait3A_866] : memref<52096xi32, #tpu.memory_space<vmem_shared>> -> memref<4096xi32, #tpu.memory_space<vmem_shared>>
        tpu.wait_dma2 semaphore(%arg17 : memref<!tpu.dma_semaphore, #tpu.memory_space<semaphore_mem>>) src(%dma_wait3A_867 : memref<4096xi32, #tpu.memory_space<vmem_shared>>) dst(%arg11 : memref<4096xi32, #tpu.memory_space<vmem>>)
        %dma_start3A_868 = arith.constant 40000 : i32
        %dma_start3A_869 = tpu.memref_slice %arg7[%dma_start3A_868] : memref<52096xi32, #tpu.memory_space<vmem_shared>> -> memref<4096xi32, #tpu.memory_space<vmem_shared>>
        %dma_start3A_870 = arith.constant 40000 : i32
        %dma_start3A_871 = tpu.memref_slice %arg7[%dma_start3A_870] : memref<52096xi32, #tpu.memory_space<vmem_shared>> -> memref<4096xi32, #tpu.memory_space<vmem_shared>>
        tpu.enqueue_dma source(%dma_start3A_871 : memref<4096xi32, #tpu.memory_space<vmem_shared>>) target(%arg10 : memref<4096xi32, #tpu.memory_space<vmem>>) target_semaphore(%arg17 : memref<!tpu.dma_semaphore, #tpu.memory_space<semaphore_mem>>)
        %dma_wait3A_872 = arith.constant 56 : i32
        %dma_wait3A_873 = arith.constant 0 : i32
        %dma_wait3A_874 = tpu.memref_slice %arg5[%add3A_166, %dma_wait3A_872, %dma_wait3A_873] : memref<1000x104x512xf32, #tpu.memory_space<hbm>> -> memref<1x8x512xf32, #tpu.memory_space<hbm>>
        %dma_wait3A_875 = tpu.memref_squeeze %dma_wait3A_874 : memref<1x8x512xf32, #tpu.memory_space<hbm>> -> memref<8x512xf32, #tpu.memory_space<hbm>>
        %dma_wait3A_876 = arith.constant 56 : i32
        %dma_wait3A_877 = arith.constant 0 : i32
        %dma_wait3A_878 = tpu.memref_slice %arg5[%add3A_166, %dma_wait3A_876, %dma_wait3A_877] : memref<1000x104x512xf32, #tpu.memory_space<hbm>> -> memref<1x8x512xf32, #tpu.memory_space<hbm>>
        %dma_wait3A_879 = tpu.memref_squeeze %dma_wait3A_878 : memref<1x8x512xf32, #tpu.memory_space<hbm>> -> memref<8x512xf32, #tpu.memory_space<hbm>>
        tpu.wait_dma2 semaphore(%arg21 : memref<!tpu.dma_semaphore, #tpu.memory_space<semaphore_mem>>) src(%arg13 : memref<8x512xf32, #tpu.memory_space<vmem>>) dst(%dma_wait3A_879 : memref<8x512xf32, #tpu.memory_space<hbm>>)
        %parallel_loop3A_880 = arith.constant 0 : i32
        %parallel_loop3A_881 = arith.constant 4096 : i32
        %parallel_loop3A_882 = arith.constant 16 : i32
        scf.for %parallel_loop3A_968 = %parallel_loop3A_880 to %parallel_loop3A_881 step %parallel_loop3A_882  : i32 {
          %parallel_loop3A_969 = arith.constant 9 : i32
          %parallel_loop3A_970 = arith.shrsi %parallel_loop3A_968, %parallel_loop3A_969 : i32
          %parallel_loop3A_971 = arith.constant 511 : i32
          %parallel_loop3A_972 = arith.andi %parallel_loop3A_968, %parallel_loop3A_971 : i32
          %parallel_loop3A_973 = arith.constant 500 : i32
          %parallel_loop3A_974 = arith.muli %parallel_loop3A_970, %parallel_loop3A_973 : i32
          %parallel_loop3A_975 = arith.addi %parallel_loop3A_974, %parallel_loop3A_972 : i32
          %parallel_loop3A_976 = arith.index_cast %parallel_loop3A_975 : i32 to index
          %parallel_loop3A_977 = tpu.vector_load %arg11[%parallel_loop3A_976] {strides = array<i32>} : memref<4096xi32, #tpu.memory_space<vmem>>, vector<16xi32>,
          %parallel_loop3A_978 = tpu.vector_load_idx %arg9[%parallel_loop3A_977] : memref<50000xf32, #tpu.memory_space<vmem>>[vector<16xi32>], vector<16xf32>,
          %parallel_loop3A_979 = arith.index_cast %parallel_loop3A_970 : i32 to index
          %parallel_loop3A_980 = arith.index_cast %parallel_loop3A_972 : i32 to index
          %parallel_loop3A_981 = tpu.vector_load %arg13[%parallel_loop3A_979, %parallel_loop3A_980] {strides = array<i32>} : memref<8x512xf32, #tpu.memory_space<vmem>>, vector<16xf32>,
          tpu.vector_store %arg13[%parallel_loop3A_979, %parallel_loop3A_980], %parallel_loop3A_978 {strides = array<i32>} : memref<8x512xf32, #tpu.memory_space<vmem>>, vector<16xf32>,
        } {sc.loop_unroll_factor = 8 : i64, sc.parallel_access}
        %dma_start3A_883 = arith.constant 72 : i32
        %dma_start3A_884 = arith.constant 0 : i32
        %dma_start3A_885 = tpu.memref_slice %arg5[%add3A_166, %dma_start3A_883, %dma_start3A_884] : memref<1000x104x512xf32, #tpu.memory_space<hbm>> -> memref<1x8x512xf32, #tpu.memory_space<hbm>>
        %dma_start3A_886 = tpu.memref_squeeze %dma_start3A_885 : memref<1x8x512xf32, #tpu.memory_space<hbm>> -> memref<8x512xf32, #tpu.memory_space<hbm>>
        %dma_start3A_887 = arith.constant 72 : i32
        %dma_start3A_888 = arith.constant 0 : i32
        %dma_start3A_889 = tpu.memref_slice %arg5[%add3A_166, %dma_start3A_887, %dma_start3A_888] : memref<1000x104x512xf32, #tpu.memory_space<hbm>> -> memref<1x8x512xf32, #tpu.memory_space<hbm>>
        %dma_start3A_890 = tpu.memref_squeeze %dma_start3A_889 : memref<1x8x512xf32, #tpu.memory_space<hbm>> -> memref<8x512xf32, #tpu.memory_space<hbm>>
        tpu.enqueue_dma source(%arg13 : memref<8x512xf32, #tpu.memory_space<vmem>>) target(%dma_start3A_890 : memref<8x512xf32, #tpu.memory_space<hbm>>) target_semaphore(%arg21 : memref<!tpu.dma_semaphore, #tpu.memory_space<semaphore_mem>>)
        %dma_wait3A_891 = arith.constant 40000 : i32
        %dma_wait3A_892 = tpu.memref_slice %arg7[%dma_wait3A_891] : memref<52096xi32, #tpu.memory_space<vmem_shared>> -> memref<4096xi32, #tpu.memory_space<vmem_shared>>
        %dma_wait3A_893 = arith.constant 40000 : i32
        %dma_wait3A_894 = tpu.memref_slice %arg7[%dma_wait3A_893] : memref<52096xi32, #tpu.memory_space<vmem_shared>> -> memref<4096xi32, #tpu.memory_space<vmem_shared>>
        tpu.wait_dma2 semaphore(%arg17 : memref<!tpu.dma_semaphore, #tpu.memory_space<semaphore_mem>>) src(%dma_wait3A_894 : memref<4096xi32, #tpu.memory_space<vmem_shared>>) dst(%arg10 : memref<4096xi32, #tpu.memory_space<vmem>>)
        %dma_start3A_895 = arith.constant 44000 : i32
        %dma_start3A_896 = tpu.memref_slice %arg7[%dma_start3A_895] : memref<52096xi32, #tpu.memory_space<vmem_shared>> -> memref<4096xi32, #tpu.memory_space<vmem_shared>>
        %dma_start3A_897 = arith.constant 44000 : i32
        %dma_start3A_898 = tpu.memref_slice %arg7[%dma_start3A_897] : memref<52096xi32, #tpu.memory_space<vmem_shared>> -> memref<4096xi32, #tpu.memory_space<vmem_shared>>
        tpu.enqueue_dma source(%dma_start3A_898 : memref<4096xi32, #tpu.memory_space<vmem_shared>>) target(%arg11 : memref<4096xi32, #tpu.memory_space<vmem>>) target_semaphore(%arg17 : memref<!tpu.dma_semaphore, #tpu.memory_space<semaphore_mem>>)
        %dma_wait3A_899 = arith.constant 64 : i32
        %dma_wait3A_900 = arith.constant 0 : i32
        %dma_wait3A_901 = tpu.memref_slice %arg5[%add3A_166, %dma_wait3A_899, %dma_wait3A_900] : memref<1000x104x512xf32, #tpu.memory_space<hbm>> -> memref<1x8x512xf32, #tpu.memory_space<hbm>>
        %dma_wait3A_902 = tpu.memref_squeeze %dma_wait3A_901 : memref<1x8x512xf32, #tpu.memory_space<hbm>> -> memref<8x512xf32, #tpu.memory_space<hbm>>
        %dma_wait3A_903 = arith.constant 64 : i32
        %dma_wait3A_904 = arith.constant 0 : i32
        %dma_wait3A_905 = tpu.memref_slice %arg5[%add3A_166, %dma_wait3A_903, %dma_wait3A_904] : memref<1000x104x512xf32, #tpu.memory_space<hbm>> -> memref<1x8x512xf32, #tpu.memory_space<hbm>>
        %dma_wait3A_906 = tpu.memref_squeeze %dma_wait3A_905 : memref<1x8x512xf32, #tpu.memory_space<hbm>> -> memref<8x512xf32, #tpu.memory_space<hbm>>
        tpu.wait_dma2 semaphore(%arg20 : memref<!tpu.dma_semaphore, #tpu.memory_space<semaphore_mem>>) src(%arg12 : memref<8x512xf32, #tpu.memory_space<vmem>>) dst(%dma_wait3A_906 : memref<8x512xf32, #tpu.memory_space<hbm>>)
        %parallel_loop3A_907 = arith.constant 0 : i32
        %parallel_loop3A_908 = arith.constant 4096 : i32
        %parallel_loop3A_909 = arith.constant 16 : i32
        scf.for %parallel_loop3A_968 = %parallel_loop3A_907 to %parallel_loop3A_908 step %parallel_loop3A_909  : i32 {
          %parallel_loop3A_969 = arith.constant 9 : i32
          %parallel_loop3A_970 = arith.shrsi %parallel_loop3A_968, %parallel_loop3A_969 : i32
          %parallel_loop3A_971 = arith.constant 511 : i32
          %parallel_loop3A_972 = arith.andi %parallel_loop3A_968, %parallel_loop3A_971 : i32
          %parallel_loop3A_973 = arith.constant 500 : i32
          %parallel_loop3A_974 = arith.muli %parallel_loop3A_970, %parallel_loop3A_973 : i32
          %parallel_loop3A_975 = arith.addi %parallel_loop3A_974, %parallel_loop3A_972 : i32
          %parallel_loop3A_976 = arith.index_cast %parallel_loop3A_975 : i32 to index
          %parallel_loop3A_977 = tpu.vector_load %arg10[%parallel_loop3A_976] {strides = array<i32>} : memref<4096xi32, #tpu.memory_space<vmem>>, vector<16xi32>,
          %parallel_loop3A_978 = tpu.vector_load_idx %arg9[%parallel_loop3A_977] : memref<50000xf32, #tpu.memory_space<vmem>>[vector<16xi32>], vector<16xf32>,
          %parallel_loop3A_979 = arith.index_cast %parallel_loop3A_970 : i32 to index
          %parallel_loop3A_980 = arith.index_cast %parallel_loop3A_972 : i32 to index
          %parallel_loop3A_981 = tpu.vector_load %arg12[%parallel_loop3A_979, %parallel_loop3A_980] {strides = array<i32>} : memref<8x512xf32, #tpu.memory_space<vmem>>, vector<16xf32>,
          tpu.vector_store %arg12[%parallel_loop3A_979, %parallel_loop3A_980], %parallel_loop3A_978 {strides = array<i32>} : memref<8x512xf32, #tpu.memory_space<vmem>>, vector<16xf32>,
        } {sc.loop_unroll_factor = 8 : i64, sc.parallel_access}
        %dma_start3A_910 = arith.constant 80 : i32
        %dma_start3A_911 = arith.constant 0 : i32
        %dma_start3A_912 = tpu.memref_slice %arg5[%add3A_166, %dma_start3A_910, %dma_start3A_911] : memref<1000x104x512xf32, #tpu.memory_space<hbm>> -> memref<1x8x512xf32, #tpu.memory_space<hbm>>
        %dma_start3A_913 = tpu.memref_squeeze %dma_start3A_912 : memref<1x8x512xf32, #tpu.memory_space<hbm>> -> memref<8x512xf32, #tpu.memory_space<hbm>>
        %dma_start3A_914 = arith.constant 80 : i32
        %dma_start3A_915 = arith.constant 0 : i32
        %dma_start3A_916 = tpu.memref_slice %arg5[%add3A_166, %dma_start3A_914, %dma_start3A_915] : memref<1000x104x512xf32, #tpu.memory_space<hbm>> -> memref<1x8x512xf32, #tpu.memory_space<hbm>>
        %dma_start3A_917 = tpu.memref_squeeze %dma_start3A_916 : memref<1x8x512xf32, #tpu.memory_space<hbm>> -> memref<8x512xf32, #tpu.memory_space<hbm>>
        tpu.enqueue_dma source(%arg12 : memref<8x512xf32, #tpu.memory_space<vmem>>) target(%dma_start3A_917 : memref<8x512xf32, #tpu.memory_space<hbm>>) target_semaphore(%arg20 : memref<!tpu.dma_semaphore, #tpu.memory_space<semaphore_mem>>)
        %dma_wait3A_918 = arith.constant 44000 : i32
        %dma_wait3A_919 = tpu.memref_slice %arg7[%dma_wait3A_918] : memref<52096xi32, #tpu.memory_space<vmem_shared>> -> memref<4096xi32, #tpu.memory_space<vmem_shared>>
        %dma_wait3A_920 = arith.constant 44000 : i32
        %dma_wait3A_921 = tpu.memref_slice %arg7[%dma_wait3A_920] : memref<52096xi32, #tpu.memory_space<vmem_shared>> -> memref<4096xi32, #tpu.memory_space<vmem_shared>>
        tpu.wait_dma2 semaphore(%arg17 : memref<!tpu.dma_semaphore, #tpu.memory_space<semaphore_mem>>) src(%dma_wait3A_921 : memref<4096xi32, #tpu.memory_space<vmem_shared>>) dst(%arg11 : memref<4096xi32, #tpu.memory_space<vmem>>)
        %dma_start3A_922 = arith.constant 48000 : i32
        %dma_start3A_923 = tpu.memref_slice %arg7[%dma_start3A_922] : memref<52096xi32, #tpu.memory_space<vmem_shared>> -> memref<4096xi32, #tpu.memory_space<vmem_shared>>
        %dma_start3A_924 = arith.constant 48000 : i32
        %dma_start3A_925 = tpu.memref_slice %arg7[%dma_start3A_924] : memref<52096xi32, #tpu.memory_space<vmem_shared>> -> memref<4096xi32, #tpu.memory_space<vmem_shared>>
        tpu.enqueue_dma source(%dma_start3A_925 : memref<4096xi32, #tpu.memory_space<vmem_shared>>) target(%arg10 : memref<4096xi32, #tpu.memory_space<vmem>>) target_semaphore(%arg17 : memref<!tpu.dma_semaphore, #tpu.memory_space<semaphore_mem>>)
        %dma_wait3A_926 = arith.constant 72 : i32
        %dma_wait3A_927 = arith.constant 0 : i32
        %dma_wait3A_928 = tpu.memref_slice %arg5[%add3A_166, %dma_wait3A_926, %dma_wait3A_927] : memref<1000x104x512xf32, #tpu.memory_space<hbm>> -> memref<1x8x512xf32, #tpu.memory_space<hbm>>
        %dma_wait3A_929 = tpu.memref_squeeze %dma_wait3A_928 : memref<1x8x512xf32, #tpu.memory_space<hbm>> -> memref<8x512xf32, #tpu.memory_space<hbm>>
        %dma_wait3A_930 = arith.constant 72 : i32
        %dma_wait3A_931 = arith.constant 0 : i32
        %dma_wait3A_932 = tpu.memref_slice %arg5[%add3A_166, %dma_wait3A_930, %dma_wait3A_931] : memref<1000x104x512xf32, #tpu.memory_space<hbm>> -> memref<1x8x512xf32, #tpu.memory_space<hbm>>
        %dma_wait3A_933 = tpu.memref_squeeze %dma_wait3A_932 : memref<1x8x512xf32, #tpu.memory_space<hbm>> -> memref<8x512xf32, #tpu.memory_space<hbm>>
        tpu.wait_dma2 semaphore(%arg21 : memref<!tpu.dma_semaphore, #tpu.memory_space<semaphore_mem>>) src(%arg13 : memref<8x512xf32, #tpu.memory_space<vmem>>) dst(%dma_wait3A_933 : memref<8x512xf32, #tpu.memory_space<hbm>>)
        %parallel_loop3A_934 = arith.constant 0 : i32
        %parallel_loop3A_935 = arith.constant 4096 : i32
        %parallel_loop3A_936 = arith.constant 16 : i32
        scf.for %parallel_loop3A_968 = %parallel_loop3A_934 to %parallel_loop3A_935 step %parallel_loop3A_936  : i32 {
          %parallel_loop3A_969 = arith.constant 9 : i32
          %parallel_loop3A_970 = arith.shrsi %parallel_loop3A_968, %parallel_loop3A_969 : i32
          %parallel_loop3A_971 = arith.constant 511 : i32
          %parallel_loop3A_972 = arith.andi %parallel_loop3A_968, %parallel_loop3A_971 : i32
          %parallel_loop3A_973 = arith.constant 500 : i32
          %parallel_loop3A_974 = arith.muli %parallel_loop3A_970, %parallel_loop3A_973 : i32
          %parallel_loop3A_975 = arith.addi %parallel_loop3A_974, %parallel_loop3A_972 : i32
          %parallel_loop3A_976 = arith.index_cast %parallel_loop3A_975 : i32 to index
          %parallel_loop3A_977 = tpu.vector_load %arg11[%parallel_loop3A_976] {strides = array<i32>} : memref<4096xi32, #tpu.memory_space<vmem>>, vector<16xi32>,
          %parallel_loop3A_978 = tpu.vector_load_idx %arg9[%parallel_loop3A_977] : memref<50000xf32, #tpu.memory_space<vmem>>[vector<16xi32>], vector<16xf32>,
          %parallel_loop3A_979 = arith.index_cast %parallel_loop3A_970 : i32 to index
          %parallel_loop3A_980 = arith.index_cast %parallel_loop3A_972 : i32 to index
          %parallel_loop3A_981 = tpu.vector_load %arg13[%parallel_loop3A_979, %parallel_loop3A_980] {strides = array<i32>} : memref<8x512xf32, #tpu.memory_space<vmem>>, vector<16xf32>,
          tpu.vector_store %arg13[%parallel_loop3A_979, %parallel_loop3A_980], %parallel_loop3A_978 {strides = array<i32>} : memref<8x512xf32, #tpu.memory_space<vmem>>, vector<16xf32>,
        } {sc.loop_unroll_factor = 8 : i64, sc.parallel_access}
        %dma_start3A_937 = arith.constant 88 : i32
        %dma_start3A_938 = arith.constant 0 : i32
        %dma_start3A_939 = tpu.memref_slice %arg5[%add3A_166, %dma_start3A_937, %dma_start3A_938] : memref<1000x104x512xf32, #tpu.memory_space<hbm>> -> memref<1x8x512xf32, #tpu.memory_space<hbm>>
        %dma_start3A_940 = tpu.memref_squeeze %dma_start3A_939 : memref<1x8x512xf32, #tpu.memory_space<hbm>> -> memref<8x512xf32, #tpu.memory_space<hbm>>
        %dma_start3A_941 = arith.constant 88 : i32
        %dma_start3A_942 = arith.constant 0 : i32
        %dma_start3A_943 = tpu.memref_slice %arg5[%add3A_166, %dma_start3A_941, %dma_start3A_942] : memref<1000x104x512xf32, #tpu.memory_space<hbm>> -> memref<1x8x512xf32, #tpu.memory_space<hbm>>
        %dma_start3A_944 = tpu.memref_squeeze %dma_start3A_943 : memref<1x8x512xf32, #tpu.memory_space<hbm>> -> memref<8x512xf32, #tpu.memory_space<hbm>>
        tpu.enqueue_dma source(%arg13 : memref<8x512xf32, #tpu.memory_space<vmem>>) target(%dma_start3A_944 : memref<8x512xf32, #tpu.memory_space<hbm>>) target_semaphore(%arg21 : memref<!tpu.dma_semaphore, #tpu.memory_space<semaphore_mem>>)
        %dma_wait3A_945 = arith.constant 48000 : i32
        %dma_wait3A_946 = tpu.memref_slice %arg7[%dma_wait3A_945] : memref<52096xi32, #tpu.memory_space<vmem_shared>> -> memref<4096xi32, #tpu.memory_space<vmem_shared>>
        %dma_wait3A_947 = arith.constant 48000 : i32
        %dma_wait3A_948 = tpu.memref_slice %arg7[%dma_wait3A_947] : memref<52096xi32, #tpu.memory_space<vmem_shared>> -> memref<4096xi32, #tpu.memory_space<vmem_shared>>
        tpu.wait_dma2 semaphore(%arg17 : memref<!tpu.dma_semaphore, #tpu.memory_space<semaphore_mem>>) src(%dma_wait3A_948 : memref<4096xi32, #tpu.memory_space<vmem_shared>>) dst(%arg10 : memref<4096xi32, #tpu.memory_space<vmem>>)
        %dma_wait3A_949 = arith.constant 80 : i32
        %dma_wait3A_950 = arith.constant 0 : i32
        %dma_wait3A_951 = tpu.memref_slice %arg5[%add3A_166, %dma_wait3A_949, %dma_wait3A_950] : memref<1000x104x512xf32, #tpu.memory_space<hbm>> -> memref<1x8x512xf32, #tpu.memory_space<hbm>>
        %dma_wait3A_952 = tpu.memref_squeeze %dma_wait3A_951 : memref<1x8x512xf32, #tpu.memory_space<hbm>> -> memref<8x512xf32, #tpu.memory_space<hbm>>
        %dma_wait3A_953 = arith.constant 80 : i32
        %dma_wait3A_954 = arith.constant 0 : i32
        %dma_wait3A_955 = tpu.memref_slice %arg5[%add3A_166, %dma_wait3A_953, %dma_wait3A_954] : memref<1000x104x512xf32, #tpu.memory_space<hbm>> -> memref<1x8x512xf32, #tpu.memory_space<hbm>>
        %dma_wait3A_956 = tpu.memref_squeeze %dma_wait3A_955 : memref<1x8x512xf32, #tpu.memory_space<hbm>> -> memref<8x512xf32, #tpu.memory_space<hbm>>
        tpu.wait_dma2 semaphore(%arg20 : memref<!tpu.dma_semaphore, #tpu.memory_space<semaphore_mem>>) src(%arg12 : memref<8x512xf32, #tpu.memory_space<vmem>>) dst(%dma_wait3A_956 : memref<8x512xf32, #tpu.memory_space<hbm>>)
        %parallel_loop3A_957 = arith.constant 0 : i32
        %parallel_loop3A_958 = arith.constant 4096 : i32
        %parallel_loop3A_959 = arith.constant 16 : i32
        scf.for %parallel_loop3A_968 = %parallel_loop3A_957 to %parallel_loop3A_958 step %parallel_loop3A_959  : i32 {
          %parallel_loop3A_969 = arith.constant 9 : i32
          %parallel_loop3A_970 = arith.shrsi %parallel_loop3A_968, %parallel_loop3A_969 : i32
          %parallel_loop3A_971 = arith.constant 511 : i32
          %parallel_loop3A_972 = arith.andi %parallel_loop3A_968, %parallel_loop3A_971 : i32
          %parallel_loop3A_973 = arith.constant 500 : i32
          %parallel_loop3A_974 = arith.muli %parallel_loop3A_970, %parallel_loop3A_973 : i32
          %parallel_loop3A_975 = arith.addi %parallel_loop3A_974, %parallel_loop3A_972 : i32
          %parallel_loop3A_976 = arith.index_cast %parallel_loop3A_975 : i32 to index
          %parallel_loop3A_977 = tpu.vector_load %arg10[%parallel_loop3A_976] {strides = array<i32>} : memref<4096xi32, #tpu.memory_space<vmem>>, vector<16xi32>,
          %parallel_loop3A_978 = tpu.vector_load_idx %arg9[%parallel_loop3A_977] : memref<50000xf32, #tpu.memory_space<vmem>>[vector<16xi32>], vector<16xf32>,
          %parallel_loop3A_979 = arith.index_cast %parallel_loop3A_970 : i32 to index
          %parallel_loop3A_980 = arith.index_cast %parallel_loop3A_972 : i32 to index
          %parallel_loop3A_981 = tpu.vector_load %arg12[%parallel_loop3A_979, %parallel_loop3A_980] {strides = array<i32>} : memref<8x512xf32, #tpu.memory_space<vmem>>, vector<16xf32>,
          tpu.vector_store %arg12[%parallel_loop3A_979, %parallel_loop3A_980], %parallel_loop3A_978 {strides = array<i32>} : memref<8x512xf32, #tpu.memory_space<vmem>>, vector<16xf32>,
        } {sc.loop_unroll_factor = 8 : i64, sc.parallel_access}
        %dma_start3A_960 = arith.constant 96 : i32
        %dma_start3A_961 = arith.constant 0 : i32
        %dma_start3A_962 = tpu.memref_slice %arg5[%add3A_166, %dma_start3A_960, %dma_start3A_961] : memref<1000x104x512xf32, #tpu.memory_space<hbm>> -> memref<1x8x512xf32, #tpu.memory_space<hbm>>
        %dma_start3A_963 = tpu.memref_squeeze %dma_start3A_962 : memref<1x8x512xf32, #tpu.memory_space<hbm>> -> memref<8x512xf32, #tpu.memory_space<hbm>>
        %dma_start3A_964 = arith.constant 96 : i32
        %dma_start3A_965 = arith.constant 0 : i32
        %dma_start3A_966 = tpu.memref_slice %arg5[%add3A_166, %dma_start3A_964, %dma_start3A_965] : memref<1000x104x512xf32, #tpu.memory_space<hbm>> -> memref<1x8x512xf32, #tpu.memory_space<hbm>>
        %dma_start3A_967 = tpu.memref_squeeze %dma_start3A_966 : memref<1x8x512xf32, #tpu.memory_space<hbm>> -> memref<8x512xf32, #tpu.memory_space<hbm>>
        tpu.enqueue_dma source(%arg12 : memref<8x512xf32, #tpu.memory_space<vmem>>) target(%dma_start3A_967 : memref<8x512xf32, #tpu.memory_space<hbm>>) target_semaphore(%arg20 : memref<!tpu.dma_semaphore, #tpu.memory_space<semaphore_mem>>)
      } else {
      }
    }
    %dma_wait3A = arith.constant 88 : i32
    %dma_wait3A_144 = arith.constant 0 : i32
    %dma_wait3A_145 = tpu.memref_slice %arg5[%add3A, %dma_wait3A, %dma_wait3A_144] : memref<1000x104x512xf32, #tpu.memory_space<hbm>> -> memref<1x8x512xf32, #tpu.memory_space<hbm>>
    %dma_wait3A_146 = tpu.memref_squeeze %dma_wait3A_145 : memref<1x8x512xf32, #tpu.memory_space<hbm>> -> memref<8x512xf32, #tpu.memory_space<hbm>>
    %dma_wait3A_147 = arith.constant 88 : i32
    %dma_wait3A_148 = arith.constant 0 : i32
    %dma_wait3A_149 = tpu.memref_slice %arg5[%add3A, %dma_wait3A_147, %dma_wait3A_148] : memref<1000x104x512xf32, #tpu.memory_space<hbm>> -> memref<1x8x512xf32, #tpu.memory_space<hbm>>
    %dma_wait3A_150 = tpu.memref_squeeze %dma_wait3A_149 : memref<1x8x512xf32, #tpu.memory_space<hbm>> -> memref<8x512xf32, #tpu.memory_space<hbm>>
    tpu.wait_dma2 semaphore(%arg21 : memref<!tpu.dma_semaphore, #tpu.memory_space<semaphore_mem>>) src(%arg13 : memref<8x512xf32, #tpu.memory_space<vmem>>) dst(%dma_wait3A_150 : memref<8x512xf32, #tpu.memory_space<hbm>>)
    %dma_wait3A_151 = arith.constant 96 : i32
    %dma_wait3A_152 = arith.constant 0 : i32
    %dma_wait3A_153 = tpu.memref_slice %arg5[%add3A, %dma_wait3A_151, %dma_wait3A_152] : memref<1000x104x512xf32, #tpu.memory_space<hbm>> -> memref<1x8x512xf32, #tpu.memory_space<hbm>>
    %dma_wait3A_154 = tpu.memref_squeeze %dma_wait3A_153 : memref<1x8x512xf32, #tpu.memory_space<hbm>> -> memref<8x512xf32, #tpu.memory_space<hbm>>
    %dma_wait3A_155 = arith.constant 96 : i32
    %dma_wait3A_156 = arith.constant 0 : i32
    %dma_wait3A_157 = tpu.memref_slice %arg5[%add3A, %dma_wait3A_155, %dma_wait3A_156] : memref<1000x104x512xf32, #tpu.memory_space<hbm>> -> memref<1x8x512xf32, #tpu.memory_space<hbm>>
    %dma_wait3A_158 = tpu.memref_squeeze %dma_wait3A_157 : memref<1x8x512xf32, #tpu.memory_space<hbm>> -> memref<8x512xf32, #tpu.memory_space<hbm>>
    tpu.wait_dma2 semaphore(%arg20 : memref<!tpu.dma_semaphore, #tpu.memory_space<semaphore_mem>>) src(%arg12 : memref<8x512xf32, #tpu.memory_space<vmem>>) dst(%dma_wait3A_158 : memref<8x512xf32, #tpu.memory_space<hbm>>)
    return
  }
}

</mosaic_0001>

<sc_bundles>
// kernel: kernel.3.cloned.1.call-start
scs
__scs_entry_jumppad:
0x0: {  	(pc) =	sbr.rel $0x88, $3  }
0x1: {  	(tag) =	ssettag $0x0;
	lr =	simm.s32 $0x1  }
0x2: {  	[smem:$0x3F9D] =	sst lr;
	_ =	strace $0xD0000000  }
0x3: {  	_ = 	snop  }
0x4: {  	_ = 	snop  }
0x5: {  	_ = 	snop  }
0x6: {  	_ = 	snop  }
0x7: {  	_ = 	snop  }
__scs_overlays_trampoline_lowered:
0x8: {  	[smem:$0x3FAC] =	sst s0  }
0x9: {  	[smem:$0x3FAD] =	sst s1  }
0xa: {  	[smem:$0x3FAE] =	sst s2  }
0xb: {  	[smem:$0x3FAF] =	sst s3  }
0xc: {  	[smem:$0x3FB0] =	sst s4  }
0xd: {  	[smem:$0x3FB1] =	sst s5  }
0xe: {  	[smem:$0x3FB2] =	sst s6  }
0xf: {  	[smem:$0x3FB3] =	sst s7  }
0x10: {  	[smem:$0x3FB4] =	sst s8  }
0x11: {  	[smem:$0x3FB5] =	sst s9;
	s0 =	simm.s32 @!p0 $0x0  }
0x12: {  	s1 =	sld [smem:$0x3F9B];
	s0 =	simm.s32 @p0 $0x1  }
0x13: {  	[smem:$0x3FB6] =	sst s0;
	s0 =	simm.s32 @!p1 $0x0  }
0x14: {  	s2 =	sld [smem:$0x3F9A];
	s0 =	simm.s32 @p1 $0x1  }
0x15: {  	[smem:$0x3FB7] =	sst s0;
	s0 =	simm.s32 @!p2 $0x0  }
0x16: {  	s3 =	sld [smem:$0x3FDB];
	s0 =	simm.s32 @p2 $0x1  }
0x17: {  	s4 =	simm.s32 $0x1BF5;
	[smem:$0x3FB9] =	sst s0  }
0x18: {  	s0 =	sld [smem:$0x3F9C];
	_ =	swait.ge [sflag:s4], $0x0  }
0x19: {  	s7 =	sld [smem:$0x3F9D]  }
0x1a: {  	s8 =	sadd.s32 $0xFFFFE003, lr  }
0x1b: {  	s9 =	sadd.s32 $0xFFFFFEF7, lr;
	s5 =	simm.s32 $0xFFFFFFFF;
	p2 =	slt.u32 s8, $0xFFFFF086  }
0x1c: {  	p1 =	slt.u32 s9, $0xF7A;
	s5 =	simm.s32 @!p2 $0x0  }
0x1d: {  	s5 =	simm.s32 @p1 $0x1;
	p0 =	seq.s32 s7, s2  }
0x1e: {  	s7 =	smul.u32 @!p0 $0xF7A, s2;
	p2 =	seq.s32 @!p0 s5, $0x0  }
0x1f: {  	s9 =	smul.u32 $0xF7A, s1;
	s8 =	simm.s32 @!p0 $0x1BF5;
	p2 =	por !p2, p0  }
0x20: {  	[sflag:s8] =	ssyncset.s32 @!p0 $0xFFFFF086;
	s6 =	sadd.s32 @!p0 s3, s7;
	s7 =	simm.s32 @!p0 $0x108  }
0x21: {  	s3 =	sadd.s32 s3, s9;
	s6 =	sadd.s32 @!p0 $0x88, s6;
	s7 =	simm.s32 @p2 $0x1082  }
0x22: {  	[simem:s7], [sflag:s8] =	dma.local @!p0 [hbm:s6], $0xF7A  }
0x23: {  	s9 =	sor.u32 $0xD0000000, s2;
	s6 =	simm.s32 $0x108;
	_ =	swait.ge @!p0 [sflag:s8], $0x0  }
0x24: {  	s3 =	sadd.s32 $0x88, s3;
	s6 =	simm.s32 @!p1 $0x1082;
	[sflag:s4] =	ssyncset.s32 $0xFFFFF086  }
0x25: {  	[simem:s6], [sflag:s4] =	dma.local [hbm:s3], $0xF7A  }
0x26: {  	[smem:$0x3F9D] =	sst s1;
	(tag) =	ssettag s2;
	_ =	strace s9  }
0x27: {  	s1 =	sld [smem:$0x3FAD]  }
0x28: {  	s2 =	sld [smem:$0x3FAE]  }
0x29: {  	s4 =	sld [smem:$0x3FB0]  }
0x2a: {  	p0 =	seq.s32 s5, $0x0;
	s5 =	sld [smem:$0x3FB1]  }
0x2b: {  	s6 =	sld [smem:$0x3FB2]  }
0x2c: {  	s7 =	sld [smem:$0x3FB3]  }
0x2d: {  	s3 =	simm.s32 $0x108;
	s8 =	sld [smem:$0x3FB4]  }
0x2e: {  	s3 =	simm.s32 @!p0 $0x1082;
	s9 =	sld [smem:$0x3FB5]  }
0x2f: {  	lr =	sadd.s32 s0, s3;
	s0 =	sld [smem:$0x3FAC]  }
0x30: {  	s3 =	sld [smem:$0x3FAF]  }
0x31: {  	[smem:$0x3FB8] =	sst s10  }
0x32: {  	s10 =	sld [smem:$0x3FB6];
	_ =	sdelay $0x3  }
0x33: {  	p0 =	seq.s32 s10, $0x1;
	s10 =	sld [smem:$0x3FB8];
	_ =	sdelay $0x3  }
0x34: {  	[smem:$0x3FB8] =	sst s10  }
0x35: {  	s10 =	sld [smem:$0x3FB7];
	_ =	sdelay $0x3  }
0x36: {  	p1 =	seq.s32 s10, $0x1;
	s10 =	sld [smem:$0x3FB8];
	_ =	sdelay $0x3  }
0x37: {  	[smem:$0x3FB8] =	sst s10  }
0x38: {  	s10 =	sld [smem:$0x3FB9]  }
0x39: {  	_ = 	snop;
	(pc) =	sbr.ind lr, $3  }
0x3a: {  	_ = 	snop  }
0x3b: {  	_ = 	snop  }
0x3c: {  	p2 =	seq.s32 s10, $0x1;
	s10 =	sld [smem:$0x3FB8]  }
0x3d: {  	_ =	shalt  }
0x3e: {  	_ =	shalt  }
0x3f: {  	_ =	shalt  }
0x40: {  	_ =	shalt  }
0x41: {  	_ =	shalt  }
0x42: {  	_ =	shalt  }
0x43: {  	_ =	shalt  }
0x44: {  	_ =	shalt  }
0x45: {  	_ =	shalt  }
0x46: {  	_ =	shalt  }
0x47: {  	_ =	shalt  }
0x48: {  	_ =	shalt  }
0x49: {  	_ =	shalt  }
0x4a: {  	_ =	shalt  }
0x4b: {  	_ =	shalt  }
0x4c: {  	_ =	shalt  }
0x4d: {  	_ =	shalt  }
0x4e: {  	_ =	shalt  }
0x4f: {  	_ =	shalt  }
0x50: {  	_ =	shalt  }
0x51: {  	_ =	shalt  }
0x52: {  	_ =	shalt  }
0x53: {  	_ =	shalt  }
0x54: {  	_ =	shalt  }
0x55: {  	_ =	shalt  }
0x56: {  	_ =	shalt  }
0x57: {  	_ =	shalt  }
0x58: {  	_ =	shalt  }
0x59: {  	_ =	shalt  }
0x5a: {  	_ =	shalt  }
0x5b: {  	_ =	shalt  }
0x5c: {  	_ =	shalt  }
0x5d: {  	_ =	shalt  }
0x5e: {  	_ =	shalt  }
0x5f: {  	_ =	shalt  }
0x60: {  	_ =	shalt  }
0x61: {  	_ =	shalt  }
0x62: {  	_ =	shalt  }
0x63: {  	_ =	shalt  }
0x64: {  	_ =	shalt  }
0x65: {  	_ =	shalt  }
0x66: {  	_ =	shalt  }
0x67: {  	_ =	shalt  }
0x68: {  	_ =	shalt  }
0x69: {  	_ =	shalt  }
0x6a: {  	_ =	shalt  }
0x6b: {  	_ =	shalt  }
0x6c: {  	_ =	shalt  }
0x6d: {  	_ =	shalt  }
0x6e: {  	_ =	shalt  }
0x6f: {  	_ =	shalt  }
0x70: {  	_ =	shalt  }
0x71: {  	_ =	shalt  }
0x72: {  	_ =	shalt  }
0x73: {  	_ =	shalt  }
0x74: {  	_ =	shalt  }
0x75: {  	_ =	shalt  }
0x76: {  	_ =	shalt  }
0x77: {  	_ =	shalt  }
0x78: {  	_ =	shalt  }
0x79: {  	_ =	shalt  }
0x7a: {  	_ =	shalt  }
0x7b: {  	_ =	shalt  }
0x7c: {  	_ =	shalt  }
0x7d: {  	_ =	shalt  }
0x7e: {  	_ =	shalt  }
0x7f: {  	_ =	shalt  }
0x80: {  	_ =	shalt  }
0x81: {  	_ =	shalt  }
0x82: {  	_ =	shalt  }
0x83: {  	_ =	shalt  }
0x84: {  	_ =	shalt  }
0x85: {  	_ =	shalt  }
0x86: {  	_ =	shalt  }
0x87: {  	_ =	shalt  }
.Lfunc_end0:
.L_simem_size_0:
called_computation_lowered:
.L_overlay_start_0:
0x88: {  	s2 =	sld [smem:$0x3FD9]  }
0x89: {  	s3 =	sld [smem:$0x3FFE];
	_ =	sdelay $0x1  }
0x8a: {  	s1 =	srdreg.scid  }
0x8b: {  	s0 =	sand.u32 $0x1, s1  }
0x8c: {  	s14 =	sshll.u32 s0, $0xA;
	s2 =	sadd.s32 s3, s2  }
0x8d: {  	s2 =	sadd.s32 s2, s14  }
0x8e: {  	[smem:$0x3FC4] =	sst s2  }
0x8f: {  	_ = 	snop  }
0x90: {  	s2 =	sld [smem:$0x3FD0];
	_ =	sdelay $0x1  }
0x91: {  	s15 =	sld [smem:$0x3FC9]  }
0x92: {  	s5 =	simm.s32 $0xA;
	s6 =	simm.s32 $0x10;
	s4 =	sld [smem:$0x3FC8]  }
0x93: {  	[smem:s6], [sflag:s5] =	dma.local [hbm:s2], $0x1  }
0x94: {  	_ =	swait.eq [sflag:s5], $0x1  }
0x95: {  	[sflag:s5] =	ssyncset.done $0x0  }
0x96: {  	s16 =	sld [smem:$0x10];
	[sflag:s5] =	ssyncadd.s32 $0xFFFFFFFF  }
0x97: {  	s17 =	sld [smem:$0x11];
	(tm) =	ssettm $0x1  }
0x98: {  	s18 =	sld [smem:$0x3FFB];
	_ =	sdelay $0x3  }
0x99: {  	_ =	strace s18  }
0x9a: {  	s6 =	sld [smem:$0x3FFC];
	_ =	sdelay $0x3  }
0x9b: {  	_ =	strace s6  }
0x9c: {  	s6 =	sld [smem:$0x3FFD];
	_ =	sdelay $0x3  }
0x9d: {  	_ =	strace s6  }
0x9e: {  	_ =	strace $0x8FFFFFFF  }
0x9f: {  	s19 =	sld [smem:$0x3FDB];
	_ =	sdelay $0x1  }
0xa0: {  	s7 =	simm.s32 $_scs_section_size  }
0xa1: {  	s8 =	simm.s32 $_size__tile_overlayer_lowered;
	s9 =	simm.s32 $_tile_overlayer_lowered  }
0xa2: {  	s22 =	simm.s32 $0x1BFF;
	s21 =	sshll.u32 s9, $0x1;
	s6 =	sadd.s32 s7, s19  }
0xa3: {  	s10 =	simm.s32 $0x0;
	s20 =	sshll.u32 s8, $0x1;
	s8 =	sadd.s32 s21, s6  }
0xa4: {  	[timem:s10], [sflag:s22] =	dma.local [hbm:s8], s20  }
0xa5: {  	_ =	swait.ge [sflag:s22], s20  }
0xa6: {  	s7 =	ssub.s32 $0x0, s20;
	[sflag:s22] =	ssyncset.done $0x0  }
0xa7: {  	[sflag:s22] =	ssyncadd.s32 s7;
	_ =	sdelay $0x1  }
0xa8: {  	s23 =	simm.s32 $0x1B8B  }
0xa9: {  	_ =	swait.ge [sflag:s23], $0x1  }
0xaa: {  	[sflag:s23] =	ssyncset.done $0x0  }
0xab: {  	s25 =	simm.s32 $0x1B8E;
	s24 =	sld [smem:$0x3FFE];
	[sflag:s23] =	ssyncadd.s32 $0xFFFFFFFF  }
0xac: {  	s26 =	simm.s32 $execute0_lowered;
	[smem:$0x3FD2] =	sst s25  }
0xad: {  	s8 =	sshll.u32 s26, $0x1;
	_ =	strace $0x80000046;
	[dreg:$0x1] =	wrdreg $0xFFFFFFFF  }
0xae: {  	s28 =	simm.s32 $_size_execute0_lowered;
	s6 =	sadd.s32 s6, s8;
	[dreg:$0x0] =	wrdreg $0x0  }
0xaf: {  	s8 =	sshll.u32 s28, $0x1;
	[dreg:$0x2] =	wrdreg s6  }
0xb0: {  	[dreg:$0x3] =	wrdreg s8  }
0xb1: {  	[dreg:$0x4] =	wrdreg $0xC0  }
0xb2: {  	_ =	task [dreg:s10], $0x5FFFF  }
0xb3: {  	[dreg:$0x1] =	wrdreg $0xFFFFFFFF  }
0xb4: {  	[dreg:$0x0] =	wrdreg $0x60  }
0xb5: {  	[dreg:$0x2] =	wrdreg s15  }
0xb6: {  	[dreg:$0x3] =	wrdreg s17  }
0xb7: {  	[dreg:$0x4] =	wrdreg s4  }
0xb8: {  	[dreg:$0x5] =	wrdreg s16  }
0xb9: {  	[dreg:$0x6] =	wrdreg s24  }
0xba: {  	[dreg:$0x7] =	wrdreg $0x0  }
0xbb: {  	[dreg:$0x8] =	wrdreg $0x9  }
0xbc: {  	_ =	task.clear_ibuf [dreg:s10], $0x9FFFF;
	_ =	strace $0x90000046  }
0xbd: {  	s29 =	simm.s32 $0x9;
	_ =	strace $0x80000048  }
0xbe: {  	_ =	swait.ge [sflag:s29], $0x1  }
0xbf: {  	[sflag:s29] =	ssyncadd.s32 $0xFFFFFFFF  }
0xc0: {  	_ =	strace $0x90000048  }
0xc1: {  	_ =	sfence  }
0xc2: {  	s30 =	sld [smem:$0x0];
	_ =	sdelay $0x2  }
0xc3: {  	s31 =	sshll.u32 s1, $0xD;
	s1 =	sshrl.u32 s1, $0x2  }
0xc4: {  	s3 =	sand.u32 $0x4000, s31;
	s1 =	sadd.s32 s1, s30  }
0xc5: {  	s0 =	sor.u32 s3, s0;
	s1 =	sshll.u32 s1, $0x11  }
0xc6: {  	s0 =	sor.u32 s1, s0  }
0xc7: {  	s0 =	sadd.s32 $0x8F2B, s0  }
0xc8: {  	[sflag:s0] =	ssyncadd.remote.s32 $0x1  }
0xc9: {  	_ =	sfence.sel $0xFFFF  }
0xca: {  	[dreg:$0x0] =	wrdreg $0xFFFFFFFF;
	(pc) =	sbr.abs _section_cstart, $3  }
0xcb: {  	[dreg:$0x1] =	wrdreg $0xFFFFFFFF  }
0xcc: {  	_ =	task.clear_ibuf [dreg:s10], $0x2FFFF;
	_ =	strace $0x9FFFFFFF  }
0xcd: {  	(tm) =	ssettm $0x7FFFFFFF  }
tec
execute0_lowered:
.L_overlay_start_1:
0x0: {  	(tag) =	ssettag $0x1  }
0x1: {  	s10 =	rddreg [dreg:$0x0]  }
0x2: {  	s2 =	rddreg [dreg:$0x2]  }
0x3: {  	s0 =	srdreg.scid;
	s4 =	rddreg [dreg:$0x4]  }
0x4: {  	s1 =	stileid.u32;
	s6 =	rddreg [dreg:$0x5];
	s7 =	simm.s32 $0x0  }
0x5: {  	s28 =	simm.s32 $0x7;
	[smem:$0x7FF] =	sst s7;
	s13 =	sadd.s32 $0xFA0, s6  }
0x6: {  	s14 =	sadd.s32 $0x1F40, s6;
	_ =	strace $0x80000047;
	[dreg:$0x8] =	wrdreg s13  }
0x7: {  	s29 =	simm.s32 $0x200;
	s16 =	sadd.s32 $0x2EE0, s6;
	[dreg:$0x9] =	wrdreg s14  }
0x8: {  	s30 =	simm.s32 $0x1D5B8;
	s17 =	sadd.s32 $0x3E80, s6;
	[dreg:$0xa] =	wrdreg s16  }
0x9: {  	s31 =	simm.s32 $0x1;
	s18 =	sadd.s32 $0x4E20, s6;
	[dreg:$0xb] =	wrdreg s17  }
0xa: {  	s0 =	sand.u32 $0x1, s0;
	s19 =	sadd.s32 $0x5DC0, s6;
	[dreg:$0xc] =	wrdreg s18  }
0xb: {  	s3 =	sshll.u32 s1, $0x1;
	s20 =	sadd.s32 $0x6D60, s6;
	[dreg:$0xd] =	wrdreg s19  }
0xc: {  	s9 =	sshrl.u32 s1, $0x2;
	s21 =	sadd.s32 $0x7D00, s6;
	[dreg:$0xe] =	wrdreg s20  }
0xd: {  	s8 =	sadd.s32 $0x800, s4;
	s22 =	sadd.s32 $0x8CA0, s6;
	[dreg:$0xf] =	wrdreg s21  }
0xe: {  	s23 =	sadd.s32 $0x9C40, s6;
	s24 =	sadd.s32 $0xABE0, s6;
	[dreg:$0x10] =	wrdreg s22  }
0xf: {  	s26 =	sadd.s32 $0xBB80, s6;
	p0 =	sne.s32 s1, $0x0;
	[dreg:$0x11] =	wrdreg s23  }
0x10: {  	s1 =	sshll.u32 s1, $0xA;
	s15 =	sor.u32 s0, s3;
	[dreg:$0x12] =	wrdreg s24  }
0x11: {  	s3 =	smul.u32 $0x61C00, s9;
	s9 =	ssub.s32 $0x2, s0;
	[dreg:$0x13] =	wrdreg s26  }
0x12: {  	s0 =	sshll.u32 s0, $0x9;
	s26 =	simm.s32 $0x1D3B8;
	s22 =	simm.s32 $0x2  }
0x13: {  	s23 =	simm.s32 $0x1B3B8;
	s24 =	simm.s32 $0x1C3B8;
	s16 =	simm.s32 $0x0  }
0x14: {  	s5 =	sshll.u32 s15, $0x7;
	s11 =	sshrl.u32 s9, $0x1;
	s25 =	ssub.s32 $0x81, s15  }
0x15: {  	s5 =	sand.u32 $0x380, s5;
	s12 =	ssub.s32 s9, s11;
	s9 =	simm.s32 $0x193B8  }
0x16: {  	s3 =	sor.u32 s3, s5;
	s4 =	smax.u32 s12, $0x1;
	s12 =	sor.u32 s0, s1  }
.Ltmp0:
0x17: {  	s0 =	sshrl.u32 @!p0 s6, $0x3;
	[dreg:$0x14] =	wrdreg s4;
	(pc) =	sbr.rel .LBB2_1-.Ltmp0, $4  }
0x18: {  	s5 =	simm.s32 $0xD038;
	s3 =	sshrl.u32 s3, $0x3;
	[dreg:$0x17] =	wrdreg s0  }
0x19: {  	s4 =	simm.s32 $0xCB8;
	[dreg:$0x16] =	wrdreg s12;
	s3 =	sadd.s32 s10, s3  }
0x1a: {  	s0 =	simm.s32 $0x5;
	[dreg:$0x7] =	wrdreg s3;
	s3 =	sshrl.u32 s25, $0x5  }
0x1b: {  	s25 =	simm.s32 $0x1A3B8;
	[dreg:$0x15] =	wrdreg s3;
	s3 =	simm.s32 $0x6  }
.LBB2_60:
0x1c: {  	_ =	swait.ge [sflag:s3], $0x1000  }
0x1d: {  	[sflag:s3] =	ssyncset.done $0x0  }
0x1e: {  	[sflag:s3] =	ssyncadd.s32 $0xFFFFF000  }
0x1f: {  	_ =	swait.ge [sflag:s0], $0x1000  }
0x20: {  	s16 =	rddreg [dreg:$0x18]  }
0x21: {  	s1 =	rddreg [dreg:$0x14];
	s16 =	sadd.s32 $0x1, s16  }
0x22: {  	p1 =	sne.s32 s16, s1  }
.Ltmp1:
0x23: {  	_ = 	snop;
	(pc) =	sbr.rel @!p1 .LBB2_61-.Ltmp1, $3  }
0x24: {  	_ =	sdelay $0x1  }
0x25: {  	[sflag:s0] =	ssyncset.done $0x0  }
0x26: {  	s12 =	rddreg [dreg:$0x16];
	[sflag:s0] =	ssyncadd.s32 $0xFFFFF000  }
.LBB2_1:
0x27: {  	s11 =	rddreg [dreg:$0x1]  }
0x28: {  	s10 =	simm.s32 @!p0 $0x1C07;
	s1 =	rddreg [dreg:$0x17]  }
0x29: {  	[spmem:s1], [sflag:s10] =	dma.local @!p0 [hbm:s11], $0x1970  }
0x2a: {  	s10 =	simm.s32 @!p0 $0x7  }
0x2b: {  	_ =	swait.ge @!p0 [sflag:s10], $0x1970  }
0x2c: {  	[sflag:s10] =	ssyncset.done @!p0 $0x0  }
0x2d: {  	[sflag:s10] =	ssyncadd.s32 @!p0 $0xFFFFE690  }
0x2e: {  	[bflag:$0x0] =	sbarrier.arrive $0xFFFF  }
0x2f: {  	s21 =	rddreg [dreg:$0x15]  }
0x30: {  	p2 =	sne.s32 s21, $0x1  }
.Ltmp2:
0x31: {  	_ = 	snop;
	(pc) =	sbr.rel @!p2 .LBB2_4-.Ltmp2, $4  }
0x32: {  	_ = 	snop  }
0x33: {  	p1 =	slt.s32 s15, $0x61;
	s10 =	smov.u32 s12  }
0x34: {  	s10 =	simm.s32 @!p1 $0xC150  }
0x35: {  	p1 =	por $0x0, $0x0;
	[dreg:$0x18] =	wrdreg s16;
	s13 =	sadd.s32 $0xFFFFFFFF, s21  }
0x36: {  	s11 =	sadd.s32 s10, s6  }
0x37: {  	[tilespmem:s26], [sflag:$0x7] =	stream.linear.gather [spmem:s11], $0x200, $0x38;
	[tilespmem:$0x1D7B8] =	vst v63  }
0x38: {  	_ =	swait.ge [sflag:s28], $0x200  }
0x39: {  	[sflag:s28] =	ssyncset.done $0x0  }
0x3a: {  	s21 =	sshrl.u32 s10, $0x3;
	[sflag:s28] =	ssyncadd.s32 $0xFFFFFE00  }
0x3b: {  	[tilespmem:s30], [sflag:$0x1] =	stream.indirect.gather [hbm4b:s2+s29], $0x1, s26, s29, $0xb8;
	[tilespmem:$0x1D7B8] =	vst v63  }
0x3c: {  	p2 =	sne.s32 s13, $0x1;
	s12 =	sadd.s32 $0x4000, s12;
	_ =	swait.ge [sflag:s31], $0x200  }
.Ltmp3:
0x3d: {  	s13 =	sadd.s32 $0xFFFFFFFF, s13;
	[sflag:s31] =	ssyncset.done $0x0;
	(pc) =	sbr.rel @!p2 .LBB2_4-.Ltmp3, $4  }
0x3e: {  	s10 =	sadd.s32 s8, s21;
	s11 =	sadd.s32 $0x20, s15;
	[sflag:s31] =	ssyncadd.s32 $0xFFFFFE00  }
0x3f: {  	[hbm4b:s10+s7] =	stream.linear.scatter [tilespmem:s30], [sflag:$0x7], $0x200, $0x38;
	[tilespmem:$0x1D7B8] =	vst v63  }
0x40: {  	p1 =	slt.s32 s11, $0x61;
	s10 =	smov.u32 s12;
	_ =	swait.ge [sflag:s28], $0x200  }
0x41: {  	s10 =	simm.s32 @!p1 $0xC150;
	p1 =	por $0x1, $0x1;
	[sflag:s28] =	ssyncset.done $0x0  }
.LBB2_3:
0x42: {  	p2 =	sne.s32 s13, $0x1;
	s14 =	sadd.s32 s10, s6;
	[sflag:s28] =	ssyncadd.s32 $0xFFFFFE00  }
0x43: {  	[tilespmem:s26], [sflag:$0x7] =	stream.linear.gather [spmem:s14], $0x200, $0x38;
	[tilespmem:$0x1D7B8] =	vst v63  }
0x44: {  	s13 =	sadd.s32 $0xFFFFFFFF, s13;
	_ =	swait.ge [sflag:s28], $0x200  }
0x45: {  	[sflag:s28] =	ssyncset.done $0x0  }
0x46: {  	[sflag:s28] =	ssyncadd.s32 $0xFFFFFE00  }
0x47: {  	[tilespmem:s30], [sflag:$0x1] =	stream.indirect.gather [hbm4b:s2+s29], $0x1, s26, s29, $0xb8;
	[tilespmem:$0x1D7B8] =	vst v63  }
0x48: {  	s10 =	sshrl.u32 s10, $0x3;
	_ =	swait.ge [sflag:s31], $0x200  }
.Ltmp4:
0x49: {  	s11 =	sadd.s32 $0x20, s11;
	[sflag:s31] =	ssyncset.done $0x0;
	(pc) =	sbr.rel @p2 .LBB2_3-.Ltmp4, $4  }
0x4a: {  	s12 =	sadd.s32 $0x4000, s12;
	s10 =	sadd.s32 s8, s10;
	[sflag:s31] =	ssyncadd.s32 $0xFFFFFE00  }
0x4b: {  	[hbm4b:s10+s7] =	stream.linear.scatter [tilespmem:s30], [sflag:$0x7], $0x200, $0x38;
	[tilespmem:$0x1D7B8] =	vst v63  }
0x4c: {  	p3 =	slt.s32 s11, $0x61;
	s10 =	smov.u32 s12;
	_ =	swait.ge [sflag:s28], $0x200  }
0x4d: {  	s10 =	simm.s32 @!p3 $0xC150;
	[sflag:s28] =	ssyncset.done $0x0  }
.LBB2_4:
0x4e: {  	s11 =	sadd.s32 s10, s6;
	[sflag:s28] =	ssyncadd.s32 @p1 $0xFFFFFE00  }
0x4f: {  	[tilespmem:s26], [sflag:$0x7] =	stream.linear.gather [spmem:s11], $0x200, $0x38;
	[tilespmem:$0x1D7B8] =	vst v63  }
0x50: {  	_ =	swait.ge [sflag:s28], $0x200  }
0x51: {  	[sflag:s28] =	ssyncset.done $0x0  }
0x52: {  	[sflag:s28] =	ssyncadd.s32 $0xFFFFFE00  }
0x53: {  	[tilespmem:s30], [sflag:$0x1] =	stream.indirect.gather [hbm4b:s2+s29], $0x1, s26, s29, $0xb8;
	[tilespmem:$0x1D7B8] =	vst v63  }
0x54: {  	_ =	swait.ge [sflag:s31], $0x200  }
0x55: {  	s19 =	sshrl.u32 s10, $0x3;
	[sflag:s31] =	ssyncset.done $0x0  }
0x56: {  	s10 =	sadd.s32 s8, s19;
	[sflag:s31] =	ssyncadd.s32 $0xFFFFFE00  }
0x57: {  	[hbm4b:s10+s7] =	stream.linear.scatter [tilespmem:s30], [sflag:$0x7], $0x200, $0x38;
	[tilespmem:$0x1D7B8] =	vst v63  }
.Ltmp5:
0x58: {  	_ = 	snop;
	(pc) =	sbr.rel .LBB2_5-.Ltmp5, $4  }
0x59: {  	_ =	swait.ge [sflag:s28], $0x200  }
0x5a: {  	s20 =	simm.s32 $0x80;
	s21 =	simm.s32 $0x400;
	[sflag:s28] =	ssyncset.done $0x0  }
0x5b: {  	s10 =	simm.s32 $0x0;
	s1 =	rddreg [dreg:$0x7];
	[sflag:s28] =	ssyncadd.s32 $0xFFFFFE00  }
0x5c: {  	[tilespmem:s4], [sflag:$0x3] =	stream.strided.gather [hbm4b:s1+s20], $0xC380, s21, s20, $0x38;
	[tilespmem:$0x1D7B8] =	vst v63  }
.LBB2_59:
0x5d: {  	s10 =	sadd.s32 $0x1, s10  }
0x5e: {  	p1 =	sne.s32 s10, $0x10  }
.Ltmp6:
0x5f: {  	_ = 	snop;
	(pc) =	sbr.rel @!p1 .LBB2_60-.Ltmp6, $2  }
0x60: {  	_ =	sdelay $0x2  }
0x61: {  	s15 =	smov.u32 s1  }
.LBB2_5:
0x62: {  	s11 =	sshll.u32 s10, $0x6  }
0x63: {  	s12 =	sor.u32 s15, s11  }
0x64: {  	s11 =	sor.u32 $0x20, s12  }
0x65: {  	p1 =	sgt.u32 s11, $0x3E7  }
0x66: {  	s13 =	sand.u32 @!p1 $0xFFFE, s11  }
0x67: {  	s13 =	sshrl.u32 @!p1 s13, $0x1  }
0x68: {  	s13 =	smul.u32 @!p1 $0x147B, s13;
	_ =	sdelay $0x1  }
0x69: {  	s13 =	sshrl.u32 @!p1 s13, $0x11  }
0x6a: {  	s14 =	smul.u32 @!p1 $0x32, s13;
	_ =	sdelay $0x1  }
0x6b: {  	s14 =	ssub.s32 @!p1 s11, s14  }
0x6c: {  	s1 =	smov.u32 s15;
	s15 =	sand.u32 @!p1 $0xFFF8, s14  }
0x6d: {  	s13 =	smul.u32 @!p1 $0x2AC400, s13;
	s15 =	sshrl.u32 @!p1 s15, $0x3  }
0x6e: {  	s17 =	simm.s32 $0x3;
	s15 =	smul.u32 @!p1 $0x61C00, s15  }
0x6f: {  	_ =	swait.ge [sflag:s17], $0xC380;
	s14 =	sshll.u32 @!p1 s14, $0x7  }
0x70: {  	[sflag:s17] =	ssyncset.done $0x0;
	s14 =	sand.u32 @!p1 $0x380, s14;
	s13 =	sadd.s32 @!p1 s13, s15  }
0x71: {  	s19 =	simm.s32 $0x0;
	[sflag:s17] =	ssyncadd.s32 $0xFFFF3C80;
	s13 =	sor.u32 @!p1 s14, s13  }
0x72: {  	s16 =	simm.s32 @!p1 $0xD038;
	s14 =	rddreg [dreg:$0x0];
	s13 =	sshrl.u32 @!p1 s13, $0x3  }
0x73: {  	s15 =	simm.s32 @!p1 $0x400;
	s13 =	sadd.s32 @!p1 s14, s13;
	s14 =	simm.s32 @!p1 $0x80  }
0x74: {  	[tilespmem:s16], [sflag:$0x4] =	stream.strided.gather @!p1 [hbm4b:s13+s14], $0xC380, s15, s14, $0x38;
	[tilespmem:$0x1D7B8] =	vst v63  }
0x75: {  	s20 =	smul.u32 $0x7D0, s19  }
0x76: {  	[tilespmem:s9], [sflag:$0x2] =	stream.linear.gather [spmem:s6], $0x1000, $0x38;
	[tilespmem:$0x1D7B8] =	vst v63  }
0x77: {  	p2 =	seq.s32 s10, $0x0;
	s17 =	smul.u32 $0x1F4, s19;
	_ =	swait.ge [sflag:s22], $0x1000  }
0x78: {  	s15 =	simm.s32 @!p2 $0x6;
	s13 =	simm.s32 $0x0;
	[sflag:s22] =	ssyncset.done $0x0  }
0x79: {  	s14 =	sand.u32 $0x180, s13;
	s18 =	rddreg [dreg:$0x8];
	[sflag:s22] =	ssyncadd.s32 $0xFFFFF000  }
0x7a: {  	[tilespmem:s25], [sflag:$0x2] =	stream.linear.gather [spmem:s18], $0x1000, $0x38;
	[tilespmem:$0x1D7B8] =	vst v63  }
0x7b: {  	s16 =	sshra.s32 s20, $0x2;
	s21 =	sadd.s32 s14, s17;
	_ =	swait.ge @!p2 [sflag:s15], $0x1000  }
0x7c: {  	s16 =	sadd.s32 s14, s16;
	s17 =	sand.u32 $0x7C, s17;
	[sflag:s15] =	ssyncset.done @!p2 $0x0  }
0x7d: {  	s16 =	sadd.s32 $0x193B8, s16;
	[sflag:s15] =	ssyncadd.s32 @!p2 $0xFFFFF000;
	s15 =	sand.u32 $0x1F80, s21  }
0x7e: {  	s15 =	sor.u32 s17, s15;
	v3 =	vld [tilespmem:s16+$0x70]  }
0x7f: {  	v7 =	vld [tilespmem:s15+$0x193B8]  }
0x80: {  	v6 =	vld [tilespmem:s16+$0x10]  }
0x81: {  	v5 =	vld [tilespmem:s16+$0x20]  }
0x82: {  	v4 =	vld [tilespmem:s16+$0x30]  }
0x83: {  	v2 =	vld [tilespmem:s16+$0x40]  }
0x84: {  	v1 =	vld [tilespmem:s16+$0x50]  }
0x85: {  	v0 =	vld [tilespmem:s16+$0x60]  }
0x86: {  	s15 =	simm.s32 $0x0;
	v3 =	vld.idx.msk [tilespmem:v3+s4+$0x0], $0xffff  }
.LBB2_6:
0x87: {  	s13 =	sadd.s32 $0x80, s13;
	v7 =	vld.idx.msk [tilespmem:v7+s4+$0x0], $0xffff  }
0x88: {  	s15 =	sand.u32 $0xE00, s15;
	s16 =	sshrl.u32 s13, $0x9;
	p3 =	slt.u32 s13, $0xF80;
	v6 =	vld.idx.msk [tilespmem:v6+s4+$0x0], $0xffff  }
0x89: {  	s14 =	sshll.u32 s14, $0x3;
	s15 =	sshrl.u32 s15, $0x2;
	s17 =	smul.u32 $0x7D0, s16;
	v5 =	vld.idx.msk [tilespmem:v5+s4+$0x0], $0xffff  }
0x8a: {  	s16 =	smul.u32 $0x1F4, s16;
	s18 =	sor.u32 s15, s14;
	s15 =	smov.u32 s13;
	v4 =	vld.idx.msk [tilespmem:v4+s4+$0x0], $0xffff  }
0x8b: {  	s14 =	sand.u32 $0x180, s15;
	s19 =	sadd.s32 $0x1B3B8, s18;
	s17 =	sshra.s32 s17, $0x2;
	v2 =	vld.idx.msk [tilespmem:v2+s4+$0x0], $0xffff  }
0x8c: {  	s20 =	sadd.s32 s14, s16;
	s16 =	sand.u32 $0x7C, s16;
	s17 =	sadd.s32 s14, s17;
	v1 =	vld.idx.msk [tilespmem:v1+s4+$0x0], $0xffff;
	[tilespmem:s19+$0x70] =	vst v3  }
0x8d: {  	s20 =	sand.u32 $0x1F80, s20;
	s17 =	sadd.s32 $0x193B8, s17;
	[tilespmem:s18+$0x1B3B8] =	vst v7;
	v0 =	vld.idx.msk [tilespmem:v0+s4+$0x0], $0xffff  }
0x8e: {  	s16 =	sor.u32 s16, s20;
	v3 =	vld [tilespmem:s17+$0x70];
	[tilespmem:s19+$0x10] =	vst v6  }
0x8f: {  	v7 =	vld [tilespmem:s16+$0x193B8];
	[tilespmem:s19+$0x20] =	vst v5  }
0x90: {  	v6 =	vld [tilespmem:s17+$0x10];
	[tilespmem:s19+$0x30] =	vst v4  }
0x91: {  	v5 =	vld [tilespmem:s17+$0x20];
	[tilespmem:s19+$0x40] =	vst v2  }
.Ltmp7:
0x92: {  	v4 =	vld [tilespmem:s17+$0x30];
	[tilespmem:s19+$0x50] =	vst v1;
	(pc) =	sbr.rel @p3 .LBB2_6-.Ltmp7, $4  }
0x93: {  	v2 =	vld [tilespmem:s17+$0x40];
	[tilespmem:s19+$0x60] =	vst v0  }
0x94: {  	v1 =	vld [tilespmem:s17+$0x50]  }
0x95: {  	v0 =	vld [tilespmem:s17+$0x60]  }
0x96: {  	v3 =	vld.idx.msk [tilespmem:v3+s4+$0x0], $0xffff  }
0x97: {  	_ =	sdelay $0x3  }
0x98: {  	v7 =	vld.idx.msk [tilespmem:v7+s4+$0x0], $0xffff;
	s13 =	sand.u32 $0xE00, s15  }
0x99: {  	v6 =	vld.idx.msk [tilespmem:v6+s4+$0x0], $0xffff;
	s14 =	sshll.u32 s14, $0x3;
	s13 =	sshrl.u32 s13, $0x2  }
0x9a: {  	v5 =	vld.idx.msk [tilespmem:v5+s4+$0x0], $0xffff;
	s13 =	sor.u32 s13, s14  }
0x9b: {  	v4 =	vld.idx.msk [tilespmem:v4+s4+$0x0], $0xffff;
	s14 =	sadd.s32 $0x1B3B8, s13  }
0x9c: {  	v2 =	vld.idx.msk [tilespmem:v2+s4+$0x0], $0xffff;
	[tilespmem:s14+$0x70] =	vst v3  }
0x9d: {  	v1 =	vld.idx.msk [tilespmem:v1+s4+$0x0], $0xffff;
	[tilespmem:s13+$0x1B3B8] =	vst v7  }
0x9e: {  	v0 =	vld.idx.msk [tilespmem:v0+s4+$0x0], $0xffff;
	[tilespmem:s14+$0x10] =	vst v6  }
0x9f: {  	[tilespmem:s14+$0x20] =	vst v5  }
0xa0: {  	s17 =	smul.u32 $0xD000, s12;
	[tilespmem:s14+$0x30] =	vst v4  }
0xa1: {  	[tilespmem:s14+$0x40] =	vst v2  }
0xa2: {  	s18 =	rddreg [dreg:$0x3];
	s13 =	sshrl.u32 s17, $0x3;
	[tilespmem:s14+$0x50] =	vst v1  }
0xa3: {  	s20 =	simm.s32 $0x0;
	s13 =	sadd.s32 s18, s13;
	[tilespmem:s14+$0x60] =	vst v0  }
0xa4: {  	[hbm4b:s13+s7] =	stream.linear.scatter [tilespmem:s23], [sflag:$0x5], $0x1000, $0x38;
	[tilespmem:$0x1D7B8] =	vst v63  }
0xa5: {  	s16 =	simm.s32 @!p2 $0x5;
	s17 =	smul.u32 $0x7D0, s20;
	_ =	swait.ge [sflag:s22], $0x1000  }
0xa6: {  	s18 =	smul.u32 $0x1F4, s20;
	s14 =	simm.s32 $0x0;
	[sflag:s22] =	ssyncset.done $0x0  }
0xa7: {  	s15 =	sand.u32 $0x180, s14;
	s19 =	rddreg [dreg:$0x9];
	[sflag:s22] =	ssyncadd.s32 $0xFFFFF000  }
0xa8: {  	[tilespmem:s9], [sflag:$0x2] =	stream.linear.gather [spmem:s19], $0x1000, $0x38;
	[tilespmem:$0x1D7B8] =	vst v63  }
0xa9: {  	s17 =	sshra.s32 s17, $0x2;
	s21 =	sadd.s32 s15, s18;
	_ =	swait.ge @!p2 [sflag:s16], $0x1000  }
0xaa: {  	s17 =	sadd.s32 s15, s17;
	s18 =	sand.u32 $0x7C, s18;
	[sflag:s16] =	ssyncset.done @!p2 $0x0  }
0xab: {  	s17 =	sadd.s32 $0x1A3B8, s17;
	[sflag:s16] =	ssyncadd.s32 @!p2 $0xFFFFF000;
	s16 =	sand.u32 $0x1F80, s21  }
0xac: {  	s16 =	sor.u32 s18, s16;
	v3 =	vld [tilespmem:s17+$0x70]  }
0xad: {  	v7 =	vld [tilespmem:s16+$0x1A3B8]  }
0xae: {  	v6 =	vld [tilespmem:s17+$0x10]  }
0xaf: {  	v5 =	vld [tilespmem:s17+$0x20]  }
0xb0: {  	v4 =	vld [tilespmem:s17+$0x30]  }
0xb1: {  	v2 =	vld [tilespmem:s17+$0x40]  }
0xb2: {  	v1 =	vld [tilespmem:s17+$0x50]  }
0xb3: {  	v0 =	vld [tilespmem:s17+$0x60]  }
0xb4: {  	s16 =	simm.s32 $0x0;
	v3 =	vld.idx.msk [tilespmem:v3+s4+$0x0], $0xffff  }
.LBB2_8:
0xb5: {  	s14 =	sadd.s32 $0x80, s14;
	v7 =	vld.idx.msk [tilespmem:v7+s4+$0x0], $0xffff  }
0xb6: {  	s16 =	sand.u32 $0xE00, s16;
	s17 =	sshrl.u32 s14, $0x9;
	p2 =	slt.u32 s14, $0xF80;
	v6 =	vld.idx.msk [tilespmem:v6+s4+$0x0], $0xffff  }
0xb7: {  	s15 =	sshll.u32 s15, $0x3;
	s16 =	sshrl.u32 s16, $0x2;
	s18 =	smul.u32 $0x7D0, s17;
	v5 =	vld.idx.msk [tilespmem:v5+s4+$0x0], $0xffff  }
0xb8: {  	s17 =	smul.u32 $0x1F4, s17;
	s19 =	sor.u32 s16, s15;
	s16 =	smov.u32 s14;
	v4 =	vld.idx.msk [tilespmem:v4+s4+$0x0], $0xffff  }
0xb9: {  	s15 =	sand.u32 $0x180, s16;
	s20 =	sadd.s32 $0x1C3B8, s19;
	s18 =	sshra.s32 s18, $0x2;
	v2 =	vld.idx.msk [tilespmem:v2+s4+$0x0], $0xffff  }
0xba: {  	s21 =	sadd.s32 s15, s17;
	s17 =	sand.u32 $0x7C, s17;
	s18 =	sadd.s32 s15, s18;
	v1 =	vld.idx.msk [tilespmem:v1+s4+$0x0], $0xffff;
	[tilespmem:s20+$0x70] =	vst v3  }
0xbb: {  	s21 =	sand.u32 $0x1F80, s21;
	s18 =	sadd.s32 $0x1A3B8, s18;
	[tilespmem:s19+$0x1C3B8] =	vst v7;
	v0 =	vld.idx.msk [tilespmem:v0+s4+$0x0], $0xffff  }
0xbc: {  	s17 =	sor.u32 s17, s21;
	v3 =	vld [tilespmem:s18+$0x70];
	[tilespmem:s20+$0x10] =	vst v6  }
0xbd: {  	v7 =	vld [tilespmem:s17+$0x1A3B8];
	[tilespmem:s20+$0x20] =	vst v5  }
0xbe: {  	v6 =	vld [tilespmem:s18+$0x10];
	[tilespmem:s20+$0x30] =	vst v4  }
0xbf: {  	v5 =	vld [tilespmem:s18+$0x20];
	[tilespmem:s20+$0x40] =	vst v2  }
.Ltmp8:
0xc0: {  	v4 =	vld [tilespmem:s18+$0x30];
	[tilespmem:s20+$0x50] =	vst v1;
	(pc) =	sbr.rel @p2 .LBB2_8-.Ltmp8, $4  }
0xc1: {  	v2 =	vld [tilespmem:s18+$0x40];
	[tilespmem:s20+$0x60] =	vst v0  }
0xc2: {  	v1 =	vld [tilespmem:s18+$0x50]  }
0xc3: {  	v0 =	vld [tilespmem:s18+$0x60]  }
0xc4: {  	v3 =	vld.idx.msk [tilespmem:v3+s4+$0x0], $0xffff  }
0xc5: {  	_ =	sdelay $0x3  }
0xc6: {  	v7 =	vld.idx.msk [tilespmem:v7+s4+$0x0], $0xffff;
	s14 =	sand.u32 $0xE00, s16  }
0xc7: {  	v6 =	vld.idx.msk [tilespmem:v6+s4+$0x0], $0xffff;
	s15 =	sshll.u32 s15, $0x3;
	s14 =	sshrl.u32 s14, $0x2  }
0xc8: {  	v5 =	vld.idx.msk [tilespmem:v5+s4+$0x0], $0xffff;
	s14 =	sor.u32 s14, s15  }
0xc9: {  	v4 =	vld.idx.msk [tilespmem:v4+s4+$0x0], $0xffff;
	s15 =	sadd.s32 $0x1C3B8, s14  }
0xca: {  	v2 =	vld.idx.msk [tilespmem:v2+s4+$0x0], $0xffff;
	[tilespmem:s15+$0x70] =	vst v3  }
0xcb: {  	v1 =	vld.idx.msk [tilespmem:v1+s4+$0x0], $0xffff;
	[tilespmem:s14+$0x1C3B8] =	vst v7  }
0xcc: {  	v0 =	vld.idx.msk [tilespmem:v0+s4+$0x0], $0xffff;
	[tilespmem:s15+$0x10] =	vst v6  }
0xcd: {  	[tilespmem:s15+$0x20] =	vst v5  }
0xce: {  	[tilespmem:s15+$0x30] =	vst v4  }
0xcf: {  	[tilespmem:s15+$0x40] =	vst v2  }
0xd0: {  	[tilespmem:s15+$0x50] =	vst v1  }
0xd1: {  	s18 =	sadd.s32 $0x200, s13;
	s20 =	simm.s32 $0x0;
	[tilespmem:s15+$0x60] =	vst v0  }
0xd2: {  	[hbm4b:s18+s7] =	stream.linear.scatter [tilespmem:s24], [sflag:$0x6], $0x1000, $0x38;
	[tilespmem:$0x1D7B8] =	vst v63  }
0xd3: {  	s21 =	smul.u32 $0x7D0, s20;
	_ =	swait.ge [sflag:s22], $0x1000  }
0xd4: {  	s17 =	smul.u32 $0x1F4, s20;
	s14 =	simm.s32 $0x0;
	[sflag:s22] =	ssyncset.done $0x0  }
0xd5: {  	s15 =	sand.u32 $0x180, s14;
	s19 =	rddreg [dreg:$0xa];
	[sflag:s22] =	ssyncadd.s32 $0xFFFFF000  }
0xd6: {  	[tilespmem:s25], [sflag:$0x2] =	stream.linear.gather [spmem:s19], $0x1000, $0x38;
	[tilespmem:$0x1D7B8] =	vst v63  }
0xd7: {  	s16 =	sshra.s32 s21, $0x2;
	s18 =	sadd.s32 s15, s17;
	_ =	swait.ge [sflag:s0], $0x1000  }
0xd8: {  	s16 =	sadd.s32 s15, s16;
	s17 =	sand.u32 $0x7C, s17;
	[sflag:s0] =	ssyncset.done $0x0  }
0xd9: {  	s18 =	sand.u32 $0x1F80, s18;
	s16 =	sadd.s32 $0x193B8, s16;
	[sflag:s0] =	ssyncadd.s32 $0xFFFFF000  }
0xda: {  	s17 =	sor.u32 s17, s18;
	v3 =	vld [tilespmem:s16+$0x70]  }
0xdb: {  	v7 =	vld [tilespmem:s17+$0x193B8]  }
0xdc: {  	v6 =	vld [tilespmem:s16+$0x10]  }
0xdd: {  	v5 =	vld [tilespmem:s16+$0x20]  }
0xde: {  	v4 =	vld [tilespmem:s16+$0x30]  }
0xdf: {  	v2 =	vld [tilespmem:s16+$0x40]  }
0xe0: {  	v1 =	vld [tilespmem:s16+$0x50]  }
0xe1: {  	v0 =	vld [tilespmem:s16+$0x60]  }
0xe2: {  	s16 =	simm.s32 $0x0;
	v3 =	vld.idx.msk [tilespmem:v3+s4+$0x0], $0xffff  }
.LBB2_10:
0xe3: {  	s14 =	sadd.s32 $0x80, s14;
	v7 =	vld.idx.msk [tilespmem:v7+s4+$0x0], $0xffff  }
0xe4: {  	s16 =	sand.u32 $0xE00, s16;
	s17 =	sshrl.u32 s14, $0x9;
	p2 =	slt.u32 s14, $0xF80;
	v6 =	vld.idx.msk [tilespmem:v6+s4+$0x0], $0xffff  }
0xe5: {  	s15 =	sshll.u32 s15, $0x3;
	s16 =	sshrl.u32 s16, $0x2;
	s18 =	smul.u32 $0x7D0, s17;
	v5 =	vld.idx.msk [tilespmem:v5+s4+$0x0], $0xffff  }
0xe6: {  	s17 =	smul.u32 $0x1F4, s17;
	s19 =	sor.u32 s16, s15;
	s16 =	smov.u32 s14;
	v4 =	vld.idx.msk [tilespmem:v4+s4+$0x0], $0xffff  }
0xe7: {  	s15 =	sand.u32 $0x180, s16;
	s20 =	sadd.s32 $0x1B3B8, s19;
	s18 =	sshra.s32 s18, $0x2;
	v2 =	vld.idx.msk [tilespmem:v2+s4+$0x0], $0xffff  }
0xe8: {  	s21 =	sadd.s32 s15, s17;
	s17 =	sand.u32 $0x7C, s17;
	s18 =	sadd.s32 s15, s18;
	v1 =	vld.idx.msk [tilespmem:v1+s4+$0x0], $0xffff;
	[tilespmem:s20+$0x70] =	vst v3  }
0xe9: {  	s21 =	sand.u32 $0x1F80, s21;
	s18 =	sadd.s32 $0x193B8, s18;
	[tilespmem:s19+$0x1B3B8] =	vst v7;
	v0 =	vld.idx.msk [tilespmem:v0+s4+$0x0], $0xffff  }
0xea: {  	s17 =	sor.u32 s17, s21;
	v3 =	vld [tilespmem:s18+$0x70];
	[tilespmem:s20+$0x10] =	vst v6  }
0xeb: {  	v7 =	vld [tilespmem:s17+$0x193B8];
	[tilespmem:s20+$0x20] =	vst v5  }
0xec: {  	v6 =	vld [tilespmem:s18+$0x10];
	[tilespmem:s20+$0x30] =	vst v4  }
0xed: {  	v5 =	vld [tilespmem:s18+$0x20];
	[tilespmem:s20+$0x40] =	vst v2  }
.Ltmp9:
0xee: {  	v4 =	vld [tilespmem:s18+$0x30];
	[tilespmem:s20+$0x50] =	vst v1;
	(pc) =	sbr.rel @p2 .LBB2_10-.Ltmp9, $4  }
0xef: {  	v2 =	vld [tilespmem:s18+$0x40];
	[tilespmem:s20+$0x60] =	vst v0  }
0xf0: {  	v1 =	vld [tilespmem:s18+$0x50]  }
0xf1: {  	v0 =	vld [tilespmem:s18+$0x60]  }
0xf2: {  	v3 =	vld.idx.msk [tilespmem:v3+s4+$0x0], $0xffff  }
0xf3: {  	_ =	sdelay $0x3  }
0xf4: {  	v7 =	vld.idx.msk [tilespmem:v7+s4+$0x0], $0xffff;
	s14 =	sand.u32 $0xE00, s16  }
0xf5: {  	v6 =	vld.idx.msk [tilespmem:v6+s4+$0x0], $0xffff;
	s15 =	sshll.u32 s15, $0x3;
	s14 =	sshrl.u32 s14, $0x2  }
0xf6: {  	v5 =	vld.idx.msk [tilespmem:v5+s4+$0x0], $0xffff;
	s14 =	sor.u32 s14, s15  }
0xf7: {  	v4 =	vld.idx.msk [tilespmem:v4+s4+$0x0], $0xffff;
	s15 =	sadd.s32 $0x1B3B8, s14  }
0xf8: {  	v2 =	vld.idx.msk [tilespmem:v2+s4+$0x0], $0xffff;
	[tilespmem:s15+$0x70] =	vst v3  }
0xf9: {  	v1 =	vld.idx.msk [tilespmem:v1+s4+$0x0], $0xffff;
	[tilespmem:s14+$0x1B3B8] =	vst v7  }
0xfa: {  	v0 =	vld.idx.msk [tilespmem:v0+s4+$0x0], $0xffff;
	[tilespmem:s15+$0x10] =	vst v6  }
0xfb: {  	[tilespmem:s15+$0x20] =	vst v5  }
0xfc: {  	[tilespmem:s15+$0x30] =	vst v4  }
0xfd: {  	[tilespmem:s15+$0x40] =	vst v2  }
0xfe: {  	[tilespmem:s15+$0x50] =	vst v1  }
0xff: {  	s18 =	sadd.s32 $0x400, s13;
	s20 =	simm.s32 $0x0;
	[tilespmem:s15+$0x60] =	vst v0  }
0x100: {  	[hbm4b:s18+s7] =	stream.linear.scatter [tilespmem:s23], [sflag:$0x5], $0x1000, $0x38;
	[tilespmem:$0x1D7B8] =	vst v63  }
0x101: {  	s21 =	smul.u32 $0x7D0, s20;
	_ =	swait.ge [sflag:s22], $0x1000  }
0x102: {  	s17 =	smul.u32 $0x1F4, s20;
	s14 =	simm.s32 $0x0;
	[sflag:s22] =	ssyncset.done $0x0  }
0x103: {  	s15 =	sand.u32 $0x180, s14;
	s19 =	rddreg [dreg:$0xb];
	[sflag:s22] =	ssyncadd.s32 $0xFFFFF000  }
0x104: {  	[tilespmem:s9], [sflag:$0x2] =	stream.linear.gather [spmem:s19], $0x1000, $0x38;
	[tilespmem:$0x1D7B8] =	vst v63  }
0x105: {  	s16 =	sshra.s32 s21, $0x2;
	s18 =	sadd.s32 s15, s17;
	_ =	swait.ge [sflag:s3], $0x1000  }
0x106: {  	s16 =	sadd.s32 s15, s16;
	s17 =	sand.u32 $0x7C, s17;
	[sflag:s3] =	ssyncset.done $0x0  }
0x107: {  	s18 =	sand.u32 $0x1F80, s18;
	s16 =	sadd.s32 $0x1A3B8, s16;
	[sflag:s3] =	ssyncadd.s32 $0xFFFFF000  }
0x108: {  	s17 =	sor.u32 s17, s18;
	v3 =	vld [tilespmem:s16+$0x70]  }
0x109: {  	v7 =	vld [tilespmem:s17+$0x1A3B8]  }
0x10a: {  	v6 =	vld [tilespmem:s16+$0x10]  }
0x10b: {  	v5 =	vld [tilespmem:s16+$0x20]  }
0x10c: {  	v4 =	vld [tilespmem:s16+$0x30]  }
0x10d: {  	v2 =	vld [tilespmem:s16+$0x40]  }
0x10e: {  	v1 =	vld [tilespmem:s16+$0x50]  }
0x10f: {  	v0 =	vld [tilespmem:s16+$0x60]  }
0x110: {  	s16 =	simm.s32 $0x0;
	v3 =	vld.idx.msk [tilespmem:v3+s4+$0x0], $0xffff  }
.LBB2_12:
0x111: {  	s14 =	sadd.s32 $0x80, s14;
	v7 =	vld.idx.msk [tilespmem:v7+s4+$0x0], $0xffff  }
0x112: {  	s16 =	sand.u32 $0xE00, s16;
	s17 =	sshrl.u32 s14, $0x9;
	p2 =	slt.u32 s14, $0xF80;
	v6 =	vld.idx.msk [tilespmem:v6+s4+$0x0], $0xffff  }
0x113: {  	s15 =	sshll.u32 s15, $0x3;
	s16 =	sshrl.u32 s16, $0x2;
	s18 =	smul.u32 $0x7D0, s17;
	v5 =	vld.idx.msk [tilespmem:v5+s4+$0x0], $0xffff  }
0x114: {  	s17 =	smul.u32 $0x1F4, s17;
	s19 =	sor.u32 s16, s15;
	s16 =	smov.u32 s14;
	v4 =	vld.idx.msk [tilespmem:v4+s4+$0x0], $0xffff  }
0x115: {  	s15 =	sand.u32 $0x180, s16;
	s20 =	sadd.s32 $0x1C3B8, s19;
	s18 =	sshra.s32 s18, $0x2;
	v2 =	vld.idx.msk [tilespmem:v2+s4+$0x0], $0xffff  }
0x116: {  	s21 =	sadd.s32 s15, s17;
	s17 =	sand.u32 $0x7C, s17;
	s18 =	sadd.s32 s15, s18;
	v1 =	vld.idx.msk [tilespmem:v1+s4+$0x0], $0xffff;
	[tilespmem:s20+$0x70] =	vst v3  }
0x117: {  	s21 =	sand.u32 $0x1F80, s21;
	s18 =	sadd.s32 $0x1A3B8, s18;
	[tilespmem:s19+$0x1C3B8] =	vst v7;
	v0 =	vld.idx.msk [tilespmem:v0+s4+$0x0], $0xffff  }
0x118: {  	s17 =	sor.u32 s17, s21;
	v3 =	vld [tilespmem:s18+$0x70];
	[tilespmem:s20+$0x10] =	vst v6  }
0x119: {  	v7 =	vld [tilespmem:s17+$0x1A3B8];
	[tilespmem:s20+$0x20] =	vst v5  }
0x11a: {  	v6 =	vld [tilespmem:s18+$0x10];
	[tilespmem:s20+$0x30] =	vst v4  }
0x11b: {  	v5 =	vld [tilespmem:s18+$0x20];
	[tilespmem:s20+$0x40] =	vst v2  }
.Ltmp10:
0x11c: {  	v4 =	vld [tilespmem:s18+$0x30];
	[tilespmem:s20+$0x50] =	vst v1;
	(pc) =	sbr.rel @p2 .LBB2_12-.Ltmp10, $4  }
0x11d: {  	v2 =	vld [tilespmem:s18+$0x40];
	[tilespmem:s20+$0x60] =	vst v0  }
0x11e: {  	v1 =	vld [tilespmem:s18+$0x50]  }
0x11f: {  	v0 =	vld [tilespmem:s18+$0x60]  }
0x120: {  	v3 =	vld.idx.msk [tilespmem:v3+s4+$0x0], $0xffff  }
0x121: {  	_ =	sdelay $0x3  }
0x122: {  	v7 =	vld.idx.msk [tilespmem:v7+s4+$0x0], $0xffff;
	s14 =	sand.u32 $0xE00, s16  }
0x123: {  	v6 =	vld.idx.msk [tilespmem:v6+s4+$0x0], $0xffff;
	s15 =	sshll.u32 s15, $0x3;
	s14 =	sshrl.u32 s14, $0x2  }
0x124: {  	v5 =	vld.idx.msk [tilespmem:v5+s4+$0x0], $0xffff;
	s14 =	sor.u32 s14, s15  }
0x125: {  	v4 =	vld.idx.msk [tilespmem:v4+s4+$0x0], $0xffff;
	s15 =	sadd.s32 $0x1C3B8, s14  }
0x126: {  	v2 =	vld.idx.msk [tilespmem:v2+s4+$0x0], $0xffff;
	[tilespmem:s15+$0x70] =	vst v3  }
0x127: {  	v1 =	vld.idx.msk [tilespmem:v1+s4+$0x0], $0xffff;
	[tilespmem:s14+$0x1C3B8] =	vst v7  }
0x128: {  	v0 =	vld.idx.msk [tilespmem:v0+s4+$0x0], $0xffff;
	[tilespmem:s15+$0x10] =	vst v6  }
0x129: {  	[tilespmem:s15+$0x20] =	vst v5  }
0x12a: {  	[tilespmem:s15+$0x30] =	vst v4  }
0x12b: {  	[tilespmem:s15+$0x40] =	vst v2  }
0x12c: {  	[tilespmem:s15+$0x50] =	vst v1  }
0x12d: {  	s18 =	sadd.s32 $0x600, s13;
	s20 =	simm.s32 $0x0;
	[tilespmem:s15+$0x60] =	vst v0  }
0x12e: {  	[hbm4b:s18+s7] =	stream.linear.scatter [tilespmem:s24], [sflag:$0x6], $0x1000, $0x38;
	[tilespmem:$0x1D7B8] =	vst v63  }
0x12f: {  	s21 =	smul.u32 $0x7D0, s20;
	_ =	swait.ge [sflag:s22], $0x1000  }
0x130: {  	s17 =	smul.u32 $0x1F4, s20;
	s14 =	simm.s32 $0x0;
	[sflag:s22] =	ssyncset.done $0x0  }
0x131: {  	s15 =	sand.u32 $0x180, s14;
	s19 =	rddreg [dreg:$0xc];
	[sflag:s22] =	ssyncadd.s32 $0xFFFFF000  }
0x132: {  	[tilespmem:s25], [sflag:$0x2] =	stream.linear.gather [spmem:s19], $0x1000, $0x38;
	[tilespmem:$0x1D7B8] =	vst v63  }
0x133: {  	s16 =	sshra.s32 s21, $0x2;
	s18 =	sadd.s32 s15, s17;
	_ =	swait.ge [sflag:s0], $0x1000  }
0x134: {  	s16 =	sadd.s32 s15, s16;
	s17 =	sand.u32 $0x7C, s17;
	[sflag:s0] =	ssyncset.done $0x0  }
0x135: {  	s18 =	sand.u32 $0x1F80, s18;
	s16 =	sadd.s32 $0x193B8, s16;
	[sflag:s0] =	ssyncadd.s32 $0xFFFFF000  }
0x136: {  	s17 =	sor.u32 s17, s18;
	v3 =	vld [tilespmem:s16+$0x70]  }
0x137: {  	v7 =	vld [tilespmem:s17+$0x193B8]  }
0x138: {  	v6 =	vld [tilespmem:s16+$0x10]  }
0x139: {  	v5 =	vld [tilespmem:s16+$0x20]  }
0x13a: {  	v4 =	vld [tilespmem:s16+$0x30]  }
0x13b: {  	v2 =	vld [tilespmem:s16+$0x40]  }
0x13c: {  	v1 =	vld [tilespmem:s16+$0x50]  }
0x13d: {  	v0 =	vld [tilespmem:s16+$0x60]  }
0x13e: {  	s16 =	simm.s32 $0x0;
	v3 =	vld.idx.msk [tilespmem:v3+s4+$0x0], $0xffff  }
.LBB2_14:
0x13f: {  	s14 =	sadd.s32 $0x80, s14;
	v7 =	vld.idx.msk [tilespmem:v7+s4+$0x0], $0xffff  }
0x140: {  	s16 =	sand.u32 $0xE00, s16;
	s17 =	sshrl.u32 s14, $0x9;
	p2 =	slt.u32 s14, $0xF80;
	v6 =	vld.idx.msk [tilespmem:v6+s4+$0x0], $0xffff  }
0x141: {  	s15 =	sshll.u32 s15, $0x3;
	s16 =	sshrl.u32 s16, $0x2;
	s18 =	smul.u32 $0x7D0, s17;
	v5 =	vld.idx.msk [tilespmem:v5+s4+$0x0], $0xffff  }
0x142: {  	s17 =	smul.u32 $0x1F4, s17;
	s19 =	sor.u32 s16, s15;
	s16 =	smov.u32 s14;
	v4 =	vld.idx.msk [tilespmem:v4+s4+$0x0], $0xffff  }
0x143: {  	s15 =	sand.u32 $0x180, s16;
	s20 =	sadd.s32 $0x1B3B8, s19;
	s18 =	sshra.s32 s18, $0x2;
	v2 =	vld.idx.msk [tilespmem:v2+s4+$0x0], $0xffff  }
0x144: {  	s21 =	sadd.s32 s15, s17;
	s17 =	sand.u32 $0x7C, s17;
	s18 =	sadd.s32 s15, s18;
	v1 =	vld.idx.msk [tilespmem:v1+s4+$0x0], $0xffff;
	[tilespmem:s20+$0x70] =	vst v3  }
0x145: {  	s21 =	sand.u32 $0x1F80, s21;
	s18 =	sadd.s32 $0x193B8, s18;
	[tilespmem:s19+$0x1B3B8] =	vst v7;
	v0 =	vld.idx.msk [tilespmem:v0+s4+$0x0], $0xffff  }
0x146: {  	s17 =	sor.u32 s17, s21;
	v3 =	vld [tilespmem:s18+$0x70];
	[tilespmem:s20+$0x10] =	vst v6  }
0x147: {  	v7 =	vld [tilespmem:s17+$0x193B8];
	[tilespmem:s20+$0x20] =	vst v5  }
0x148: {  	v6 =	vld [tilespmem:s18+$0x10];
	[tilespmem:s20+$0x30] =	vst v4  }
0x149: {  	v5 =	vld [tilespmem:s18+$0x20];
	[tilespmem:s20+$0x40] =	vst v2  }
.Ltmp11:
0x14a: {  	v4 =	vld [tilespmem:s18+$0x30];
	[tilespmem:s20+$0x50] =	vst v1;
	(pc) =	sbr.rel @p2 .LBB2_14-.Ltmp11, $4  }
0x14b: {  	v2 =	vld [tilespmem:s18+$0x40];
	[tilespmem:s20+$0x60] =	vst v0  }
0x14c: {  	v1 =	vld [tilespmem:s18+$0x50]  }
0x14d: {  	v0 =	vld [tilespmem:s18+$0x60]  }
0x14e: {  	v3 =	vld.idx.msk [tilespmem:v3+s4+$0x0], $0xffff  }
0x14f: {  	_ =	sdelay $0x3  }
0x150: {  	v7 =	vld.idx.msk [tilespmem:v7+s4+$0x0], $0xffff;
	s14 =	sand.u32 $0xE00, s16  }
0x151: {  	v6 =	vld.idx.msk [tilespmem:v6+s4+$0x0], $0xffff;
	s15 =	sshll.u32 s15, $0x3;
	s14 =	sshrl.u32 s14, $0x2  }
0x152: {  	v5 =	vld.idx.msk [tilespmem:v5+s4+$0x0], $0xffff;
	s14 =	sor.u32 s14, s15  }
0x153: {  	v4 =	vld.idx.msk [tilespmem:v4+s4+$0x0], $0xffff;
	s15 =	sadd.s32 $0x1B3B8, s14  }
0x154: {  	v2 =	vld.idx.msk [tilespmem:v2+s4+$0x0], $0xffff;
	[tilespmem:s15+$0x70] =	vst v3  }
0x155: {  	v1 =	vld.idx.msk [tilespmem:v1+s4+$0x0], $0xffff;
	[tilespmem:s14+$0x1B3B8] =	vst v7  }
0x156: {  	v0 =	vld.idx.msk [tilespmem:v0+s4+$0x0], $0xffff;
	[tilespmem:s15+$0x10] =	vst v6  }
0x157: {  	[tilespmem:s15+$0x20] =	vst v5  }
0x158: {  	[tilespmem:s15+$0x30] =	vst v4  }
0x159: {  	[tilespmem:s15+$0x40] =	vst v2  }
0x15a: {  	[tilespmem:s15+$0x50] =	vst v1  }
0x15b: {  	s18 =	sadd.s32 $0x800, s13;
	s20 =	simm.s32 $0x0;
	[tilespmem:s15+$0x60] =	vst v0  }
0x15c: {  	[hbm4b:s18+s7] =	stream.linear.scatter [tilespmem:s23], [sflag:$0x5], $0x1000, $0x38;
	[tilespmem:$0x1D7B8] =	vst v63  }
0x15d: {  	s21 =	smul.u32 $0x7D0, s20;
	_ =	swait.ge [sflag:s22], $0x1000  }
0x15e: {  	s17 =	smul.u32 $0x1F4, s20;
	s14 =	simm.s32 $0x0;
	[sflag:s22] =	ssyncset.done $0x0  }
0x15f: {  	s15 =	sand.u32 $0x180, s14;
	s19 =	rddreg [dreg:$0xd];
	[sflag:s22] =	ssyncadd.s32 $0xFFFFF000  }
0x160: {  	[tilespmem:s9], [sflag:$0x2] =	stream.linear.gather [spmem:s19], $0x1000, $0x38;
	[tilespmem:$0x1D7B8] =	vst v63  }
0x161: {  	s16 =	sshra.s32 s21, $0x2;
	s18 =	sadd.s32 s15, s17;
	_ =	swait.ge [sflag:s3], $0x1000  }
0x162: {  	s16 =	sadd.s32 s15, s16;
	s17 =	sand.u32 $0x7C, s17;
	[sflag:s3] =	ssyncset.done $0x0  }
0x163: {  	s18 =	sand.u32 $0x1F80, s18;
	s16 =	sadd.s32 $0x1A3B8, s16;
	[sflag:s3] =	ssyncadd.s32 $0xFFFFF000  }
0x164: {  	s17 =	sor.u32 s17, s18;
	v3 =	vld [tilespmem:s16+$0x70]  }
0x165: {  	v7 =	vld [tilespmem:s17+$0x1A3B8]  }
0x166: {  	v6 =	vld [tilespmem:s16+$0x10]  }
0x167: {  	v5 =	vld [tilespmem:s16+$0x20]  }
0x168: {  	v4 =	vld [tilespmem:s16+$0x30]  }
0x169: {  	v2 =	vld [tilespmem:s16+$0x40]  }
0x16a: {  	v1 =	vld [tilespmem:s16+$0x50]  }
0x16b: {  	v0 =	vld [tilespmem:s16+$0x60]  }
0x16c: {  	s16 =	simm.s32 $0x0;
	v3 =	vld.idx.msk [tilespmem:v3+s4+$0x0], $0xffff  }
.LBB2_16:
0x16d: {  	s14 =	sadd.s32 $0x80, s14;
	v7 =	vld.idx.msk [tilespmem:v7+s4+$0x0], $0xffff  }
0x16e: {  	s16 =	sand.u32 $0xE00, s16;
	s17 =	sshrl.u32 s14, $0x9;
	p2 =	slt.u32 s14, $0xF80;
	v6 =	vld.idx.msk [tilespmem:v6+s4+$0x0], $0xffff  }
0x16f: {  	s15 =	sshll.u32 s15, $0x3;
	s16 =	sshrl.u32 s16, $0x2;
	s18 =	smul.u32 $0x7D0, s17;
	v5 =	vld.idx.msk [tilespmem:v5+s4+$0x0], $0xffff  }
0x170: {  	s17 =	smul.u32 $0x1F4, s17;
	s19 =	sor.u32 s16, s15;
	s16 =	smov.u32 s14;
	v4 =	vld.idx.msk [tilespmem:v4+s4+$0x0], $0xffff  }
0x171: {  	s15 =	sand.u32 $0x180, s16;
	s20 =	sadd.s32 $0x1C3B8, s19;
	s18 =	sshra.s32 s18, $0x2;
	v2 =	vld.idx.msk [tilespmem:v2+s4+$0x0], $0xffff  }
0x172: {  	s21 =	sadd.s32 s15, s17;
	s17 =	sand.u32 $0x7C, s17;
	s18 =	sadd.s32 s15, s18;
	v1 =	vld.idx.msk [tilespmem:v1+s4+$0x0], $0xffff;
	[tilespmem:s20+$0x70] =	vst v3  }
0x173: {  	s21 =	sand.u32 $0x1F80, s21;
	s18 =	sadd.s32 $0x1A3B8, s18;
	[tilespmem:s19+$0x1C3B8] =	vst v7;
	v0 =	vld.idx.msk [tilespmem:v0+s4+$0x0], $0xffff  }
0x174: {  	s17 =	sor.u32 s17, s21;
	v3 =	vld [tilespmem:s18+$0x70];
	[tilespmem:s20+$0x10] =	vst v6  }
0x175: {  	v7 =	vld [tilespmem:s17+$0x1A3B8];
	[tilespmem:s20+$0x20] =	vst v5  }
0x176: {  	v6 =	vld [tilespmem:s18+$0x10];
	[tilespmem:s20+$0x30] =	vst v4  }
0x177: {  	v5 =	vld [tilespmem:s18+$0x20];
	[tilespmem:s20+$0x40] =	vst v2  }
.Ltmp12:
0x178: {  	v4 =	vld [tilespmem:s18+$0x30];
	[tilespmem:s20+$0x50] =	vst v1;
	(pc) =	sbr.rel @p2 .LBB2_16-.Ltmp12, $4  }
0x179: {  	v2 =	vld [tilespmem:s18+$0x40];
	[tilespmem:s20+$0x60] =	vst v0  }
0x17a: {  	v1 =	vld [tilespmem:s18+$0x50]  }
0x17b: {  	v0 =	vld [tilespmem:s18+$0x60]  }
0x17c: {  	v3 =	vld.idx.msk [tilespmem:v3+s4+$0x0], $0xffff  }
0x17d: {  	_ =	sdelay $0x3  }
0x17e: {  	v7 =	vld.idx.msk [tilespmem:v7+s4+$0x0], $0xffff;
	s14 =	sand.u32 $0xE00, s16  }
0x17f: {  	v6 =	vld.idx.msk [tilespmem:v6+s4+$0x0], $0xffff;
	s15 =	sshll.u32 s15, $0x3;
	s14 =	sshrl.u32 s14, $0x2  }
0x180: {  	v5 =	vld.idx.msk [tilespmem:v5+s4+$0x0], $0xffff;
	s14 =	sor.u32 s14, s15  }
0x181: {  	v4 =	vld.idx.msk [tilespmem:v4+s4+$0x0], $0xffff;
	s15 =	sadd.s32 $0x1C3B8, s14  }
0x182: {  	v2 =	vld.idx.msk [tilespmem:v2+s4+$0x0], $0xffff;
	[tilespmem:s15+$0x70] =	vst v3  }
0x183: {  	v1 =	vld.idx.msk [tilespmem:v1+s4+$0x0], $0xffff;
	[tilespmem:s14+$0x1C3B8] =	vst v7  }
0x184: {  	v0 =	vld.idx.msk [tilespmem:v0+s4+$0x0], $0xffff;
	[tilespmem:s15+$0x10] =	vst v6  }
0x185: {  	[tilespmem:s15+$0x20] =	vst v5  }
0x186: {  	[tilespmem:s15+$0x30] =	vst v4  }
0x187: {  	[tilespmem:s15+$0x40] =	vst v2  }
0x188: {  	[tilespmem:s15+$0x50] =	vst v1  }
0x189: {  	s18 =	sadd.s32 $0xA00, s13;
	s20 =	simm.s32 $0x0;
	[tilespmem:s15+$0x60] =	vst v0  }
0x18a: {  	[hbm4b:s18+s7] =	stream.linear.scatter [tilespmem:s24], [sflag:$0x6], $0x1000, $0x38;
	[tilespmem:$0x1D7B8] =	vst v63  }
0x18b: {  	s21 =	smul.u32 $0x7D0, s20;
	_ =	swait.ge [sflag:s22], $0x1000  }
0x18c: {  	s17 =	smul.u32 $0x1F4, s20;
	s14 =	simm.s32 $0x0;
	[sflag:s22] =	ssyncset.done $0x0  }
0x18d: {  	s15 =	sand.u32 $0x180, s14;
	s19 =	rddreg [dreg:$0xe];
	[sflag:s22] =	ssyncadd.s32 $0xFFFFF000  }
0x18e: {  	[tilespmem:s25], [sflag:$0x2] =	stream.linear.gather [spmem:s19], $0x1000, $0x38;
	[tilespmem:$0x1D7B8] =	vst v63  }
0x18f: {  	s16 =	sshra.s32 s21, $0x2;
	s18 =	sadd.s32 s15, s17;
	_ =	swait.ge [sflag:s0], $0x1000  }
0x190: {  	s16 =	sadd.s32 s15, s16;
	s17 =	sand.u32 $0x7C, s17;
	[sflag:s0] =	ssyncset.done $0x0  }
0x191: {  	s18 =	sand.u32 $0x1F80, s18;
	s16 =	sadd.s32 $0x193B8, s16;
	[sflag:s0] =	ssyncadd.s32 $0xFFFFF000  }
0x192: {  	s17 =	sor.u32 s17, s18;
	v3 =	vld [tilespmem:s16+$0x70]  }
0x193: {  	v7 =	vld [tilespmem:s17+$0x193B8]  }
0x194: {  	v6 =	vld [tilespmem:s16+$0x10]  }
0x195: {  	v5 =	vld [tilespmem:s16+$0x20]  }
0x196: {  	v4 =	vld [tilespmem:s16+$0x30]  }
0x197: {  	v2 =	vld [tilespmem:s16+$0x40]  }
0x198: {  	v1 =	vld [tilespmem:s16+$0x50]  }
0x199: {  	v0 =	vld [tilespmem:s16+$0x60]  }
0x19a: {  	s16 =	simm.s32 $0x0;
	v3 =	vld.idx.msk [tilespmem:v3+s4+$0x0], $0xffff  }
.LBB2_18:
0x19b: {  	s14 =	sadd.s32 $0x80, s14;
	v7 =	vld.idx.msk [tilespmem:v7+s4+$0x0], $0xffff  }
0x19c: {  	s16 =	sand.u32 $0xE00, s16;
	s17 =	sshrl.u32 s14, $0x9;
	p2 =	slt.u32 s14, $0xF80;
	v6 =	vld.idx.msk [tilespmem:v6+s4+$0x0], $0xffff  }
0x19d: {  	s15 =	sshll.u32 s15, $0x3;
	s16 =	sshrl.u32 s16, $0x2;
	s18 =	smul.u32 $0x7D0, s17;
	v5 =	vld.idx.msk [tilespmem:v5+s4+$0x0], $0xffff  }
0x19e: {  	s17 =	smul.u32 $0x1F4, s17;
	s19 =	sor.u32 s16, s15;
	s16 =	smov.u32 s14;
	v4 =	vld.idx.msk [tilespmem:v4+s4+$0x0], $0xffff  }
0x19f: {  	s15 =	sand.u32 $0x180, s16;
	s20 =	sadd.s32 $0x1B3B8, s19;
	s18 =	sshra.s32 s18, $0x2;
	v2 =	vld.idx.msk [tilespmem:v2+s4+$0x0], $0xffff  }
0x1a0: {  	s21 =	sadd.s32 s15, s17;
	s17 =	sand.u32 $0x7C, s17;
	s18 =	sadd.s32 s15, s18;
	v1 =	vld.idx.msk [tilespmem:v1+s4+$0x0], $0xffff;
	[tilespmem:s20+$0x70] =	vst v3  }
0x1a1: {  	s21 =	sand.u32 $0x1F80, s21;
	s18 =	sadd.s32 $0x193B8, s18;
	[tilespmem:s19+$0x1B3B8] =	vst v7;
	v0 =	vld.idx.msk [tilespmem:v0+s4+$0x0], $0xffff  }
0x1a2: {  	s17 =	sor.u32 s17, s21;
	v3 =	vld [tilespmem:s18+$0x70];
	[tilespmem:s20+$0x10] =	vst v6  }
0x1a3: {  	v7 =	vld [tilespmem:s17+$0x193B8];
	[tilespmem:s20+$0x20] =	vst v5  }
0x1a4: {  	v6 =	vld [tilespmem:s18+$0x10];
	[tilespmem:s20+$0x30] =	vst v4  }
0x1a5: {  	v5 =	vld [tilespmem:s18+$0x20];
	[tilespmem:s20+$0x40] =	vst v2  }
.Ltmp13:
0x1a6: {  	v4 =	vld [tilespmem:s18+$0x30];
	[tilespmem:s20+$0x50] =	vst v1;
	(pc) =	sbr.rel @p2 .LBB2_18-.Ltmp13, $4  }
0x1a7: {  	v2 =	vld [tilespmem:s18+$0x40];
	[tilespmem:s20+$0x60] =	vst v0  }
0x1a8: {  	v1 =	vld [tilespmem:s18+$0x50]  }
0x1a9: {  	v0 =	vld [tilespmem:s18+$0x60]  }
0x1aa: {  	v3 =	vld.idx.msk [tilespmem:v3+s4+$0x0], $0xffff  }
0x1ab: {  	_ =	sdelay $0x3  }
0x1ac: {  	v7 =	vld.idx.msk [tilespmem:v7+s4+$0x0], $0xffff;
	s14 =	sand.u32 $0xE00, s16  }
0x1ad: {  	v6 =	vld.idx.msk [tilespmem:v6+s4+$0x0], $0xffff;
	s15 =	sshll.u32 s15, $0x3;
	s14 =	sshrl.u32 s14, $0x2  }
0x1ae: {  	v5 =	vld.idx.msk [tilespmem:v5+s4+$0x0], $0xffff;
	s14 =	sor.u32 s14, s15  }
0x1af: {  	v4 =	vld.idx.msk [tilespmem:v4+s4+$0x0], $0xffff;
	s15 =	sadd.s32 $0x1B3B8, s14  }
0x1b0: {  	v2 =	vld.idx.msk [tilespmem:v2+s4+$0x0], $0xffff;
	[tilespmem:s15+$0x70] =	vst v3  }
0x1b1: {  	v1 =	vld.idx.msk [tilespmem:v1+s4+$0x0], $0xffff;
	[tilespmem:s14+$0x1B3B8] =	vst v7  }
0x1b2: {  	v0 =	vld.idx.msk [tilespmem:v0+s4+$0x0], $0xffff;
	[tilespmem:s15+$0x10] =	vst v6  }
0x1b3: {  	[tilespmem:s15+$0x20] =	vst v5  }
0x1b4: {  	[tilespmem:s15+$0x30] =	vst v4  }
0x1b5: {  	[tilespmem:s15+$0x40] =	vst v2  }
0x1b6: {  	[tilespmem:s15+$0x50] =	vst v1  }
0x1b7: {  	s18 =	sadd.s32 $0xC00, s13;
	s20 =	simm.s32 $0x0;
	[tilespmem:s15+$0x60] =	vst v0  }
0x1b8: {  	[hbm4b:s18+s7] =	stream.linear.scatter [tilespmem:s23], [sflag:$0x5], $0x1000, $0x38;
	[tilespmem:$0x1D7B8] =	vst v63  }
0x1b9: {  	s21 =	smul.u32 $0x7D0, s20;
	_ =	swait.ge [sflag:s22], $0x1000  }
0x1ba: {  	s17 =	smul.u32 $0x1F4, s20;
	s14 =	simm.s32 $0x0;
	[sflag:s22] =	ssyncset.done $0x0  }
0x1bb: {  	s15 =	sand.u32 $0x180, s14;
	s19 =	rddreg [dreg:$0xf];
	[sflag:s22] =	ssyncadd.s32 $0xFFFFF000  }
0x1bc: {  	[tilespmem:s9], [sflag:$0x2] =	stream.linear.gather [spmem:s19], $0x1000, $0x38;
	[tilespmem:$0x1D7B8] =	vst v63  }
0x1bd: {  	s16 =	sshra.s32 s21, $0x2;
	s18 =	sadd.s32 s15, s17;
	_ =	swait.ge [sflag:s3], $0x1000  }
0x1be: {  	s16 =	sadd.s32 s15, s16;
	s17 =	sand.u32 $0x7C, s17;
	[sflag:s3] =	ssyncset.done $0x0  }
0x1bf: {  	s18 =	sand.u32 $0x1F80, s18;
	s16 =	sadd.s32 $0x1A3B8, s16;
	[sflag:s3] =	ssyncadd.s32 $0xFFFFF000  }
0x1c0: {  	s17 =	sor.u32 s17, s18;
	v3 =	vld [tilespmem:s16+$0x70]  }
0x1c1: {  	v7 =	vld [tilespmem:s17+$0x1A3B8]  }
0x1c2: {  	v6 =	vld [tilespmem:s16+$0x10]  }
0x1c3: {  	v5 =	vld [tilespmem:s16+$0x20]  }
0x1c4: {  	v4 =	vld [tilespmem:s16+$0x30]  }
0x1c5: {  	v2 =	vld [tilespmem:s16+$0x40]  }
0x1c6: {  	v1 =	vld [tilespmem:s16+$0x50]  }
0x1c7: {  	v0 =	vld [tilespmem:s16+$0x60]  }
0x1c8: {  	s16 =	simm.s32 $0x0;
	v3 =	vld.idx.msk [tilespmem:v3+s4+$0x0], $0xffff  }
.LBB2_20:
0x1c9: {  	s14 =	sadd.s32 $0x80, s14;
	v7 =	vld.idx.msk [tilespmem:v7+s4+$0x0], $0xffff  }
0x1ca: {  	s16 =	sand.u32 $0xE00, s16;
	s17 =	sshrl.u32 s14, $0x9;
	p2 =	slt.u32 s14, $0xF80;
	v6 =	vld.idx.msk [tilespmem:v6+s4+$0x0], $0xffff  }
0x1cb: {  	s15 =	sshll.u32 s15, $0x3;
	s16 =	sshrl.u32 s16, $0x2;
	s18 =	smul.u32 $0x7D0, s17;
	v5 =	vld.idx.msk [tilespmem:v5+s4+$0x0], $0xffff  }
0x1cc: {  	s17 =	smul.u32 $0x1F4, s17;
	s19 =	sor.u32 s16, s15;
	s16 =	smov.u32 s14;
	v4 =	vld.idx.msk [tilespmem:v4+s4+$0x0], $0xffff  }
0x1cd: {  	s15 =	sand.u32 $0x180, s16;
	s20 =	sadd.s32 $0x1C3B8, s19;
	s18 =	sshra.s32 s18, $0x2;
	v2 =	vld.idx.msk [tilespmem:v2+s4+$0x0], $0xffff  }
0x1ce: {  	s21 =	sadd.s32 s15, s17;
	s17 =	sand.u32 $0x7C, s17;
	s18 =	sadd.s32 s15, s18;
	v1 =	vld.idx.msk [tilespmem:v1+s4+$0x0], $0xffff;
	[tilespmem:s20+$0x70] =	vst v3  }
0x1cf: {  	s21 =	sand.u32 $0x1F80, s21;
	s18 =	sadd.s32 $0x1A3B8, s18;
	[tilespmem:s19+$0x1C3B8] =	vst v7;
	v0 =	vld.idx.msk [tilespmem:v0+s4+$0x0], $0xffff  }
0x1d0: {  	s17 =	sor.u32 s17, s21;
	v3 =	vld [tilespmem:s18+$0x70];
	[tilespmem:s20+$0x10] =	vst v6  }
0x1d1: {  	v7 =	vld [tilespmem:s17+$0x1A3B8];
	[tilespmem:s20+$0x20] =	vst v5  }
0x1d2: {  	v6 =	vld [tilespmem:s18+$0x10];
	[tilespmem:s20+$0x30] =	vst v4  }
0x1d3: {  	v5 =	vld [tilespmem:s18+$0x20];
	[tilespmem:s20+$0x40] =	vst v2  }
.Ltmp14:
0x1d4: {  	v4 =	vld [tilespmem:s18+$0x30];
	[tilespmem:s20+$0x50] =	vst v1;
	(pc) =	sbr.rel @p2 .LBB2_20-.Ltmp14, $4  }
0x1d5: {  	v2 =	vld [tilespmem:s18+$0x40];
	[tilespmem:s20+$0x60] =	vst v0  }
0x1d6: {  	v1 =	vld [tilespmem:s18+$0x50]  }
0x1d7: {  	v0 =	vld [tilespmem:s18+$0x60]  }
0x1d8: {  	v3 =	vld.idx.msk [tilespmem:v3+s4+$0x0], $0xffff  }
0x1d9: {  	_ =	sdelay $0x3  }
0x1da: {  	v7 =	vld.idx.msk [tilespmem:v7+s4+$0x0], $0xffff;
	s14 =	sand.u32 $0xE00, s16  }
0x1db: {  	v6 =	vld.idx.msk [tilespmem:v6+s4+$0x0], $0xffff;
	s15 =	sshll.u32 s15, $0x3;
	s14 =	sshrl.u32 s14, $0x2  }
0x1dc: {  	v5 =	vld.idx.msk [tilespmem:v5+s4+$0x0], $0xffff;
	s14 =	sor.u32 s14, s15  }
0x1dd: {  	v4 =	vld.idx.msk [tilespmem:v4+s4+$0x0], $0xffff;
	s15 =	sadd.s32 $0x1C3B8, s14  }
0x1de: {  	v2 =	vld.idx.msk [tilespmem:v2+s4+$0x0], $0xffff;
	[tilespmem:s15+$0x70] =	vst v3  }
0x1df: {  	v1 =	vld.idx.msk [tilespmem:v1+s4+$0x0], $0xffff;
	[tilespmem:s14+$0x1C3B8] =	vst v7  }
0x1e0: {  	v0 =	vld.idx.msk [tilespmem:v0+s4+$0x0], $0xffff;
	[tilespmem:s15+$0x10] =	vst v6  }
0x1e1: {  	[tilespmem:s15+$0x20] =	vst v5  }
0x1e2: {  	[tilespmem:s15+$0x30] =	vst v4  }
0x1e3: {  	[tilespmem:s15+$0x40] =	vst v2  }
0x1e4: {  	[tilespmem:s15+$0x50] =	vst v1  }
0x1e5: {  	s18 =	sadd.s32 $0xE00, s13;
	s20 =	simm.s32 $0x0;
	[tilespmem:s15+$0x60] =	vst v0  }
0x1e6: {  	[hbm4b:s18+s7] =	stream.linear.scatter [tilespmem:s24], [sflag:$0x6], $0x1000, $0x38;
	[tilespmem:$0x1D7B8] =	vst v63  }
0x1e7: {  	s21 =	smul.u32 $0x7D0, s20;
	_ =	swait.ge [sflag:s22], $0x1000  }
0x1e8: {  	s17 =	smul.u32 $0x1F4, s20;
	s14 =	simm.s32 $0x0;
	[sflag:s22] =	ssyncset.done $0x0  }
0x1e9: {  	s15 =	sand.u32 $0x180, s14;
	s19 =	rddreg [dreg:$0x10];
	[sflag:s22] =	ssyncadd.s32 $0xFFFFF000  }
0x1ea: {  	[tilespmem:s25], [sflag:$0x2] =	stream.linear.gather [spmem:s19], $0x1000, $0x38;
	[tilespmem:$0x1D7B8] =	vst v63  }
0x1eb: {  	s16 =	sshra.s32 s21, $0x2;
	s18 =	sadd.s32 s15, s17;
	_ =	swait.ge [sflag:s0], $0x1000  }
0x1ec: {  	s16 =	sadd.s32 s15, s16;
	s17 =	sand.u32 $0x7C, s17;
	[sflag:s0] =	ssyncset.done $0x0  }
0x1ed: {  	s18 =	sand.u32 $0x1F80, s18;
	s16 =	sadd.s32 $0x193B8, s16;
	[sflag:s0] =	ssyncadd.s32 $0xFFFFF000  }
0x1ee: {  	s17 =	sor.u32 s17, s18;
	v3 =	vld [tilespmem:s16+$0x70]  }
0x1ef: {  	v7 =	vld [tilespmem:s17+$0x193B8]  }
0x1f0: {  	v6 =	vld [tilespmem:s16+$0x10]  }
0x1f1: {  	v5 =	vld [tilespmem:s16+$0x20]  }
0x1f2: {  	v4 =	vld [tilespmem:s16+$0x30]  }
0x1f3: {  	v2 =	vld [tilespmem:s16+$0x40]  }
0x1f4: {  	v1 =	vld [tilespmem:s16+$0x50]  }
0x1f5: {  	v0 =	vld [tilespmem:s16+$0x60]  }
0x1f6: {  	s16 =	simm.s32 $0x0;
	v3 =	vld.idx.msk [tilespmem:v3+s4+$0x0], $0xffff  }
.LBB2_22:
0x1f7: {  	s14 =	sadd.s32 $0x80, s14;
	v7 =	vld.idx.msk [tilespmem:v7+s4+$0x0], $0xffff  }
0x1f8: {  	s16 =	sand.u32 $0xE00, s16;
	s17 =	sshrl.u32 s14, $0x9;
	p2 =	slt.u32 s14, $0xF80;
	v6 =	vld.idx.msk [tilespmem:v6+s4+$0x0], $0xffff  }
0x1f9: {  	s15 =	sshll.u32 s15, $0x3;
	s16 =	sshrl.u32 s16, $0x2;
	s18 =	smul.u32 $0x7D0, s17;
	v5 =	vld.idx.msk [tilespmem:v5+s4+$0x0], $0xffff  }
0x1fa: {  	s17 =	smul.u32 $0x1F4, s17;
	s19 =	sor.u32 s16, s15;
	s16 =	smov.u32 s14;
	v4 =	vld.idx.msk [tilespmem:v4+s4+$0x0], $0xffff  }
0x1fb: {  	s15 =	sand.u32 $0x180, s16;
	s20 =	sadd.s32 $0x1B3B8, s19;
	s18 =	sshra.s32 s18, $0x2;
	v2 =	vld.idx.msk [tilespmem:v2+s4+$0x0], $0xffff  }
0x1fc: {  	s21 =	sadd.s32 s15, s17;
	s17 =	sand.u32 $0x7C, s17;
	s18 =	sadd.s32 s15, s18;
	v1 =	vld.idx.msk [tilespmem:v1+s4+$0x0], $0xffff;
	[tilespmem:s20+$0x70] =	vst v3  }
0x1fd: {  	s21 =	sand.u32 $0x1F80, s21;
	s18 =	sadd.s32 $0x193B8, s18;
	[tilespmem:s19+$0x1B3B8] =	vst v7;
	v0 =	vld.idx.msk [tilespmem:v0+s4+$0x0], $0xffff  }
0x1fe: {  	s17 =	sor.u32 s17, s21;
	v3 =	vld [tilespmem:s18+$0x70];
	[tilespmem:s20+$0x10] =	vst v6  }
0x1ff: {  	v7 =	vld [tilespmem:s17+$0x193B8];
	[tilespmem:s20+$0x20] =	vst v5  }
0x200: {  	v6 =	vld [tilespmem:s18+$0x10];
	[tilespmem:s20+$0x30] =	vst v4  }
0x201: {  	v5 =	vld [tilespmem:s18+$0x20];
	[tilespmem:s20+$0x40] =	vst v2  }
.Ltmp15:
0x202: {  	v4 =	vld [tilespmem:s18+$0x30];
	[tilespmem:s20+$0x50] =	vst v1;
	(pc) =	sbr.rel @p2 .LBB2_22-.Ltmp15, $4  }
0x203: {  	v2 =	vld [tilespmem:s18+$0x40];
	[tilespmem:s20+$0x60] =	vst v0  }
0x204: {  	v1 =	vld [tilespmem:s18+$0x50]  }
0x205: {  	v0 =	vld [tilespmem:s18+$0x60]  }
0x206: {  	v3 =	vld.idx.msk [tilespmem:v3+s4+$0x0], $0xffff  }
0x207: {  	_ =	sdelay $0x3  }
0x208: {  	v7 =	vld.idx.msk [tilespmem:v7+s4+$0x0], $0xffff;
	s14 =	sand.u32 $0xE00, s16  }
0x209: {  	v6 =	vld.idx.msk [tilespmem:v6+s4+$0x0], $0xffff;
	s15 =	sshll.u32 s15, $0x3;
	s14 =	sshrl.u32 s14, $0x2  }
0x20a: {  	v5 =	vld.idx.msk [tilespmem:v5+s4+$0x0], $0xffff;
	s14 =	sor.u32 s14, s15  }
0x20b: {  	v4 =	vld.idx.msk [tilespmem:v4+s4+$0x0], $0xffff;
	s15 =	sadd.s32 $0x1B3B8, s14  }
0x20c: {  	v2 =	vld.idx.msk [tilespmem:v2+s4+$0x0], $0xffff;
	[tilespmem:s15+$0x70] =	vst v3  }
0x20d: {  	v1 =	vld.idx.msk [tilespmem:v1+s4+$0x0], $0xffff;
	[tilespmem:s14+$0x1B3B8] =	vst v7  }
0x20e: {  	v0 =	vld.idx.msk [tilespmem:v0+s4+$0x0], $0xffff;
	[tilespmem:s15+$0x10] =	vst v6  }
0x20f: {  	[tilespmem:s15+$0x20] =	vst v5  }
0x210: {  	[tilespmem:s15+$0x30] =	vst v4  }
0x211: {  	[tilespmem:s15+$0x40] =	vst v2  }
0x212: {  	[tilespmem:s15+$0x50] =	vst v1  }
0x213: {  	s18 =	sadd.s32 $0x1000, s13;
	s20 =	simm.s32 $0x0;
	[tilespmem:s15+$0x60] =	vst v0  }
0x214: {  	[hbm4b:s18+s7] =	stream.linear.scatter [tilespmem:s23], [sflag:$0x5], $0x1000, $0x38;
	[tilespmem:$0x1D7B8] =	vst v63  }
0x215: {  	s21 =	smul.u32 $0x7D0, s20;
	_ =	swait.ge [sflag:s22], $0x1000  }
0x216: {  	s17 =	smul.u32 $0x1F4, s20;
	s14 =	simm.s32 $0x0;
	[sflag:s22] =	ssyncset.done $0x0  }
0x217: {  	s15 =	sand.u32 $0x180, s14;
	s19 =	rddreg [dreg:$0x11];
	[sflag:s22] =	ssyncadd.s32 $0xFFFFF000  }
0x218: {  	[tilespmem:s9], [sflag:$0x2] =	stream.linear.gather [spmem:s19], $0x1000, $0x38;
	[tilespmem:$0x1D7B8] =	vst v63  }
0x219: {  	s16 =	sshra.s32 s21, $0x2;
	s18 =	sadd.s32 s15, s17;
	_ =	swait.ge [sflag:s3], $0x1000  }
0x21a: {  	s16 =	sadd.s32 s15, s16;
	s17 =	sand.u32 $0x7C, s17;
	[sflag:s3] =	ssyncset.done $0x0  }
0x21b: {  	s18 =	sand.u32 $0x1F80, s18;
	s16 =	sadd.s32 $0x1A3B8, s16;
	[sflag:s3] =	ssyncadd.s32 $0xFFFFF000  }
0x21c: {  	s17 =	sor.u32 s17, s18;
	v3 =	vld [tilespmem:s16+$0x70]  }
0x21d: {  	v7 =	vld [tilespmem:s17+$0x1A3B8]  }
0x21e: {  	v6 =	vld [tilespmem:s16+$0x10]  }
0x21f: {  	v5 =	vld [tilespmem:s16+$0x20]  }
0x220: {  	v4 =	vld [tilespmem:s16+$0x30]  }
0x221: {  	v2 =	vld [tilespmem:s16+$0x40]  }
0x222: {  	v1 =	vld [tilespmem:s16+$0x50]  }
0x223: {  	v0 =	vld [tilespmem:s16+$0x60]  }
0x224: {  	s16 =	simm.s32 $0x0;
	v3 =	vld.idx.msk [tilespmem:v3+s4+$0x0], $0xffff  }
.LBB2_24:
0x225: {  	s14 =	sadd.s32 $0x80, s14;
	v7 =	vld.idx.msk [tilespmem:v7+s4+$0x0], $0xffff  }
0x226: {  	s16 =	sand.u32 $0xE00, s16;
	s17 =	sshrl.u32 s14, $0x9;
	p2 =	slt.u32 s14, $0xF80;
	v6 =	vld.idx.msk [tilespmem:v6+s4+$0x0], $0xffff  }
0x227: {  	s15 =	sshll.u32 s15, $0x3;
	s16 =	sshrl.u32 s16, $0x2;
	s18 =	smul.u32 $0x7D0, s17;
	v5 =	vld.idx.msk [tilespmem:v5+s4+$0x0], $0xffff  }
0x228: {  	s17 =	smul.u32 $0x1F4, s17;
	s19 =	sor.u32 s16, s15;
	s16 =	smov.u32 s14;
	v4 =	vld.idx.msk [tilespmem:v4+s4+$0x0], $0xffff  }
0x229: {  	s15 =	sand.u32 $0x180, s16;
	s20 =	sadd.s32 $0x1C3B8, s19;
	s18 =	sshra.s32 s18, $0x2;
	v2 =	vld.idx.msk [tilespmem:v2+s4+$0x0], $0xffff  }
0x22a: {  	s21 =	sadd.s32 s15, s17;
	s17 =	sand.u32 $0x7C, s17;
	s18 =	sadd.s32 s15, s18;
	v1 =	vld.idx.msk [tilespmem:v1+s4+$0x0], $0xffff;
	[tilespmem:s20+$0x70] =	vst v3  }
0x22b: {  	s21 =	sand.u32 $0x1F80, s21;
	s18 =	sadd.s32 $0x1A3B8, s18;
	[tilespmem:s19+$0x1C3B8] =	vst v7;
	v0 =	vld.idx.msk [tilespmem:v0+s4+$0x0], $0xffff  }
0x22c: {  	s17 =	sor.u32 s17, s21;
	v3 =	vld [tilespmem:s18+$0x70];
	[tilespmem:s20+$0x10] =	vst v6  }
0x22d: {  	v7 =	vld [tilespmem:s17+$0x1A3B8];
	[tilespmem:s20+$0x20] =	vst v5  }
0x22e: {  	v6 =	vld [tilespmem:s18+$0x10];
	[tilespmem:s20+$0x30] =	vst v4  }
0x22f: {  	v5 =	vld [tilespmem:s18+$0x20];
	[tilespmem:s20+$0x40] =	vst v2  }
.Ltmp16:
0x230: {  	v4 =	vld [tilespmem:s18+$0x30];
	[tilespmem:s20+$0x50] =	vst v1;
	(pc) =	sbr.rel @p2 .LBB2_24-.Ltmp16, $4  }
0x231: {  	v2 =	vld [tilespmem:s18+$0x40];
	[tilespmem:s20+$0x60] =	vst v0  }
0x232: {  	v1 =	vld [tilespmem:s18+$0x50]  }
0x233: {  	v0 =	vld [tilespmem:s18+$0x60]  }
0x234: {  	v3 =	vld.idx.msk [tilespmem:v3+s4+$0x0], $0xffff  }
0x235: {  	_ =	sdelay $0x3  }
0x236: {  	v7 =	vld.idx.msk [tilespmem:v7+s4+$0x0], $0xffff;
	s14 =	sand.u32 $0xE00, s16  }
0x237: {  	v6 =	vld.idx.msk [tilespmem:v6+s4+$0x0], $0xffff;
	s15 =	sshll.u32 s15, $0x3;
	s14 =	sshrl.u32 s14, $0x2  }
0x238: {  	v5 =	vld.idx.msk [tilespmem:v5+s4+$0x0], $0xffff;
	s14 =	sor.u32 s14, s15  }
0x239: {  	v4 =	vld.idx.msk [tilespmem:v4+s4+$0x0], $0xffff;
	s15 =	sadd.s32 $0x1C3B8, s14  }
0x23a: {  	v2 =	vld.idx.msk [tilespmem:v2+s4+$0x0], $0xffff;
	[tilespmem:s15+$0x70] =	vst v3  }
0x23b: {  	v1 =	vld.idx.msk [tilespmem:v1+s4+$0x0], $0xffff;
	[tilespmem:s14+$0x1C3B8] =	vst v7  }
0x23c: {  	v0 =	vld.idx.msk [tilespmem:v0+s4+$0x0], $0xffff;
	[tilespmem:s15+$0x10] =	vst v6  }
0x23d: {  	[tilespmem:s15+$0x20] =	vst v5  }
0x23e: {  	[tilespmem:s15+$0x30] =	vst v4  }
0x23f: {  	[tilespmem:s15+$0x40] =	vst v2  }
0x240: {  	[tilespmem:s15+$0x50] =	vst v1  }
0x241: {  	s18 =	sadd.s32 $0x1200, s13;
	s20 =	simm.s32 $0x0;
	[tilespmem:s15+$0x60] =	vst v0  }
0x242: {  	[hbm4b:s18+s7] =	stream.linear.scatter [tilespmem:s24], [sflag:$0x6], $0x1000, $0x38;
	[tilespmem:$0x1D7B8] =	vst v63  }
0x243: {  	s21 =	smul.u32 $0x7D0, s20;
	_ =	swait.ge [sflag:s22], $0x1000  }
0x244: {  	s17 =	smul.u32 $0x1F4, s20;
	s14 =	simm.s32 $0x0;
	[sflag:s22] =	ssyncset.done $0x0  }
0x245: {  	s15 =	sand.u32 $0x180, s14;
	s19 =	rddreg [dreg:$0x12];
	[sflag:s22] =	ssyncadd.s32 $0xFFFFF000  }
0x246: {  	[tilespmem:s25], [sflag:$0x2] =	stream.linear.gather [spmem:s19], $0x1000, $0x38;
	[tilespmem:$0x1D7B8] =	vst v63  }
0x247: {  	s16 =	sshra.s32 s21, $0x2;
	s18 =	sadd.s32 s15, s17;
	_ =	swait.ge [sflag:s0], $0x1000  }
0x248: {  	s16 =	sadd.s32 s15, s16;
	s17 =	sand.u32 $0x7C, s17;
	[sflag:s0] =	ssyncset.done $0x0  }
0x249: {  	s18 =	sand.u32 $0x1F80, s18;
	s16 =	sadd.s32 $0x193B8, s16;
	[sflag:s0] =	ssyncadd.s32 $0xFFFFF000  }
0x24a: {  	s17 =	sor.u32 s17, s18;
	v3 =	vld [tilespmem:s16+$0x70]  }
0x24b: {  	v7 =	vld [tilespmem:s17+$0x193B8]  }
0x24c: {  	v6 =	vld [tilespmem:s16+$0x10]  }
0x24d: {  	v5 =	vld [tilespmem:s16+$0x20]  }
0x24e: {  	v4 =	vld [tilespmem:s16+$0x30]  }
0x24f: {  	v2 =	vld [tilespmem:s16+$0x40]  }
0x250: {  	v1 =	vld [tilespmem:s16+$0x50]  }
0x251: {  	v0 =	vld [tilespmem:s16+$0x60]  }
0x252: {  	s16 =	simm.s32 $0x0;
	v3 =	vld.idx.msk [tilespmem:v3+s4+$0x0], $0xffff  }
.LBB2_26:
0x253: {  	s14 =	sadd.s32 $0x80, s14;
	v7 =	vld.idx.msk [tilespmem:v7+s4+$0x0], $0xffff  }
0x254: {  	s16 =	sand.u32 $0xE00, s16;
	s17 =	sshrl.u32 s14, $0x9;
	p2 =	slt.u32 s14, $0xF80;
	v6 =	vld.idx.msk [tilespmem:v6+s4+$0x0], $0xffff  }
0x255: {  	s15 =	sshll.u32 s15, $0x3;
	s16 =	sshrl.u32 s16, $0x2;
	s18 =	smul.u32 $0x7D0, s17;
	v5 =	vld.idx.msk [tilespmem:v5+s4+$0x0], $0xffff  }
0x256: {  	s17 =	smul.u32 $0x1F4, s17;
	s19 =	sor.u32 s16, s15;
	s16 =	smov.u32 s14;
	v4 =	vld.idx.msk [tilespmem:v4+s4+$0x0], $0xffff  }
0x257: {  	s15 =	sand.u32 $0x180, s16;
	s20 =	sadd.s32 $0x1B3B8, s19;
	s18 =	sshra.s32 s18, $0x2;
	v2 =	vld.idx.msk [tilespmem:v2+s4+$0x0], $0xffff  }
0x258: {  	s21 =	sadd.s32 s15, s17;
	s17 =	sand.u32 $0x7C, s17;
	s18 =	sadd.s32 s15, s18;
	v1 =	vld.idx.msk [tilespmem:v1+s4+$0x0], $0xffff;
	[tilespmem:s20+$0x70] =	vst v3  }
0x259: {  	s21 =	sand.u32 $0x1F80, s21;
	s18 =	sadd.s32 $0x193B8, s18;
	[tilespmem:s19+$0x1B3B8] =	vst v7;
	v0 =	vld.idx.msk [tilespmem:v0+s4+$0x0], $0xffff  }
0x25a: {  	s17 =	sor.u32 s17, s21;
	v3 =	vld [tilespmem:s18+$0x70];
	[tilespmem:s20+$0x10] =	vst v6  }
0x25b: {  	v7 =	vld [tilespmem:s17+$0x193B8];
	[tilespmem:s20+$0x20] =	vst v5  }
0x25c: {  	v6 =	vld [tilespmem:s18+$0x10];
	[tilespmem:s20+$0x30] =	vst v4  }
0x25d: {  	v5 =	vld [tilespmem:s18+$0x20];
	[tilespmem:s20+$0x40] =	vst v2  }
.Ltmp17:
0x25e: {  	v4 =	vld [tilespmem:s18+$0x30];
	[tilespmem:s20+$0x50] =	vst v1;
	(pc) =	sbr.rel @p2 .LBB2_26-.Ltmp17, $4  }
0x25f: {  	v2 =	vld [tilespmem:s18+$0x40];
	[tilespmem:s20+$0x60] =	vst v0  }
0x260: {  	v1 =	vld [tilespmem:s18+$0x50]  }
0x261: {  	v0 =	vld [tilespmem:s18+$0x60]  }
0x262: {  	v3 =	vld.idx.msk [tilespmem:v3+s4+$0x0], $0xffff  }
0x263: {  	_ =	sdelay $0x3  }
0x264: {  	v7 =	vld.idx.msk [tilespmem:v7+s4+$0x0], $0xffff;
	s14 =	sand.u32 $0xE00, s16  }
0x265: {  	v6 =	vld.idx.msk [tilespmem:v6+s4+$0x0], $0xffff;
	s15 =	sshll.u32 s15, $0x3;
	s14 =	sshrl.u32 s14, $0x2  }
0x266: {  	v5 =	vld.idx.msk [tilespmem:v5+s4+$0x0], $0xffff;
	s14 =	sor.u32 s14, s15  }
0x267: {  	v4 =	vld.idx.msk [tilespmem:v4+s4+$0x0], $0xffff;
	s15 =	sadd.s32 $0x1B3B8, s14  }
0x268: {  	v2 =	vld.idx.msk [tilespmem:v2+s4+$0x0], $0xffff;
	[tilespmem:s15+$0x70] =	vst v3  }
0x269: {  	v1 =	vld.idx.msk [tilespmem:v1+s4+$0x0], $0xffff;
	[tilespmem:s14+$0x1B3B8] =	vst v7  }
0x26a: {  	v0 =	vld.idx.msk [tilespmem:v0+s4+$0x0], $0xffff;
	[tilespmem:s15+$0x10] =	vst v6  }
0x26b: {  	[tilespmem:s15+$0x20] =	vst v5  }
0x26c: {  	[tilespmem:s15+$0x30] =	vst v4  }
0x26d: {  	[tilespmem:s15+$0x40] =	vst v2  }
0x26e: {  	[tilespmem:s15+$0x50] =	vst v1  }
0x26f: {  	s18 =	sadd.s32 $0x1400, s13;
	s20 =	simm.s32 $0x0;
	[tilespmem:s15+$0x60] =	vst v0  }
0x270: {  	[hbm4b:s18+s7] =	stream.linear.scatter [tilespmem:s23], [sflag:$0x5], $0x1000, $0x38;
	[tilespmem:$0x1D7B8] =	vst v63  }
0x271: {  	s21 =	smul.u32 $0x7D0, s20;
	_ =	swait.ge [sflag:s22], $0x1000  }
0x272: {  	s17 =	smul.u32 $0x1F4, s20;
	s14 =	simm.s32 $0x0;
	[sflag:s22] =	ssyncset.done $0x0  }
0x273: {  	s15 =	sand.u32 $0x180, s14;
	s19 =	rddreg [dreg:$0x13];
	[sflag:s22] =	ssyncadd.s32 $0xFFFFF000  }
0x274: {  	[tilespmem:s9], [sflag:$0x2] =	stream.linear.gather [spmem:s19], $0x1000, $0x38;
	[tilespmem:$0x1D7B8] =	vst v63  }
0x275: {  	s16 =	sshra.s32 s21, $0x2;
	s18 =	sadd.s32 s15, s17;
	_ =	swait.ge [sflag:s3], $0x1000  }
0x276: {  	s16 =	sadd.s32 s15, s16;
	s17 =	sand.u32 $0x7C, s17;
	[sflag:s3] =	ssyncset.done $0x0  }
0x277: {  	s18 =	sand.u32 $0x1F80, s18;
	s16 =	sadd.s32 $0x1A3B8, s16;
	[sflag:s3] =	ssyncadd.s32 $0xFFFFF000  }
0x278: {  	s17 =	sor.u32 s17, s18;
	v3 =	vld [tilespmem:s16+$0x70]  }
0x279: {  	v7 =	vld [tilespmem:s17+$0x1A3B8]  }
0x27a: {  	v6 =	vld [tilespmem:s16+$0x10]  }
0x27b: {  	v5 =	vld [tilespmem:s16+$0x20]  }
0x27c: {  	v4 =	vld [tilespmem:s16+$0x30]  }
0x27d: {  	v2 =	vld [tilespmem:s16+$0x40]  }
0x27e: {  	v1 =	vld [tilespmem:s16+$0x50]  }
0x27f: {  	v0 =	vld [tilespmem:s16+$0x60]  }
0x280: {  	s16 =	simm.s32 $0x0;
	v3 =	vld.idx.msk [tilespmem:v3+s4+$0x0], $0xffff  }
.LBB2_28:
0x281: {  	s14 =	sadd.s32 $0x80, s14;
	v7 =	vld.idx.msk [tilespmem:v7+s4+$0x0], $0xffff  }
0x282: {  	s16 =	sand.u32 $0xE00, s16;
	s17 =	sshrl.u32 s14, $0x9;
	p2 =	slt.u32 s14, $0xF80;
	v6 =	vld.idx.msk [tilespmem:v6+s4+$0x0], $0xffff  }
0x283: {  	s15 =	sshll.u32 s15, $0x3;
	s16 =	sshrl.u32 s16, $0x2;
	s18 =	smul.u32 $0x7D0, s17;
	v5 =	vld.idx.msk [tilespmem:v5+s4+$0x0], $0xffff  }
0x284: {  	s17 =	smul.u32 $0x1F4, s17;
	s19 =	sor.u32 s16, s15;
	s16 =	smov.u32 s14;
	v4 =	vld.idx.msk [tilespmem:v4+s4+$0x0], $0xffff  }
0x285: {  	s15 =	sand.u32 $0x180, s16;
	s20 =	sadd.s32 $0x1C3B8, s19;
	s18 =	sshra.s32 s18, $0x2;
	v2 =	vld.idx.msk [tilespmem:v2+s4+$0x0], $0xffff  }
0x286: {  	s21 =	sadd.s32 s15, s17;
	s17 =	sand.u32 $0x7C, s17;
	s18 =	sadd.s32 s15, s18;
	v1 =	vld.idx.msk [tilespmem:v1+s4+$0x0], $0xffff;
	[tilespmem:s20+$0x70] =	vst v3  }
0x287: {  	s21 =	sand.u32 $0x1F80, s21;
	s18 =	sadd.s32 $0x1A3B8, s18;
	[tilespmem:s19+$0x1C3B8] =	vst v7;
	v0 =	vld.idx.msk [tilespmem:v0+s4+$0x0], $0xffff  }
0x288: {  	s17 =	sor.u32 s17, s21;
	v3 =	vld [tilespmem:s18+$0x70];
	[tilespmem:s20+$0x10] =	vst v6  }
0x289: {  	v7 =	vld [tilespmem:s17+$0x1A3B8];
	[tilespmem:s20+$0x20] =	vst v5  }
0x28a: {  	v6 =	vld [tilespmem:s18+$0x10];
	[tilespmem:s20+$0x30] =	vst v4  }
0x28b: {  	v5 =	vld [tilespmem:s18+$0x20];
	[tilespmem:s20+$0x40] =	vst v2  }
.Ltmp18:
0x28c: {  	v4 =	vld [tilespmem:s18+$0x30];
	[tilespmem:s20+$0x50] =	vst v1;
	(pc) =	sbr.rel @p2 .LBB2_28-.Ltmp18, $4  }
0x28d: {  	v2 =	vld [tilespmem:s18+$0x40];
	[tilespmem:s20+$0x60] =	vst v0  }
0x28e: {  	v1 =	vld [tilespmem:s18+$0x50]  }
0x28f: {  	v0 =	vld [tilespmem:s18+$0x60]  }
0x290: {  	v3 =	vld.idx.msk [tilespmem:v3+s4+$0x0], $0xffff  }
0x291: {  	_ =	sdelay $0x3  }
0x292: {  	v7 =	vld.idx.msk [tilespmem:v7+s4+$0x0], $0xffff;
	s14 =	sand.u32 $0xE00, s16  }
0x293: {  	v6 =	vld.idx.msk [tilespmem:v6+s4+$0x0], $0xffff;
	s15 =	sshll.u32 s15, $0x3;
	s14 =	sshrl.u32 s14, $0x2  }
0x294: {  	v5 =	vld.idx.msk [tilespmem:v5+s4+$0x0], $0xffff;
	s14 =	sor.u32 s14, s15  }
0x295: {  	v4 =	vld.idx.msk [tilespmem:v4+s4+$0x0], $0xffff;
	s15 =	sadd.s32 $0x1C3B8, s14  }
0x296: {  	v2 =	vld.idx.msk [tilespmem:v2+s4+$0x0], $0xffff;
	[tilespmem:s15+$0x70] =	vst v3  }
0x297: {  	v1 =	vld.idx.msk [tilespmem:v1+s4+$0x0], $0xffff;
	[tilespmem:s14+$0x1C3B8] =	vst v7  }
0x298: {  	v0 =	vld.idx.msk [tilespmem:v0+s4+$0x0], $0xffff;
	[tilespmem:s15+$0x10] =	vst v6  }
0x299: {  	[tilespmem:s15+$0x20] =	vst v5  }
0x29a: {  	[tilespmem:s15+$0x30] =	vst v4  }
0x29b: {  	[tilespmem:s15+$0x40] =	vst v2  }
0x29c: {  	[tilespmem:s15+$0x50] =	vst v1  }
0x29d: {  	s19 =	sadd.s32 $0x1600, s13;
	s20 =	simm.s32 $0x0;
	[tilespmem:s15+$0x60] =	vst v0  }
0x29e: {  	[hbm4b:s19+s7] =	stream.linear.scatter [tilespmem:s24], [sflag:$0x6], $0x1000, $0x38;
	[tilespmem:$0x1D7B8] =	vst v63  }
0x29f: {  	s21 =	smul.u32 $0x7D0, s20;
	_ =	swait.ge [sflag:s22], $0x1000  }
0x2a0: {  	s17 =	smul.u32 $0x1F4, s20;
	s14 =	simm.s32 $0x0;
	[sflag:s22] =	ssyncset.done $0x0  }
0x2a1: {  	s15 =	sand.u32 $0x180, s14;
	[sflag:s22] =	ssyncadd.s32 $0xFFFFF000  }
0x2a2: {  	s16 =	sshra.s32 s21, $0x2;
	s18 =	sadd.s32 s15, s17;
	_ =	swait.ge [sflag:s0], $0x1000  }
0x2a3: {  	s16 =	sadd.s32 s15, s16;
	s17 =	sand.u32 $0x7C, s17;
	[sflag:s0] =	ssyncset.done $0x0  }
0x2a4: {  	s18 =	sand.u32 $0x1F80, s18;
	s16 =	sadd.s32 $0x193B8, s16;
	[sflag:s0] =	ssyncadd.s32 $0xFFFFF000  }
0x2a5: {  	s17 =	sor.u32 s17, s18;
	v3 =	vld [tilespmem:s16+$0x70]  }
0x2a6: {  	v7 =	vld [tilespmem:s17+$0x193B8]  }
0x2a7: {  	v6 =	vld [tilespmem:s16+$0x10]  }
0x2a8: {  	v5 =	vld [tilespmem:s16+$0x20]  }
0x2a9: {  	v4 =	vld [tilespmem:s16+$0x30]  }
0x2aa: {  	v2 =	vld [tilespmem:s16+$0x40]  }
0x2ab: {  	v1 =	vld [tilespmem:s16+$0x50]  }
0x2ac: {  	v0 =	vld [tilespmem:s16+$0x60]  }
0x2ad: {  	s16 =	simm.s32 $0x0;
	v3 =	vld.idx.msk [tilespmem:v3+s4+$0x0], $0xffff  }
.LBB2_30:
0x2ae: {  	s14 =	sadd.s32 $0x80, s14;
	v7 =	vld.idx.msk [tilespmem:v7+s4+$0x0], $0xffff  }
0x2af: {  	s16 =	sand.u32 $0xE00, s16;
	s17 =	sshrl.u32 s14, $0x9;
	p2 =	slt.u32 s14, $0xF80;
	v6 =	vld.idx.msk [tilespmem:v6+s4+$0x0], $0xffff  }
0x2b0: {  	s15 =	sshll.u32 s15, $0x3;
	s16 =	sshrl.u32 s16, $0x2;
	s18 =	smul.u32 $0x7D0, s17;
	v5 =	vld.idx.msk [tilespmem:v5+s4+$0x0], $0xffff  }
0x2b1: {  	s17 =	smul.u32 $0x1F4, s17;
	s19 =	sor.u32 s16, s15;
	s16 =	smov.u32 s14;
	v4 =	vld.idx.msk [tilespmem:v4+s4+$0x0], $0xffff  }
0x2b2: {  	s15 =	sand.u32 $0x180, s16;
	s20 =	sadd.s32 $0x1B3B8, s19;
	s18 =	sshra.s32 s18, $0x2;
	v2 =	vld.idx.msk [tilespmem:v2+s4+$0x0], $0xffff  }
0x2b3: {  	s21 =	sadd.s32 s15, s17;
	s17 =	sand.u32 $0x7C, s17;
	s18 =	sadd.s32 s15, s18;
	v1 =	vld.idx.msk [tilespmem:v1+s4+$0x0], $0xffff;
	[tilespmem:s20+$0x70] =	vst v3  }
0x2b4: {  	s21 =	sand.u32 $0x1F80, s21;
	s18 =	sadd.s32 $0x193B8, s18;
	[tilespmem:s19+$0x1B3B8] =	vst v7;
	v0 =	vld.idx.msk [tilespmem:v0+s4+$0x0], $0xffff  }
0x2b5: {  	s17 =	sor.u32 s17, s21;
	v3 =	vld [tilespmem:s18+$0x70];
	[tilespmem:s20+$0x10] =	vst v6  }
0x2b6: {  	v7 =	vld [tilespmem:s17+$0x193B8];
	[tilespmem:s20+$0x20] =	vst v5  }
0x2b7: {  	v6 =	vld [tilespmem:s18+$0x10];
	[tilespmem:s20+$0x30] =	vst v4  }
0x2b8: {  	v5 =	vld [tilespmem:s18+$0x20];
	[tilespmem:s20+$0x40] =	vst v2  }
.Ltmp19:
0x2b9: {  	v4 =	vld [tilespmem:s18+$0x30];
	[tilespmem:s20+$0x50] =	vst v1;
	(pc) =	sbr.rel @p2 .LBB2_30-.Ltmp19, $4  }
0x2ba: {  	v2 =	vld [tilespmem:s18+$0x40];
	[tilespmem:s20+$0x60] =	vst v0  }
0x2bb: {  	v1 =	vld [tilespmem:s18+$0x50]  }
0x2bc: {  	v0 =	vld [tilespmem:s18+$0x60]  }
0x2bd: {  	v3 =	vld.idx.msk [tilespmem:v3+s4+$0x0], $0xffff  }
0x2be: {  	_ =	sdelay $0x3  }
0x2bf: {  	v7 =	vld.idx.msk [tilespmem:v7+s4+$0x0], $0xffff;
	s14 =	sand.u32 $0xE00, s16  }
0x2c0: {  	v6 =	vld.idx.msk [tilespmem:v6+s4+$0x0], $0xffff;
	s15 =	sshll.u32 s15, $0x3;
	s14 =	sshrl.u32 s14, $0x2  }
0x2c1: {  	v5 =	vld.idx.msk [tilespmem:v5+s4+$0x0], $0xffff;
	s14 =	sor.u32 s14, s15  }
0x2c2: {  	v4 =	vld.idx.msk [tilespmem:v4+s4+$0x0], $0xffff;
	s15 =	sadd.s32 $0x1B3B8, s14  }
0x2c3: {  	v2 =	vld.idx.msk [tilespmem:v2+s4+$0x0], $0xffff;
	[tilespmem:s15+$0x70] =	vst v3  }
0x2c4: {  	v1 =	vld.idx.msk [tilespmem:v1+s4+$0x0], $0xffff;
	[tilespmem:s14+$0x1B3B8] =	vst v7  }
0x2c5: {  	v0 =	vld.idx.msk [tilespmem:v0+s4+$0x0], $0xffff;
	[tilespmem:s15+$0x10] =	vst v6  }
0x2c6: {  	[tilespmem:s15+$0x20] =	vst v5  }
.Ltmp20:
0x2c7: {  	[tilespmem:s15+$0x30] =	vst v4;
	(pc) =	sbr.rel @p1 .LBB2_59-.Ltmp20, $4  }
0x2c8: {  	[tilespmem:s15+$0x40] =	vst v2  }
0x2c9: {  	[tilespmem:s15+$0x50] =	vst v1  }
0x2ca: {  	s13 =	sadd.s32 $0x1800, s13;
	[tilespmem:s15+$0x60] =	vst v0  }
0x2cb: {  	[hbm4b:s13+s7] =	stream.linear.scatter [tilespmem:s23], [sflag:$0x5], $0x1000, $0x38;
	[tilespmem:$0x1D7B8] =	vst v63  }
0x2cc: {  	p1 =	sgt.u32 s12, $0x3A7  }
0x2cd: {  	s12 =	sadd.s32 @!p1 $0x40, s12  }
0x2ce: {  	s13 =	sand.u32 @!p1 $0xFFFE, s12  }
0x2cf: {  	s13 =	sshrl.u32 @!p1 s13, $0x1  }
0x2d0: {  	s13 =	smul.u32 @!p1 $0x147B, s13;
	_ =	sdelay $0x1  }
0x2d1: {  	s13 =	sshrl.u32 @!p1 s13, $0x11  }
0x2d2: {  	s14 =	smul.u32 @!p1 $0x32, s13;
	_ =	sdelay $0x1  }
0x2d3: {  	s12 =	ssub.s32 @!p1 s12, s14  }
0x2d4: {  	s14 =	sand.u32 @!p1 $0xFFF8, s12  }
0x2d5: {  	s13 =	smul.u32 @!p1 $0x2AC400, s13;
	s14 =	sshrl.u32 @!p1 s14, $0x3  }
0x2d6: {  	s17 =	simm.s32 $0x4;
	s14 =	smul.u32 @!p1 $0x61C00, s14  }
0x2d7: {  	_ =	swait.ge [sflag:s17], $0xC380;
	s12 =	sshll.u32 @!p1 s12, $0x7  }
0x2d8: {  	[sflag:s17] =	ssyncset.done $0x0;
	s12 =	sand.u32 @!p1 $0x380, s12;
	s13 =	sadd.s32 @!p1 s13, s14  }
0x2d9: {  	[sflag:s17] =	ssyncadd.s32 $0xFFFF3C80;
	s12 =	sor.u32 @!p1 s12, s13  }
0x2da: {  	s15 =	simm.s32 @!p1 $0xCB8;
	s13 =	rddreg [dreg:$0x0];
	s12 =	sshrl.u32 @!p1 s12, $0x3  }
0x2db: {  	s14 =	simm.s32 @!p1 $0x400;
	s12 =	sadd.s32 @!p1 s13, s12;
	s13 =	simm.s32 @!p1 $0x80  }
0x2dc: {  	[tilespmem:s15], [sflag:$0x3] =	stream.strided.gather @!p1 [hbm4b:s12+s13], $0xC380, s14, s13, $0x38;
	[tilespmem:$0x1D7B8] =	vst v63  }
0x2dd: {  	s19 =	simm.s32 $0x0  }
0x2de: {  	[tilespmem:s9], [sflag:$0x2] =	stream.linear.gather [spmem:s6], $0x1000, $0x38;
	[tilespmem:$0x1D7B8] =	vst v63  }
0x2df: {  	s20 =	smul.u32 $0x7D0, s19;
	_ =	swait.ge [sflag:s22], $0x1000  }
0x2e0: {  	s12 =	simm.s32 $0x0;
	s13 =	smul.u32 $0x1F4, s19;
	[sflag:s22] =	ssyncset.done $0x0  }
0x2e1: {  	s14 =	sand.u32 $0x180, s12;
	s18 =	rddreg [dreg:$0x8];
	[sflag:s22] =	ssyncadd.s32 $0xFFFFF000  }
0x2e2: {  	[tilespmem:s25], [sflag:$0x2] =	stream.linear.gather [spmem:s18], $0x1000, $0x38;
	[tilespmem:$0x1D7B8] =	vst v63  }
0x2e3: {  	s15 =	sshra.s32 s20, $0x2;
	s16 =	sadd.s32 s14, s13;
	_ =	swait.ge [sflag:s3], $0x1000  }
0x2e4: {  	s15 =	sadd.s32 s14, s15;
	s13 =	sand.u32 $0x7C, s13;
	[sflag:s3] =	ssyncset.done $0x0  }
0x2e5: {  	s16 =	sand.u32 $0x1F80, s16;
	s15 =	sadd.s32 $0x193B8, s15;
	[sflag:s3] =	ssyncadd.s32 $0xFFFFF000  }
0x2e6: {  	s13 =	sor.u32 s13, s16;
	v5 =	vld [tilespmem:s15+$0x70]  }
0x2e7: {  	v7 =	vld [tilespmem:s13+$0x193B8]  }
0x2e8: {  	v6 =	vld [tilespmem:s15+$0x10]  }
0x2e9: {  	v4 =	vld [tilespmem:s15+$0x20]  }
0x2ea: {  	s11 =	smul.u32 $0xD000, s11;
	v3 =	vld [tilespmem:s15+$0x30]  }
0x2eb: {  	v2 =	vld [tilespmem:s15+$0x40]  }
0x2ec: {  	s11 =	sshrl.u32 s11, $0x3;
	v1 =	vld [tilespmem:s15+$0x50];
	s21 =	rddreg [dreg:$0x3]  }
0x2ed: {  	v0 =	vld [tilespmem:s15+$0x60];
	s13 =	sadd.s32 s21, s11  }
0x2ee: {  	s15 =	simm.s32 $0x0;
	s11 =	sadd.s32 $0x1600, s13;
	v5 =	vld.idx.msk [tilespmem:v5+s5+$0x0], $0xffff  }
.LBB2_33:
0x2ef: {  	s12 =	sadd.s32 $0x80, s12;
	v7 =	vld.idx.msk [tilespmem:v7+s5+$0x0], $0xffff  }
0x2f0: {  	s15 =	sand.u32 $0xE00, s15;
	s16 =	sshrl.u32 s12, $0x9;
	p1 =	slt.u32 s12, $0xF80;
	v6 =	vld.idx.msk [tilespmem:v6+s5+$0x0], $0xffff  }
0x2f1: {  	s14 =	sshll.u32 s14, $0x3;
	s15 =	sshrl.u32 s15, $0x2;
	s17 =	smul.u32 $0x7D0, s16;
	v4 =	vld.idx.msk [tilespmem:v4+s5+$0x0], $0xffff  }
0x2f2: {  	s16 =	smul.u32 $0x1F4, s16;
	s18 =	sor.u32 s15, s14;
	s15 =	smov.u32 s12;
	v3 =	vld.idx.msk [tilespmem:v3+s5+$0x0], $0xffff  }
0x2f3: {  	s14 =	sand.u32 $0x180, s15;
	s19 =	sadd.s32 $0x1B3B8, s18;
	s17 =	sshra.s32 s17, $0x2;
	v2 =	vld.idx.msk [tilespmem:v2+s5+$0x0], $0xffff  }
0x2f4: {  	s20 =	sadd.s32 s14, s16;
	s16 =	sand.u32 $0x7C, s16;
	s17 =	sadd.s32 s14, s17;
	v1 =	vld.idx.msk [tilespmem:v1+s5+$0x0], $0xffff;
	[tilespmem:s19+$0x70] =	vst v5  }
0x2f5: {  	s20 =	sand.u32 $0x1F80, s20;
	s17 =	sadd.s32 $0x193B8, s17;
	[tilespmem:s18+$0x1B3B8] =	vst v7;
	v0 =	vld.idx.msk [tilespmem:v0+s5+$0x0], $0xffff  }
0x2f6: {  	s16 =	sor.u32 s16, s20;
	v5 =	vld [tilespmem:s17+$0x70];
	[tilespmem:s19+$0x10] =	vst v6  }
0x2f7: {  	v7 =	vld [tilespmem:s16+$0x193B8];
	[tilespmem:s19+$0x20] =	vst v4  }
0x2f8: {  	v6 =	vld [tilespmem:s17+$0x10];
	[tilespmem:s19+$0x30] =	vst v3  }
0x2f9: {  	v4 =	vld [tilespmem:s17+$0x20];
	[tilespmem:s19+$0x40] =	vst v2  }
.Ltmp21:
0x2fa: {  	v3 =	vld [tilespmem:s17+$0x30];
	[tilespmem:s19+$0x50] =	vst v1;
	(pc) =	sbr.rel @p1 .LBB2_33-.Ltmp21, $4  }
0x2fb: {  	v2 =	vld [tilespmem:s17+$0x40];
	[tilespmem:s19+$0x60] =	vst v0  }
0x2fc: {  	v1 =	vld [tilespmem:s17+$0x50]  }
0x2fd: {  	v0 =	vld [tilespmem:s17+$0x60]  }
0x2fe: {  	v5 =	vld.idx.msk [tilespmem:v5+s5+$0x0], $0xffff  }
0x2ff: {  	_ =	sdelay $0x3  }
0x300: {  	v7 =	vld.idx.msk [tilespmem:v7+s5+$0x0], $0xffff;
	s12 =	sand.u32 $0xE00, s15  }
0x301: {  	v6 =	vld.idx.msk [tilespmem:v6+s5+$0x0], $0xffff;
	s14 =	sshll.u32 s14, $0x3;
	s12 =	sshrl.u32 s12, $0x2  }
0x302: {  	v4 =	vld.idx.msk [tilespmem:v4+s5+$0x0], $0xffff;
	s12 =	sor.u32 s12, s14  }
0x303: {  	v3 =	vld.idx.msk [tilespmem:v3+s5+$0x0], $0xffff;
	s14 =	sadd.s32 $0x1B3B8, s12  }
0x304: {  	v2 =	vld.idx.msk [tilespmem:v2+s5+$0x0], $0xffff;
	[tilespmem:s14+$0x70] =	vst v5  }
0x305: {  	v1 =	vld.idx.msk [tilespmem:v1+s5+$0x0], $0xffff;
	[tilespmem:s12+$0x1B3B8] =	vst v7  }
0x306: {  	v0 =	vld.idx.msk [tilespmem:v0+s5+$0x0], $0xffff;
	[tilespmem:s14+$0x10] =	vst v6  }
0x307: {  	[tilespmem:s14+$0x20] =	vst v4  }
0x308: {  	[tilespmem:s14+$0x30] =	vst v3  }
0x309: {  	[tilespmem:s14+$0x40] =	vst v2  }
0x30a: {  	[tilespmem:s14+$0x50] =	vst v1  }
0x30b: {  	s21 =	simm.s32 $0x0;
	[tilespmem:s14+$0x60] =	vst v0  }
0x30c: {  	[hbm4b:s13+s7] =	stream.linear.scatter [tilespmem:s23], [sflag:$0x5], $0x1000, $0x38;
	[tilespmem:$0x1D7B8] =	vst v63  }
0x30d: {  	s16 =	smul.u32 $0x7D0, s21;
	_ =	swait.ge [sflag:s22], $0x1000  }
0x30e: {  	s12 =	smul.u32 $0x1F4, s21;
	s14 =	simm.s32 $0x0;
	[sflag:s22] =	ssyncset.done $0x0  }
0x30f: {  	s15 =	sand.u32 $0x180, s14;
	s20 =	rddreg [dreg:$0x9];
	[sflag:s22] =	ssyncadd.s32 $0xFFFFF000  }
0x310: {  	[tilespmem:s9], [sflag:$0x2] =	stream.linear.gather [spmem:s20], $0x1000, $0x38;
	[tilespmem:$0x1D7B8] =	vst v63  }
0x311: {  	s16 =	sshra.s32 s16, $0x2;
	s17 =	sadd.s32 s15, s12;
	_ =	swait.ge [sflag:s0], $0x1000  }
0x312: {  	s16 =	sadd.s32 s15, s16;
	s12 =	sand.u32 $0x7C, s12;
	[sflag:s0] =	ssyncset.done $0x0  }
0x313: {  	s17 =	sand.u32 $0x1F80, s17;
	s16 =	sadd.s32 $0x1A3B8, s16;
	[sflag:s0] =	ssyncadd.s32 $0xFFFFF000  }
0x314: {  	s12 =	sor.u32 s12, s17;
	v4 =	vld [tilespmem:s16+$0x70]  }
0x315: {  	v7 =	vld [tilespmem:s12+$0x1A3B8]  }
0x316: {  	v6 =	vld [tilespmem:s16+$0x10]  }
0x317: {  	v5 =	vld [tilespmem:s16+$0x20]  }
0x318: {  	v3 =	vld [tilespmem:s16+$0x30]  }
0x319: {  	v2 =	vld [tilespmem:s16+$0x40]  }
0x31a: {  	v1 =	vld [tilespmem:s16+$0x50]  }
0x31b: {  	v0 =	vld [tilespmem:s16+$0x60]  }
0x31c: {  	s12 =	sadd.s32 $0x1800, s13;
	s16 =	simm.s32 $0x0;
	v4 =	vld.idx.msk [tilespmem:v4+s5+$0x0], $0xffff  }
.LBB2_35:
0x31d: {  	s14 =	sadd.s32 $0x80, s14;
	v7 =	vld.idx.msk [tilespmem:v7+s5+$0x0], $0xffff  }
0x31e: {  	s16 =	sand.u32 $0xE00, s16;
	s17 =	sshrl.u32 s14, $0x9;
	p1 =	slt.u32 s14, $0xF80;
	v6 =	vld.idx.msk [tilespmem:v6+s5+$0x0], $0xffff  }
0x31f: {  	s15 =	sshll.u32 s15, $0x3;
	s16 =	sshrl.u32 s16, $0x2;
	s18 =	smul.u32 $0x7D0, s17;
	v5 =	vld.idx.msk [tilespmem:v5+s5+$0x0], $0xffff  }
0x320: {  	s17 =	smul.u32 $0x1F4, s17;
	s19 =	sor.u32 s16, s15;
	s16 =	smov.u32 s14;
	v3 =	vld.idx.msk [tilespmem:v3+s5+$0x0], $0xffff  }
0x321: {  	s15 =	sand.u32 $0x180, s16;
	s20 =	sadd.s32 $0x1C3B8, s19;
	s18 =	sshra.s32 s18, $0x2;
	v2 =	vld.idx.msk [tilespmem:v2+s5+$0x0], $0xffff  }
0x322: {  	s21 =	sadd.s32 s15, s17;
	s17 =	sand.u32 $0x7C, s17;
	s18 =	sadd.s32 s15, s18;
	v1 =	vld.idx.msk [tilespmem:v1+s5+$0x0], $0xffff;
	[tilespmem:s20+$0x70] =	vst v4  }
0x323: {  	s21 =	sand.u32 $0x1F80, s21;
	s18 =	sadd.s32 $0x1A3B8, s18;
	[tilespmem:s19+$0x1C3B8] =	vst v7;
	v0 =	vld.idx.msk [tilespmem:v0+s5+$0x0], $0xffff  }
0x324: {  	s17 =	sor.u32 s17, s21;
	v4 =	vld [tilespmem:s18+$0x70];
	[tilespmem:s20+$0x10] =	vst v6  }
0x325: {  	v7 =	vld [tilespmem:s17+$0x1A3B8];
	[tilespmem:s20+$0x20] =	vst v5  }
0x326: {  	v6 =	vld [tilespmem:s18+$0x10];
	[tilespmem:s20+$0x30] =	vst v3  }
0x327: {  	v5 =	vld [tilespmem:s18+$0x20];
	[tilespmem:s20+$0x40] =	vst v2  }
.Ltmp22:
0x328: {  	v3 =	vld [tilespmem:s18+$0x30];
	[tilespmem:s20+$0x50] =	vst v1;
	(pc) =	sbr.rel @p1 .LBB2_35-.Ltmp22, $4  }
0x329: {  	v2 =	vld [tilespmem:s18+$0x40];
	[tilespmem:s20+$0x60] =	vst v0  }
0x32a: {  	v1 =	vld [tilespmem:s18+$0x50]  }
0x32b: {  	v0 =	vld [tilespmem:s18+$0x60]  }
0x32c: {  	v4 =	vld.idx.msk [tilespmem:v4+s5+$0x0], $0xffff  }
0x32d: {  	_ =	sdelay $0x3  }
0x32e: {  	v7 =	vld.idx.msk [tilespmem:v7+s5+$0x0], $0xffff;
	s14 =	sand.u32 $0xE00, s16  }
0x32f: {  	v6 =	vld.idx.msk [tilespmem:v6+s5+$0x0], $0xffff;
	s15 =	sshll.u32 s15, $0x3;
	s14 =	sshrl.u32 s14, $0x2  }
0x330: {  	v5 =	vld.idx.msk [tilespmem:v5+s5+$0x0], $0xffff;
	s14 =	sor.u32 s14, s15  }
0x331: {  	v3 =	vld.idx.msk [tilespmem:v3+s5+$0x0], $0xffff;
	s15 =	sadd.s32 $0x1C3B8, s14  }
0x332: {  	v2 =	vld.idx.msk [tilespmem:v2+s5+$0x0], $0xffff;
	[tilespmem:s15+$0x70] =	vst v4  }
0x333: {  	v1 =	vld.idx.msk [tilespmem:v1+s5+$0x0], $0xffff;
	[tilespmem:s14+$0x1C3B8] =	vst v7  }
0x334: {  	v0 =	vld.idx.msk [tilespmem:v0+s5+$0x0], $0xffff;
	[tilespmem:s15+$0x10] =	vst v6  }
0x335: {  	[tilespmem:s15+$0x20] =	vst v5  }
0x336: {  	[tilespmem:s15+$0x30] =	vst v3  }
0x337: {  	[tilespmem:s15+$0x40] =	vst v2  }
0x338: {  	[tilespmem:s15+$0x50] =	vst v1  }
0x339: {  	s18 =	sadd.s32 $0x200, s13;
	s20 =	simm.s32 $0x0;
	[tilespmem:s15+$0x60] =	vst v0  }
0x33a: {  	[hbm4b:s18+s7] =	stream.linear.scatter [tilespmem:s24], [sflag:$0x6], $0x1000, $0x38;
	[tilespmem:$0x1D7B8] =	vst v63  }
0x33b: {  	s21 =	smul.u32 $0x7D0, s20;
	_ =	swait.ge [sflag:s22], $0x1000  }
0x33c: {  	s17 =	smul.u32 $0x1F4, s20;
	s14 =	simm.s32 $0x0;
	[sflag:s22] =	ssyncset.done $0x0  }
0x33d: {  	s15 =	sand.u32 $0x180, s14;
	s19 =	rddreg [dreg:$0xa];
	[sflag:s22] =	ssyncadd.s32 $0xFFFFF000  }
0x33e: {  	[tilespmem:s25], [sflag:$0x2] =	stream.linear.gather [spmem:s19], $0x1000, $0x38;
	[tilespmem:$0x1D7B8] =	vst v63  }
0x33f: {  	s16 =	sshra.s32 s21, $0x2;
	s18 =	sadd.s32 s15, s17;
	_ =	swait.ge [sflag:s0], $0x1000  }
0x340: {  	s16 =	sadd.s32 s15, s16;
	s17 =	sand.u32 $0x7C, s17;
	[sflag:s0] =	ssyncset.done $0x0  }
0x341: {  	s18 =	sand.u32 $0x1F80, s18;
	s16 =	sadd.s32 $0x193B8, s16;
	[sflag:s0] =	ssyncadd.s32 $0xFFFFF000  }
0x342: {  	s17 =	sor.u32 s17, s18;
	v3 =	vld [tilespmem:s16+$0x70]  }
0x343: {  	v7 =	vld [tilespmem:s17+$0x193B8]  }
0x344: {  	v6 =	vld [tilespmem:s16+$0x10]  }
0x345: {  	v5 =	vld [tilespmem:s16+$0x20]  }
0x346: {  	v4 =	vld [tilespmem:s16+$0x30]  }
0x347: {  	v2 =	vld [tilespmem:s16+$0x40]  }
0x348: {  	v1 =	vld [tilespmem:s16+$0x50]  }
0x349: {  	v0 =	vld [tilespmem:s16+$0x60]  }
0x34a: {  	s16 =	simm.s32 $0x0;
	v3 =	vld.idx.msk [tilespmem:v3+s5+$0x0], $0xffff  }
.LBB2_37:
0x34b: {  	s14 =	sadd.s32 $0x80, s14;
	v7 =	vld.idx.msk [tilespmem:v7+s5+$0x0], $0xffff  }
0x34c: {  	s16 =	sand.u32 $0xE00, s16;
	s17 =	sshrl.u32 s14, $0x9;
	p1 =	slt.u32 s14, $0xF80;
	v6 =	vld.idx.msk [tilespmem:v6+s5+$0x0], $0xffff  }
0x34d: {  	s15 =	sshll.u32 s15, $0x3;
	s16 =	sshrl.u32 s16, $0x2;
	s18 =	smul.u32 $0x7D0, s17;
	v5 =	vld.idx.msk [tilespmem:v5+s5+$0x0], $0xffff  }
0x34e: {  	s17 =	smul.u32 $0x1F4, s17;
	s19 =	sor.u32 s16, s15;
	s16 =	smov.u32 s14;
	v4 =	vld.idx.msk [tilespmem:v4+s5+$0x0], $0xffff  }
0x34f: {  	s15 =	sand.u32 $0x180, s16;
	s20 =	sadd.s32 $0x1B3B8, s19;
	s18 =	sshra.s32 s18, $0x2;
	v2 =	vld.idx.msk [tilespmem:v2+s5+$0x0], $0xffff  }
0x350: {  	s21 =	sadd.s32 s15, s17;
	s17 =	sand.u32 $0x7C, s17;
	s18 =	sadd.s32 s15, s18;
	v1 =	vld.idx.msk [tilespmem:v1+s5+$0x0], $0xffff;
	[tilespmem:s20+$0x70] =	vst v3  }
0x351: {  	s21 =	sand.u32 $0x1F80, s21;
	s18 =	sadd.s32 $0x193B8, s18;
	[tilespmem:s19+$0x1B3B8] =	vst v7;
	v0 =	vld.idx.msk [tilespmem:v0+s5+$0x0], $0xffff  }
0x352: {  	s17 =	sor.u32 s17, s21;
	v3 =	vld [tilespmem:s18+$0x70];
	[tilespmem:s20+$0x10] =	vst v6  }
0x353: {  	v7 =	vld [tilespmem:s17+$0x193B8];
	[tilespmem:s20+$0x20] =	vst v5  }
0x354: {  	v6 =	vld [tilespmem:s18+$0x10];
	[tilespmem:s20+$0x30] =	vst v4  }
0x355: {  	v5 =	vld [tilespmem:s18+$0x20];
	[tilespmem:s20+$0x40] =	vst v2  }
.Ltmp23:
0x356: {  	v4 =	vld [tilespmem:s18+$0x30];
	[tilespmem:s20+$0x50] =	vst v1;
	(pc) =	sbr.rel @p1 .LBB2_37-.Ltmp23, $4  }
0x357: {  	v2 =	vld [tilespmem:s18+$0x40];
	[tilespmem:s20+$0x60] =	vst v0  }
0x358: {  	v1 =	vld [tilespmem:s18+$0x50]  }
0x359: {  	v0 =	vld [tilespmem:s18+$0x60]  }
0x35a: {  	v3 =	vld.idx.msk [tilespmem:v3+s5+$0x0], $0xffff  }
0x35b: {  	_ =	sdelay $0x3  }
0x35c: {  	v7 =	vld.idx.msk [tilespmem:v7+s5+$0x0], $0xffff;
	s14 =	sand.u32 $0xE00, s16  }
0x35d: {  	v6 =	vld.idx.msk [tilespmem:v6+s5+$0x0], $0xffff;
	s15 =	sshll.u32 s15, $0x3;
	s14 =	sshrl.u32 s14, $0x2  }
0x35e: {  	v5 =	vld.idx.msk [tilespmem:v5+s5+$0x0], $0xffff;
	s14 =	sor.u32 s14, s15  }
0x35f: {  	v4 =	vld.idx.msk [tilespmem:v4+s5+$0x0], $0xffff;
	s15 =	sadd.s32 $0x1B3B8, s14  }
0x360: {  	v2 =	vld.idx.msk [tilespmem:v2+s5+$0x0], $0xffff;
	[tilespmem:s15+$0x70] =	vst v3  }
0x361: {  	v1 =	vld.idx.msk [tilespmem:v1+s5+$0x0], $0xffff;
	[tilespmem:s14+$0x1B3B8] =	vst v7  }
0x362: {  	v0 =	vld.idx.msk [tilespmem:v0+s5+$0x0], $0xffff;
	[tilespmem:s15+$0x10] =	vst v6  }
0x363: {  	[tilespmem:s15+$0x20] =	vst v5  }
0x364: {  	[tilespmem:s15+$0x30] =	vst v4  }
0x365: {  	[tilespmem:s15+$0x40] =	vst v2  }
0x366: {  	[tilespmem:s15+$0x50] =	vst v1  }
0x367: {  	s18 =	sadd.s32 $0x400, s13;
	s20 =	simm.s32 $0x0;
	[tilespmem:s15+$0x60] =	vst v0  }
0x368: {  	[hbm4b:s18+s7] =	stream.linear.scatter [tilespmem:s23], [sflag:$0x5], $0x1000, $0x38;
	[tilespmem:$0x1D7B8] =	vst v63  }
0x369: {  	s21 =	smul.u32 $0x7D0, s20;
	_ =	swait.ge [sflag:s22], $0x1000  }
0x36a: {  	s17 =	smul.u32 $0x1F4, s20;
	s14 =	simm.s32 $0x0;
	[sflag:s22] =	ssyncset.done $0x0  }
0x36b: {  	s15 =	sand.u32 $0x180, s14;
	s19 =	rddreg [dreg:$0xb];
	[sflag:s22] =	ssyncadd.s32 $0xFFFFF000  }
0x36c: {  	[tilespmem:s9], [sflag:$0x2] =	stream.linear.gather [spmem:s19], $0x1000, $0x38;
	[tilespmem:$0x1D7B8] =	vst v63  }
0x36d: {  	s16 =	sshra.s32 s21, $0x2;
	s18 =	sadd.s32 s15, s17;
	_ =	swait.ge [sflag:s3], $0x1000  }
0x36e: {  	s16 =	sadd.s32 s15, s16;
	s17 =	sand.u32 $0x7C, s17;
	[sflag:s3] =	ssyncset.done $0x0  }
0x36f: {  	s18 =	sand.u32 $0x1F80, s18;
	s16 =	sadd.s32 $0x1A3B8, s16;
	[sflag:s3] =	ssyncadd.s32 $0xFFFFF000  }
0x370: {  	s17 =	sor.u32 s17, s18;
	v3 =	vld [tilespmem:s16+$0x70]  }
0x371: {  	v7 =	vld [tilespmem:s17+$0x1A3B8]  }
0x372: {  	v6 =	vld [tilespmem:s16+$0x10]  }
0x373: {  	v5 =	vld [tilespmem:s16+$0x20]  }
0x374: {  	v4 =	vld [tilespmem:s16+$0x30]  }
0x375: {  	v2 =	vld [tilespmem:s16+$0x40]  }
0x376: {  	v1 =	vld [tilespmem:s16+$0x50]  }
0x377: {  	v0 =	vld [tilespmem:s16+$0x60]  }
0x378: {  	s16 =	simm.s32 $0x0;
	v3 =	vld.idx.msk [tilespmem:v3+s5+$0x0], $0xffff  }
.LBB2_39:
0x379: {  	s14 =	sadd.s32 $0x80, s14;
	v7 =	vld.idx.msk [tilespmem:v7+s5+$0x0], $0xffff  }
0x37a: {  	s16 =	sand.u32 $0xE00, s16;
	s17 =	sshrl.u32 s14, $0x9;
	p1 =	slt.u32 s14, $0xF80;
	v6 =	vld.idx.msk [tilespmem:v6+s5+$0x0], $0xffff  }
0x37b: {  	s15 =	sshll.u32 s15, $0x3;
	s16 =	sshrl.u32 s16, $0x2;
	s18 =	smul.u32 $0x7D0, s17;
	v5 =	vld.idx.msk [tilespmem:v5+s5+$0x0], $0xffff  }
0x37c: {  	s17 =	smul.u32 $0x1F4, s17;
	s19 =	sor.u32 s16, s15;
	s16 =	smov.u32 s14;
	v4 =	vld.idx.msk [tilespmem:v4+s5+$0x0], $0xffff  }
0x37d: {  	s15 =	sand.u32 $0x180, s16;
	s20 =	sadd.s32 $0x1C3B8, s19;
	s18 =	sshra.s32 s18, $0x2;
	v2 =	vld.idx.msk [tilespmem:v2+s5+$0x0], $0xffff  }
0x37e: {  	s21 =	sadd.s32 s15, s17;
	s17 =	sand.u32 $0x7C, s17;
	s18 =	sadd.s32 s15, s18;
	v1 =	vld.idx.msk [tilespmem:v1+s5+$0x0], $0xffff;
	[tilespmem:s20+$0x70] =	vst v3  }
0x37f: {  	s21 =	sand.u32 $0x1F80, s21;
	s18 =	sadd.s32 $0x1A3B8, s18;
	[tilespmem:s19+$0x1C3B8] =	vst v7;
	v0 =	vld.idx.msk [tilespmem:v0+s5+$0x0], $0xffff  }
0x380: {  	s17 =	sor.u32 s17, s21;
	v3 =	vld [tilespmem:s18+$0x70];
	[tilespmem:s20+$0x10] =	vst v6  }
0x381: {  	v7 =	vld [tilespmem:s17+$0x1A3B8];
	[tilespmem:s20+$0x20] =	vst v5  }
0x382: {  	v6 =	vld [tilespmem:s18+$0x10];
	[tilespmem:s20+$0x30] =	vst v4  }
0x383: {  	v5 =	vld [tilespmem:s18+$0x20];
	[tilespmem:s20+$0x40] =	vst v2  }
.Ltmp24:
0x384: {  	v4 =	vld [tilespmem:s18+$0x30];
	[tilespmem:s20+$0x50] =	vst v1;
	(pc) =	sbr.rel @p1 .LBB2_39-.Ltmp24, $4  }
0x385: {  	v2 =	vld [tilespmem:s18+$0x40];
	[tilespmem:s20+$0x60] =	vst v0  }
0x386: {  	v1 =	vld [tilespmem:s18+$0x50]  }
0x387: {  	v0 =	vld [tilespmem:s18+$0x60]  }
0x388: {  	v3 =	vld.idx.msk [tilespmem:v3+s5+$0x0], $0xffff  }
0x389: {  	_ =	sdelay $0x3  }
0x38a: {  	v7 =	vld.idx.msk [tilespmem:v7+s5+$0x0], $0xffff;
	s14 =	sand.u32 $0xE00, s16  }
0x38b: {  	v6 =	vld.idx.msk [tilespmem:v6+s5+$0x0], $0xffff;
	s15 =	sshll.u32 s15, $0x3;
	s14 =	sshrl.u32 s14, $0x2  }
0x38c: {  	v5 =	vld.idx.msk [tilespmem:v5+s5+$0x0], $0xffff;
	s14 =	sor.u32 s14, s15  }
0x38d: {  	v4 =	vld.idx.msk [tilespmem:v4+s5+$0x0], $0xffff;
	s15 =	sadd.s32 $0x1C3B8, s14  }
0x38e: {  	v2 =	vld.idx.msk [tilespmem:v2+s5+$0x0], $0xffff;
	[tilespmem:s15+$0x70] =	vst v3  }
0x38f: {  	v1 =	vld.idx.msk [tilespmem:v1+s5+$0x0], $0xffff;
	[tilespmem:s14+$0x1C3B8] =	vst v7  }
0x390: {  	v0 =	vld.idx.msk [tilespmem:v0+s5+$0x0], $0xffff;
	[tilespmem:s15+$0x10] =	vst v6  }
0x391: {  	[tilespmem:s15+$0x20] =	vst v5  }
0x392: {  	[tilespmem:s15+$0x30] =	vst v4  }
0x393: {  	[tilespmem:s15+$0x40] =	vst v2  }
0x394: {  	[tilespmem:s15+$0x50] =	vst v1  }
0x395: {  	s18 =	sadd.s32 $0x600, s13;
	s20 =	simm.s32 $0x0;
	[tilespmem:s15+$0x60] =	vst v0  }
0x396: {  	[hbm4b:s18+s7] =	stream.linear.scatter [tilespmem:s24], [sflag:$0x6], $0x1000, $0x38;
	[tilespmem:$0x1D7B8] =	vst v63  }
0x397: {  	s21 =	smul.u32 $0x7D0, s20;
	_ =	swait.ge [sflag:s22], $0x1000  }
0x398: {  	s17 =	smul.u32 $0x1F4, s20;
	s14 =	simm.s32 $0x0;
	[sflag:s22] =	ssyncset.done $0x0  }
0x399: {  	s15 =	sand.u32 $0x180, s14;
	s19 =	rddreg [dreg:$0xc];
	[sflag:s22] =	ssyncadd.s32 $0xFFFFF000  }
0x39a: {  	[tilespmem:s25], [sflag:$0x2] =	stream.linear.gather [spmem:s19], $0x1000, $0x38;
	[tilespmem:$0x1D7B8] =	vst v63  }
0x39b: {  	s16 =	sshra.s32 s21, $0x2;
	s18 =	sadd.s32 s15, s17;
	_ =	swait.ge [sflag:s0], $0x1000  }
0x39c: {  	s16 =	sadd.s32 s15, s16;
	s17 =	sand.u32 $0x7C, s17;
	[sflag:s0] =	ssyncset.done $0x0  }
0x39d: {  	s18 =	sand.u32 $0x1F80, s18;
	s16 =	sadd.s32 $0x193B8, s16;
	[sflag:s0] =	ssyncadd.s32 $0xFFFFF000  }
0x39e: {  	s17 =	sor.u32 s17, s18;
	v3 =	vld [tilespmem:s16+$0x70]  }
0x39f: {  	v7 =	vld [tilespmem:s17+$0x193B8]  }
0x3a0: {  	v6 =	vld [tilespmem:s16+$0x10]  }
0x3a1: {  	v5 =	vld [tilespmem:s16+$0x20]  }
0x3a2: {  	v4 =	vld [tilespmem:s16+$0x30]  }
0x3a3: {  	v2 =	vld [tilespmem:s16+$0x40]  }
0x3a4: {  	v1 =	vld [tilespmem:s16+$0x50]  }
0x3a5: {  	v0 =	vld [tilespmem:s16+$0x60]  }
0x3a6: {  	s16 =	simm.s32 $0x0;
	v3 =	vld.idx.msk [tilespmem:v3+s5+$0x0], $0xffff  }
.LBB2_41:
0x3a7: {  	s14 =	sadd.s32 $0x80, s14;
	v7 =	vld.idx.msk [tilespmem:v7+s5+$0x0], $0xffff  }
0x3a8: {  	s16 =	sand.u32 $0xE00, s16;
	s17 =	sshrl.u32 s14, $0x9;
	p1 =	slt.u32 s14, $0xF80;
	v6 =	vld.idx.msk [tilespmem:v6+s5+$0x0], $0xffff  }
0x3a9: {  	s15 =	sshll.u32 s15, $0x3;
	s16 =	sshrl.u32 s16, $0x2;
	s18 =	smul.u32 $0x7D0, s17;
	v5 =	vld.idx.msk [tilespmem:v5+s5+$0x0], $0xffff  }
0x3aa: {  	s17 =	smul.u32 $0x1F4, s17;
	s19 =	sor.u32 s16, s15;
	s16 =	smov.u32 s14;
	v4 =	vld.idx.msk [tilespmem:v4+s5+$0x0], $0xffff  }
0x3ab: {  	s15 =	sand.u32 $0x180, s16;
	s20 =	sadd.s32 $0x1B3B8, s19;
	s18 =	sshra.s32 s18, $0x2;
	v2 =	vld.idx.msk [tilespmem:v2+s5+$0x0], $0xffff  }
0x3ac: {  	s21 =	sadd.s32 s15, s17;
	s17 =	sand.u32 $0x7C, s17;
	s18 =	sadd.s32 s15, s18;
	v1 =	vld.idx.msk [tilespmem:v1+s5+$0x0], $0xffff;
	[tilespmem:s20+$0x70] =	vst v3  }
0x3ad: {  	s21 =	sand.u32 $0x1F80, s21;
	s18 =	sadd.s32 $0x193B8, s18;
	[tilespmem:s19+$0x1B3B8] =	vst v7;
	v0 =	vld.idx.msk [tilespmem:v0+s5+$0x0], $0xffff  }
0x3ae: {  	s17 =	sor.u32 s17, s21;
	v3 =	vld [tilespmem:s18+$0x70];
	[tilespmem:s20+$0x10] =	vst v6  }
0x3af: {  	v7 =	vld [tilespmem:s17+$0x193B8];
	[tilespmem:s20+$0x20] =	vst v5  }
0x3b0: {  	v6 =	vld [tilespmem:s18+$0x10];
	[tilespmem:s20+$0x30] =	vst v4  }
0x3b1: {  	v5 =	vld [tilespmem:s18+$0x20];
	[tilespmem:s20+$0x40] =	vst v2  }
.Ltmp25:
0x3b2: {  	v4 =	vld [tilespmem:s18+$0x30];
	[tilespmem:s20+$0x50] =	vst v1;
	(pc) =	sbr.rel @p1 .LBB2_41-.Ltmp25, $4  }
0x3b3: {  	v2 =	vld [tilespmem:s18+$0x40];
	[tilespmem:s20+$0x60] =	vst v0  }
0x3b4: {  	v1 =	vld [tilespmem:s18+$0x50]  }
0x3b5: {  	v0 =	vld [tilespmem:s18+$0x60]  }
0x3b6: {  	v3 =	vld.idx.msk [tilespmem:v3+s5+$0x0], $0xffff  }
0x3b7: {  	_ =	sdelay $0x3  }
0x3b8: {  	v7 =	vld.idx.msk [tilespmem:v7+s5+$0x0], $0xffff;
	s14 =	sand.u32 $0xE00, s16  }
0x3b9: {  	v6 =	vld.idx.msk [tilespmem:v6+s5+$0x0], $0xffff;
	s15 =	sshll.u32 s15, $0x3;
	s14 =	sshrl.u32 s14, $0x2  }
0x3ba: {  	v5 =	vld.idx.msk [tilespmem:v5+s5+$0x0], $0xffff;
	s14 =	sor.u32 s14, s15  }
0x3bb: {  	v4 =	vld.idx.msk [tilespmem:v4+s5+$0x0], $0xffff;
	s15 =	sadd.s32 $0x1B3B8, s14  }
0x3bc: {  	v2 =	vld.idx.msk [tilespmem:v2+s5+$0x0], $0xffff;
	[tilespmem:s15+$0x70] =	vst v3  }
0x3bd: {  	v1 =	vld.idx.msk [tilespmem:v1+s5+$0x0], $0xffff;
	[tilespmem:s14+$0x1B3B8] =	vst v7  }
0x3be: {  	v0 =	vld.idx.msk [tilespmem:v0+s5+$0x0], $0xffff;
	[tilespmem:s15+$0x10] =	vst v6  }
0x3bf: {  	[tilespmem:s15+$0x20] =	vst v5  }
0x3c0: {  	[tilespmem:s15+$0x30] =	vst v4  }
0x3c1: {  	[tilespmem:s15+$0x40] =	vst v2  }
0x3c2: {  	[tilespmem:s15+$0x50] =	vst v1  }
0x3c3: {  	s18 =	sadd.s32 $0x800, s13;
	s20 =	simm.s32 $0x0;
	[tilespmem:s15+$0x60] =	vst v0  }
0x3c4: {  	[hbm4b:s18+s7] =	stream.linear.scatter [tilespmem:s23], [sflag:$0x5], $0x1000, $0x38;
	[tilespmem:$0x1D7B8] =	vst v63  }
0x3c5: {  	s21 =	smul.u32 $0x7D0, s20;
	_ =	swait.ge [sflag:s22], $0x1000  }
0x3c6: {  	s17 =	smul.u32 $0x1F4, s20;
	s14 =	simm.s32 $0x0;
	[sflag:s22] =	ssyncset.done $0x0  }
0x3c7: {  	s15 =	sand.u32 $0x180, s14;
	s19 =	rddreg [dreg:$0xd];
	[sflag:s22] =	ssyncadd.s32 $0xFFFFF000  }
0x3c8: {  	[tilespmem:s9], [sflag:$0x2] =	stream.linear.gather [spmem:s19], $0x1000, $0x38;
	[tilespmem:$0x1D7B8] =	vst v63  }
0x3c9: {  	s16 =	sshra.s32 s21, $0x2;
	s18 =	sadd.s32 s15, s17;
	_ =	swait.ge [sflag:s3], $0x1000  }
0x3ca: {  	s16 =	sadd.s32 s15, s16;
	s17 =	sand.u32 $0x7C, s17;
	[sflag:s3] =	ssyncset.done $0x0  }
0x3cb: {  	s18 =	sand.u32 $0x1F80, s18;
	s16 =	sadd.s32 $0x1A3B8, s16;
	[sflag:s3] =	ssyncadd.s32 $0xFFFFF000  }
0x3cc: {  	s17 =	sor.u32 s17, s18;
	v3 =	vld [tilespmem:s16+$0x70]  }
0x3cd: {  	v7 =	vld [tilespmem:s17+$0x1A3B8]  }
0x3ce: {  	v6 =	vld [tilespmem:s16+$0x10]  }
0x3cf: {  	v5 =	vld [tilespmem:s16+$0x20]  }
0x3d0: {  	v4 =	vld [tilespmem:s16+$0x30]  }
0x3d1: {  	v2 =	vld [tilespmem:s16+$0x40]  }
0x3d2: {  	v1 =	vld [tilespmem:s16+$0x50]  }
0x3d3: {  	v0 =	vld [tilespmem:s16+$0x60]  }
0x3d4: {  	s16 =	simm.s32 $0x0;
	v3 =	vld.idx.msk [tilespmem:v3+s5+$0x0], $0xffff  }
.LBB2_43:
0x3d5: {  	s14 =	sadd.s32 $0x80, s14;
	v7 =	vld.idx.msk [tilespmem:v7+s5+$0x0], $0xffff  }
0x3d6: {  	s16 =	sand.u32 $0xE00, s16;
	s17 =	sshrl.u32 s14, $0x9;
	p1 =	slt.u32 s14, $0xF80;
	v6 =	vld.idx.msk [tilespmem:v6+s5+$0x0], $0xffff  }
0x3d7: {  	s15 =	sshll.u32 s15, $0x3;
	s16 =	sshrl.u32 s16, $0x2;
	s18 =	smul.u32 $0x7D0, s17;
	v5 =	vld.idx.msk [tilespmem:v5+s5+$0x0], $0xffff  }
0x3d8: {  	s17 =	smul.u32 $0x1F4, s17;
	s19 =	sor.u32 s16, s15;
	s16 =	smov.u32 s14;
	v4 =	vld.idx.msk [tilespmem:v4+s5+$0x0], $0xffff  }
0x3d9: {  	s15 =	sand.u32 $0x180, s16;
	s20 =	sadd.s32 $0x1C3B8, s19;
	s18 =	sshra.s32 s18, $0x2;
	v2 =	vld.idx.msk [tilespmem:v2+s5+$0x0], $0xffff  }
0x3da: {  	s21 =	sadd.s32 s15, s17;
	s17 =	sand.u32 $0x7C, s17;
	s18 =	sadd.s32 s15, s18;
	v1 =	vld.idx.msk [tilespmem:v1+s5+$0x0], $0xffff;
	[tilespmem:s20+$0x70] =	vst v3  }
0x3db: {  	s21 =	sand.u32 $0x1F80, s21;
	s18 =	sadd.s32 $0x1A3B8, s18;
	[tilespmem:s19+$0x1C3B8] =	vst v7;
	v0 =	vld.idx.msk [tilespmem:v0+s5+$0x0], $0xffff  }
0x3dc: {  	s17 =	sor.u32 s17, s21;
	v3 =	vld [tilespmem:s18+$0x70];
	[tilespmem:s20+$0x10] =	vst v6  }
0x3dd: {  	v7 =	vld [tilespmem:s17+$0x1A3B8];
	[tilespmem:s20+$0x20] =	vst v5  }
0x3de: {  	v6 =	vld [tilespmem:s18+$0x10];
	[tilespmem:s20+$0x30] =	vst v4  }
0x3df: {  	v5 =	vld [tilespmem:s18+$0x20];
	[tilespmem:s20+$0x40] =	vst v2  }
.Ltmp26:
0x3e0: {  	v4 =	vld [tilespmem:s18+$0x30];
	[tilespmem:s20+$0x50] =	vst v1;
	(pc) =	sbr.rel @p1 .LBB2_43-.Ltmp26, $4  }
0x3e1: {  	v2 =	vld [tilespmem:s18+$0x40];
	[tilespmem:s20+$0x60] =	vst v0  }
0x3e2: {  	v1 =	vld [tilespmem:s18+$0x50]  }
0x3e3: {  	v0 =	vld [tilespmem:s18+$0x60]  }
0x3e4: {  	v3 =	vld.idx.msk [tilespmem:v3+s5+$0x0], $0xffff  }
0x3e5: {  	_ =	sdelay $0x3  }
0x3e6: {  	v7 =	vld.idx.msk [tilespmem:v7+s5+$0x0], $0xffff;
	s14 =	sand.u32 $0xE00, s16  }
0x3e7: {  	v6 =	vld.idx.msk [tilespmem:v6+s5+$0x0], $0xffff;
	s15 =	sshll.u32 s15, $0x3;
	s14 =	sshrl.u32 s14, $0x2  }
0x3e8: {  	v5 =	vld.idx.msk [tilespmem:v5+s5+$0x0], $0xffff;
	s14 =	sor.u32 s14, s15  }
0x3e9: {  	v4 =	vld.idx.msk [tilespmem:v4+s5+$0x0], $0xffff;
	s15 =	sadd.s32 $0x1C3B8, s14  }
0x3ea: {  	v2 =	vld.idx.msk [tilespmem:v2+s5+$0x0], $0xffff;
	[tilespmem:s15+$0x70] =	vst v3  }
0x3eb: {  	v1 =	vld.idx.msk [tilespmem:v1+s5+$0x0], $0xffff;
	[tilespmem:s14+$0x1C3B8] =	vst v7  }
0x3ec: {  	v0 =	vld.idx.msk [tilespmem:v0+s5+$0x0], $0xffff;
	[tilespmem:s15+$0x10] =	vst v6  }
0x3ed: {  	[tilespmem:s15+$0x20] =	vst v5  }
0x3ee: {  	[tilespmem:s15+$0x30] =	vst v4  }
0x3ef: {  	[tilespmem:s15+$0x40] =	vst v2  }
0x3f0: {  	[tilespmem:s15+$0x50] =	vst v1  }
0x3f1: {  	s18 =	sadd.s32 $0xA00, s13;
	s20 =	simm.s32 $0x0;
	[tilespmem:s15+$0x60] =	vst v0  }
0x3f2: {  	[hbm4b:s18+s7] =	stream.linear.scatter [tilespmem:s24], [sflag:$0x6], $0x1000, $0x38;
	[tilespmem:$0x1D7B8] =	vst v63  }
0x3f3: {  	s21 =	smul.u32 $0x7D0, s20;
	_ =	swait.ge [sflag:s22], $0x1000  }
0x3f4: {  	s17 =	smul.u32 $0x1F4, s20;
	s14 =	simm.s32 $0x0;
	[sflag:s22] =	ssyncset.done $0x0  }
0x3f5: {  	s15 =	sand.u32 $0x180, s14;
	s19 =	rddreg [dreg:$0xe];
	[sflag:s22] =	ssyncadd.s32 $0xFFFFF000  }
0x3f6: {  	[tilespmem:s25], [sflag:$0x2] =	stream.linear.gather [spmem:s19], $0x1000, $0x38;
	[tilespmem:$0x1D7B8] =	vst v63  }
0x3f7: {  	s16 =	sshra.s32 s21, $0x2;
	s18 =	sadd.s32 s15, s17;
	_ =	swait.ge [sflag:s0], $0x1000  }
0x3f8: {  	s16 =	sadd.s32 s15, s16;
	s17 =	sand.u32 $0x7C, s17;
	[sflag:s0] =	ssyncset.done $0x0  }
0x3f9: {  	s18 =	sand.u32 $0x1F80, s18;
	s16 =	sadd.s32 $0x193B8, s16;
	[sflag:s0] =	ssyncadd.s32 $0xFFFFF000  }
0x3fa: {  	s17 =	sor.u32 s17, s18;
	v3 =	vld [tilespmem:s16+$0x70]  }
0x3fb: {  	v7 =	vld [tilespmem:s17+$0x193B8]  }
0x3fc: {  	v6 =	vld [tilespmem:s16+$0x10]  }
0x3fd: {  	v5 =	vld [tilespmem:s16+$0x20]  }
0x3fe: {  	v4 =	vld [tilespmem:s16+$0x30]  }
0x3ff: {  	v2 =	vld [tilespmem:s16+$0x40]  }
0x400: {  	v1 =	vld [tilespmem:s16+$0x50]  }
0x401: {  	v0 =	vld [tilespmem:s16+$0x60]  }
0x402: {  	s16 =	simm.s32 $0x0;
	v3 =	vld.idx.msk [tilespmem:v3+s5+$0x0], $0xffff  }
.LBB2_45:
0x403: {  	s14 =	sadd.s32 $0x80, s14;
	v7 =	vld.idx.msk [tilespmem:v7+s5+$0x0], $0xffff  }
0x404: {  	s16 =	sand.u32 $0xE00, s16;
	s17 =	sshrl.u32 s14, $0x9;
	p1 =	slt.u32 s14, $0xF80;
	v6 =	vld.idx.msk [tilespmem:v6+s5+$0x0], $0xffff  }
0x405: {  	s15 =	sshll.u32 s15, $0x3;
	s16 =	sshrl.u32 s16, $0x2;
	s18 =	smul.u32 $0x7D0, s17;
	v5 =	vld.idx.msk [tilespmem:v5+s5+$0x0], $0xffff  }
0x406: {  	s17 =	smul.u32 $0x1F4, s17;
	s19 =	sor.u32 s16, s15;
	s16 =	smov.u32 s14;
	v4 =	vld.idx.msk [tilespmem:v4+s5+$0x0], $0xffff  }
0x407: {  	s15 =	sand.u32 $0x180, s16;
	s20 =	sadd.s32 $0x1B3B8, s19;
	s18 =	sshra.s32 s18, $0x2;
	v2 =	vld.idx.msk [tilespmem:v2+s5+$0x0], $0xffff  }
0x408: {  	s21 =	sadd.s32 s15, s17;
	s17 =	sand.u32 $0x7C, s17;
	s18 =	sadd.s32 s15, s18;
	v1 =	vld.idx.msk [tilespmem:v1+s5+$0x0], $0xffff;
	[tilespmem:s20+$0x70] =	vst v3  }
0x409: {  	s21 =	sand.u32 $0x1F80, s21;
	s18 =	sadd.s32 $0x193B8, s18;
	[tilespmem:s19+$0x1B3B8] =	vst v7;
	v0 =	vld.idx.msk [tilespmem:v0+s5+$0x0], $0xffff  }
0x40a: {  	s17 =	sor.u32 s17, s21;
	v3 =	vld [tilespmem:s18+$0x70];
	[tilespmem:s20+$0x10] =	vst v6  }
0x40b: {  	v7 =	vld [tilespmem:s17+$0x193B8];
	[tilespmem:s20+$0x20] =	vst v5  }
0x40c: {  	v6 =	vld [tilespmem:s18+$0x10];
	[tilespmem:s20+$0x30] =	vst v4  }
0x40d: {  	v5 =	vld [tilespmem:s18+$0x20];
	[tilespmem:s20+$0x40] =	vst v2  }
.Ltmp27:
0x40e: {  	v4 =	vld [tilespmem:s18+$0x30];
	[tilespmem:s20+$0x50] =	vst v1;
	(pc) =	sbr.rel @p1 .LBB2_45-.Ltmp27, $4  }
0x40f: {  	v2 =	vld [tilespmem:s18+$0x40];
	[tilespmem:s20+$0x60] =	vst v0  }
0x410: {  	v1 =	vld [tilespmem:s18+$0x50]  }
0x411: {  	v0 =	vld [tilespmem:s18+$0x60]  }
0x412: {  	v3 =	vld.idx.msk [tilespmem:v3+s5+$0x0], $0xffff  }
0x413: {  	_ =	sdelay $0x3  }
0x414: {  	v7 =	vld.idx.msk [tilespmem:v7+s5+$0x0], $0xffff;
	s14 =	sand.u32 $0xE00, s16  }
0x415: {  	v6 =	vld.idx.msk [tilespmem:v6+s5+$0x0], $0xffff;
	s15 =	sshll.u32 s15, $0x3;
	s14 =	sshrl.u32 s14, $0x2  }
0x416: {  	v5 =	vld.idx.msk [tilespmem:v5+s5+$0x0], $0xffff;
	s14 =	sor.u32 s14, s15  }
0x417: {  	v4 =	vld.idx.msk [tilespmem:v4+s5+$0x0], $0xffff;
	s15 =	sadd.s32 $0x1B3B8, s14  }
0x418: {  	v2 =	vld.idx.msk [tilespmem:v2+s5+$0x0], $0xffff;
	[tilespmem:s15+$0x70] =	vst v3  }
0x419: {  	v1 =	vld.idx.msk [tilespmem:v1+s5+$0x0], $0xffff;
	[tilespmem:s14+$0x1B3B8] =	vst v7  }
0x41a: {  	v0 =	vld.idx.msk [tilespmem:v0+s5+$0x0], $0xffff;
	[tilespmem:s15+$0x10] =	vst v6  }
0x41b: {  	[tilespmem:s15+$0x20] =	vst v5  }
0x41c: {  	[tilespmem:s15+$0x30] =	vst v4  }
0x41d: {  	[tilespmem:s15+$0x40] =	vst v2  }
0x41e: {  	[tilespmem:s15+$0x50] =	vst v1  }
0x41f: {  	s18 =	sadd.s32 $0xC00, s13;
	s20 =	simm.s32 $0x0;
	[tilespmem:s15+$0x60] =	vst v0  }
0x420: {  	[hbm4b:s18+s7] =	stream.linear.scatter [tilespmem:s23], [sflag:$0x5], $0x1000, $0x38;
	[tilespmem:$0x1D7B8] =	vst v63  }
0x421: {  	s21 =	smul.u32 $0x7D0, s20;
	_ =	swait.ge [sflag:s22], $0x1000  }
0x422: {  	s17 =	smul.u32 $0x1F4, s20;
	s14 =	simm.s32 $0x0;
	[sflag:s22] =	ssyncset.done $0x0  }
0x423: {  	s15 =	sand.u32 $0x180, s14;
	s19 =	rddreg [dreg:$0xf];
	[sflag:s22] =	ssyncadd.s32 $0xFFFFF000  }
0x424: {  	[tilespmem:s9], [sflag:$0x2] =	stream.linear.gather [spmem:s19], $0x1000, $0x38;
	[tilespmem:$0x1D7B8] =	vst v63  }
0x425: {  	s16 =	sshra.s32 s21, $0x2;
	s18 =	sadd.s32 s15, s17;
	_ =	swait.ge [sflag:s3], $0x1000  }
0x426: {  	s16 =	sadd.s32 s15, s16;
	s17 =	sand.u32 $0x7C, s17;
	[sflag:s3] =	ssyncset.done $0x0  }
0x427: {  	s18 =	sand.u32 $0x1F80, s18;
	s16 =	sadd.s32 $0x1A3B8, s16;
	[sflag:s3] =	ssyncadd.s32 $0xFFFFF000  }
0x428: {  	s17 =	sor.u32 s17, s18;
	v3 =	vld [tilespmem:s16+$0x70]  }
0x429: {  	v7 =	vld [tilespmem:s17+$0x1A3B8]  }
0x42a: {  	v6 =	vld [tilespmem:s16+$0x10]  }
0x42b: {  	v5 =	vld [tilespmem:s16+$0x20]  }
0x42c: {  	v4 =	vld [tilespmem:s16+$0x30]  }
0x42d: {  	v2 =	vld [tilespmem:s16+$0x40]  }
0x42e: {  	v1 =	vld [tilespmem:s16+$0x50]  }
0x42f: {  	v0 =	vld [tilespmem:s16+$0x60]  }
0x430: {  	s16 =	simm.s32 $0x0;
	v3 =	vld.idx.msk [tilespmem:v3+s5+$0x0], $0xffff  }
.LBB2_47:
0x431: {  	s14 =	sadd.s32 $0x80, s14;
	v7 =	vld.idx.msk [tilespmem:v7+s5+$0x0], $0xffff  }
0x432: {  	s16 =	sand.u32 $0xE00, s16;
	s17 =	sshrl.u32 s14, $0x9;
	p1 =	slt.u32 s14, $0xF80;
	v6 =	vld.idx.msk [tilespmem:v6+s5+$0x0], $0xffff  }
0x433: {  	s15 =	sshll.u32 s15, $0x3;
	s16 =	sshrl.u32 s16, $0x2;
	s18 =	smul.u32 $0x7D0, s17;
	v5 =	vld.idx.msk [tilespmem:v5+s5+$0x0], $0xffff  }
0x434: {  	s17 =	smul.u32 $0x1F4, s17;
	s19 =	sor.u32 s16, s15;
	s16 =	smov.u32 s14;
	v4 =	vld.idx.msk [tilespmem:v4+s5+$0x0], $0xffff  }
0x435: {  	s15 =	sand.u32 $0x180, s16;
	s20 =	sadd.s32 $0x1C3B8, s19;
	s18 =	sshra.s32 s18, $0x2;
	v2 =	vld.idx.msk [tilespmem:v2+s5+$0x0], $0xffff  }
0x436: {  	s21 =	sadd.s32 s15, s17;
	s17 =	sand.u32 $0x7C, s17;
	s18 =	sadd.s32 s15, s18;
	v1 =	vld.idx.msk [tilespmem:v1+s5+$0x0], $0xffff;
	[tilespmem:s20+$0x70] =	vst v3  }
0x437: {  	s21 =	sand.u32 $0x1F80, s21;
	s18 =	sadd.s32 $0x1A3B8, s18;
	[tilespmem:s19+$0x1C3B8] =	vst v7;
	v0 =	vld.idx.msk [tilespmem:v0+s5+$0x0], $0xffff  }
0x438: {  	s17 =	sor.u32 s17, s21;
	v3 =	vld [tilespmem:s18+$0x70];
	[tilespmem:s20+$0x10] =	vst v6  }
0x439: {  	v7 =	vld [tilespmem:s17+$0x1A3B8];
	[tilespmem:s20+$0x20] =	vst v5  }
0x43a: {  	v6 =	vld [tilespmem:s18+$0x10];
	[tilespmem:s20+$0x30] =	vst v4  }
0x43b: {  	v5 =	vld [tilespmem:s18+$0x20];
	[tilespmem:s20+$0x40] =	vst v2  }
.Ltmp28:
0x43c: {  	v4 =	vld [tilespmem:s18+$0x30];
	[tilespmem:s20+$0x50] =	vst v1;
	(pc) =	sbr.rel @p1 .LBB2_47-.Ltmp28, $4  }
0x43d: {  	v2 =	vld [tilespmem:s18+$0x40];
	[tilespmem:s20+$0x60] =	vst v0  }
0x43e: {  	v1 =	vld [tilespmem:s18+$0x50]  }
0x43f: {  	v0 =	vld [tilespmem:s18+$0x60]  }
0x440: {  	v3 =	vld.idx.msk [tilespmem:v3+s5+$0x0], $0xffff  }
0x441: {  	_ =	sdelay $0x3  }
0x442: {  	v7 =	vld.idx.msk [tilespmem:v7+s5+$0x0], $0xffff;
	s14 =	sand.u32 $0xE00, s16  }
0x443: {  	v6 =	vld.idx.msk [tilespmem:v6+s5+$0x0], $0xffff;
	s15 =	sshll.u32 s15, $0x3;
	s14 =	sshrl.u32 s14, $0x2  }
0x444: {  	v5 =	vld.idx.msk [tilespmem:v5+s5+$0x0], $0xffff;
	s14 =	sor.u32 s14, s15  }
0x445: {  	v4 =	vld.idx.msk [tilespmem:v4+s5+$0x0], $0xffff;
	s15 =	sadd.s32 $0x1C3B8, s14  }
0x446: {  	v2 =	vld.idx.msk [tilespmem:v2+s5+$0x0], $0xffff;
	[tilespmem:s15+$0x70] =	vst v3  }
0x447: {  	v1 =	vld.idx.msk [tilespmem:v1+s5+$0x0], $0xffff;
	[tilespmem:s14+$0x1C3B8] =	vst v7  }
0x448: {  	v0 =	vld.idx.msk [tilespmem:v0+s5+$0x0], $0xffff;
	[tilespmem:s15+$0x10] =	vst v6  }
0x449: {  	[tilespmem:s15+$0x20] =	vst v5  }
0x44a: {  	[tilespmem:s15+$0x30] =	vst v4  }
0x44b: {  	[tilespmem:s15+$0x40] =	vst v2  }
0x44c: {  	[tilespmem:s15+$0x50] =	vst v1  }
0x44d: {  	s18 =	sadd.s32 $0xE00, s13;
	s20 =	simm.s32 $0x0;
	[tilespmem:s15+$0x60] =	vst v0  }
0x44e: {  	[hbm4b:s18+s7] =	stream.linear.scatter [tilespmem:s24], [sflag:$0x6], $0x1000, $0x38;
	[tilespmem:$0x1D7B8] =	vst v63  }
0x44f: {  	s21 =	smul.u32 $0x7D0, s20;
	_ =	swait.ge [sflag:s22], $0x1000  }
0x450: {  	s17 =	smul.u32 $0x1F4, s20;
	s14 =	simm.s32 $0x0;
	[sflag:s22] =	ssyncset.done $0x0  }
0x451: {  	s15 =	sand.u32 $0x180, s14;
	s19 =	rddreg [dreg:$0x10];
	[sflag:s22] =	ssyncadd.s32 $0xFFFFF000  }
0x452: {  	[tilespmem:s25], [sflag:$0x2] =	stream.linear.gather [spmem:s19], $0x1000, $0x38;
	[tilespmem:$0x1D7B8] =	vst v63  }
0x453: {  	s16 =	sshra.s32 s21, $0x2;
	s18 =	sadd.s32 s15, s17;
	_ =	swait.ge [sflag:s0], $0x1000  }
0x454: {  	s16 =	sadd.s32 s15, s16;
	s17 =	sand.u32 $0x7C, s17;
	[sflag:s0] =	ssyncset.done $0x0  }
0x455: {  	s18 =	sand.u32 $0x1F80, s18;
	s16 =	sadd.s32 $0x193B8, s16;
	[sflag:s0] =	ssyncadd.s32 $0xFFFFF000  }
0x456: {  	s17 =	sor.u32 s17, s18;
	v3 =	vld [tilespmem:s16+$0x70]  }
0x457: {  	v7 =	vld [tilespmem:s17+$0x193B8]  }
0x458: {  	v6 =	vld [tilespmem:s16+$0x10]  }
0x459: {  	v5 =	vld [tilespmem:s16+$0x20]  }
0x45a: {  	v4 =	vld [tilespmem:s16+$0x30]  }
0x45b: {  	v2 =	vld [tilespmem:s16+$0x40]  }
0x45c: {  	v1 =	vld [tilespmem:s16+$0x50]  }
0x45d: {  	v0 =	vld [tilespmem:s16+$0x60]  }
0x45e: {  	s16 =	simm.s32 $0x0;
	v3 =	vld.idx.msk [tilespmem:v3+s5+$0x0], $0xffff  }
.LBB2_49:
0x45f: {  	s14 =	sadd.s32 $0x80, s14;
	v7 =	vld.idx.msk [tilespmem:v7+s5+$0x0], $0xffff  }
0x460: {  	s16 =	sand.u32 $0xE00, s16;
	s17 =	sshrl.u32 s14, $0x9;
	p1 =	slt.u32 s14, $0xF80;
	v6 =	vld.idx.msk [tilespmem:v6+s5+$0x0], $0xffff  }
0x461: {  	s15 =	sshll.u32 s15, $0x3;
	s16 =	sshrl.u32 s16, $0x2;
	s18 =	smul.u32 $0x7D0, s17;
	v5 =	vld.idx.msk [tilespmem:v5+s5+$0x0], $0xffff  }
0x462: {  	s17 =	smul.u32 $0x1F4, s17;
	s19 =	sor.u32 s16, s15;
	s16 =	smov.u32 s14;
	v4 =	vld.idx.msk [tilespmem:v4+s5+$0x0], $0xffff  }
0x463: {  	s15 =	sand.u32 $0x180, s16;
	s20 =	sadd.s32 $0x1B3B8, s19;
	s18 =	sshra.s32 s18, $0x2;
	v2 =	vld.idx.msk [tilespmem:v2+s5+$0x0], $0xffff  }
0x464: {  	s21 =	sadd.s32 s15, s17;
	s17 =	sand.u32 $0x7C, s17;
	s18 =	sadd.s32 s15, s18;
	v1 =	vld.idx.msk [tilespmem:v1+s5+$0x0], $0xffff;
	[tilespmem:s20+$0x70] =	vst v3  }
0x465: {  	s21 =	sand.u32 $0x1F80, s21;
	s18 =	sadd.s32 $0x193B8, s18;
	[tilespmem:s19+$0x1B3B8] =	vst v7;
	v0 =	vld.idx.msk [tilespmem:v0+s5+$0x0], $0xffff  }
0x466: {  	s17 =	sor.u32 s17, s21;
	v3 =	vld [tilespmem:s18+$0x70];
	[tilespmem:s20+$0x10] =	vst v6  }
0x467: {  	v7 =	vld [tilespmem:s17+$0x193B8];
	[tilespmem:s20+$0x20] =	vst v5  }
0x468: {  	v6 =	vld [tilespmem:s18+$0x10];
	[tilespmem:s20+$0x30] =	vst v4  }
0x469: {  	v5 =	vld [tilespmem:s18+$0x20];
	[tilespmem:s20+$0x40] =	vst v2  }
.Ltmp29:
0x46a: {  	v4 =	vld [tilespmem:s18+$0x30];
	[tilespmem:s20+$0x50] =	vst v1;
	(pc) =	sbr.rel @p1 .LBB2_49-.Ltmp29, $4  }
0x46b: {  	v2 =	vld [tilespmem:s18+$0x40];
	[tilespmem:s20+$0x60] =	vst v0  }
0x46c: {  	v1 =	vld [tilespmem:s18+$0x50]  }
0x46d: {  	v0 =	vld [tilespmem:s18+$0x60]  }
0x46e: {  	v3 =	vld.idx.msk [tilespmem:v3+s5+$0x0], $0xffff  }
0x46f: {  	_ =	sdelay $0x3  }
0x470: {  	v7 =	vld.idx.msk [tilespmem:v7+s5+$0x0], $0xffff;
	s14 =	sand.u32 $0xE00, s16  }
0x471: {  	v6 =	vld.idx.msk [tilespmem:v6+s5+$0x0], $0xffff;
	s15 =	sshll.u32 s15, $0x3;
	s14 =	sshrl.u32 s14, $0x2  }
0x472: {  	v5 =	vld.idx.msk [tilespmem:v5+s5+$0x0], $0xffff;
	s14 =	sor.u32 s14, s15  }
0x473: {  	v4 =	vld.idx.msk [tilespmem:v4+s5+$0x0], $0xffff;
	s15 =	sadd.s32 $0x1B3B8, s14  }
0x474: {  	v2 =	vld.idx.msk [tilespmem:v2+s5+$0x0], $0xffff;
	[tilespmem:s15+$0x70] =	vst v3  }
0x475: {  	v1 =	vld.idx.msk [tilespmem:v1+s5+$0x0], $0xffff;
	[tilespmem:s14+$0x1B3B8] =	vst v7  }
0x476: {  	v0 =	vld.idx.msk [tilespmem:v0+s5+$0x0], $0xffff;
	[tilespmem:s15+$0x10] =	vst v6  }
0x477: {  	[tilespmem:s15+$0x20] =	vst v5  }
0x478: {  	[tilespmem:s15+$0x30] =	vst v4  }
0x479: {  	[tilespmem:s15+$0x40] =	vst v2  }
0x47a: {  	[tilespmem:s15+$0x50] =	vst v1  }
0x47b: {  	s18 =	sadd.s32 $0x1000, s13;
	s20 =	simm.s32 $0x0;
	[tilespmem:s15+$0x60] =	vst v0  }
0x47c: {  	[hbm4b:s18+s7] =	stream.linear.scatter [tilespmem:s23], [sflag:$0x5], $0x1000, $0x38;
	[tilespmem:$0x1D7B8] =	vst v63  }
0x47d: {  	s21 =	smul.u32 $0x7D0, s20;
	_ =	swait.ge [sflag:s22], $0x1000  }
0x47e: {  	s17 =	smul.u32 $0x1F4, s20;
	s14 =	simm.s32 $0x0;
	[sflag:s22] =	ssyncset.done $0x0  }
0x47f: {  	s15 =	sand.u32 $0x180, s14;
	s19 =	rddreg [dreg:$0x11];
	[sflag:s22] =	ssyncadd.s32 $0xFFFFF000  }
0x480: {  	[tilespmem:s9], [sflag:$0x2] =	stream.linear.gather [spmem:s19], $0x1000, $0x38;
	[tilespmem:$0x1D7B8] =	vst v63  }
0x481: {  	s16 =	sshra.s32 s21, $0x2;
	s18 =	sadd.s32 s15, s17;
	_ =	swait.ge [sflag:s3], $0x1000  }
0x482: {  	s16 =	sadd.s32 s15, s16;
	s17 =	sand.u32 $0x7C, s17;
	[sflag:s3] =	ssyncset.done $0x0  }
0x483: {  	s18 =	sand.u32 $0x1F80, s18;
	s16 =	sadd.s32 $0x1A3B8, s16;
	[sflag:s3] =	ssyncadd.s32 $0xFFFFF000  }
0x484: {  	s17 =	sor.u32 s17, s18;
	v3 =	vld [tilespmem:s16+$0x70]  }
0x485: {  	v7 =	vld [tilespmem:s17+$0x1A3B8]  }
0x486: {  	v6 =	vld [tilespmem:s16+$0x10]  }
0x487: {  	v5 =	vld [tilespmem:s16+$0x20]  }
0x488: {  	v4 =	vld [tilespmem:s16+$0x30]  }
0x489: {  	v2 =	vld [tilespmem:s16+$0x40]  }
0x48a: {  	v1 =	vld [tilespmem:s16+$0x50]  }
0x48b: {  	v0 =	vld [tilespmem:s16+$0x60]  }
0x48c: {  	s16 =	simm.s32 $0x0;
	v3 =	vld.idx.msk [tilespmem:v3+s5+$0x0], $0xffff  }
.LBB2_51:
0x48d: {  	s14 =	sadd.s32 $0x80, s14;
	v7 =	vld.idx.msk [tilespmem:v7+s5+$0x0], $0xffff  }
0x48e: {  	s16 =	sand.u32 $0xE00, s16;
	s17 =	sshrl.u32 s14, $0x9;
	p1 =	slt.u32 s14, $0xF80;
	v6 =	vld.idx.msk [tilespmem:v6+s5+$0x0], $0xffff  }
0x48f: {  	s15 =	sshll.u32 s15, $0x3;
	s16 =	sshrl.u32 s16, $0x2;
	s18 =	smul.u32 $0x7D0, s17;
	v5 =	vld.idx.msk [tilespmem:v5+s5+$0x0], $0xffff  }
0x490: {  	s17 =	smul.u32 $0x1F4, s17;
	s19 =	sor.u32 s16, s15;
	s16 =	smov.u32 s14;
	v4 =	vld.idx.msk [tilespmem:v4+s5+$0x0], $0xffff  }
0x491: {  	s15 =	sand.u32 $0x180, s16;
	s20 =	sadd.s32 $0x1C3B8, s19;
	s18 =	sshra.s32 s18, $0x2;
	v2 =	vld.idx.msk [tilespmem:v2+s5+$0x0], $0xffff  }
0x492: {  	s21 =	sadd.s32 s15, s17;
	s17 =	sand.u32 $0x7C, s17;
	s18 =	sadd.s32 s15, s18;
	v1 =	vld.idx.msk [tilespmem:v1+s5+$0x0], $0xffff;
	[tilespmem:s20+$0x70] =	vst v3  }
0x493: {  	s21 =	sand.u32 $0x1F80, s21;
	s18 =	sadd.s32 $0x1A3B8, s18;
	[tilespmem:s19+$0x1C3B8] =	vst v7;
	v0 =	vld.idx.msk [tilespmem:v0+s5+$0x0], $0xffff  }
0x494: {  	s17 =	sor.u32 s17, s21;
	v3 =	vld [tilespmem:s18+$0x70];
	[tilespmem:s20+$0x10] =	vst v6  }
0x495: {  	v7 =	vld [tilespmem:s17+$0x1A3B8];
	[tilespmem:s20+$0x20] =	vst v5  }
0x496: {  	v6 =	vld [tilespmem:s18+$0x10];
	[tilespmem:s20+$0x30] =	vst v4  }
0x497: {  	v5 =	vld [tilespmem:s18+$0x20];
	[tilespmem:s20+$0x40] =	vst v2  }
.Ltmp30:
0x498: {  	v4 =	vld [tilespmem:s18+$0x30];
	[tilespmem:s20+$0x50] =	vst v1;
	(pc) =	sbr.rel @p1 .LBB2_51-.Ltmp30, $4  }
0x499: {  	v2 =	vld [tilespmem:s18+$0x40];
	[tilespmem:s20+$0x60] =	vst v0  }
0x49a: {  	v1 =	vld [tilespmem:s18+$0x50]  }
0x49b: {  	v0 =	vld [tilespmem:s18+$0x60]  }
0x49c: {  	v3 =	vld.idx.msk [tilespmem:v3+s5+$0x0], $0xffff  }
0x49d: {  	_ =	sdelay $0x3  }
0x49e: {  	v7 =	vld.idx.msk [tilespmem:v7+s5+$0x0], $0xffff;
	s14 =	sand.u32 $0xE00, s16  }
0x49f: {  	v6 =	vld.idx.msk [tilespmem:v6+s5+$0x0], $0xffff;
	s15 =	sshll.u32 s15, $0x3;
	s14 =	sshrl.u32 s14, $0x2  }
0x4a0: {  	v5 =	vld.idx.msk [tilespmem:v5+s5+$0x0], $0xffff;
	s14 =	sor.u32 s14, s15  }
0x4a1: {  	v4 =	vld.idx.msk [tilespmem:v4+s5+$0x0], $0xffff;
	s15 =	sadd.s32 $0x1C3B8, s14  }
0x4a2: {  	v2 =	vld.idx.msk [tilespmem:v2+s5+$0x0], $0xffff;
	[tilespmem:s15+$0x70] =	vst v3  }
0x4a3: {  	v1 =	vld.idx.msk [tilespmem:v1+s5+$0x0], $0xffff;
	[tilespmem:s14+$0x1C3B8] =	vst v7  }
0x4a4: {  	v0 =	vld.idx.msk [tilespmem:v0+s5+$0x0], $0xffff;
	[tilespmem:s15+$0x10] =	vst v6  }
0x4a5: {  	[tilespmem:s15+$0x20] =	vst v5  }
0x4a6: {  	[tilespmem:s15+$0x30] =	vst v4  }
0x4a7: {  	[tilespmem:s15+$0x40] =	vst v2  }
0x4a8: {  	[tilespmem:s15+$0x50] =	vst v1  }
0x4a9: {  	s18 =	sadd.s32 $0x1200, s13;
	s20 =	simm.s32 $0x0;
	[tilespmem:s15+$0x60] =	vst v0  }
0x4aa: {  	[hbm4b:s18+s7] =	stream.linear.scatter [tilespmem:s24], [sflag:$0x6], $0x1000, $0x38;
	[tilespmem:$0x1D7B8] =	vst v63  }
0x4ab: {  	s21 =	smul.u32 $0x7D0, s20;
	_ =	swait.ge [sflag:s22], $0x1000  }
0x4ac: {  	s17 =	smul.u32 $0x1F4, s20;
	s14 =	simm.s32 $0x0;
	[sflag:s22] =	ssyncset.done $0x0  }
0x4ad: {  	s15 =	sand.u32 $0x180, s14;
	s19 =	rddreg [dreg:$0x12];
	[sflag:s22] =	ssyncadd.s32 $0xFFFFF000  }
0x4ae: {  	[tilespmem:s25], [sflag:$0x2] =	stream.linear.gather [spmem:s19], $0x1000, $0x38;
	[tilespmem:$0x1D7B8] =	vst v63  }
0x4af: {  	s16 =	sshra.s32 s21, $0x2;
	s18 =	sadd.s32 s15, s17;
	_ =	swait.ge [sflag:s0], $0x1000  }
0x4b0: {  	s16 =	sadd.s32 s15, s16;
	s17 =	sand.u32 $0x7C, s17;
	[sflag:s0] =	ssyncset.done $0x0  }
0x4b1: {  	s18 =	sand.u32 $0x1F80, s18;
	s16 =	sadd.s32 $0x193B8, s16;
	[sflag:s0] =	ssyncadd.s32 $0xFFFFF000  }
0x4b2: {  	s17 =	sor.u32 s17, s18;
	v3 =	vld [tilespmem:s16+$0x70]  }
0x4b3: {  	v7 =	vld [tilespmem:s17+$0x193B8]  }
0x4b4: {  	v6 =	vld [tilespmem:s16+$0x10]  }
0x4b5: {  	v5 =	vld [tilespmem:s16+$0x20]  }
0x4b6: {  	v4 =	vld [tilespmem:s16+$0x30]  }
0x4b7: {  	v2 =	vld [tilespmem:s16+$0x40]  }
0x4b8: {  	v1 =	vld [tilespmem:s16+$0x50]  }
0x4b9: {  	v0 =	vld [tilespmem:s16+$0x60]  }
0x4ba: {  	s16 =	simm.s32 $0x0;
	v3 =	vld.idx.msk [tilespmem:v3+s5+$0x0], $0xffff  }
.LBB2_53:
0x4bb: {  	s14 =	sadd.s32 $0x80, s14;
	v7 =	vld.idx.msk [tilespmem:v7+s5+$0x0], $0xffff  }
0x4bc: {  	s16 =	sand.u32 $0xE00, s16;
	s17 =	sshrl.u32 s14, $0x9;
	p1 =	slt.u32 s14, $0xF80;
	v6 =	vld.idx.msk [tilespmem:v6+s5+$0x0], $0xffff  }
0x4bd: {  	s15 =	sshll.u32 s15, $0x3;
	s16 =	sshrl.u32 s16, $0x2;
	s18 =	smul.u32 $0x7D0, s17;
	v5 =	vld.idx.msk [tilespmem:v5+s5+$0x0], $0xffff  }
0x4be: {  	s17 =	smul.u32 $0x1F4, s17;
	s19 =	sor.u32 s16, s15;
	s16 =	smov.u32 s14;
	v4 =	vld.idx.msk [tilespmem:v4+s5+$0x0], $0xffff  }
0x4bf: {  	s15 =	sand.u32 $0x180, s16;
	s20 =	sadd.s32 $0x1B3B8, s19;
	s18 =	sshra.s32 s18, $0x2;
	v2 =	vld.idx.msk [tilespmem:v2+s5+$0x0], $0xffff  }
0x4c0: {  	s21 =	sadd.s32 s15, s17;
	s17 =	sand.u32 $0x7C, s17;
	s18 =	sadd.s32 s15, s18;
	v1 =	vld.idx.msk [tilespmem:v1+s5+$0x0], $0xffff;
	[tilespmem:s20+$0x70] =	vst v3  }
0x4c1: {  	s21 =	sand.u32 $0x1F80, s21;
	s18 =	sadd.s32 $0x193B8, s18;
	[tilespmem:s19+$0x1B3B8] =	vst v7;
	v0 =	vld.idx.msk [tilespmem:v0+s5+$0x0], $0xffff  }
0x4c2: {  	s17 =	sor.u32 s17, s21;
	v3 =	vld [tilespmem:s18+$0x70];
	[tilespmem:s20+$0x10] =	vst v6  }
0x4c3: {  	v7 =	vld [tilespmem:s17+$0x193B8];
	[tilespmem:s20+$0x20] =	vst v5  }
0x4c4: {  	v6 =	vld [tilespmem:s18+$0x10];
	[tilespmem:s20+$0x30] =	vst v4  }
0x4c5: {  	v5 =	vld [tilespmem:s18+$0x20];
	[tilespmem:s20+$0x40] =	vst v2  }
.Ltmp31:
0x4c6: {  	v4 =	vld [tilespmem:s18+$0x30];
	[tilespmem:s20+$0x50] =	vst v1;
	(pc) =	sbr.rel @p1 .LBB2_53-.Ltmp31, $4  }
0x4c7: {  	v2 =	vld [tilespmem:s18+$0x40];
	[tilespmem:s20+$0x60] =	vst v0  }
0x4c8: {  	v1 =	vld [tilespmem:s18+$0x50]  }
0x4c9: {  	v0 =	vld [tilespmem:s18+$0x60]  }
0x4ca: {  	v3 =	vld.idx.msk [tilespmem:v3+s5+$0x0], $0xffff  }
0x4cb: {  	_ =	sdelay $0x3  }
0x4cc: {  	v7 =	vld.idx.msk [tilespmem:v7+s5+$0x0], $0xffff;
	s14 =	sand.u32 $0xE00, s16  }
0x4cd: {  	v6 =	vld.idx.msk [tilespmem:v6+s5+$0x0], $0xffff;
	s15 =	sshll.u32 s15, $0x3;
	s14 =	sshrl.u32 s14, $0x2  }
0x4ce: {  	v5 =	vld.idx.msk [tilespmem:v5+s5+$0x0], $0xffff;
	s14 =	sor.u32 s14, s15  }
0x4cf: {  	v4 =	vld.idx.msk [tilespmem:v4+s5+$0x0], $0xffff;
	s15 =	sadd.s32 $0x1B3B8, s14  }
0x4d0: {  	v2 =	vld.idx.msk [tilespmem:v2+s5+$0x0], $0xffff;
	[tilespmem:s15+$0x70] =	vst v3  }
0x4d1: {  	v1 =	vld.idx.msk [tilespmem:v1+s5+$0x0], $0xffff;
	[tilespmem:s14+$0x1B3B8] =	vst v7  }
0x4d2: {  	v0 =	vld.idx.msk [tilespmem:v0+s5+$0x0], $0xffff;
	[tilespmem:s15+$0x10] =	vst v6  }
0x4d3: {  	[tilespmem:s15+$0x20] =	vst v5  }
0x4d4: {  	[tilespmem:s15+$0x30] =	vst v4  }
0x4d5: {  	[tilespmem:s15+$0x40] =	vst v2  }
0x4d6: {  	s19 =	simm.s32 $0x0;
	[tilespmem:s15+$0x50] =	vst v1  }
0x4d7: {  	s13 =	sadd.s32 $0x1400, s13;
	s21 =	smul.u32 $0x1F4, s19;
	[tilespmem:s15+$0x60] =	vst v0  }
0x4d8: {  	[hbm4b:s13+s7] =	stream.linear.scatter [tilespmem:s23], [sflag:$0x5], $0x1000, $0x38;
	[tilespmem:$0x1D7B8] =	vst v63  }
0x4d9: {  	_ =	swait.ge [sflag:s22], $0x1000  }
0x4da: {  	s20 =	smul.u32 $0x7D0, s19;
	s16 =	sand.u32 $0x7C, s21;
	[sflag:s22] =	ssyncset.done $0x0  }
0x4db: {  	s13 =	simm.s32 $0x0;
	s18 =	rddreg [dreg:$0x13];
	[sflag:s22] =	ssyncadd.s32 $0xFFFFF000  }
0x4dc: {  	[tilespmem:s9], [sflag:$0x2] =	stream.linear.gather [spmem:s18], $0x1000, $0x38;
	[tilespmem:$0x1D7B8] =	vst v63  }
0x4dd: {  	s15 =	sshra.s32 s20, $0x2;
	s14 =	sand.u32 $0x180, s13;
	_ =	swait.ge [sflag:s3], $0x1000  }
0x4de: {  	s17 =	sadd.s32 s14, s21;
	s15 =	sadd.s32 s14, s15;
	[sflag:s3] =	ssyncset.done $0x0  }
0x4df: {  	s17 =	sand.u32 $0x1F80, s17;
	s15 =	sadd.s32 $0x1A3B8, s15;
	[sflag:s3] =	ssyncadd.s32 $0xFFFFF000  }
0x4e0: {  	s16 =	sor.u32 s16, s17;
	v3 =	vld [tilespmem:s15+$0x70]  }
0x4e1: {  	v7 =	vld [tilespmem:s16+$0x1A3B8]  }
0x4e2: {  	v6 =	vld [tilespmem:s15+$0x10]  }
0x4e3: {  	v5 =	vld [tilespmem:s15+$0x20]  }
0x4e4: {  	v4 =	vld [tilespmem:s15+$0x30]  }
0x4e5: {  	v2 =	vld [tilespmem:s15+$0x40]  }
0x4e6: {  	v1 =	vld [tilespmem:s15+$0x50]  }
0x4e7: {  	v0 =	vld [tilespmem:s15+$0x60]  }
0x4e8: {  	s15 =	simm.s32 $0x0;
	v3 =	vld.idx.msk [tilespmem:v3+s5+$0x0], $0xffff  }
.LBB2_55:
0x4e9: {  	s13 =	sadd.s32 $0x80, s13;
	v7 =	vld.idx.msk [tilespmem:v7+s5+$0x0], $0xffff  }
0x4ea: {  	s15 =	sand.u32 $0xE00, s15;
	s16 =	sshrl.u32 s13, $0x9;
	p1 =	slt.u32 s13, $0xF80;
	v6 =	vld.idx.msk [tilespmem:v6+s5+$0x0], $0xffff  }
0x4eb: {  	s14 =	sshll.u32 s14, $0x3;
	s15 =	sshrl.u32 s15, $0x2;
	s17 =	smul.u32 $0x7D0, s16;
	v5 =	vld.idx.msk [tilespmem:v5+s5+$0x0], $0xffff  }
0x4ec: {  	s16 =	smul.u32 $0x1F4, s16;
	s18 =	sor.u32 s15, s14;
	s15 =	smov.u32 s13;
	v4 =	vld.idx.msk [tilespmem:v4+s5+$0x0], $0xffff  }
0x4ed: {  	s14 =	sand.u32 $0x180, s15;
	s19 =	sadd.s32 $0x1C3B8, s18;
	s17 =	sshra.s32 s17, $0x2;
	v2 =	vld.idx.msk [tilespmem:v2+s5+$0x0], $0xffff  }
0x4ee: {  	s20 =	sadd.s32 s14, s16;
	s16 =	sand.u32 $0x7C, s16;
	s17 =	sadd.s32 s14, s17;
	v1 =	vld.idx.msk [tilespmem:v1+s5+$0x0], $0xffff;
	[tilespmem:s19+$0x70] =	vst v3  }
0x4ef: {  	s20 =	sand.u32 $0x1F80, s20;
	s17 =	sadd.s32 $0x1A3B8, s17;
	[tilespmem:s18+$0x1C3B8] =	vst v7;
	v0 =	vld.idx.msk [tilespmem:v0+s5+$0x0], $0xffff  }
0x4f0: {  	s16 =	sor.u32 s16, s20;
	v3 =	vld [tilespmem:s17+$0x70];
	[tilespmem:s19+$0x10] =	vst v6  }
0x4f1: {  	v7 =	vld [tilespmem:s16+$0x1A3B8];
	[tilespmem:s19+$0x20] =	vst v5  }
0x4f2: {  	v6 =	vld [tilespmem:s17+$0x10];
	[tilespmem:s19+$0x30] =	vst v4  }
0x4f3: {  	v5 =	vld [tilespmem:s17+$0x20];
	[tilespmem:s19+$0x40] =	vst v2  }
.Ltmp32:
0x4f4: {  	v4 =	vld [tilespmem:s17+$0x30];
	[tilespmem:s19+$0x50] =	vst v1;
	(pc) =	sbr.rel @p1 .LBB2_55-.Ltmp32, $4  }
0x4f5: {  	v2 =	vld [tilespmem:s17+$0x40];
	[tilespmem:s19+$0x60] =	vst v0  }
0x4f6: {  	v1 =	vld [tilespmem:s17+$0x50]  }
0x4f7: {  	v0 =	vld [tilespmem:s17+$0x60]  }
0x4f8: {  	v3 =	vld.idx.msk [tilespmem:v3+s5+$0x0], $0xffff  }
0x4f9: {  	_ =	sdelay $0x3  }
0x4fa: {  	v7 =	vld.idx.msk [tilespmem:v7+s5+$0x0], $0xffff;
	s13 =	sand.u32 $0xE00, s15  }
0x4fb: {  	v6 =	vld.idx.msk [tilespmem:v6+s5+$0x0], $0xffff;
	s14 =	sshll.u32 s14, $0x3;
	s13 =	sshrl.u32 s13, $0x2  }
0x4fc: {  	v5 =	vld.idx.msk [tilespmem:v5+s5+$0x0], $0xffff;
	s13 =	sor.u32 s13, s14  }
0x4fd: {  	v4 =	vld.idx.msk [tilespmem:v4+s5+$0x0], $0xffff;
	s14 =	sadd.s32 $0x1C3B8, s13  }
0x4fe: {  	v2 =	vld.idx.msk [tilespmem:v2+s5+$0x0], $0xffff;
	[tilespmem:s14+$0x70] =	vst v3  }
0x4ff: {  	v1 =	vld.idx.msk [tilespmem:v1+s5+$0x0], $0xffff;
	[tilespmem:s13+$0x1C3B8] =	vst v7  }
0x500: {  	v0 =	vld.idx.msk [tilespmem:v0+s5+$0x0], $0xffff;
	[tilespmem:s14+$0x10] =	vst v6  }
0x501: {  	[tilespmem:s14+$0x20] =	vst v5  }
0x502: {  	[tilespmem:s14+$0x30] =	vst v4  }
0x503: {  	[tilespmem:s14+$0x40] =	vst v2  }
0x504: {  	[tilespmem:s14+$0x50] =	vst v1  }
0x505: {  	s19 =	simm.s32 $0x0;
	[tilespmem:s14+$0x60] =	vst v0  }
0x506: {  	[hbm4b:s11+s7] =	stream.linear.scatter [tilespmem:s24], [sflag:$0x6], $0x1000, $0x38;
	[tilespmem:$0x1D7B8] =	vst v63  }
0x507: {  	s21 =	smul.u32 $0x1F4, s19;
	_ =	swait.ge [sflag:s22], $0x1000  }
0x508: {  	s20 =	smul.u32 $0x7D0, s19;
	[sflag:s22] =	ssyncset.done $0x0  }
0x509: {  	s15 =	sand.u32 $0x7C, s21;
	s11 =	simm.s32 $0x0;
	[sflag:s22] =	ssyncadd.s32 $0xFFFFF000  }
0x50a: {  	s14 =	sshra.s32 s20, $0x2;
	s13 =	sand.u32 $0x180, s11;
	_ =	swait.ge [sflag:s0], $0x1000  }
0x50b: {  	s16 =	sadd.s32 s13, s21;
	s14 =	sadd.s32 s13, s14;
	[sflag:s0] =	ssyncset.done $0x0  }
0x50c: {  	s16 =	sand.u32 $0x1F80, s16;
	s14 =	sadd.s32 $0x193B8, s14;
	[sflag:s0] =	ssyncadd.s32 $0xFFFFF000  }
0x50d: {  	s15 =	sor.u32 s15, s16;
	v3 =	vld [tilespmem:s14+$0x70]  }
0x50e: {  	v7 =	vld [tilespmem:s15+$0x193B8]  }
0x50f: {  	v6 =	vld [tilespmem:s14+$0x10]  }
0x510: {  	v5 =	vld [tilespmem:s14+$0x20]  }
0x511: {  	v4 =	vld [tilespmem:s14+$0x30]  }
0x512: {  	v2 =	vld [tilespmem:s14+$0x40]  }
0x513: {  	v1 =	vld [tilespmem:s14+$0x50]  }
0x514: {  	v0 =	vld [tilespmem:s14+$0x60]  }
0x515: {  	s14 =	simm.s32 $0x0;
	v3 =	vld.idx.msk [tilespmem:v3+s5+$0x0], $0xffff  }
.LBB2_57:
0x516: {  	s11 =	sadd.s32 $0x80, s11;
	v7 =	vld.idx.msk [tilespmem:v7+s5+$0x0], $0xffff  }
0x517: {  	s14 =	sand.u32 $0xE00, s14;
	s15 =	sshrl.u32 s11, $0x9;
	p1 =	slt.u32 s11, $0xF80;
	v6 =	vld.idx.msk [tilespmem:v6+s5+$0x0], $0xffff  }
0x518: {  	s13 =	sshll.u32 s13, $0x3;
	s14 =	sshrl.u32 s14, $0x2;
	s16 =	smul.u32 $0x7D0, s15;
	v5 =	vld.idx.msk [tilespmem:v5+s5+$0x0], $0xffff  }
0x519: {  	s15 =	smul.u32 $0x1F4, s15;
	s17 =	sor.u32 s14, s13;
	s14 =	smov.u32 s11;
	v4 =	vld.idx.msk [tilespmem:v4+s5+$0x0], $0xffff  }
0x51a: {  	s13 =	sand.u32 $0x180, s14;
	s18 =	sadd.s32 $0x1B3B8, s17;
	s16 =	sshra.s32 s16, $0x2;
	v2 =	vld.idx.msk [tilespmem:v2+s5+$0x0], $0xffff  }
0x51b: {  	s19 =	sadd.s32 s13, s15;
	s15 =	sand.u32 $0x7C, s15;
	s16 =	sadd.s32 s13, s16;
	v1 =	vld.idx.msk [tilespmem:v1+s5+$0x0], $0xffff;
	[tilespmem:s18+$0x70] =	vst v3  }
0x51c: {  	s19 =	sand.u32 $0x1F80, s19;
	s16 =	sadd.s32 $0x193B8, s16;
	[tilespmem:s17+$0x1B3B8] =	vst v7;
	v0 =	vld.idx.msk [tilespmem:v0+s5+$0x0], $0xffff  }
0x51d: {  	s15 =	sor.u32 s15, s19;
	v3 =	vld [tilespmem:s16+$0x70];
	[tilespmem:s18+$0x10] =	vst v6  }
0x51e: {  	v7 =	vld [tilespmem:s15+$0x193B8];
	[tilespmem:s18+$0x20] =	vst v5  }
0x51f: {  	v6 =	vld [tilespmem:s16+$0x10];
	[tilespmem:s18+$0x30] =	vst v4  }
0x520: {  	v5 =	vld [tilespmem:s16+$0x20];
	[tilespmem:s18+$0x40] =	vst v2  }
.Ltmp33:
0x521: {  	v4 =	vld [tilespmem:s16+$0x30];
	[tilespmem:s18+$0x50] =	vst v1;
	(pc) =	sbr.rel @p1 .LBB2_57-.Ltmp33, $4  }
0x522: {  	v2 =	vld [tilespmem:s16+$0x40];
	[tilespmem:s18+$0x60] =	vst v0  }
0x523: {  	v1 =	vld [tilespmem:s16+$0x50]  }
0x524: {  	v0 =	vld [tilespmem:s16+$0x60]  }
0x525: {  	v3 =	vld.idx.msk [tilespmem:v3+s5+$0x0], $0xffff  }
0x526: {  	_ =	sdelay $0x3  }
0x527: {  	v7 =	vld.idx.msk [tilespmem:v7+s5+$0x0], $0xffff;
	s11 =	sand.u32 $0xE00, s14  }
0x528: {  	v6 =	vld.idx.msk [tilespmem:v6+s5+$0x0], $0xffff;
	s13 =	sshll.u32 s13, $0x3;
	s11 =	sshrl.u32 s11, $0x2  }
0x529: {  	v5 =	vld.idx.msk [tilespmem:v5+s5+$0x0], $0xffff;
	s11 =	sor.u32 s11, s13  }
0x52a: {  	v4 =	vld.idx.msk [tilespmem:v4+s5+$0x0], $0xffff;
	s13 =	sadd.s32 $0x1B3B8, s11  }
0x52b: {  	v2 =	vld.idx.msk [tilespmem:v2+s5+$0x0], $0xffff;
	[tilespmem:s13+$0x70] =	vst v3  }
0x52c: {  	v1 =	vld.idx.msk [tilespmem:v1+s5+$0x0], $0xffff;
	[tilespmem:s11+$0x1B3B8] =	vst v7  }
0x52d: {  	v0 =	vld.idx.msk [tilespmem:v0+s5+$0x0], $0xffff;
	[tilespmem:s13+$0x10] =	vst v6  }
0x52e: {  	[tilespmem:s13+$0x20] =	vst v5  }
.Ltmp34:
0x52f: {  	[tilespmem:s13+$0x30] =	vst v4;
	(pc) =	sbr.rel .LBB2_59-.Ltmp34, $4  }
0x530: {  	[tilespmem:s13+$0x40] =	vst v2  }
0x531: {  	[tilespmem:s13+$0x50] =	vst v1  }
0x532: {  	[tilespmem:s13+$0x60] =	vst v0  }
0x533: {  	[hbm4b:s12+s7] =	stream.linear.scatter [tilespmem:s23], [sflag:$0x5], $0x1000, $0x38;
	[tilespmem:$0x1D7B8] =	vst v63  }
.LBB2_61:
0x534: {  	_ =	sfence.sel $0x180000  }
0x535: {  	[bflag:$0x0] =	sbarrier.arrive $0xFFFF  }
0x536: {  	_ =	strace $0x90000047  }
0x537: {  	[bflag:$0x2] =	sbarrier.arrive $0xFFFF  }
0x538: {  	s0 =	rddreg [dreg:$0x6]  }
0x539: {  	s0 =	sadd.s32 @!p0 $0x100000, s0  }
0x53a: {  	[sflag:s0] =	ssyncadd.tile.s32 @!p0 $0x1;
	_ =	shalt  }
.Lfunc_end2:
_tile_overlayer_lowered:
.L_overlay_start_2:
0x53b: {  	(tag) =	ssettag $0x2  }
0x53c: {  	s0 =	rddreg [dreg:$0x0];
	s2 =	stileid.u32  }
0x53d: {  	s1 =	rddreg [dreg:$0x1];
	p0 =	sne.s32 s2, $0x0  }
0x53e: {  	s3 =	rddreg [dreg:$0x2];
	[bflag:$0x3] =	sbarrier.arrive $0xFFFF;
	s2 =	simm.s32 @!p0 $0x1C07  }
0x53f: {  	[timem:s3], [sflag:s2] =	dma.local @!p0 [hbm:s0], s1  }
0x540: {  	s0 =	simm.s32 @!p0 $0x7  }
0x541: {  	_ =	swait.ge @!p0 [sflag:s0], s1  }
0x542: {  	s1 =	ssub.s32 @!p0 $0x0, s1;
	[sflag:s0] =	ssyncset.done @!p0 $0x0  }
0x543: {  	[sflag:s0] =	ssyncadd.s32 @!p0 s1  }
0x544: {  	[bflag:$0x3] =	sbarrier.arrive $0xFFFF  }
0x545: {  	_ =	shalt  }

</sc_bundles>
